<compile_context>
chip_gen: v7x
topology: tpu7x:2x2x1
jax: 0.10.2.dev20260603
libtpu: 0.0.44.dev20260713+nightly
codegen_flags: <defaults>
</compile_context>

<pallas_src>
import functools

import jax
import jax.numpy as jnp
from jax import lax
from jax.experimental import pallas as pl
from jax.experimental.pallas import tpu as pltpu
from jax.experimental.pallas import tpu_sc as plsc


_PATCH = 8


@functools.lru_cache(maxsize=None)
def _make_sc_gather(num_idx: int, dim: int, vocab: int):
    info = plsc.get_sparse_core_info()
    nc, ns, nl = info.num_cores, info.num_subcores, info.num_lanes
    nw = nc * ns
    rows_per_w = num_idx // nw
    groups = rows_per_w // nl
    words_per_w = rows_per_w * dim
    n_wr = 8
    mesh = plsc.VectorSubcoreMesh(core_axis_name="c", subcore_axis_name="s")

    stream_rows = 3 * rows_per_w // 8
    stream_chunks = stream_rows // 128

    @functools.partial(
        pl.kernel,
        mesh=mesh,
        out_type=jax.ShapeDtypeStruct((num_idx, dim), jnp.int32),
        scratch_types=[
            pltpu.VMEM((vocab * dim,), jnp.int32),
            pltpu.VMEM((rows_per_w,), jnp.int32),
            pltpu.VMEM((rows_per_w, dim), jnp.int32),
            pltpu.SemaphoreType.DMA,
            pltpu.SemaphoreType.DMA,
        ],
        compiler_params=pltpu.CompilerParams(
            use_tc_tiling_on_sc=False, needs_layout_passes=False
        ),
    )
    def gather(
        idx_hbm, table_hbm, tableflat_hbm, out_hbm,
        table_v, idx_v, rows_v, sem_g, sem_w,
    ):
        wid = lax.axis_index("s") * nc + lax.axis_index("c")
        base = wid * rows_per_w
        pltpu.sync_copy(idx_hbm.at[pl.ds(base, rows_per_w)], idx_v)

        def _stream_chunk(ci):
            return pltpu.make_async_copy(
                table_hbm.at[idx_v.at[pl.ds(ci * 128, 128)]],
                rows_v.at[pl.ds(ci * 128, 128)],
                sem_g,
            )

        for ci in range(stream_chunks):
            _stream_chunk(ci).start()

        pltpu.sync_copy(tableflat_hbm, table_v)

        lane = lax.iota(jnp.int32, nl)
        g_per_wr = groups // n_wr
        r_per_wr = rows_per_w // n_wr

        def _write_chunk(q):
            return pltpu.make_async_copy(
                rows_v.at[pl.ds(q * r_per_wr, r_per_wr)],
                out_hbm.at[pl.ds(base + q * r_per_wr, r_per_wr)],
                sem_w,
            )

        q_start = stream_rows // r_per_wr
        for q in range(q_start, n_wr):

            @pl.loop(q * g_per_wr, (q + 1) * g_per_wr, unroll=2)
            def _gather_group(g):
                bytes16 = idx_v[pl.ds(g * nl, nl)]
                for i in range(nl):
                    row16 = bytes16.at[
                        jnp.full((nl,), i, dtype=jnp.int32)
                    ].get(mode="promise_in_bounds")
                    vals = plsc.load_gather(table_v, [row16 * dim + lane])
                    rows_v[g * nl + i, :] = vals

            _write_chunk(q).start()

        for ci in range(stream_chunks):
            _stream_chunk(ci).wait()
        for q in range(q_start):
            _write_chunk(q).start()

        for q in range(n_wr):
            _write_chunk(q).wait()

    return gather


def _mm_body(m_ref, w0_ref, w1_ref, b_ref, o_ref):
    bm, kw = m_ref.shape
    xb = pltpu.bitcast(m_ref[...], jnp.bfloat16)
    x3 = xb.reshape(bm, 2, kw)
    a0 = x3[:, 0, :]
    a1 = x3[:, 1, :]
    o_ref[...] = (
        jnp.dot(a0, w0_ref[0], preferred_element_type=jnp.float32)
        + jnp.dot(a1, w1_ref[0], preferred_element_type=jnp.float32)
        + b_ref[...][None, :]
    )


def _tc_matmul(m2d, w2, b, bm):
    m, kw = m2d.shape
    n = w2.shape[2]
    return pl.pallas_call(
        _mm_body,
        grid=(m // bm,),
        in_specs=[
            pl.BlockSpec((bm, kw), lambda i: (i, 0)),
            pl.BlockSpec((1, kw, n), lambda i: (0, 0, 0)),
            pl.BlockSpec((1, kw, n), lambda i: (1, 0, 0)),
            pl.BlockSpec((n,), lambda i: (0,)),
        ],
        out_specs=pl.BlockSpec((bm, n), lambda i: (i, 0)),
        out_shape=jax.ShapeDtypeStruct((m, n), jnp.float32),
        compiler_params=pltpu.CompilerParams(
            dimension_semantics=("arbitrary",),
        ),
    )(m2d, w2, w2, b)


def kernel(bytes_flat, table, W, b):
    B, L = bytes_flat.shape
    P = _PATCH
    T = L // P
    byte_dim = table.shape[1]
    n_idx = B * T * P
    dim_w = byte_dim // 2

    idx1d = bytes_flat[:, : T * P].reshape(n_idx)
    table_pk2 = lax.bitcast_convert_type(
        table.astype(jnp.bfloat16).reshape(table.shape[0], dim_w, 2),
        jnp.int32,
    )
    table_pk1 = lax.bitcast_convert_type(
        table.astype(jnp.bfloat16).reshape(table.shape[0] * dim_w, 2),
        jnp.int32,
    )
    gather = _make_sc_gather(n_idx, dim_w, table.shape[0])
    embs = gather(idx1d, table_pk2, table_pk1)

    m2d = embs.reshape(B * T, P * dim_w)
    w_bf = W.astype(jnp.bfloat16)
    w2 = jnp.stack([w_bf[0::2], w_bf[1::2]])
    out = _tc_matmul(m2d, w2, b, 2048)
    return out.reshape(B, T, -1), T

# --- scband reference (transcript-rebuilt; emitter-appended) ---
"""Pipeline reference for scband-patch-embed-42606075576721 (READ-ONLY COPY).

The authoritative reference and input builder live on the scoring server;
editing this copy changes nothing except your own understanding.
"""

import jax, jax.numpy as jnp
import numpy as np

PATCH_SIZE = 8
BYTE_VOCAB = 256
BYTE_DIM = 32
OUT_DIM = 768


def setup_inputs(seed: int = 0) -> dict:
    key = jax.random.key(seed)
    k1, k2, k3, k4 = jax.random.split(key, 4)
    bytes_flat = jax.random.randint(k1, (4, 16384), 0, BYTE_VOCAB, dtype=jnp.int32)
    table = jax.random.normal(k2, (BYTE_VOCAB, BYTE_DIM), dtype=jnp.float32) * 0.02
    W = jax.random.normal(k3, (BYTE_DIM * PATCH_SIZE, OUT_DIM), dtype=jnp.float32) * (1.0 / np.sqrt(BYTE_DIM * PATCH_SIZE))
    b = jax.random.normal(k4, (OUT_DIM,), dtype=jnp.float32) * 0.01
    return {"bytes_flat": bytes_flat, "table": table, "W": W, "b": b}


def reference(bytes_flat, table, W, b):
    B, L = bytes_flat.shape
    P = PATCH_SIZE
    T = L // P
    patches = bytes_flat[:, : T * P].reshape(B, T, P)
    embs = jnp.take(table, patches, axis=0)  # [B, T, P, byte_dim]
    flat = embs.reshape(B, T, P * BYTE_DIM)
    out = flat @ W + b
    return (out, T)

if __name__ == "__main__":
    import jax
    _d = setup_inputs()
    print(jax.jit(kernel)(*tuple(_d.values())))

</pallas_src>

<mosaic_0001>
#map = affine_map<(d0, d1) -> (0)>
#map1 = affine_map<(d0, d1) -> (0, 0)>
module attributes {stable_mosaic.version = 14 : i64} {
  func.func @gather(%arg0: i32, %arg1: i32, %arg2: memref<65536xi32, #tpu.memory_space<hbm>>, %arg3: memref<256x16xi32, #tpu.memory_space<hbm>>, %arg4: memref<4096xi32, #tpu.memory_space<hbm>>, %arg5: memref<65536x16xi32, #tpu.memory_space<hbm>>, %arg6: memref<4096xi32, #tpu.memory_space<vmem>>, %arg7: memref<2048xi32, #tpu.memory_space<vmem>>, %arg8: memref<2048x16xi32, #tpu.memory_space<vmem>>, %arg9: memref<!tpu.dma_semaphore, #tpu.memory_space<semaphore_mem>>, %arg10: memref<!tpu.dma_semaphore, #tpu.memory_space<semaphore_mem>>) attributes {dimension_semantics = [#tpu.dimension_semantics<core_parallel>, #tpu.dimension_semantics<subcore_parallel>], iteration_bounds = array<i64: 2, 16>, scalar_prefetch = 0 : i64, scratch_operands = 5 : i64, tpu.core_type = #tpu.core_type<sc_vector_subcore>, window_params = [{transform_indices = #map}, {transform_indices = #map1}, {transform_indices = #map}, {transform_indices = #map1}]} {
    %mul3A = arith.constant 2 : i32
    %mul3A_0 = arith.muli %arg1, %mul3A : i32
    %add3A = arith.addi %mul3A_0, %arg0 : i32
    %mul3A_1 = arith.constant 2048 : i32
    %mul3A_2 = arith.muli %add3A, %mul3A_1 : i32
    "tpu.region"() ({
      %run_scoped3A = tpu.sem_alloc : memref<!tpu.dma_semaphore, #tpu.memory_space<semaphore_mem>>
      %dma_start3A_313 = tpu.memref_slice %arg2[%mul3A_2] : memref<65536xi32, #tpu.memory_space<hbm>> -> memref<2048xi32, #tpu.memory_space<hbm>>
      %dma_start3A_314 = tpu.memref_slice %arg2[%mul3A_2] : memref<65536xi32, #tpu.memory_space<hbm>> -> memref<2048xi32, #tpu.memory_space<hbm>>
      tpu.enqueue_dma source(%dma_start3A_314 : memref<2048xi32, #tpu.memory_space<hbm>>) target(%arg7 : memref<2048xi32, #tpu.memory_space<vmem>>) target_semaphore(%run_scoped3A : memref<!tpu.dma_semaphore, #tpu.memory_space<semaphore_mem>>)
      %dma_wait3A_315 = tpu.memref_slice %arg2[%mul3A_2] : memref<65536xi32, #tpu.memory_space<hbm>> -> memref<2048xi32, #tpu.memory_space<hbm>>
      %dma_wait3A_316 = tpu.memref_slice %arg2[%mul3A_2] : memref<65536xi32, #tpu.memory_space<hbm>> -> memref<2048xi32, #tpu.memory_space<hbm>>
      tpu.wait_dma2 semaphore(%run_scoped3A : memref<!tpu.dma_semaphore, #tpu.memory_space<semaphore_mem>>) src(%dma_wait3A_316 : memref<2048xi32, #tpu.memory_space<hbm>>) dst(%arg7 : memref<2048xi32, #tpu.memory_space<vmem>>)
      tpu.yield
    }) : () -> ()
    %dma_start3A = arith.constant 0 : i32
    %dma_start3A_3 = arith.constant 0 : i32
    %dma_start3A_4 = tpu.memref_slice %arg8[%dma_start3A, %dma_start3A_3] : memref<2048x16xi32, #tpu.memory_space<vmem>> -> memref<128x16xi32, #tpu.memory_space<vmem>>
    %dma_start3A_5 = arith.constant 0 : i32
    %dma_start3A_6 = tpu.memref_slice %arg7[%dma_start3A_5] : memref<2048xi32, #tpu.memory_space<vmem>> -> memref<128xi32, #tpu.memory_space<vmem>>
    %dma_start3A_7 = arith.constant 0 : i32
    %dma_start3A_8 = arith.constant 0 : i32
    %dma_start3A_9 = tpu.memref_slice %arg3[%dma_start3A_7, %dma_start3A_8] : memref<256x16xi32, #tpu.memory_space<hbm>> -> memref<256x16xi32, #tpu.memory_space<hbm>>
    tpu.enqueue_indirect_dma source(%dma_start3A_9 : memref<256x16xi32, #tpu.memory_space<hbm>>) target(%dma_start3A_4 : memref<128x16xi32, #tpu.memory_space<vmem>>) offsets(%dma_start3A_6 : memref<128xi32, #tpu.memory_space<vmem>>) semaphore(%arg9 : memref<!tpu.dma_semaphore, #tpu.memory_space<semaphore_mem>>)
    %dma_start3A_10 = arith.constant 128 : i32
    %dma_start3A_11 = arith.constant 0 : i32
    %dma_start3A_12 = tpu.memref_slice %arg8[%dma_start3A_10, %dma_start3A_11] : memref<2048x16xi32, #tpu.memory_space<vmem>> -> memref<128x16xi32, #tpu.memory_space<vmem>>
    %dma_start3A_13 = arith.constant 128 : i32
    %dma_start3A_14 = tpu.memref_slice %arg7[%dma_start3A_13] : memref<2048xi32, #tpu.memory_space<vmem>> -> memref<128xi32, #tpu.memory_space<vmem>>
    %dma_start3A_15 = arith.constant 0 : i32
    %dma_start3A_16 = arith.constant 0 : i32
    %dma_start3A_17 = tpu.memref_slice %arg3[%dma_start3A_15, %dma_start3A_16] : memref<256x16xi32, #tpu.memory_space<hbm>> -> memref<256x16xi32, #tpu.memory_space<hbm>>
    tpu.enqueue_indirect_dma source(%dma_start3A_17 : memref<256x16xi32, #tpu.memory_space<hbm>>) target(%dma_start3A_12 : memref<128x16xi32, #tpu.memory_space<vmem>>) offsets(%dma_start3A_14 : memref<128xi32, #tpu.memory_space<vmem>>) semaphore(%arg9 : memref<!tpu.dma_semaphore, #tpu.memory_space<semaphore_mem>>)
    %dma_start3A_18 = arith.constant 256 : i32
    %dma_start3A_19 = arith.constant 0 : i32
    %dma_start3A_20 = tpu.memref_slice %arg8[%dma_start3A_18, %dma_start3A_19] : memref<2048x16xi32, #tpu.memory_space<vmem>> -> memref<128x16xi32, #tpu.memory_space<vmem>>
    %dma_start3A_21 = arith.constant 256 : i32
    %dma_start3A_22 = tpu.memref_slice %arg7[%dma_start3A_21] : memref<2048xi32, #tpu.memory_space<vmem>> -> memref<128xi32, #tpu.memory_space<vmem>>
    %dma_start3A_23 = arith.constant 0 : i32
    %dma_start3A_24 = arith.constant 0 : i32
    %dma_start3A_25 = tpu.memref_slice %arg3[%dma_start3A_23, %dma_start3A_24] : memref<256x16xi32, #tpu.memory_space<hbm>> -> memref<256x16xi32, #tpu.memory_space<hbm>>
    tpu.enqueue_indirect_dma source(%dma_start3A_25 : memref<256x16xi32, #tpu.memory_space<hbm>>) target(%dma_start3A_20 : memref<128x16xi32, #tpu.memory_space<vmem>>) offsets(%dma_start3A_22 : memref<128xi32, #tpu.memory_space<vmem>>) semaphore(%arg9 : memref<!tpu.dma_semaphore, #tpu.memory_space<semaphore_mem>>)
    %dma_start3A_26 = arith.constant 384 : i32
    %dma_start3A_27 = arith.constant 0 : i32
    %dma_start3A_28 = tpu.memref_slice %arg8[%dma_start3A_26, %dma_start3A_27] : memref<2048x16xi32, #tpu.memory_space<vmem>> -> memref<128x16xi32, #tpu.memory_space<vmem>>
    %dma_start3A_29 = arith.constant 384 : i32
    %dma_start3A_30 = tpu.memref_slice %arg7[%dma_start3A_29] : memref<2048xi32, #tpu.memory_space<vmem>> -> memref<128xi32, #tpu.memory_space<vmem>>
    %dma_start3A_31 = arith.constant 0 : i32
    %dma_start3A_32 = arith.constant 0 : i32
    %dma_start3A_33 = tpu.memref_slice %arg3[%dma_start3A_31, %dma_start3A_32] : memref<256x16xi32, #tpu.memory_space<hbm>> -> memref<256x16xi32, #tpu.memory_space<hbm>>
    tpu.enqueue_indirect_dma source(%dma_start3A_33 : memref<256x16xi32, #tpu.memory_space<hbm>>) target(%dma_start3A_28 : memref<128x16xi32, #tpu.memory_space<vmem>>) offsets(%dma_start3A_30 : memref<128xi32, #tpu.memory_space<vmem>>) semaphore(%arg9 : memref<!tpu.dma_semaphore, #tpu.memory_space<semaphore_mem>>)
    %dma_start3A_34 = arith.constant 512 : i32
    %dma_start3A_35 = arith.constant 0 : i32
    %dma_start3A_36 = tpu.memref_slice %arg8[%dma_start3A_34, %dma_start3A_35] : memref<2048x16xi32, #tpu.memory_space<vmem>> -> memref<128x16xi32, #tpu.memory_space<vmem>>
    %dma_start3A_37 = arith.constant 512 : i32
    %dma_start3A_38 = tpu.memref_slice %arg7[%dma_start3A_37] : memref<2048xi32, #tpu.memory_space<vmem>> -> memref<128xi32, #tpu.memory_space<vmem>>
    %dma_start3A_39 = arith.constant 0 : i32
    %dma_start3A_40 = arith.constant 0 : i32
    %dma_start3A_41 = tpu.memref_slice %arg3[%dma_start3A_39, %dma_start3A_40] : memref<256x16xi32, #tpu.memory_space<hbm>> -> memref<256x16xi32, #tpu.memory_space<hbm>>
    tpu.enqueue_indirect_dma source(%dma_start3A_41 : memref<256x16xi32, #tpu.memory_space<hbm>>) target(%dma_start3A_36 : memref<128x16xi32, #tpu.memory_space<vmem>>) offsets(%dma_start3A_38 : memref<128xi32, #tpu.memory_space<vmem>>) semaphore(%arg9 : memref<!tpu.dma_semaphore, #tpu.memory_space<semaphore_mem>>)
    %dma_start3A_42 = arith.constant 640 : i32
    %dma_start3A_43 = arith.constant 0 : i32
    %dma_start3A_44 = tpu.memref_slice %arg8[%dma_start3A_42, %dma_start3A_43] : memref<2048x16xi32, #tpu.memory_space<vmem>> -> memref<128x16xi32, #tpu.memory_space<vmem>>
    %dma_start3A_45 = arith.constant 640 : i32
    %dma_start3A_46 = tpu.memref_slice %arg7[%dma_start3A_45] : memref<2048xi32, #tpu.memory_space<vmem>> -> memref<128xi32, #tpu.memory_space<vmem>>
    %dma_start3A_47 = arith.constant 0 : i32
    %dma_start3A_48 = arith.constant 0 : i32
    %dma_start3A_49 = tpu.memref_slice %arg3[%dma_start3A_47, %dma_start3A_48] : memref<256x16xi32, #tpu.memory_space<hbm>> -> memref<256x16xi32, #tpu.memory_space<hbm>>
    tpu.enqueue_indirect_dma source(%dma_start3A_49 : memref<256x16xi32, #tpu.memory_space<hbm>>) target(%dma_start3A_44 : memref<128x16xi32, #tpu.memory_space<vmem>>) offsets(%dma_start3A_46 : memref<128xi32, #tpu.memory_space<vmem>>) semaphore(%arg9 : memref<!tpu.dma_semaphore, #tpu.memory_space<semaphore_mem>>)
    "tpu.region"() ({
      %run_scoped3A = tpu.sem_alloc : memref<!tpu.dma_semaphore, #tpu.memory_space<semaphore_mem>>
      tpu.enqueue_dma source(%arg4 : memref<4096xi32, #tpu.memory_space<hbm>>) target(%arg6 : memref<4096xi32, #tpu.memory_space<vmem>>) target_semaphore(%run_scoped3A : memref<!tpu.dma_semaphore, #tpu.memory_space<semaphore_mem>>)
      tpu.wait_dma2 semaphore(%run_scoped3A : memref<!tpu.dma_semaphore, #tpu.memory_space<semaphore_mem>>) src(%arg4 : memref<4096xi32, #tpu.memory_space<hbm>>) dst(%arg6 : memref<4096xi32, #tpu.memory_space<vmem>>)
      tpu.yield
    }) : () -> ()
    %iota3A = tpu.iota {dimensions = array<i32: 0>} : vector<16xi32>
    %scan3A = arith.constant 0 : i32
    %scan3A_50 = arith.constant 16 : i32
    %scan3A_51 = arith.addi %scan3A, %scan3A_50 : i32
    %scan3A_52 = arith.constant 2 : i32
    scf.for %scan3A_313 = %scan3A to %scan3A_51 step %scan3A_52  : i32 {
      %mul3A_314 = arith.constant 1 : i32
      %mul3A_315 = arith.muli %scan3A_313, %mul3A_314 : i32
      %add3A_316 = arith.constant 48 : i32
      %add3A_317 = arith.addi %add3A_316, %mul3A_315 : i32
      %mul3A_318 = arith.constant 16 : i32
      %mul3A_319 = arith.muli %add3A_317, %mul3A_318 : i32
      %get3A = arith.index_cast %mul3A_319 : i32 to index
      %get3A_320 = tpu.vector_load %arg7[%get3A] {strides = array<i32>} : memref<2048xi32, #tpu.memory_space<vmem>>, vector<16xi32>,
      %broadcast_in_dim3A = arith.constant 0 : i32
      %broadcast_in_dim3A_321 = vector.broadcast %broadcast_in_dim3A : i32 to vector<16xi32>
      %lt3A = arith.constant 0 : i32
      %lt3A_322 = vector.broadcast %lt3A : i32 to vector<16xi32>
      %lt3A_323 = arith.cmpi slt, %broadcast_in_dim3A_321, %lt3A_322 : vector<16xi32>
      %add3A_324 = arith.constant 16 : i32
      %add3A_325 = vector.broadcast %add3A_324 : i32 to vector<16xi32>
      %add3A_326 = arith.addi %broadcast_in_dim3A_321, %add3A_325 : vector<16xi32>
      %select_n3A = arith.select %lt3A_323, %add3A_326, %broadcast_in_dim3A_321 : vector<16xi1>, vector<16xi32>
      %broadcast_in_dim3A_327 = vector.shape_cast %select_n3A : vector<16xi32> to vector<16x1xi32>
      %gather3A = vector.shape_cast %broadcast_in_dim3A_327 : vector<16x1xi32> to vector<16xi32>
      %gather3A_328 = tpu.dynamic_gather %get3A_320[%gather3A] in [0] : vector<16xi32>, vector<16xi32> -> vector<16xi32>
      %mul3A_329 = arith.constant 16 : i32
      %mul3A_330 = vector.broadcast %mul3A_329 : i32 to vector<16xi32>
      %mul3A_331 = arith.muli %gather3A_328, %mul3A_330 : vector<16xi32>
      %add3A_332 = arith.addi %mul3A_331, %iota3A : vector<16xi32>
      %gather3A_333 = tpu.vector_load_idx %arg6[%add3A_332] : memref<4096xi32, #tpu.memory_space<vmem>>[vector<16xi32>], vector<16xi32>,
      %mul3A_334 = arith.constant 16 : i32
      %mul3A_335 = arith.muli %add3A_317, %mul3A_334 : i32
      %add3A_336 = arith.constant 0 : i32
      %add3A_337 = arith.addi %mul3A_335, %add3A_336 : i32
      %swap3A = arith.index_cast %add3A_337 : i32 to index
      %swap3A_338 = arith.constant 0 : index
      %swap3A_339 = tpu.vector_load %arg8[%swap3A, %swap3A_338] {strides = array<i32>} : memref<2048x16xi32, #tpu.memory_space<vmem>>, vector<16xi32>,
      tpu.vector_store %arg8[%swap3A, %swap3A_338], %gather3A_333 {strides = array<i32>} : memref<2048x16xi32, #tpu.memory_space<vmem>>, vector<16xi32>,
      %broadcast_in_dim3A_340 = arith.constant 1 : i32
      %broadcast_in_dim3A_341 = vector.broadcast %broadcast_in_dim3A_340 : i32 to vector<16xi32>
      %lt3A_342 = arith.constant 0 : i32
      %lt3A_343 = vector.broadcast %lt3A_342 : i32 to vector<16xi32>
      %lt3A_344 = arith.cmpi slt, %broadcast_in_dim3A_341, %lt3A_343 : vector<16xi32>
      %add3A_345 = arith.constant 16 : i32
      %add3A_346 = vector.broadcast %add3A_345 : i32 to vector<16xi32>
      %add3A_347 = arith.addi %broadcast_in_dim3A_341, %add3A_346 : vector<16xi32>
      %select_n3A_348 = arith.select %lt3A_344, %add3A_347, %broadcast_in_dim3A_341 : vector<16xi1>, vector<16xi32>
      %broadcast_in_dim3A_349 = vector.shape_cast %select_n3A_348 : vector<16xi32> to vector<16x1xi32>
      %gather3A_350 = vector.shape_cast %broadcast_in_dim3A_349 : vector<16x1xi32> to vector<16xi32>
      %gather3A_351 = tpu.dynamic_gather %get3A_320[%gather3A_350] in [0] : vector<16xi32>, vector<16xi32> -> vector<16xi32>
      %mul3A_352 = arith.constant 16 : i32
      %mul3A_353 = vector.broadcast %mul3A_352 : i32 to vector<16xi32>
      %mul3A_354 = arith.muli %gather3A_351, %mul3A_353 : vector<16xi32>
      %add3A_355 = arith.addi %mul3A_354, %iota3A : vector<16xi32>
      %gather3A_356 = tpu.vector_load_idx %arg6[%add3A_355] : memref<4096xi32, #tpu.memory_space<vmem>>[vector<16xi32>], vector<16xi32>,
      %mul3A_357 = arith.constant 16 : i32
      %mul3A_358 = arith.muli %add3A_317, %mul3A_357 : i32
      %add3A_359 = arith.constant 1 : i32
      %add3A_360 = arith.addi %mul3A_358, %add3A_359 : i32
      %swap3A_361 = arith.index_cast %add3A_360 : i32 to index
      %swap3A_362 = arith.constant 0 : index
      %swap3A_363 = tpu.vector_load %arg8[%swap3A_361, %swap3A_362] {strides = array<i32>} : memref<2048x16xi32, #tpu.memory_space<vmem>>, vector<16xi32>,
      tpu.vector_store %arg8[%swap3A_361, %swap3A_362], %gather3A_356 {strides = array<i32>} : memref<2048x16xi32, #tpu.memory_space<vmem>>, vector<16xi32>,
      %broadcast_in_dim3A_364 = arith.constant 2 : i32
      %broadcast_in_dim3A_365 = vector.broadcast %broadcast_in_dim3A_364 : i32 to vector<16xi32>
      %lt3A_366 = arith.constant 0 : i32
      %lt3A_367 = vector.broadcast %lt3A_366 : i32 to vector<16xi32>
      %lt3A_368 = arith.cmpi slt, %broadcast_in_dim3A_365, %lt3A_367 : vector<16xi32>
      %add3A_369 = arith.constant 16 : i32
      %add3A_370 = vector.broadcast %add3A_369 : i32 to vector<16xi32>
      %add3A_371 = arith.addi %broadcast_in_dim3A_365, %add3A_370 : vector<16xi32>
      %select_n3A_372 = arith.select %lt3A_368, %add3A_371, %broadcast_in_dim3A_365 : vector<16xi1>, vector<16xi32>
      %broadcast_in_dim3A_373 = vector.shape_cast %select_n3A_372 : vector<16xi32> to vector<16x1xi32>
      %gather3A_374 = vector.shape_cast %broadcast_in_dim3A_373 : vector<16x1xi32> to vector<16xi32>
      %gather3A_375 = tpu.dynamic_gather %get3A_320[%gather3A_374] in [0] : vector<16xi32>, vector<16xi32> -> vector<16xi32>
      %mul3A_376 = arith.constant 16 : i32
      %mul3A_377 = vector.broadcast %mul3A_376 : i32 to vector<16xi32>
      %mul3A_378 = arith.muli %gather3A_375, %mul3A_377 : vector<16xi32>
      %add3A_379 = arith.addi %mul3A_378, %iota3A : vector<16xi32>
      %gather3A_380 = tpu.vector_load_idx %arg6[%add3A_379] : memref<4096xi32, #tpu.memory_space<vmem>>[vector<16xi32>], vector<16xi32>,
      %mul3A_381 = arith.constant 16 : i32
      %mul3A_382 = arith.muli %add3A_317, %mul3A_381 : i32
      %add3A_383 = arith.constant 2 : i32
      %add3A_384 = arith.addi %mul3A_382, %add3A_383 : i32
      %swap3A_385 = arith.index_cast %add3A_384 : i32 to index
      %swap3A_386 = arith.constant 0 : index
      %swap3A_387 = tpu.vector_load %arg8[%swap3A_385, %swap3A_386] {strides = array<i32>} : memref<2048x16xi32, #tpu.memory_space<vmem>>, vector<16xi32>,
      tpu.vector_store %arg8[%swap3A_385, %swap3A_386], %gather3A_380 {strides = array<i32>} : memref<2048x16xi32, #tpu.memory_space<vmem>>, vector<16xi32>,
      %broadcast_in_dim3A_388 = arith.constant 3 : i32
      %broadcast_in_dim3A_389 = vector.broadcast %broadcast_in_dim3A_388 : i32 to vector<16xi32>
      %lt3A_390 = arith.constant 0 : i32
      %lt3A_391 = vector.broadcast %lt3A_390 : i32 to vector<16xi32>
      %lt3A_392 = arith.cmpi slt, %broadcast_in_dim3A_389, %lt3A_391 : vector<16xi32>
      %add3A_393 = arith.constant 16 : i32
      %add3A_394 = vector.broadcast %add3A_393 : i32 to vector<16xi32>
      %add3A_395 = arith.addi %broadcast_in_dim3A_389, %add3A_394 : vector<16xi32>
      %select_n3A_396 = arith.select %lt3A_392, %add3A_395, %broadcast_in_dim3A_389 : vector<16xi1>, vector<16xi32>
      %broadcast_in_dim3A_397 = vector.shape_cast %select_n3A_396 : vector<16xi32> to vector<16x1xi32>
      %gather3A_398 = vector.shape_cast %broadcast_in_dim3A_397 : vector<16x1xi32> to vector<16xi32>
      %gather3A_399 = tpu.dynamic_gather %get3A_320[%gather3A_398] in [0] : vector<16xi32>, vector<16xi32> -> vector<16xi32>
      %mul3A_400 = arith.constant 16 : i32
      %mul3A_401 = vector.broadcast %mul3A_400 : i32 to vector<16xi32>
      %mul3A_402 = arith.muli %gather3A_399, %mul3A_401 : vector<16xi32>
      %add3A_403 = arith.addi %mul3A_402, %iota3A : vector<16xi32>
      %gather3A_404 = tpu.vector_load_idx %arg6[%add3A_403] : memref<4096xi32, #tpu.memory_space<vmem>>[vector<16xi32>], vector<16xi32>,
      %mul3A_405 = arith.constant 16 : i32
      %mul3A_406 = arith.muli %add3A_317, %mul3A_405 : i32
      %add3A_407 = arith.constant 3 : i32
      %add3A_408 = arith.addi %mul3A_406, %add3A_407 : i32
      %swap3A_409 = arith.index_cast %add3A_408 : i32 to index
      %swap3A_410 = arith.constant 0 : index
      %swap3A_411 = tpu.vector_load %arg8[%swap3A_409, %swap3A_410] {strides = array<i32>} : memref<2048x16xi32, #tpu.memory_space<vmem>>, vector<16xi32>,
      tpu.vector_store %arg8[%swap3A_409, %swap3A_410], %gather3A_404 {strides = array<i32>} : memref<2048x16xi32, #tpu.memory_space<vmem>>, vector<16xi32>,
      %broadcast_in_dim3A_412 = arith.constant 4 : i32
      %broadcast_in_dim3A_413 = vector.broadcast %broadcast_in_dim3A_412 : i32 to vector<16xi32>
      %lt3A_414 = arith.constant 0 : i32
      %lt3A_415 = vector.broadcast %lt3A_414 : i32 to vector<16xi32>
      %lt3A_416 = arith.cmpi slt, %broadcast_in_dim3A_413, %lt3A_415 : vector<16xi32>
      %add3A_417 = arith.constant 16 : i32
      %add3A_418 = vector.broadcast %add3A_417 : i32 to vector<16xi32>
      %add3A_419 = arith.addi %broadcast_in_dim3A_413, %add3A_418 : vector<16xi32>
      %select_n3A_420 = arith.select %lt3A_416, %add3A_419, %broadcast_in_dim3A_413 : vector<16xi1>, vector<16xi32>
      %broadcast_in_dim3A_421 = vector.shape_cast %select_n3A_420 : vector<16xi32> to vector<16x1xi32>
      %gather3A_422 = vector.shape_cast %broadcast_in_dim3A_421 : vector<16x1xi32> to vector<16xi32>
      %gather3A_423 = tpu.dynamic_gather %get3A_320[%gather3A_422] in [0] : vector<16xi32>, vector<16xi32> -> vector<16xi32>
      %mul3A_424 = arith.constant 16 : i32
      %mul3A_425 = vector.broadcast %mul3A_424 : i32 to vector<16xi32>
      %mul3A_426 = arith.muli %gather3A_423, %mul3A_425 : vector<16xi32>
      %add3A_427 = arith.addi %mul3A_426, %iota3A : vector<16xi32>
      %gather3A_428 = tpu.vector_load_idx %arg6[%add3A_427] : memref<4096xi32, #tpu.memory_space<vmem>>[vector<16xi32>], vector<16xi32>,
      %mul3A_429 = arith.constant 16 : i32
      %mul3A_430 = arith.muli %add3A_317, %mul3A_429 : i32
      %add3A_431 = arith.constant 4 : i32
      %add3A_432 = arith.addi %mul3A_430, %add3A_431 : i32
      %swap3A_433 = arith.index_cast %add3A_432 : i32 to index
      %swap3A_434 = arith.constant 0 : index
      %swap3A_435 = tpu.vector_load %arg8[%swap3A_433, %swap3A_434] {strides = array<i32>} : memref<2048x16xi32, #tpu.memory_space<vmem>>, vector<16xi32>,
      tpu.vector_store %arg8[%swap3A_433, %swap3A_434], %gather3A_428 {strides = array<i32>} : memref<2048x16xi32, #tpu.memory_space<vmem>>, vector<16xi32>,
      %broadcast_in_dim3A_436 = arith.constant 5 : i32
      %broadcast_in_dim3A_437 = vector.broadcast %broadcast_in_dim3A_436 : i32 to vector<16xi32>
      %lt3A_438 = arith.constant 0 : i32
      %lt3A_439 = vector.broadcast %lt3A_438 : i32 to vector<16xi32>
      %lt3A_440 = arith.cmpi slt, %broadcast_in_dim3A_437, %lt3A_439 : vector<16xi32>
      %add3A_441 = arith.constant 16 : i32
      %add3A_442 = vector.broadcast %add3A_441 : i32 to vector<16xi32>
      %add3A_443 = arith.addi %broadcast_in_dim3A_437, %add3A_442 : vector<16xi32>
      %select_n3A_444 = arith.select %lt3A_440, %add3A_443, %broadcast_in_dim3A_437 : vector<16xi1>, vector<16xi32>
      %broadcast_in_dim3A_445 = vector.shape_cast %select_n3A_444 : vector<16xi32> to vector<16x1xi32>
      %gather3A_446 = vector.shape_cast %broadcast_in_dim3A_445 : vector<16x1xi32> to vector<16xi32>
      %gather3A_447 = tpu.dynamic_gather %get3A_320[%gather3A_446] in [0] : vector<16xi32>, vector<16xi32> -> vector<16xi32>
      %mul3A_448 = arith.constant 16 : i32
      %mul3A_449 = vector.broadcast %mul3A_448 : i32 to vector<16xi32>
      %mul3A_450 = arith.muli %gather3A_447, %mul3A_449 : vector<16xi32>
      %add3A_451 = arith.addi %mul3A_450, %iota3A : vector<16xi32>
      %gather3A_452 = tpu.vector_load_idx %arg6[%add3A_451] : memref<4096xi32, #tpu.memory_space<vmem>>[vector<16xi32>], vector<16xi32>,
      %mul3A_453 = arith.constant 16 : i32
      %mul3A_454 = arith.muli %add3A_317, %mul3A_453 : i32
      %add3A_455 = arith.constant 5 : i32
      %add3A_456 = arith.addi %mul3A_454, %add3A_455 : i32
      %swap3A_457 = arith.index_cast %add3A_456 : i32 to index
      %swap3A_458 = arith.constant 0 : index
      %swap3A_459 = tpu.vector_load %arg8[%swap3A_457, %swap3A_458] {strides = array<i32>} : memref<2048x16xi32, #tpu.memory_space<vmem>>, vector<16xi32>,
      tpu.vector_store %arg8[%swap3A_457, %swap3A_458], %gather3A_452 {strides = array<i32>} : memref<2048x16xi32, #tpu.memory_space<vmem>>, vector<16xi32>,
      %broadcast_in_dim3A_460 = arith.constant 6 : i32
      %broadcast_in_dim3A_461 = vector.broadcast %broadcast_in_dim3A_460 : i32 to vector<16xi32>
      %lt3A_462 = arith.constant 0 : i32
      %lt3A_463 = vector.broadcast %lt3A_462 : i32 to vector<16xi32>
      %lt3A_464 = arith.cmpi slt, %broadcast_in_dim3A_461, %lt3A_463 : vector<16xi32>
      %add3A_465 = arith.constant 16 : i32
      %add3A_466 = vector.broadcast %add3A_465 : i32 to vector<16xi32>
      %add3A_467 = arith.addi %broadcast_in_dim3A_461, %add3A_466 : vector<16xi32>
      %select_n3A_468 = arith.select %lt3A_464, %add3A_467, %broadcast_in_dim3A_461 : vector<16xi1>, vector<16xi32>
      %broadcast_in_dim3A_469 = vector.shape_cast %select_n3A_468 : vector<16xi32> to vector<16x1xi32>
      %gather3A_470 = vector.shape_cast %broadcast_in_dim3A_469 : vector<16x1xi32> to vector<16xi32>
      %gather3A_471 = tpu.dynamic_gather %get3A_320[%gather3A_470] in [0] : vector<16xi32>, vector<16xi32> -> vector<16xi32>
      %mul3A_472 = arith.constant 16 : i32
      %mul3A_473 = vector.broadcast %mul3A_472 : i32 to vector<16xi32>
      %mul3A_474 = arith.muli %gather3A_471, %mul3A_473 : vector<16xi32>
      %add3A_475 = arith.addi %mul3A_474, %iota3A : vector<16xi32>
      %gather3A_476 = tpu.vector_load_idx %arg6[%add3A_475] : memref<4096xi32, #tpu.memory_space<vmem>>[vector<16xi32>], vector<16xi32>,
      %mul3A_477 = arith.constant 16 : i32
      %mul3A_478 = arith.muli %add3A_317, %mul3A_477 : i32
      %add3A_479 = arith.constant 6 : i32
      %add3A_480 = arith.addi %mul3A_478, %add3A_479 : i32
      %swap3A_481 = arith.index_cast %add3A_480 : i32 to index
      %swap3A_482 = arith.constant 0 : index
      %swap3A_483 = tpu.vector_load %arg8[%swap3A_481, %swap3A_482] {strides = array<i32>} : memref<2048x16xi32, #tpu.memory_space<vmem>>, vector<16xi32>,
      tpu.vector_store %arg8[%swap3A_481, %swap3A_482], %gather3A_476 {strides = array<i32>} : memref<2048x16xi32, #tpu.memory_space<vmem>>, vector<16xi32>,
      %broadcast_in_dim3A_484 = arith.constant 7 : i32
      %broadcast_in_dim3A_485 = vector.broadcast %broadcast_in_dim3A_484 : i32 to vector<16xi32>
      %lt3A_486 = arith.constant 0 : i32
      %lt3A_487 = vector.broadcast %lt3A_486 : i32 to vector<16xi32>
      %lt3A_488 = arith.cmpi slt, %broadcast_in_dim3A_485, %lt3A_487 : vector<16xi32>
      %add3A_489 = arith.constant 16 : i32
      %add3A_490 = vector.broadcast %add3A_489 : i32 to vector<16xi32>
      %add3A_491 = arith.addi %broadcast_in_dim3A_485, %add3A_490 : vector<16xi32>
      %select_n3A_492 = arith.select %lt3A_488, %add3A_491, %broadcast_in_dim3A_485 : vector<16xi1>, vector<16xi32>
      %broadcast_in_dim3A_493 = vector.shape_cast %select_n3A_492 : vector<16xi32> to vector<16x1xi32>
      %gather3A_494 = vector.shape_cast %broadcast_in_dim3A_493 : vector<16x1xi32> to vector<16xi32>
      %gather3A_495 = tpu.dynamic_gather %get3A_320[%gather3A_494] in [0] : vector<16xi32>, vector<16xi32> -> vector<16xi32>
      %mul3A_496 = arith.constant 16 : i32
      %mul3A_497 = vector.broadcast %mul3A_496 : i32 to vector<16xi32>
      %mul3A_498 = arith.muli %gather3A_495, %mul3A_497 : vector<16xi32>
      %add3A_499 = arith.addi %mul3A_498, %iota3A : vector<16xi32>
      %gather3A_500 = tpu.vector_load_idx %arg6[%add3A_499] : memref<4096xi32, #tpu.memory_space<vmem>>[vector<16xi32>], vector<16xi32>,
      %mul3A_501 = arith.constant 16 : i32
      %mul3A_502 = arith.muli %add3A_317, %mul3A_501 : i32
      %add3A_503 = arith.constant 7 : i32
      %add3A_504 = arith.addi %mul3A_502, %add3A_503 : i32
      %swap3A_505 = arith.index_cast %add3A_504 : i32 to index
      %swap3A_506 = arith.constant 0 : index
      %swap3A_507 = tpu.vector_load %arg8[%swap3A_505, %swap3A_506] {strides = array<i32>} : memref<2048x16xi32, #tpu.memory_space<vmem>>, vector<16xi32>,
      tpu.vector_store %arg8[%swap3A_505, %swap3A_506], %gather3A_500 {strides = array<i32>} : memref<2048x16xi32, #tpu.memory_space<vmem>>, vector<16xi32>,
      %broadcast_in_dim3A_508 = arith.constant 8 : i32
      %broadcast_in_dim3A_509 = vector.broadcast %broadcast_in_dim3A_508 : i32 to vector<16xi32>
      %lt3A_510 = arith.constant 0 : i32
      %lt3A_511 = vector.broadcast %lt3A_510 : i32 to vector<16xi32>
      %lt3A_512 = arith.cmpi slt, %broadcast_in_dim3A_509, %lt3A_511 : vector<16xi32>
      %add3A_513 = arith.constant 16 : i32
      %add3A_514 = vector.broadcast %add3A_513 : i32 to vector<16xi32>
      %add3A_515 = arith.addi %broadcast_in_dim3A_509, %add3A_514 : vector<16xi32>
      %select_n3A_516 = arith.select %lt3A_512, %add3A_515, %broadcast_in_dim3A_509 : vector<16xi1>, vector<16xi32>
      %broadcast_in_dim3A_517 = vector.shape_cast %select_n3A_516 : vector<16xi32> to vector<16x1xi32>
      %gather3A_518 = vector.shape_cast %broadcast_in_dim3A_517 : vector<16x1xi32> to vector<16xi32>
      %gather3A_519 = tpu.dynamic_gather %get3A_320[%gather3A_518] in [0] : vector<16xi32>, vector<16xi32> -> vector<16xi32>
      %mul3A_520 = arith.constant 16 : i32
      %mul3A_521 = vector.broadcast %mul3A_520 : i32 to vector<16xi32>
      %mul3A_522 = arith.muli %gather3A_519, %mul3A_521 : vector<16xi32>
      %add3A_523 = arith.addi %mul3A_522, %iota3A : vector<16xi32>
      %gather3A_524 = tpu.vector_load_idx %arg6[%add3A_523] : memref<4096xi32, #tpu.memory_space<vmem>>[vector<16xi32>], vector<16xi32>,
      %mul3A_525 = arith.constant 16 : i32
      %mul3A_526 = arith.muli %add3A_317, %mul3A_525 : i32
      %add3A_527 = arith.constant 8 : i32
      %add3A_528 = arith.addi %mul3A_526, %add3A_527 : i32
      %swap3A_529 = arith.index_cast %add3A_528 : i32 to index
      %swap3A_530 = arith.constant 0 : index
      %swap3A_531 = tpu.vector_load %arg8[%swap3A_529, %swap3A_530] {strides = array<i32>} : memref<2048x16xi32, #tpu.memory_space<vmem>>, vector<16xi32>,
      tpu.vector_store %arg8[%swap3A_529, %swap3A_530], %gather3A_524 {strides = array<i32>} : memref<2048x16xi32, #tpu.memory_space<vmem>>, vector<16xi32>,
      %broadcast_in_dim3A_532 = arith.constant 9 : i32
      %broadcast_in_dim3A_533 = vector.broadcast %broadcast_in_dim3A_532 : i32 to vector<16xi32>
      %lt3A_534 = arith.constant 0 : i32
      %lt3A_535 = vector.broadcast %lt3A_534 : i32 to vector<16xi32>
      %lt3A_536 = arith.cmpi slt, %broadcast_in_dim3A_533, %lt3A_535 : vector<16xi32>
      %add3A_537 = arith.constant 16 : i32
      %add3A_538 = vector.broadcast %add3A_537 : i32 to vector<16xi32>
      %add3A_539 = arith.addi %broadcast_in_dim3A_533, %add3A_538 : vector<16xi32>
      %select_n3A_540 = arith.select %lt3A_536, %add3A_539, %broadcast_in_dim3A_533 : vector<16xi1>, vector<16xi32>
      %broadcast_in_dim3A_541 = vector.shape_cast %select_n3A_540 : vector<16xi32> to vector<16x1xi32>
      %gather3A_542 = vector.shape_cast %broadcast_in_dim3A_541 : vector<16x1xi32> to vector<16xi32>
      %gather3A_543 = tpu.dynamic_gather %get3A_320[%gather3A_542] in [0] : vector<16xi32>, vector<16xi32> -> vector<16xi32>
      %mul3A_544 = arith.constant 16 : i32
      %mul3A_545 = vector.broadcast %mul3A_544 : i32 to vector<16xi32>
      %mul3A_546 = arith.muli %gather3A_543, %mul3A_545 : vector<16xi32>
      %add3A_547 = arith.addi %mul3A_546, %iota3A : vector<16xi32>
      %gather3A_548 = tpu.vector_load_idx %arg6[%add3A_547] : memref<4096xi32, #tpu.memory_space<vmem>>[vector<16xi32>], vector<16xi32>,
      %mul3A_549 = arith.constant 16 : i32
      %mul3A_550 = arith.muli %add3A_317, %mul3A_549 : i32
      %add3A_551 = arith.constant 9 : i32
      %add3A_552 = arith.addi %mul3A_550, %add3A_551 : i32
      %swap3A_553 = arith.index_cast %add3A_552 : i32 to index
      %swap3A_554 = arith.constant 0 : index
      %swap3A_555 = tpu.vector_load %arg8[%swap3A_553, %swap3A_554] {strides = array<i32>} : memref<2048x16xi32, #tpu.memory_space<vmem>>, vector<16xi32>,
      tpu.vector_store %arg8[%swap3A_553, %swap3A_554], %gather3A_548 {strides = array<i32>} : memref<2048x16xi32, #tpu.memory_space<vmem>>, vector<16xi32>,
      %broadcast_in_dim3A_556 = arith.constant 10 : i32
      %broadcast_in_dim3A_557 = vector.broadcast %broadcast_in_dim3A_556 : i32 to vector<16xi32>
      %lt3A_558 = arith.constant 0 : i32
      %lt3A_559 = vector.broadcast %lt3A_558 : i32 to vector<16xi32>
      %lt3A_560 = arith.cmpi slt, %broadcast_in_dim3A_557, %lt3A_559 : vector<16xi32>
      %add3A_561 = arith.constant 16 : i32
      %add3A_562 = vector.broadcast %add3A_561 : i32 to vector<16xi32>
      %add3A_563 = arith.addi %broadcast_in_dim3A_557, %add3A_562 : vector<16xi32>
      %select_n3A_564 = arith.select %lt3A_560, %add3A_563, %broadcast_in_dim3A_557 : vector<16xi1>, vector<16xi32>
      %broadcast_in_dim3A_565 = vector.shape_cast %select_n3A_564 : vector<16xi32> to vector<16x1xi32>
      %gather3A_566 = vector.shape_cast %broadcast_in_dim3A_565 : vector<16x1xi32> to vector<16xi32>
      %gather3A_567 = tpu.dynamic_gather %get3A_320[%gather3A_566] in [0] : vector<16xi32>, vector<16xi32> -> vector<16xi32>
      %mul3A_568 = arith.constant 16 : i32
      %mul3A_569 = vector.broadcast %mul3A_568 : i32 to vector<16xi32>
      %mul3A_570 = arith.muli %gather3A_567, %mul3A_569 : vector<16xi32>
      %add3A_571 = arith.addi %mul3A_570, %iota3A : vector<16xi32>
      %gather3A_572 = tpu.vector_load_idx %arg6[%add3A_571] : memref<4096xi32, #tpu.memory_space<vmem>>[vector<16xi32>], vector<16xi32>,
      %mul3A_573 = arith.constant 16 : i32
      %mul3A_574 = arith.muli %add3A_317, %mul3A_573 : i32
      %add3A_575 = arith.constant 10 : i32
      %add3A_576 = arith.addi %mul3A_574, %add3A_575 : i32
      %swap3A_577 = arith.index_cast %add3A_576 : i32 to index
      %swap3A_578 = arith.constant 0 : index
      %swap3A_579 = tpu.vector_load %arg8[%swap3A_577, %swap3A_578] {strides = array<i32>} : memref<2048x16xi32, #tpu.memory_space<vmem>>, vector<16xi32>,
      tpu.vector_store %arg8[%swap3A_577, %swap3A_578], %gather3A_572 {strides = array<i32>} : memref<2048x16xi32, #tpu.memory_space<vmem>>, vector<16xi32>,
      %broadcast_in_dim3A_580 = arith.constant 11 : i32
      %broadcast_in_dim3A_581 = vector.broadcast %broadcast_in_dim3A_580 : i32 to vector<16xi32>
      %lt3A_582 = arith.constant 0 : i32
      %lt3A_583 = vector.broadcast %lt3A_582 : i32 to vector<16xi32>
      %lt3A_584 = arith.cmpi slt, %broadcast_in_dim3A_581, %lt3A_583 : vector<16xi32>
      %add3A_585 = arith.constant 16 : i32
      %add3A_586 = vector.broadcast %add3A_585 : i32 to vector<16xi32>
      %add3A_587 = arith.addi %broadcast_in_dim3A_581, %add3A_586 : vector<16xi32>
      %select_n3A_588 = arith.select %lt3A_584, %add3A_587, %broadcast_in_dim3A_581 : vector<16xi1>, vector<16xi32>
      %broadcast_in_dim3A_589 = vector.shape_cast %select_n3A_588 : vector<16xi32> to vector<16x1xi32>
      %gather3A_590 = vector.shape_cast %broadcast_in_dim3A_589 : vector<16x1xi32> to vector<16xi32>
      %gather3A_591 = tpu.dynamic_gather %get3A_320[%gather3A_590] in [0] : vector<16xi32>, vector<16xi32> -> vector<16xi32>
      %mul3A_592 = arith.constant 16 : i32
      %mul3A_593 = vector.broadcast %mul3A_592 : i32 to vector<16xi32>
      %mul3A_594 = arith.muli %gather3A_591, %mul3A_593 : vector<16xi32>
      %add3A_595 = arith.addi %mul3A_594, %iota3A : vector<16xi32>
      %gather3A_596 = tpu.vector_load_idx %arg6[%add3A_595] : memref<4096xi32, #tpu.memory_space<vmem>>[vector<16xi32>], vector<16xi32>,
      %mul3A_597 = arith.constant 16 : i32
      %mul3A_598 = arith.muli %add3A_317, %mul3A_597 : i32
      %add3A_599 = arith.constant 11 : i32
      %add3A_600 = arith.addi %mul3A_598, %add3A_599 : i32
      %swap3A_601 = arith.index_cast %add3A_600 : i32 to index
      %swap3A_602 = arith.constant 0 : index
      %swap3A_603 = tpu.vector_load %arg8[%swap3A_601, %swap3A_602] {strides = array<i32>} : memref<2048x16xi32, #tpu.memory_space<vmem>>, vector<16xi32>,
      tpu.vector_store %arg8[%swap3A_601, %swap3A_602], %gather3A_596 {strides = array<i32>} : memref<2048x16xi32, #tpu.memory_space<vmem>>, vector<16xi32>,
      %broadcast_in_dim3A_604 = arith.constant 12 : i32
      %broadcast_in_dim3A_605 = vector.broadcast %broadcast_in_dim3A_604 : i32 to vector<16xi32>
      %lt3A_606 = arith.constant 0 : i32
      %lt3A_607 = vector.broadcast %lt3A_606 : i32 to vector<16xi32>
      %lt3A_608 = arith.cmpi slt, %broadcast_in_dim3A_605, %lt3A_607 : vector<16xi32>
      %add3A_609 = arith.constant 16 : i32
      %add3A_610 = vector.broadcast %add3A_609 : i32 to vector<16xi32>
      %add3A_611 = arith.addi %broadcast_in_dim3A_605, %add3A_610 : vector<16xi32>
      %select_n3A_612 = arith.select %lt3A_608, %add3A_611, %broadcast_in_dim3A_605 : vector<16xi1>, vector<16xi32>
      %broadcast_in_dim3A_613 = vector.shape_cast %select_n3A_612 : vector<16xi32> to vector<16x1xi32>
      %gather3A_614 = vector.shape_cast %broadcast_in_dim3A_613 : vector<16x1xi32> to vector<16xi32>
      %gather3A_615 = tpu.dynamic_gather %get3A_320[%gather3A_614] in [0] : vector<16xi32>, vector<16xi32> -> vector<16xi32>
      %mul3A_616 = arith.constant 16 : i32
      %mul3A_617 = vector.broadcast %mul3A_616 : i32 to vector<16xi32>
      %mul3A_618 = arith.muli %gather3A_615, %mul3A_617 : vector<16xi32>
      %add3A_619 = arith.addi %mul3A_618, %iota3A : vector<16xi32>
      %gather3A_620 = tpu.vector_load_idx %arg6[%add3A_619] : memref<4096xi32, #tpu.memory_space<vmem>>[vector<16xi32>], vector<16xi32>,
      %mul3A_621 = arith.constant 16 : i32
      %mul3A_622 = arith.muli %add3A_317, %mul3A_621 : i32
      %add3A_623 = arith.constant 12 : i32
      %add3A_624 = arith.addi %mul3A_622, %add3A_623 : i32
      %swap3A_625 = arith.index_cast %add3A_624 : i32 to index
      %swap3A_626 = arith.constant 0 : index
      %swap3A_627 = tpu.vector_load %arg8[%swap3A_625, %swap3A_626] {strides = array<i32>} : memref<2048x16xi32, #tpu.memory_space<vmem>>, vector<16xi32>,
      tpu.vector_store %arg8[%swap3A_625, %swap3A_626], %gather3A_620 {strides = array<i32>} : memref<2048x16xi32, #tpu.memory_space<vmem>>, vector<16xi32>,
      %broadcast_in_dim3A_628 = arith.constant 13 : i32
      %broadcast_in_dim3A_629 = vector.broadcast %broadcast_in_dim3A_628 : i32 to vector<16xi32>
      %lt3A_630 = arith.constant 0 : i32
      %lt3A_631 = vector.broadcast %lt3A_630 : i32 to vector<16xi32>
      %lt3A_632 = arith.cmpi slt, %broadcast_in_dim3A_629, %lt3A_631 : vector<16xi32>
      %add3A_633 = arith.constant 16 : i32
      %add3A_634 = vector.broadcast %add3A_633 : i32 to vector<16xi32>
      %add3A_635 = arith.addi %broadcast_in_dim3A_629, %add3A_634 : vector<16xi32>
      %select_n3A_636 = arith.select %lt3A_632, %add3A_635, %broadcast_in_dim3A_629 : vector<16xi1>, vector<16xi32>
      %broadcast_in_dim3A_637 = vector.shape_cast %select_n3A_636 : vector<16xi32> to vector<16x1xi32>
      %gather3A_638 = vector.shape_cast %broadcast_in_dim3A_637 : vector<16x1xi32> to vector<16xi32>
      %gather3A_639 = tpu.dynamic_gather %get3A_320[%gather3A_638] in [0] : vector<16xi32>, vector<16xi32> -> vector<16xi32>
      %mul3A_640 = arith.constant 16 : i32
      %mul3A_641 = vector.broadcast %mul3A_640 : i32 to vector<16xi32>
      %mul3A_642 = arith.muli %gather3A_639, %mul3A_641 : vector<16xi32>
      %add3A_643 = arith.addi %mul3A_642, %iota3A : vector<16xi32>
      %gather3A_644 = tpu.vector_load_idx %arg6[%add3A_643] : memref<4096xi32, #tpu.memory_space<vmem>>[vector<16xi32>], vector<16xi32>,
      %mul3A_645 = arith.constant 16 : i32
      %mul3A_646 = arith.muli %add3A_317, %mul3A_645 : i32
      %add3A_647 = arith.constant 13 : i32
      %add3A_648 = arith.addi %mul3A_646, %add3A_647 : i32
      %swap3A_649 = arith.index_cast %add3A_648 : i32 to index
      %swap3A_650 = arith.constant 0 : index
      %swap3A_651 = tpu.vector_load %arg8[%swap3A_649, %swap3A_650] {strides = array<i32>} : memref<2048x16xi32, #tpu.memory_space<vmem>>, vector<16xi32>,
      tpu.vector_store %arg8[%swap3A_649, %swap3A_650], %gather3A_644 {strides = array<i32>} : memref<2048x16xi32, #tpu.memory_space<vmem>>, vector<16xi32>,
      %broadcast_in_dim3A_652 = arith.constant 14 : i32
      %broadcast_in_dim3A_653 = vector.broadcast %broadcast_in_dim3A_652 : i32 to vector<16xi32>
      %lt3A_654 = arith.constant 0 : i32
      %lt3A_655 = vector.broadcast %lt3A_654 : i32 to vector<16xi32>
      %lt3A_656 = arith.cmpi slt, %broadcast_in_dim3A_653, %lt3A_655 : vector<16xi32>
      %add3A_657 = arith.constant 16 : i32
      %add3A_658 = vector.broadcast %add3A_657 : i32 to vector<16xi32>
      %add3A_659 = arith.addi %broadcast_in_dim3A_653, %add3A_658 : vector<16xi32>
      %select_n3A_660 = arith.select %lt3A_656, %add3A_659, %broadcast_in_dim3A_653 : vector<16xi1>, vector<16xi32>
      %broadcast_in_dim3A_661 = vector.shape_cast %select_n3A_660 : vector<16xi32> to vector<16x1xi32>
      %gather3A_662 = vector.shape_cast %broadcast_in_dim3A_661 : vector<16x1xi32> to vector<16xi32>
      %gather3A_663 = tpu.dynamic_gather %get3A_320[%gather3A_662] in [0] : vector<16xi32>, vector<16xi32> -> vector<16xi32>
      %mul3A_664 = arith.constant 16 : i32
      %mul3A_665 = vector.broadcast %mul3A_664 : i32 to vector<16xi32>
      %mul3A_666 = arith.muli %gather3A_663, %mul3A_665 : vector<16xi32>
      %add3A_667 = arith.addi %mul3A_666, %iota3A : vector<16xi32>
      %gather3A_668 = tpu.vector_load_idx %arg6[%add3A_667] : memref<4096xi32, #tpu.memory_space<vmem>>[vector<16xi32>], vector<16xi32>,
      %mul3A_669 = arith.constant 16 : i32
      %mul3A_670 = arith.muli %add3A_317, %mul3A_669 : i32
      %add3A_671 = arith.constant 14 : i32
      %add3A_672 = arith.addi %mul3A_670, %add3A_671 : i32
      %swap3A_673 = arith.index_cast %add3A_672 : i32 to index
      %swap3A_674 = arith.constant 0 : index
      %swap3A_675 = tpu.vector_load %arg8[%swap3A_673, %swap3A_674] {strides = array<i32>} : memref<2048x16xi32, #tpu.memory_space<vmem>>, vector<16xi32>,
      tpu.vector_store %arg8[%swap3A_673, %swap3A_674], %gather3A_668 {strides = array<i32>} : memref<2048x16xi32, #tpu.memory_space<vmem>>, vector<16xi32>,
      %broadcast_in_dim3A_676 = arith.constant 15 : i32
      %broadcast_in_dim3A_677 = vector.broadcast %broadcast_in_dim3A_676 : i32 to vector<16xi32>
      %lt3A_678 = arith.constant 0 : i32
      %lt3A_679 = vector.broadcast %lt3A_678 : i32 to vector<16xi32>
      %lt3A_680 = arith.cmpi slt, %broadcast_in_dim3A_677, %lt3A_679 : vector<16xi32>
      %add3A_681 = arith.constant 16 : i32
      %add3A_682 = vector.broadcast %add3A_681 : i32 to vector<16xi32>
      %add3A_683 = arith.addi %broadcast_in_dim3A_677, %add3A_682 : vector<16xi32>
      %select_n3A_684 = arith.select %lt3A_680, %add3A_683, %broadcast_in_dim3A_677 : vector<16xi1>, vector<16xi32>
      %broadcast_in_dim3A_685 = vector.shape_cast %select_n3A_684 : vector<16xi32> to vector<16x1xi32>
      %gather3A_686 = vector.shape_cast %broadcast_in_dim3A_685 : vector<16x1xi32> to vector<16xi32>
      %gather3A_687 = tpu.dynamic_gather %get3A_320[%gather3A_686] in [0] : vector<16xi32>, vector<16xi32> -> vector<16xi32>
      %mul3A_688 = arith.constant 16 : i32
      %mul3A_689 = vector.broadcast %mul3A_688 : i32 to vector<16xi32>
      %mul3A_690 = arith.muli %gather3A_687, %mul3A_689 : vector<16xi32>
      %add3A_691 = arith.addi %mul3A_690, %iota3A : vector<16xi32>
      %gather3A_692 = tpu.vector_load_idx %arg6[%add3A_691] : memref<4096xi32, #tpu.memory_space<vmem>>[vector<16xi32>], vector<16xi32>,
      %mul3A_693 = arith.constant 16 : i32
      %mul3A_694 = arith.muli %add3A_317, %mul3A_693 : i32
      %add3A_695 = arith.constant 15 : i32
      %add3A_696 = arith.addi %mul3A_694, %add3A_695 : i32
      %swap3A_697 = arith.index_cast %add3A_696 : i32 to index
      %swap3A_698 = arith.constant 0 : index
      %swap3A_699 = tpu.vector_load %arg8[%swap3A_697, %swap3A_698] {strides = array<i32>} : memref<2048x16xi32, #tpu.memory_space<vmem>>, vector<16xi32>,
      tpu.vector_store %arg8[%swap3A_697, %swap3A_698], %gather3A_692 {strides = array<i32>} : memref<2048x16xi32, #tpu.memory_space<vmem>>, vector<16xi32>,
      %scan3A_700 = arith.constant 1 : i32
      %scan3A_701 = arith.addi %scan3A_313, %scan3A_700 : i32
      %mul3A_702 = arith.constant 1 : i32
      %mul3A_703 = arith.muli %scan3A_701, %mul3A_702 : i32
      %add3A_704 = arith.constant 48 : i32
      %add3A_705 = arith.addi %add3A_704, %mul3A_703 : i32
      %mul3A_706 = arith.constant 16 : i32
      %mul3A_707 = arith.muli %add3A_705, %mul3A_706 : i32
      %get3A_708 = arith.index_cast %mul3A_707 : i32 to index
      %get3A_709 = tpu.vector_load %arg7[%get3A_708] {strides = array<i32>} : memref<2048xi32, #tpu.memory_space<vmem>>, vector<16xi32>,
      %broadcast_in_dim3A_710 = arith.constant 0 : i32
      %broadcast_in_dim3A_711 = vector.broadcast %broadcast_in_dim3A_710 : i32 to vector<16xi32>
      %lt3A_712 = arith.constant 0 : i32
      %lt3A_713 = vector.broadcast %lt3A_712 : i32 to vector<16xi32>
      %lt3A_714 = arith.cmpi slt, %broadcast_in_dim3A_711, %lt3A_713 : vector<16xi32>
      %add3A_715 = arith.constant 16 : i32
      %add3A_716 = vector.broadcast %add3A_715 : i32 to vector<16xi32>
      %add3A_717 = arith.addi %broadcast_in_dim3A_711, %add3A_716 : vector<16xi32>
      %select_n3A_718 = arith.select %lt3A_714, %add3A_717, %broadcast_in_dim3A_711 : vector<16xi1>, vector<16xi32>
      %broadcast_in_dim3A_719 = vector.shape_cast %select_n3A_718 : vector<16xi32> to vector<16x1xi32>
      %gather3A_720 = vector.shape_cast %broadcast_in_dim3A_719 : vector<16x1xi32> to vector<16xi32>
      %gather3A_721 = tpu.dynamic_gather %get3A_709[%gather3A_720] in [0] : vector<16xi32>, vector<16xi32> -> vector<16xi32>
      %mul3A_722 = arith.constant 16 : i32
      %mul3A_723 = vector.broadcast %mul3A_722 : i32 to vector<16xi32>
      %mul3A_724 = arith.muli %gather3A_721, %mul3A_723 : vector<16xi32>
      %add3A_725 = arith.addi %mul3A_724, %iota3A : vector<16xi32>
      %gather3A_726 = tpu.vector_load_idx %arg6[%add3A_725] : memref<4096xi32, #tpu.memory_space<vmem>>[vector<16xi32>], vector<16xi32>,
      %mul3A_727 = arith.constant 16 : i32
      %mul3A_728 = arith.muli %add3A_705, %mul3A_727 : i32
      %add3A_729 = arith.constant 0 : i32
      %add3A_730 = arith.addi %mul3A_728, %add3A_729 : i32
      %swap3A_731 = arith.index_cast %add3A_730 : i32 to index
      %swap3A_732 = arith.constant 0 : index
      %swap3A_733 = tpu.vector_load %arg8[%swap3A_731, %swap3A_732] {strides = array<i32>} : memref<2048x16xi32, #tpu.memory_space<vmem>>, vector<16xi32>,
      tpu.vector_store %arg8[%swap3A_731, %swap3A_732], %gather3A_726 {strides = array<i32>} : memref<2048x16xi32, #tpu.memory_space<vmem>>, vector<16xi32>,
      %broadcast_in_dim3A_734 = arith.constant 1 : i32
      %broadcast_in_dim3A_735 = vector.broadcast %broadcast_in_dim3A_734 : i32 to vector<16xi32>
      %lt3A_736 = arith.constant 0 : i32
      %lt3A_737 = vector.broadcast %lt3A_736 : i32 to vector<16xi32>
      %lt3A_738 = arith.cmpi slt, %broadcast_in_dim3A_735, %lt3A_737 : vector<16xi32>
      %add3A_739 = arith.constant 16 : i32
      %add3A_740 = vector.broadcast %add3A_739 : i32 to vector<16xi32>
      %add3A_741 = arith.addi %broadcast_in_dim3A_735, %add3A_740 : vector<16xi32>
      %select_n3A_742 = arith.select %lt3A_738, %add3A_741, %broadcast_in_dim3A_735 : vector<16xi1>, vector<16xi32>
      %broadcast_in_dim3A_743 = vector.shape_cast %select_n3A_742 : vector<16xi32> to vector<16x1xi32>
      %gather3A_744 = vector.shape_cast %broadcast_in_dim3A_743 : vector<16x1xi32> to vector<16xi32>
      %gather3A_745 = tpu.dynamic_gather %get3A_709[%gather3A_744] in [0] : vector<16xi32>, vector<16xi32> -> vector<16xi32>
      %mul3A_746 = arith.constant 16 : i32
      %mul3A_747 = vector.broadcast %mul3A_746 : i32 to vector<16xi32>
      %mul3A_748 = arith.muli %gather3A_745, %mul3A_747 : vector<16xi32>
      %add3A_749 = arith.addi %mul3A_748, %iota3A : vector<16xi32>
      %gather3A_750 = tpu.vector_load_idx %arg6[%add3A_749] : memref<4096xi32, #tpu.memory_space<vmem>>[vector<16xi32>], vector<16xi32>,
      %mul3A_751 = arith.constant 16 : i32
      %mul3A_752 = arith.muli %add3A_705, %mul3A_751 : i32
      %add3A_753 = arith.constant 1 : i32
      %add3A_754 = arith.addi %mul3A_752, %add3A_753 : i32
      %swap3A_755 = arith.index_cast %add3A_754 : i32 to index
      %swap3A_756 = arith.constant 0 : index
      %swap3A_757 = tpu.vector_load %arg8[%swap3A_755, %swap3A_756] {strides = array<i32>} : memref<2048x16xi32, #tpu.memory_space<vmem>>, vector<16xi32>,
      tpu.vector_store %arg8[%swap3A_755, %swap3A_756], %gather3A_750 {strides = array<i32>} : memref<2048x16xi32, #tpu.memory_space<vmem>>, vector<16xi32>,
      %broadcast_in_dim3A_758 = arith.constant 2 : i32
      %broadcast_in_dim3A_759 = vector.broadcast %broadcast_in_dim3A_758 : i32 to vector<16xi32>
      %lt3A_760 = arith.constant 0 : i32
      %lt3A_761 = vector.broadcast %lt3A_760 : i32 to vector<16xi32>
      %lt3A_762 = arith.cmpi slt, %broadcast_in_dim3A_759, %lt3A_761 : vector<16xi32>
      %add3A_763 = arith.constant 16 : i32
      %add3A_764 = vector.broadcast %add3A_763 : i32 to vector<16xi32>
      %add3A_765 = arith.addi %broadcast_in_dim3A_759, %add3A_764 : vector<16xi32>
      %select_n3A_766 = arith.select %lt3A_762, %add3A_765, %broadcast_in_dim3A_759 : vector<16xi1>, vector<16xi32>
      %broadcast_in_dim3A_767 = vector.shape_cast %select_n3A_766 : vector<16xi32> to vector<16x1xi32>
      %gather3A_768 = vector.shape_cast %broadcast_in_dim3A_767 : vector<16x1xi32> to vector<16xi32>
      %gather3A_769 = tpu.dynamic_gather %get3A_709[%gather3A_768] in [0] : vector<16xi32>, vector<16xi32> -> vector<16xi32>
      %mul3A_770 = arith.constant 16 : i32
      %mul3A_771 = vector.broadcast %mul3A_770 : i32 to vector<16xi32>
      %mul3A_772 = arith.muli %gather3A_769, %mul3A_771 : vector<16xi32>
      %add3A_773 = arith.addi %mul3A_772, %iota3A : vector<16xi32>
      %gather3A_774 = tpu.vector_load_idx %arg6[%add3A_773] : memref<4096xi32, #tpu.memory_space<vmem>>[vector<16xi32>], vector<16xi32>,
      %mul3A_775 = arith.constant 16 : i32
      %mul3A_776 = arith.muli %add3A_705, %mul3A_775 : i32
      %add3A_777 = arith.constant 2 : i32
      %add3A_778 = arith.addi %mul3A_776, %add3A_777 : i32
      %swap3A_779 = arith.index_cast %add3A_778 : i32 to index
      %swap3A_780 = arith.constant 0 : index
      %swap3A_781 = tpu.vector_load %arg8[%swap3A_779, %swap3A_780] {strides = array<i32>} : memref<2048x16xi32, #tpu.memory_space<vmem>>, vector<16xi32>,
      tpu.vector_store %arg8[%swap3A_779, %swap3A_780], %gather3A_774 {strides = array<i32>} : memref<2048x16xi32, #tpu.memory_space<vmem>>, vector<16xi32>,
      %broadcast_in_dim3A_782 = arith.constant 3 : i32
      %broadcast_in_dim3A_783 = vector.broadcast %broadcast_in_dim3A_782 : i32 to vector<16xi32>
      %lt3A_784 = arith.constant 0 : i32
      %lt3A_785 = vector.broadcast %lt3A_784 : i32 to vector<16xi32>
      %lt3A_786 = arith.cmpi slt, %broadcast_in_dim3A_783, %lt3A_785 : vector<16xi32>
      %add3A_787 = arith.constant 16 : i32
      %add3A_788 = vector.broadcast %add3A_787 : i32 to vector<16xi32>
      %add3A_789 = arith.addi %broadcast_in_dim3A_783, %add3A_788 : vector<16xi32>
      %select_n3A_790 = arith.select %lt3A_786, %add3A_789, %broadcast_in_dim3A_783 : vector<16xi1>, vector<16xi32>
      %broadcast_in_dim3A_791 = vector.shape_cast %select_n3A_790 : vector<16xi32> to vector<16x1xi32>
      %gather3A_792 = vector.shape_cast %broadcast_in_dim3A_791 : vector<16x1xi32> to vector<16xi32>
      %gather3A_793 = tpu.dynamic_gather %get3A_709[%gather3A_792] in [0] : vector<16xi32>, vector<16xi32> -> vector<16xi32>
      %mul3A_794 = arith.constant 16 : i32
      %mul3A_795 = vector.broadcast %mul3A_794 : i32 to vector<16xi32>
      %mul3A_796 = arith.muli %gather3A_793, %mul3A_795 : vector<16xi32>
      %add3A_797 = arith.addi %mul3A_796, %iota3A : vector<16xi32>
      %gather3A_798 = tpu.vector_load_idx %arg6[%add3A_797] : memref<4096xi32, #tpu.memory_space<vmem>>[vector<16xi32>], vector<16xi32>,
      %mul3A_799 = arith.constant 16 : i32
      %mul3A_800 = arith.muli %add3A_705, %mul3A_799 : i32
      %add3A_801 = arith.constant 3 : i32
      %add3A_802 = arith.addi %mul3A_800, %add3A_801 : i32
      %swap3A_803 = arith.index_cast %add3A_802 : i32 to index
      %swap3A_804 = arith.constant 0 : index
      %swap3A_805 = tpu.vector_load %arg8[%swap3A_803, %swap3A_804] {strides = array<i32>} : memref<2048x16xi32, #tpu.memory_space<vmem>>, vector<16xi32>,
      tpu.vector_store %arg8[%swap3A_803, %swap3A_804], %gather3A_798 {strides = array<i32>} : memref<2048x16xi32, #tpu.memory_space<vmem>>, vector<16xi32>,
      %broadcast_in_dim3A_806 = arith.constant 4 : i32
      %broadcast_in_dim3A_807 = vector.broadcast %broadcast_in_dim3A_806 : i32 to vector<16xi32>
      %lt3A_808 = arith.constant 0 : i32
      %lt3A_809 = vector.broadcast %lt3A_808 : i32 to vector<16xi32>
      %lt3A_810 = arith.cmpi slt, %broadcast_in_dim3A_807, %lt3A_809 : vector<16xi32>
      %add3A_811 = arith.constant 16 : i32
      %add3A_812 = vector.broadcast %add3A_811 : i32 to vector<16xi32>
      %add3A_813 = arith.addi %broadcast_in_dim3A_807, %add3A_812 : vector<16xi32>
      %select_n3A_814 = arith.select %lt3A_810, %add3A_813, %broadcast_in_dim3A_807 : vector<16xi1>, vector<16xi32>
      %broadcast_in_dim3A_815 = vector.shape_cast %select_n3A_814 : vector<16xi32> to vector<16x1xi32>
      %gather3A_816 = vector.shape_cast %broadcast_in_dim3A_815 : vector<16x1xi32> to vector<16xi32>
      %gather3A_817 = tpu.dynamic_gather %get3A_709[%gather3A_816] in [0] : vector<16xi32>, vector<16xi32> -> vector<16xi32>
      %mul3A_818 = arith.constant 16 : i32
      %mul3A_819 = vector.broadcast %mul3A_818 : i32 to vector<16xi32>
      %mul3A_820 = arith.muli %gather3A_817, %mul3A_819 : vector<16xi32>
      %add3A_821 = arith.addi %mul3A_820, %iota3A : vector<16xi32>
      %gather3A_822 = tpu.vector_load_idx %arg6[%add3A_821] : memref<4096xi32, #tpu.memory_space<vmem>>[vector<16xi32>], vector<16xi32>,
      %mul3A_823 = arith.constant 16 : i32
      %mul3A_824 = arith.muli %add3A_705, %mul3A_823 : i32
      %add3A_825 = arith.constant 4 : i32
      %add3A_826 = arith.addi %mul3A_824, %add3A_825 : i32
      %swap3A_827 = arith.index_cast %add3A_826 : i32 to index
      %swap3A_828 = arith.constant 0 : index
      %swap3A_829 = tpu.vector_load %arg8[%swap3A_827, %swap3A_828] {strides = array<i32>} : memref<2048x16xi32, #tpu.memory_space<vmem>>, vector<16xi32>,
      tpu.vector_store %arg8[%swap3A_827, %swap3A_828], %gather3A_822 {strides = array<i32>} : memref<2048x16xi32, #tpu.memory_space<vmem>>, vector<16xi32>,
      %broadcast_in_dim3A_830 = arith.constant 5 : i32
      %broadcast_in_dim3A_831 = vector.broadcast %broadcast_in_dim3A_830 : i32 to vector<16xi32>
      %lt3A_832 = arith.constant 0 : i32
      %lt3A_833 = vector.broadcast %lt3A_832 : i32 to vector<16xi32>
      %lt3A_834 = arith.cmpi slt, %broadcast_in_dim3A_831, %lt3A_833 : vector<16xi32>
      %add3A_835 = arith.constant 16 : i32
      %add3A_836 = vector.broadcast %add3A_835 : i32 to vector<16xi32>
      %add3A_837 = arith.addi %broadcast_in_dim3A_831, %add3A_836 : vector<16xi32>
      %select_n3A_838 = arith.select %lt3A_834, %add3A_837, %broadcast_in_dim3A_831 : vector<16xi1>, vector<16xi32>
      %broadcast_in_dim3A_839 = vector.shape_cast %select_n3A_838 : vector<16xi32> to vector<16x1xi32>
      %gather3A_840 = vector.shape_cast %broadcast_in_dim3A_839 : vector<16x1xi32> to vector<16xi32>
      %gather3A_841 = tpu.dynamic_gather %get3A_709[%gather3A_840] in [0] : vector<16xi32>, vector<16xi32> -> vector<16xi32>
      %mul3A_842 = arith.constant 16 : i32
      %mul3A_843 = vector.broadcast %mul3A_842 : i32 to vector<16xi32>
      %mul3A_844 = arith.muli %gather3A_841, %mul3A_843 : vector<16xi32>
      %add3A_845 = arith.addi %mul3A_844, %iota3A : vector<16xi32>
      %gather3A_846 = tpu.vector_load_idx %arg6[%add3A_845] : memref<4096xi32, #tpu.memory_space<vmem>>[vector<16xi32>], vector<16xi32>,
      %mul3A_847 = arith.constant 16 : i32
      %mul3A_848 = arith.muli %add3A_705, %mul3A_847 : i32
      %add3A_849 = arith.constant 5 : i32
      %add3A_850 = arith.addi %mul3A_848, %add3A_849 : i32
      %swap3A_851 = arith.index_cast %add3A_850 : i32 to index
      %swap3A_852 = arith.constant 0 : index
      %swap3A_853 = tpu.vector_load %arg8[%swap3A_851, %swap3A_852] {strides = array<i32>} : memref<2048x16xi32, #tpu.memory_space<vmem>>, vector<16xi32>,
      tpu.vector_store %arg8[%swap3A_851, %swap3A_852], %gather3A_846 {strides = array<i32>} : memref<2048x16xi32, #tpu.memory_space<vmem>>, vector<16xi32>,
      %broadcast_in_dim3A_854 = arith.constant 6 : i32
      %broadcast_in_dim3A_855 = vector.broadcast %broadcast_in_dim3A_854 : i32 to vector<16xi32>
      %lt3A_856 = arith.constant 0 : i32
      %lt3A_857 = vector.broadcast %lt3A_856 : i32 to vector<16xi32>
      %lt3A_858 = arith.cmpi slt, %broadcast_in_dim3A_855, %lt3A_857 : vector<16xi32>
      %add3A_859 = arith.constant 16 : i32
      %add3A_860 = vector.broadcast %add3A_859 : i32 to vector<16xi32>
      %add3A_861 = arith.addi %broadcast_in_dim3A_855, %add3A_860 : vector<16xi32>
      %select_n3A_862 = arith.select %lt3A_858, %add3A_861, %broadcast_in_dim3A_855 : vector<16xi1>, vector<16xi32>
      %broadcast_in_dim3A_863 = vector.shape_cast %select_n3A_862 : vector<16xi32> to vector<16x1xi32>
      %gather3A_864 = vector.shape_cast %broadcast_in_dim3A_863 : vector<16x1xi32> to vector<16xi32>
      %gather3A_865 = tpu.dynamic_gather %get3A_709[%gather3A_864] in [0] : vector<16xi32>, vector<16xi32> -> vector<16xi32>
      %mul3A_866 = arith.constant 16 : i32
      %mul3A_867 = vector.broadcast %mul3A_866 : i32 to vector<16xi32>
      %mul3A_868 = arith.muli %gather3A_865, %mul3A_867 : vector<16xi32>
      %add3A_869 = arith.addi %mul3A_868, %iota3A : vector<16xi32>
      %gather3A_870 = tpu.vector_load_idx %arg6[%add3A_869] : memref<4096xi32, #tpu.memory_space<vmem>>[vector<16xi32>], vector<16xi32>,
      %mul3A_871 = arith.constant 16 : i32
      %mul3A_872 = arith.muli %add3A_705, %mul3A_871 : i32
      %add3A_873 = arith.constant 6 : i32
      %add3A_874 = arith.addi %mul3A_872, %add3A_873 : i32
      %swap3A_875 = arith.index_cast %add3A_874 : i32 to index
      %swap3A_876 = arith.constant 0 : index
      %swap3A_877 = tpu.vector_load %arg8[%swap3A_875, %swap3A_876] {strides = array<i32>} : memref<2048x16xi32, #tpu.memory_space<vmem>>, vector<16xi32>,
      tpu.vector_store %arg8[%swap3A_875, %swap3A_876], %gather3A_870 {strides = array<i32>} : memref<2048x16xi32, #tpu.memory_space<vmem>>, vector<16xi32>,
      %broadcast_in_dim3A_878 = arith.constant 7 : i32
      %broadcast_in_dim3A_879 = vector.broadcast %broadcast_in_dim3A_878 : i32 to vector<16xi32>
      %lt3A_880 = arith.constant 0 : i32
      %lt3A_881 = vector.broadcast %lt3A_880 : i32 to vector<16xi32>
      %lt3A_882 = arith.cmpi slt, %broadcast_in_dim3A_879, %lt3A_881 : vector<16xi32>
      %add3A_883 = arith.constant 16 : i32
      %add3A_884 = vector.broadcast %add3A_883 : i32 to vector<16xi32>
      %add3A_885 = arith.addi %broadcast_in_dim3A_879, %add3A_884 : vector<16xi32>
      %select_n3A_886 = arith.select %lt3A_882, %add3A_885, %broadcast_in_dim3A_879 : vector<16xi1>, vector<16xi32>
      %broadcast_in_dim3A_887 = vector.shape_cast %select_n3A_886 : vector<16xi32> to vector<16x1xi32>
      %gather3A_888 = vector.shape_cast %broadcast_in_dim3A_887 : vector<16x1xi32> to vector<16xi32>
      %gather3A_889 = tpu.dynamic_gather %get3A_709[%gather3A_888] in [0] : vector<16xi32>, vector<16xi32> -> vector<16xi32>
      %mul3A_890 = arith.constant 16 : i32
      %mul3A_891 = vector.broadcast %mul3A_890 : i32 to vector<16xi32>
      %mul3A_892 = arith.muli %gather3A_889, %mul3A_891 : vector<16xi32>
      %add3A_893 = arith.addi %mul3A_892, %iota3A : vector<16xi32>
      %gather3A_894 = tpu.vector_load_idx %arg6[%add3A_893] : memref<4096xi32, #tpu.memory_space<vmem>>[vector<16xi32>], vector<16xi32>,
      %mul3A_895 = arith.constant 16 : i32
      %mul3A_896 = arith.muli %add3A_705, %mul3A_895 : i32
      %add3A_897 = arith.constant 7 : i32
      %add3A_898 = arith.addi %mul3A_896, %add3A_897 : i32
      %swap3A_899 = arith.index_cast %add3A_898 : i32 to index
      %swap3A_900 = arith.constant 0 : index
      %swap3A_901 = tpu.vector_load %arg8[%swap3A_899, %swap3A_900] {strides = array<i32>} : memref<2048x16xi32, #tpu.memory_space<vmem>>, vector<16xi32>,
      tpu.vector_store %arg8[%swap3A_899, %swap3A_900], %gather3A_894 {strides = array<i32>} : memref<2048x16xi32, #tpu.memory_space<vmem>>, vector<16xi32>,
      %broadcast_in_dim3A_902 = arith.constant 8 : i32
      %broadcast_in_dim3A_903 = vector.broadcast %broadcast_in_dim3A_902 : i32 to vector<16xi32>
      %lt3A_904 = arith.constant 0 : i32
      %lt3A_905 = vector.broadcast %lt3A_904 : i32 to vector<16xi32>
      %lt3A_906 = arith.cmpi slt, %broadcast_in_dim3A_903, %lt3A_905 : vector<16xi32>
      %add3A_907 = arith.constant 16 : i32
      %add3A_908 = vector.broadcast %add3A_907 : i32 to vector<16xi32>
      %add3A_909 = arith.addi %broadcast_in_dim3A_903, %add3A_908 : vector<16xi32>
      %select_n3A_910 = arith.select %lt3A_906, %add3A_909, %broadcast_in_dim3A_903 : vector<16xi1>, vector<16xi32>
      %broadcast_in_dim3A_911 = vector.shape_cast %select_n3A_910 : vector<16xi32> to vector<16x1xi32>
      %gather3A_912 = vector.shape_cast %broadcast_in_dim3A_911 : vector<16x1xi32> to vector<16xi32>
      %gather3A_913 = tpu.dynamic_gather %get3A_709[%gather3A_912] in [0] : vector<16xi32>, vector<16xi32> -> vector<16xi32>
      %mul3A_914 = arith.constant 16 : i32
      %mul3A_915 = vector.broadcast %mul3A_914 : i32 to vector<16xi32>
      %mul3A_916 = arith.muli %gather3A_913, %mul3A_915 : vector<16xi32>
      %add3A_917 = arith.addi %mul3A_916, %iota3A : vector<16xi32>
      %gather3A_918 = tpu.vector_load_idx %arg6[%add3A_917] : memref<4096xi32, #tpu.memory_space<vmem>>[vector<16xi32>], vector<16xi32>,
      %mul3A_919 = arith.constant 16 : i32
      %mul3A_920 = arith.muli %add3A_705, %mul3A_919 : i32
      %add3A_921 = arith.constant 8 : i32
      %add3A_922 = arith.addi %mul3A_920, %add3A_921 : i32
      %swap3A_923 = arith.index_cast %add3A_922 : i32 to index
      %swap3A_924 = arith.constant 0 : index
      %swap3A_925 = tpu.vector_load %arg8[%swap3A_923, %swap3A_924] {strides = array<i32>} : memref<2048x16xi32, #tpu.memory_space<vmem>>, vector<16xi32>,
      tpu.vector_store %arg8[%swap3A_923, %swap3A_924], %gather3A_918 {strides = array<i32>} : memref<2048x16xi32, #tpu.memory_space<vmem>>, vector<16xi32>,
      %broadcast_in_dim3A_926 = arith.constant 9 : i32
      %broadcast_in_dim3A_927 = vector.broadcast %broadcast_in_dim3A_926 : i32 to vector<16xi32>
      %lt3A_928 = arith.constant 0 : i32
      %lt3A_929 = vector.broadcast %lt3A_928 : i32 to vector<16xi32>
      %lt3A_930 = arith.cmpi slt, %broadcast_in_dim3A_927, %lt3A_929 : vector<16xi32>
      %add3A_931 = arith.constant 16 : i32
      %add3A_932 = vector.broadcast %add3A_931 : i32 to vector<16xi32>
      %add3A_933 = arith.addi %broadcast_in_dim3A_927, %add3A_932 : vector<16xi32>
      %select_n3A_934 = arith.select %lt3A_930, %add3A_933, %broadcast_in_dim3A_927 : vector<16xi1>, vector<16xi32>
      %broadcast_in_dim3A_935 = vector.shape_cast %select_n3A_934 : vector<16xi32> to vector<16x1xi32>
      %gather3A_936 = vector.shape_cast %broadcast_in_dim3A_935 : vector<16x1xi32> to vector<16xi32>
      %gather3A_937 = tpu.dynamic_gather %get3A_709[%gather3A_936] in [0] : vector<16xi32>, vector<16xi32> -> vector<16xi32>
      %mul3A_938 = arith.constant 16 : i32
      %mul3A_939 = vector.broadcast %mul3A_938 : i32 to vector<16xi32>
      %mul3A_940 = arith.muli %gather3A_937, %mul3A_939 : vector<16xi32>
      %add3A_941 = arith.addi %mul3A_940, %iota3A : vector<16xi32>
      %gather3A_942 = tpu.vector_load_idx %arg6[%add3A_941] : memref<4096xi32, #tpu.memory_space<vmem>>[vector<16xi32>], vector<16xi32>,
      %mul3A_943 = arith.constant 16 : i32
      %mul3A_944 = arith.muli %add3A_705, %mul3A_943 : i32
      %add3A_945 = arith.constant 9 : i32
      %add3A_946 = arith.addi %mul3A_944, %add3A_945 : i32
      %swap3A_947 = arith.index_cast %add3A_946 : i32 to index
      %swap3A_948 = arith.constant 0 : index
      %swap3A_949 = tpu.vector_load %arg8[%swap3A_947, %swap3A_948] {strides = array<i32>} : memref<2048x16xi32, #tpu.memory_space<vmem>>, vector<16xi32>,
      tpu.vector_store %arg8[%swap3A_947, %swap3A_948], %gather3A_942 {strides = array<i32>} : memref<2048x16xi32, #tpu.memory_space<vmem>>, vector<16xi32>,
      %broadcast_in_dim3A_950 = arith.constant 10 : i32
      %broadcast_in_dim3A_951 = vector.broadcast %broadcast_in_dim3A_950 : i32 to vector<16xi32>
      %lt3A_952 = arith.constant 0 : i32
      %lt3A_953 = vector.broadcast %lt3A_952 : i32 to vector<16xi32>
      %lt3A_954 = arith.cmpi slt, %broadcast_in_dim3A_951, %lt3A_953 : vector<16xi32>
      %add3A_955 = arith.constant 16 : i32
      %add3A_956 = vector.broadcast %add3A_955 : i32 to vector<16xi32>
      %add3A_957 = arith.addi %broadcast_in_dim3A_951, %add3A_956 : vector<16xi32>
      %select_n3A_958 = arith.select %lt3A_954, %add3A_957, %broadcast_in_dim3A_951 : vector<16xi1>, vector<16xi32>
      %broadcast_in_dim3A_959 = vector.shape_cast %select_n3A_958 : vector<16xi32> to vector<16x1xi32>
      %gather3A_960 = vector.shape_cast %broadcast_in_dim3A_959 : vector<16x1xi32> to vector<16xi32>
      %gather3A_961 = tpu.dynamic_gather %get3A_709[%gather3A_960] in [0] : vector<16xi32>, vector<16xi32> -> vector<16xi32>
      %mul3A_962 = arith.constant 16 : i32
      %mul3A_963 = vector.broadcast %mul3A_962 : i32 to vector<16xi32>
      %mul3A_964 = arith.muli %gather3A_961, %mul3A_963 : vector<16xi32>
      %add3A_965 = arith.addi %mul3A_964, %iota3A : vector<16xi32>
      %gather3A_966 = tpu.vector_load_idx %arg6[%add3A_965] : memref<4096xi32, #tpu.memory_space<vmem>>[vector<16xi32>], vector<16xi32>,
      %mul3A_967 = arith.constant 16 : i32
      %mul3A_968 = arith.muli %add3A_705, %mul3A_967 : i32
      %add3A_969 = arith.constant 10 : i32
      %add3A_970 = arith.addi %mul3A_968, %add3A_969 : i32
      %swap3A_971 = arith.index_cast %add3A_970 : i32 to index
      %swap3A_972 = arith.constant 0 : index
      %swap3A_973 = tpu.vector_load %arg8[%swap3A_971, %swap3A_972] {strides = array<i32>} : memref<2048x16xi32, #tpu.memory_space<vmem>>, vector<16xi32>,
      tpu.vector_store %arg8[%swap3A_971, %swap3A_972], %gather3A_966 {strides = array<i32>} : memref<2048x16xi32, #tpu.memory_space<vmem>>, vector<16xi32>,
      %broadcast_in_dim3A_974 = arith.constant 11 : i32
      %broadcast_in_dim3A_975 = vector.broadcast %broadcast_in_dim3A_974 : i32 to vector<16xi32>
      %lt3A_976 = arith.constant 0 : i32
      %lt3A_977 = vector.broadcast %lt3A_976 : i32 to vector<16xi32>
      %lt3A_978 = arith.cmpi slt, %broadcast_in_dim3A_975, %lt3A_977 : vector<16xi32>
      %add3A_979 = arith.constant 16 : i32
      %add3A_980 = vector.broadcast %add3A_979 : i32 to vector<16xi32>
      %add3A_981 = arith.addi %broadcast_in_dim3A_975, %add3A_980 : vector<16xi32>
      %select_n3A_982 = arith.select %lt3A_978, %add3A_981, %broadcast_in_dim3A_975 : vector<16xi1>, vector<16xi32>
      %broadcast_in_dim3A_983 = vector.shape_cast %select_n3A_982 : vector<16xi32> to vector<16x1xi32>
      %gather3A_984 = vector.shape_cast %broadcast_in_dim3A_983 : vector<16x1xi32> to vector<16xi32>
      %gather3A_985 = tpu.dynamic_gather %get3A_709[%gather3A_984] in [0] : vector<16xi32>, vector<16xi32> -> vector<16xi32>
      %mul3A_986 = arith.constant 16 : i32
      %mul3A_987 = vector.broadcast %mul3A_986 : i32 to vector<16xi32>
      %mul3A_988 = arith.muli %gather3A_985, %mul3A_987 : vector<16xi32>
      %add3A_989 = arith.addi %mul3A_988, %iota3A : vector<16xi32>
      %gather3A_990 = tpu.vector_load_idx %arg6[%add3A_989] : memref<4096xi32, #tpu.memory_space<vmem>>[vector<16xi32>], vector<16xi32>,
      %mul3A_991 = arith.constant 16 : i32
      %mul3A_992 = arith.muli %add3A_705, %mul3A_991 : i32
      %add3A_993 = arith.constant 11 : i32
      %add3A_994 = arith.addi %mul3A_992, %add3A_993 : i32
      %swap3A_995 = arith.index_cast %add3A_994 : i32 to index
      %swap3A_996 = arith.constant 0 : index
      %swap3A_997 = tpu.vector_load %arg8[%swap3A_995, %swap3A_996] {strides = array<i32>} : memref<2048x16xi32, #tpu.memory_space<vmem>>, vector<16xi32>,
      tpu.vector_store %arg8[%swap3A_995, %swap3A_996], %gather3A_990 {strides = array<i32>} : memref<2048x16xi32, #tpu.memory_space<vmem>>, vector<16xi32>,
      %broadcast_in_dim3A_998 = arith.constant 12 : i32
      %broadcast_in_dim3A_999 = vector.broadcast %broadcast_in_dim3A_998 : i32 to vector<16xi32>
      %lt3A_1000 = arith.constant 0 : i32
      %lt3A_1001 = vector.broadcast %lt3A_1000 : i32 to vector<16xi32>
      %lt3A_1002 = arith.cmpi slt, %broadcast_in_dim3A_999, %lt3A_1001 : vector<16xi32>
      %add3A_1003 = arith.constant 16 : i32
      %add3A_1004 = vector.broadcast %add3A_1003 : i32 to vector<16xi32>
      %add3A_1005 = arith.addi %broadcast_in_dim3A_999, %add3A_1004 : vector<16xi32>
      %select_n3A_1006 = arith.select %lt3A_1002, %add3A_1005, %broadcast_in_dim3A_999 : vector<16xi1>, vector<16xi32>
      %broadcast_in_dim3A_1007 = vector.shape_cast %select_n3A_1006 : vector<16xi32> to vector<16x1xi32>
      %gather3A_1008 = vector.shape_cast %broadcast_in_dim3A_1007 : vector<16x1xi32> to vector<16xi32>
      %gather3A_1009 = tpu.dynamic_gather %get3A_709[%gather3A_1008] in [0] : vector<16xi32>, vector<16xi32> -> vector<16xi32>
      %mul3A_1010 = arith.constant 16 : i32
      %mul3A_1011 = vector.broadcast %mul3A_1010 : i32 to vector<16xi32>
      %mul3A_1012 = arith.muli %gather3A_1009, %mul3A_1011 : vector<16xi32>
      %add3A_1013 = arith.addi %mul3A_1012, %iota3A : vector<16xi32>
      %gather3A_1014 = tpu.vector_load_idx %arg6[%add3A_1013] : memref<4096xi32, #tpu.memory_space<vmem>>[vector<16xi32>], vector<16xi32>,
      %mul3A_1015 = arith.constant 16 : i32
      %mul3A_1016 = arith.muli %add3A_705, %mul3A_1015 : i32
      %add3A_1017 = arith.constant 12 : i32
      %add3A_1018 = arith.addi %mul3A_1016, %add3A_1017 : i32
      %swap3A_1019 = arith.index_cast %add3A_1018 : i32 to index
      %swap3A_1020 = arith.constant 0 : index
      %swap3A_1021 = tpu.vector_load %arg8[%swap3A_1019, %swap3A_1020] {strides = array<i32>} : memref<2048x16xi32, #tpu.memory_space<vmem>>, vector<16xi32>,
      tpu.vector_store %arg8[%swap3A_1019, %swap3A_1020], %gather3A_1014 {strides = array<i32>} : memref<2048x16xi32, #tpu.memory_space<vmem>>, vector<16xi32>,
      %broadcast_in_dim3A_1022 = arith.constant 13 : i32
      %broadcast_in_dim3A_1023 = vector.broadcast %broadcast_in_dim3A_1022 : i32 to vector<16xi32>
      %lt3A_1024 = arith.constant 0 : i32
      %lt3A_1025 = vector.broadcast %lt3A_1024 : i32 to vector<16xi32>
      %lt3A_1026 = arith.cmpi slt, %broadcast_in_dim3A_1023, %lt3A_1025 : vector<16xi32>
      %add3A_1027 = arith.constant 16 : i32
      %add3A_1028 = vector.broadcast %add3A_1027 : i32 to vector<16xi32>
      %add3A_1029 = arith.addi %broadcast_in_dim3A_1023, %add3A_1028 : vector<16xi32>
      %select_n3A_1030 = arith.select %lt3A_1026, %add3A_1029, %broadcast_in_dim3A_1023 : vector<16xi1>, vector<16xi32>
      %broadcast_in_dim3A_1031 = vector.shape_cast %select_n3A_1030 : vector<16xi32> to vector<16x1xi32>
      %gather3A_1032 = vector.shape_cast %broadcast_in_dim3A_1031 : vector<16x1xi32> to vector<16xi32>
      %gather3A_1033 = tpu.dynamic_gather %get3A_709[%gather3A_1032] in [0] : vector<16xi32>, vector<16xi32> -> vector<16xi32>
      %mul3A_1034 = arith.constant 16 : i32
      %mul3A_1035 = vector.broadcast %mul3A_1034 : i32 to vector<16xi32>
      %mul3A_1036 = arith.muli %gather3A_1033, %mul3A_1035 : vector<16xi32>
      %add3A_1037 = arith.addi %mul3A_1036, %iota3A : vector<16xi32>
      %gather3A_1038 = tpu.vector_load_idx %arg6[%add3A_1037] : memref<4096xi32, #tpu.memory_space<vmem>>[vector<16xi32>], vector<16xi32>,
      %mul3A_1039 = arith.constant 16 : i32
      %mul3A_1040 = arith.muli %add3A_705, %mul3A_1039 : i32
      %add3A_1041 = arith.constant 13 : i32
      %add3A_1042 = arith.addi %mul3A_1040, %add3A_1041 : i32
      %swap3A_1043 = arith.index_cast %add3A_1042 : i32 to index
      %swap3A_1044 = arith.constant 0 : index
      %swap3A_1045 = tpu.vector_load %arg8[%swap3A_1043, %swap3A_1044] {strides = array<i32>} : memref<2048x16xi32, #tpu.memory_space<vmem>>, vector<16xi32>,
      tpu.vector_store %arg8[%swap3A_1043, %swap3A_1044], %gather3A_1038 {strides = array<i32>} : memref<2048x16xi32, #tpu.memory_space<vmem>>, vector<16xi32>,
      %broadcast_in_dim3A_1046 = arith.constant 14 : i32
      %broadcast_in_dim3A_1047 = vector.broadcast %broadcast_in_dim3A_1046 : i32 to vector<16xi32>
      %lt3A_1048 = arith.constant 0 : i32
      %lt3A_1049 = vector.broadcast %lt3A_1048 : i32 to vector<16xi32>
      %lt3A_1050 = arith.cmpi slt, %broadcast_in_dim3A_1047, %lt3A_1049 : vector<16xi32>
      %add3A_1051 = arith.constant 16 : i32
      %add3A_1052 = vector.broadcast %add3A_1051 : i32 to vector<16xi32>
      %add3A_1053 = arith.addi %broadcast_in_dim3A_1047, %add3A_1052 : vector<16xi32>
      %select_n3A_1054 = arith.select %lt3A_1050, %add3A_1053, %broadcast_in_dim3A_1047 : vector<16xi1>, vector<16xi32>
      %broadcast_in_dim3A_1055 = vector.shape_cast %select_n3A_1054 : vector<16xi32> to vector<16x1xi32>
      %gather3A_1056 = vector.shape_cast %broadcast_in_dim3A_1055 : vector<16x1xi32> to vector<16xi32>
      %gather3A_1057 = tpu.dynamic_gather %get3A_709[%gather3A_1056] in [0] : vector<16xi32>, vector<16xi32> -> vector<16xi32>
      %mul3A_1058 = arith.constant 16 : i32
      %mul3A_1059 = vector.broadcast %mul3A_1058 : i32 to vector<16xi32>
      %mul3A_1060 = arith.muli %gather3A_1057, %mul3A_1059 : vector<16xi32>
      %add3A_1061 = arith.addi %mul3A_1060, %iota3A : vector<16xi32>
      %gather3A_1062 = tpu.vector_load_idx %arg6[%add3A_1061] : memref<4096xi32, #tpu.memory_space<vmem>>[vector<16xi32>], vector<16xi32>,
      %mul3A_1063 = arith.constant 16 : i32
      %mul3A_1064 = arith.muli %add3A_705, %mul3A_1063 : i32
      %add3A_1065 = arith.constant 14 : i32
      %add3A_1066 = arith.addi %mul3A_1064, %add3A_1065 : i32
      %swap3A_1067 = arith.index_cast %add3A_1066 : i32 to index
      %swap3A_1068 = arith.constant 0 : index
      %swap3A_1069 = tpu.vector_load %arg8[%swap3A_1067, %swap3A_1068] {strides = array<i32>} : memref<2048x16xi32, #tpu.memory_space<vmem>>, vector<16xi32>,
      tpu.vector_store %arg8[%swap3A_1067, %swap3A_1068], %gather3A_1062 {strides = array<i32>} : memref<2048x16xi32, #tpu.memory_space<vmem>>, vector<16xi32>,
      %broadcast_in_dim3A_1070 = arith.constant 15 : i32
      %broadcast_in_dim3A_1071 = vector.broadcast %broadcast_in_dim3A_1070 : i32 to vector<16xi32>
      %lt3A_1072 = arith.constant 0 : i32
      %lt3A_1073 = vector.broadcast %lt3A_1072 : i32 to vector<16xi32>
      %lt3A_1074 = arith.cmpi slt, %broadcast_in_dim3A_1071, %lt3A_1073 : vector<16xi32>
      %add3A_1075 = arith.constant 16 : i32
      %add3A_1076 = vector.broadcast %add3A_1075 : i32 to vector<16xi32>
      %add3A_1077 = arith.addi %broadcast_in_dim3A_1071, %add3A_1076 : vector<16xi32>
      %select_n3A_1078 = arith.select %lt3A_1074, %add3A_1077, %broadcast_in_dim3A_1071 : vector<16xi1>, vector<16xi32>
      %broadcast_in_dim3A_1079 = vector.shape_cast %select_n3A_1078 : vector<16xi32> to vector<16x1xi32>
      %gather3A_1080 = vector.shape_cast %broadcast_in_dim3A_1079 : vector<16x1xi32> to vector<16xi32>
      %gather3A_1081 = tpu.dynamic_gather %get3A_709[%gather3A_1080] in [0] : vector<16xi32>, vector<16xi32> -> vector<16xi32>
      %mul3A_1082 = arith.constant 16 : i32
      %mul3A_1083 = vector.broadcast %mul3A_1082 : i32 to vector<16xi32>
      %mul3A_1084 = arith.muli %gather3A_1081, %mul3A_1083 : vector<16xi32>
      %add3A_1085 = arith.addi %mul3A_1084, %iota3A : vector<16xi32>
      %gather3A_1086 = tpu.vector_load_idx %arg6[%add3A_1085] : memref<4096xi32, #tpu.memory_space<vmem>>[vector<16xi32>], vector<16xi32>,
      %mul3A_1087 = arith.constant 16 : i32
      %mul3A_1088 = arith.muli %add3A_705, %mul3A_1087 : i32
      %add3A_1089 = arith.constant 15 : i32
      %add3A_1090 = arith.addi %mul3A_1088, %add3A_1089 : i32
      %swap3A_1091 = arith.index_cast %add3A_1090 : i32 to index
      %swap3A_1092 = arith.constant 0 : index
      %swap3A_1093 = tpu.vector_load %arg8[%swap3A_1091, %swap3A_1092] {strides = array<i32>} : memref<2048x16xi32, #tpu.memory_space<vmem>>, vector<16xi32>,
      tpu.vector_store %arg8[%swap3A_1091, %swap3A_1092], %gather3A_1086 {strides = array<i32>} : memref<2048x16xi32, #tpu.memory_space<vmem>>, vector<16xi32>,
    }
    %scan3A_53 = arith.constant 16 : i32
    %add3A_54 = arith.constant 768 : i32
    %add3A_55 = arith.addi %mul3A_2, %add3A_54 : i32
    %dma_start3A_56 = arith.constant 768 : i32
    %dma_start3A_57 = arith.constant 0 : i32
    %dma_start3A_58 = tpu.memref_slice %arg8[%dma_start3A_56, %dma_start3A_57] : memref<2048x16xi32, #tpu.memory_space<vmem>> -> memref<256x16xi32, #tpu.memory_space<vmem>>
    %dma_start3A_59 = arith.constant 0 : i32
    %dma_start3A_60 = tpu.memref_slice %arg5[%add3A_55, %dma_start3A_59] : memref<65536x16xi32, #tpu.memory_space<hbm>> -> memref<256x16xi32, #tpu.memory_space<hbm>>
    %dma_start3A_61 = arith.constant 0 : i32
    %dma_start3A_62 = tpu.memref_slice %arg5[%add3A_55, %dma_start3A_61] : memref<65536x16xi32, #tpu.memory_space<hbm>> -> memref<256x16xi32, #tpu.memory_space<hbm>>
    %dma_start3A_63 = arith.constant 768 : i32
    %dma_start3A_64 = arith.constant 0 : i32
    %dma_start3A_65 = tpu.memref_slice %arg8[%dma_start3A_63, %dma_start3A_64] : memref<2048x16xi32, #tpu.memory_space<vmem>> -> memref<256x16xi32, #tpu.memory_space<vmem>>
    tpu.enqueue_dma source(%dma_start3A_65 : memref<256x16xi32, #tpu.memory_space<vmem>>) target(%dma_start3A_62 : memref<256x16xi32, #tpu.memory_space<hbm>>) target_semaphore(%arg10 : memref<!tpu.dma_semaphore, #tpu.memory_space<semaphore_mem>>)
    %scan3A_66 = arith.constant 0 : i32
    %scan3A_67 = arith.constant 16 : i32
    %scan3A_68 = arith.addi %scan3A_66, %scan3A_67 : i32
    %scan3A_69 = arith.constant 2 : i32
    scf.for %scan3A_313 = %scan3A_66 to %scan3A_68 step %scan3A_69  : i32 {
      %mul3A_314 = arith.constant 1 : i32
      %mul3A_315 = arith.muli %scan3A_313, %mul3A_314 : i32
      %add3A_316 = arith.constant 64 : i32
      %add3A_317 = arith.addi %add3A_316, %mul3A_315 : i32
      %mul3A_318 = arith.constant 16 : i32
      %mul3A_319 = arith.muli %add3A_317, %mul3A_318 : i32
      %get3A = arith.index_cast %mul3A_319 : i32 to index
      %get3A_320 = tpu.vector_load %arg7[%get3A] {strides = array<i32>} : memref<2048xi32, #tpu.memory_space<vmem>>, vector<16xi32>,
      %broadcast_in_dim3A = arith.constant 0 : i32
      %broadcast_in_dim3A_321 = vector.broadcast %broadcast_in_dim3A : i32 to vector<16xi32>
      %lt3A = arith.constant 0 : i32
      %lt3A_322 = vector.broadcast %lt3A : i32 to vector<16xi32>
      %lt3A_323 = arith.cmpi slt, %broadcast_in_dim3A_321, %lt3A_322 : vector<16xi32>
      %add3A_324 = arith.constant 16 : i32
      %add3A_325 = vector.broadcast %add3A_324 : i32 to vector<16xi32>
      %add3A_326 = arith.addi %broadcast_in_dim3A_321, %add3A_325 : vector<16xi32>
      %select_n3A = arith.select %lt3A_323, %add3A_326, %broadcast_in_dim3A_321 : vector<16xi1>, vector<16xi32>
      %broadcast_in_dim3A_327 = vector.shape_cast %select_n3A : vector<16xi32> to vector<16x1xi32>
      %gather3A = vector.shape_cast %broadcast_in_dim3A_327 : vector<16x1xi32> to vector<16xi32>
      %gather3A_328 = tpu.dynamic_gather %get3A_320[%gather3A] in [0] : vector<16xi32>, vector<16xi32> -> vector<16xi32>
      %mul3A_329 = arith.constant 16 : i32
      %mul3A_330 = vector.broadcast %mul3A_329 : i32 to vector<16xi32>
      %mul3A_331 = arith.muli %gather3A_328, %mul3A_330 : vector<16xi32>
      %add3A_332 = arith.addi %mul3A_331, %iota3A : vector<16xi32>
      %gather3A_333 = tpu.vector_load_idx %arg6[%add3A_332] : memref<4096xi32, #tpu.memory_space<vmem>>[vector<16xi32>], vector<16xi32>,
      %mul3A_334 = arith.constant 16 : i32
      %mul3A_335 = arith.muli %add3A_317, %mul3A_334 : i32
      %add3A_336 = arith.constant 0 : i32
      %add3A_337 = arith.addi %mul3A_335, %add3A_336 : i32
      %swap3A = arith.index_cast %add3A_337 : i32 to index
      %swap3A_338 = arith.constant 0 : index
      %swap3A_339 = tpu.vector_load %arg8[%swap3A, %swap3A_338] {strides = array<i32>} : memref<2048x16xi32, #tpu.memory_space<vmem>>, vector<16xi32>,
      tpu.vector_store %arg8[%swap3A, %swap3A_338], %gather3A_333 {strides = array<i32>} : memref<2048x16xi32, #tpu.memory_space<vmem>>, vector<16xi32>,
      %broadcast_in_dim3A_340 = arith.constant 1 : i32
      %broadcast_in_dim3A_341 = vector.broadcast %broadcast_in_dim3A_340 : i32 to vector<16xi32>
      %lt3A_342 = arith.constant 0 : i32
      %lt3A_343 = vector.broadcast %lt3A_342 : i32 to vector<16xi32>
      %lt3A_344 = arith.cmpi slt, %broadcast_in_dim3A_341, %lt3A_343 : vector<16xi32>
      %add3A_345 = arith.constant 16 : i32
      %add3A_346 = vector.broadcast %add3A_345 : i32 to vector<16xi32>
      %add3A_347 = arith.addi %broadcast_in_dim3A_341, %add3A_346 : vector<16xi32>
      %select_n3A_348 = arith.select %lt3A_344, %add3A_347, %broadcast_in_dim3A_341 : vector<16xi1>, vector<16xi32>
      %broadcast_in_dim3A_349 = vector.shape_cast %select_n3A_348 : vector<16xi32> to vector<16x1xi32>
      %gather3A_350 = vector.shape_cast %broadcast_in_dim3A_349 : vector<16x1xi32> to vector<16xi32>
      %gather3A_351 = tpu.dynamic_gather %get3A_320[%gather3A_350] in [0] : vector<16xi32>, vector<16xi32> -> vector<16xi32>
      %mul3A_352 = arith.constant 16 : i32
      %mul3A_353 = vector.broadcast %mul3A_352 : i32 to vector<16xi32>
      %mul3A_354 = arith.muli %gather3A_351, %mul3A_353 : vector<16xi32>
      %add3A_355 = arith.addi %mul3A_354, %iota3A : vector<16xi32>
      %gather3A_356 = tpu.vector_load_idx %arg6[%add3A_355] : memref<4096xi32, #tpu.memory_space<vmem>>[vector<16xi32>], vector<16xi32>,
      %mul3A_357 = arith.constant 16 : i32
      %mul3A_358 = arith.muli %add3A_317, %mul3A_357 : i32
      %add3A_359 = arith.constant 1 : i32
      %add3A_360 = arith.addi %mul3A_358, %add3A_359 : i32
      %swap3A_361 = arith.index_cast %add3A_360 : i32 to index
      %swap3A_362 = arith.constant 0 : index
      %swap3A_363 = tpu.vector_load %arg8[%swap3A_361, %swap3A_362] {strides = array<i32>} : memref<2048x16xi32, #tpu.memory_space<vmem>>, vector<16xi32>,
      tpu.vector_store %arg8[%swap3A_361, %swap3A_362], %gather3A_356 {strides = array<i32>} : memref<2048x16xi32, #tpu.memory_space<vmem>>, vector<16xi32>,
      %broadcast_in_dim3A_364 = arith.constant 2 : i32
      %broadcast_in_dim3A_365 = vector.broadcast %broadcast_in_dim3A_364 : i32 to vector<16xi32>
      %lt3A_366 = arith.constant 0 : i32
      %lt3A_367 = vector.broadcast %lt3A_366 : i32 to vector<16xi32>
      %lt3A_368 = arith.cmpi slt, %broadcast_in_dim3A_365, %lt3A_367 : vector<16xi32>
      %add3A_369 = arith.constant 16 : i32
      %add3A_370 = vector.broadcast %add3A_369 : i32 to vector<16xi32>
      %add3A_371 = arith.addi %broadcast_in_dim3A_365, %add3A_370 : vector<16xi32>
      %select_n3A_372 = arith.select %lt3A_368, %add3A_371, %broadcast_in_dim3A_365 : vector<16xi1>, vector<16xi32>
      %broadcast_in_dim3A_373 = vector.shape_cast %select_n3A_372 : vector<16xi32> to vector<16x1xi32>
      %gather3A_374 = vector.shape_cast %broadcast_in_dim3A_373 : vector<16x1xi32> to vector<16xi32>
      %gather3A_375 = tpu.dynamic_gather %get3A_320[%gather3A_374] in [0] : vector<16xi32>, vector<16xi32> -> vector<16xi32>
      %mul3A_376 = arith.constant 16 : i32
      %mul3A_377 = vector.broadcast %mul3A_376 : i32 to vector<16xi32>
      %mul3A_378 = arith.muli %gather3A_375, %mul3A_377 : vector<16xi32>
      %add3A_379 = arith.addi %mul3A_378, %iota3A : vector<16xi32>
      %gather3A_380 = tpu.vector_load_idx %arg6[%add3A_379] : memref<4096xi32, #tpu.memory_space<vmem>>[vector<16xi32>], vector<16xi32>,
      %mul3A_381 = arith.constant 16 : i32
      %mul3A_382 = arith.muli %add3A_317, %mul3A_381 : i32
      %add3A_383 = arith.constant 2 : i32
      %add3A_384 = arith.addi %mul3A_382, %add3A_383 : i32
      %swap3A_385 = arith.index_cast %add3A_384 : i32 to index
      %swap3A_386 = arith.constant 0 : index
      %swap3A_387 = tpu.vector_load %arg8[%swap3A_385, %swap3A_386] {strides = array<i32>} : memref<2048x16xi32, #tpu.memory_space<vmem>>, vector<16xi32>,
      tpu.vector_store %arg8[%swap3A_385, %swap3A_386], %gather3A_380 {strides = array<i32>} : memref<2048x16xi32, #tpu.memory_space<vmem>>, vector<16xi32>,
      %broadcast_in_dim3A_388 = arith.constant 3 : i32
      %broadcast_in_dim3A_389 = vector.broadcast %broadcast_in_dim3A_388 : i32 to vector<16xi32>
      %lt3A_390 = arith.constant 0 : i32
      %lt3A_391 = vector.broadcast %lt3A_390 : i32 to vector<16xi32>
      %lt3A_392 = arith.cmpi slt, %broadcast_in_dim3A_389, %lt3A_391 : vector<16xi32>
      %add3A_393 = arith.constant 16 : i32
      %add3A_394 = vector.broadcast %add3A_393 : i32 to vector<16xi32>
      %add3A_395 = arith.addi %broadcast_in_dim3A_389, %add3A_394 : vector<16xi32>
      %select_n3A_396 = arith.select %lt3A_392, %add3A_395, %broadcast_in_dim3A_389 : vector<16xi1>, vector<16xi32>
      %broadcast_in_dim3A_397 = vector.shape_cast %select_n3A_396 : vector<16xi32> to vector<16x1xi32>
      %gather3A_398 = vector.shape_cast %broadcast_in_dim3A_397 : vector<16x1xi32> to vector<16xi32>
      %gather3A_399 = tpu.dynamic_gather %get3A_320[%gather3A_398] in [0] : vector<16xi32>, vector<16xi32> -> vector<16xi32>
      %mul3A_400 = arith.constant 16 : i32
      %mul3A_401 = vector.broadcast %mul3A_400 : i32 to vector<16xi32>
      %mul3A_402 = arith.muli %gather3A_399, %mul3A_401 : vector<16xi32>
      %add3A_403 = arith.addi %mul3A_402, %iota3A : vector<16xi32>
      %gather3A_404 = tpu.vector_load_idx %arg6[%add3A_403] : memref<4096xi32, #tpu.memory_space<vmem>>[vector<16xi32>], vector<16xi32>,
      %mul3A_405 = arith.constant 16 : i32
      %mul3A_406 = arith.muli %add3A_317, %mul3A_405 : i32
      %add3A_407 = arith.constant 3 : i32
      %add3A_408 = arith.addi %mul3A_406, %add3A_407 : i32
      %swap3A_409 = arith.index_cast %add3A_408 : i32 to index
      %swap3A_410 = arith.constant 0 : index
      %swap3A_411 = tpu.vector_load %arg8[%swap3A_409, %swap3A_410] {strides = array<i32>} : memref<2048x16xi32, #tpu.memory_space<vmem>>, vector<16xi32>,
      tpu.vector_store %arg8[%swap3A_409, %swap3A_410], %gather3A_404 {strides = array<i32>} : memref<2048x16xi32, #tpu.memory_space<vmem>>, vector<16xi32>,
      %broadcast_in_dim3A_412 = arith.constant 4 : i32
      %broadcast_in_dim3A_413 = vector.broadcast %broadcast_in_dim3A_412 : i32 to vector<16xi32>
      %lt3A_414 = arith.constant 0 : i32
      %lt3A_415 = vector.broadcast %lt3A_414 : i32 to vector<16xi32>
      %lt3A_416 = arith.cmpi slt, %broadcast_in_dim3A_413, %lt3A_415 : vector<16xi32>
      %add3A_417 = arith.constant 16 : i32
      %add3A_418 = vector.broadcast %add3A_417 : i32 to vector<16xi32>
      %add3A_419 = arith.addi %broadcast_in_dim3A_413, %add3A_418 : vector<16xi32>
      %select_n3A_420 = arith.select %lt3A_416, %add3A_419, %broadcast_in_dim3A_413 : vector<16xi1>, vector<16xi32>
      %broadcast_in_dim3A_421 = vector.shape_cast %select_n3A_420 : vector<16xi32> to vector<16x1xi32>
      %gather3A_422 = vector.shape_cast %broadcast_in_dim3A_421 : vector<16x1xi32> to vector<16xi32>
      %gather3A_423 = tpu.dynamic_gather %get3A_320[%gather3A_422] in [0] : vector<16xi32>, vector<16xi32> -> vector<16xi32>
      %mul3A_424 = arith.constant 16 : i32
      %mul3A_425 = vector.broadcast %mul3A_424 : i32 to vector<16xi32>
      %mul3A_426 = arith.muli %gather3A_423, %mul3A_425 : vector<16xi32>
      %add3A_427 = arith.addi %mul3A_426, %iota3A : vector<16xi32>
      %gather3A_428 = tpu.vector_load_idx %arg6[%add3A_427] : memref<4096xi32, #tpu.memory_space<vmem>>[vector<16xi32>], vector<16xi32>,
      %mul3A_429 = arith.constant 16 : i32
      %mul3A_430 = arith.muli %add3A_317, %mul3A_429 : i32
      %add3A_431 = arith.constant 4 : i32
      %add3A_432 = arith.addi %mul3A_430, %add3A_431 : i32
      %swap3A_433 = arith.index_cast %add3A_432 : i32 to index
      %swap3A_434 = arith.constant 0 : index
      %swap3A_435 = tpu.vector_load %arg8[%swap3A_433, %swap3A_434] {strides = array<i32>} : memref<2048x16xi32, #tpu.memory_space<vmem>>, vector<16xi32>,
      tpu.vector_store %arg8[%swap3A_433, %swap3A_434], %gather3A_428 {strides = array<i32>} : memref<2048x16xi32, #tpu.memory_space<vmem>>, vector<16xi32>,
      %broadcast_in_dim3A_436 = arith.constant 5 : i32
      %broadcast_in_dim3A_437 = vector.broadcast %broadcast_in_dim3A_436 : i32 to vector<16xi32>
      %lt3A_438 = arith.constant 0 : i32
      %lt3A_439 = vector.broadcast %lt3A_438 : i32 to vector<16xi32>
      %lt3A_440 = arith.cmpi slt, %broadcast_in_dim3A_437, %lt3A_439 : vector<16xi32>
      %add3A_441 = arith.constant 16 : i32
      %add3A_442 = vector.broadcast %add3A_441 : i32 to vector<16xi32>
      %add3A_443 = arith.addi %broadcast_in_dim3A_437, %add3A_442 : vector<16xi32>
      %select_n3A_444 = arith.select %lt3A_440, %add3A_443, %broadcast_in_dim3A_437 : vector<16xi1>, vector<16xi32>
      %broadcast_in_dim3A_445 = vector.shape_cast %select_n3A_444 : vector<16xi32> to vector<16x1xi32>
      %gather3A_446 = vector.shape_cast %broadcast_in_dim3A_445 : vector<16x1xi32> to vector<16xi32>
      %gather3A_447 = tpu.dynamic_gather %get3A_320[%gather3A_446] in [0] : vector<16xi32>, vector<16xi32> -> vector<16xi32>
      %mul3A_448 = arith.constant 16 : i32
      %mul3A_449 = vector.broadcast %mul3A_448 : i32 to vector<16xi32>
      %mul3A_450 = arith.muli %gather3A_447, %mul3A_449 : vector<16xi32>
      %add3A_451 = arith.addi %mul3A_450, %iota3A : vector<16xi32>
      %gather3A_452 = tpu.vector_load_idx %arg6[%add3A_451] : memref<4096xi32, #tpu.memory_space<vmem>>[vector<16xi32>], vector<16xi32>,
      %mul3A_453 = arith.constant 16 : i32
      %mul3A_454 = arith.muli %add3A_317, %mul3A_453 : i32
      %add3A_455 = arith.constant 5 : i32
      %add3A_456 = arith.addi %mul3A_454, %add3A_455 : i32
      %swap3A_457 = arith.index_cast %add3A_456 : i32 to index
      %swap3A_458 = arith.constant 0 : index
      %swap3A_459 = tpu.vector_load %arg8[%swap3A_457, %swap3A_458] {strides = array<i32>} : memref<2048x16xi32, #tpu.memory_space<vmem>>, vector<16xi32>,
      tpu.vector_store %arg8[%swap3A_457, %swap3A_458], %gather3A_452 {strides = array<i32>} : memref<2048x16xi32, #tpu.memory_space<vmem>>, vector<16xi32>,
      %broadcast_in_dim3A_460 = arith.constant 6 : i32
      %broadcast_in_dim3A_461 = vector.broadcast %broadcast_in_dim3A_460 : i32 to vector<16xi32>
      %lt3A_462 = arith.constant 0 : i32
      %lt3A_463 = vector.broadcast %lt3A_462 : i32 to vector<16xi32>
      %lt3A_464 = arith.cmpi slt, %broadcast_in_dim3A_461, %lt3A_463 : vector<16xi32>
      %add3A_465 = arith.constant 16 : i32
      %add3A_466 = vector.broadcast %add3A_465 : i32 to vector<16xi32>
      %add3A_467 = arith.addi %broadcast_in_dim3A_461, %add3A_466 : vector<16xi32>
      %select_n3A_468 = arith.select %lt3A_464, %add3A_467, %broadcast_in_dim3A_461 : vector<16xi1>, vector<16xi32>
      %broadcast_in_dim3A_469 = vector.shape_cast %select_n3A_468 : vector<16xi32> to vector<16x1xi32>
      %gather3A_470 = vector.shape_cast %broadcast_in_dim3A_469 : vector<16x1xi32> to vector<16xi32>
      %gather3A_471 = tpu.dynamic_gather %get3A_320[%gather3A_470] in [0] : vector<16xi32>, vector<16xi32> -> vector<16xi32>
      %mul3A_472 = arith.constant 16 : i32
      %mul3A_473 = vector.broadcast %mul3A_472 : i32 to vector<16xi32>
      %mul3A_474 = arith.muli %gather3A_471, %mul3A_473 : vector<16xi32>
      %add3A_475 = arith.addi %mul3A_474, %iota3A : vector<16xi32>
      %gather3A_476 = tpu.vector_load_idx %arg6[%add3A_475] : memref<4096xi32, #tpu.memory_space<vmem>>[vector<16xi32>], vector<16xi32>,
      %mul3A_477 = arith.constant 16 : i32
      %mul3A_478 = arith.muli %add3A_317, %mul3A_477 : i32
      %add3A_479 = arith.constant 6 : i32
      %add3A_480 = arith.addi %mul3A_478, %add3A_479 : i32
      %swap3A_481 = arith.index_cast %add3A_480 : i32 to index
      %swap3A_482 = arith.constant 0 : index
      %swap3A_483 = tpu.vector_load %arg8[%swap3A_481, %swap3A_482] {strides = array<i32>} : memref<2048x16xi32, #tpu.memory_space<vmem>>, vector<16xi32>,
      tpu.vector_store %arg8[%swap3A_481, %swap3A_482], %gather3A_476 {strides = array<i32>} : memref<2048x16xi32, #tpu.memory_space<vmem>>, vector<16xi32>,
      %broadcast_in_dim3A_484 = arith.constant 7 : i32
      %broadcast_in_dim3A_485 = vector.broadcast %broadcast_in_dim3A_484 : i32 to vector<16xi32>
      %lt3A_486 = arith.constant 0 : i32
      %lt3A_487 = vector.broadcast %lt3A_486 : i32 to vector<16xi32>
      %lt3A_488 = arith.cmpi slt, %broadcast_in_dim3A_485, %lt3A_487 : vector<16xi32>
      %add3A_489 = arith.constant 16 : i32
      %add3A_490 = vector.broadcast %add3A_489 : i32 to vector<16xi32>
      %add3A_491 = arith.addi %broadcast_in_dim3A_485, %add3A_490 : vector<16xi32>
      %select_n3A_492 = arith.select %lt3A_488, %add3A_491, %broadcast_in_dim3A_485 : vector<16xi1>, vector<16xi32>
      %broadcast_in_dim3A_493 = vector.shape_cast %select_n3A_492 : vector<16xi32> to vector<16x1xi32>
      %gather3A_494 = vector.shape_cast %broadcast_in_dim3A_493 : vector<16x1xi32> to vector<16xi32>
      %gather3A_495 = tpu.dynamic_gather %get3A_320[%gather3A_494] in [0] : vector<16xi32>, vector<16xi32> -> vector<16xi32>
      %mul3A_496 = arith.constant 16 : i32
      %mul3A_497 = vector.broadcast %mul3A_496 : i32 to vector<16xi32>
      %mul3A_498 = arith.muli %gather3A_495, %mul3A_497 : vector<16xi32>
      %add3A_499 = arith.addi %mul3A_498, %iota3A : vector<16xi32>
      %gather3A_500 = tpu.vector_load_idx %arg6[%add3A_499] : memref<4096xi32, #tpu.memory_space<vmem>>[vector<16xi32>], vector<16xi32>,
      %mul3A_501 = arith.constant 16 : i32
      %mul3A_502 = arith.muli %add3A_317, %mul3A_501 : i32
      %add3A_503 = arith.constant 7 : i32
      %add3A_504 = arith.addi %mul3A_502, %add3A_503 : i32
      %swap3A_505 = arith.index_cast %add3A_504 : i32 to index
      %swap3A_506 = arith.constant 0 : index
      %swap3A_507 = tpu.vector_load %arg8[%swap3A_505, %swap3A_506] {strides = array<i32>} : memref<2048x16xi32, #tpu.memory_space<vmem>>, vector<16xi32>,
      tpu.vector_store %arg8[%swap3A_505, %swap3A_506], %gather3A_500 {strides = array<i32>} : memref<2048x16xi32, #tpu.memory_space<vmem>>, vector<16xi32>,
      %broadcast_in_dim3A_508 = arith.constant 8 : i32
      %broadcast_in_dim3A_509 = vector.broadcast %broadcast_in_dim3A_508 : i32 to vector<16xi32>
      %lt3A_510 = arith.constant 0 : i32
      %lt3A_511 = vector.broadcast %lt3A_510 : i32 to vector<16xi32>
      %lt3A_512 = arith.cmpi slt, %broadcast_in_dim3A_509, %lt3A_511 : vector<16xi32>
      %add3A_513 = arith.constant 16 : i32
      %add3A_514 = vector.broadcast %add3A_513 : i32 to vector<16xi32>
      %add3A_515 = arith.addi %broadcast_in_dim3A_509, %add3A_514 : vector<16xi32>
      %select_n3A_516 = arith.select %lt3A_512, %add3A_515, %broadcast_in_dim3A_509 : vector<16xi1>, vector<16xi32>
      %broadcast_in_dim3A_517 = vector.shape_cast %select_n3A_516 : vector<16xi32> to vector<16x1xi32>
      %gather3A_518 = vector.shape_cast %broadcast_in_dim3A_517 : vector<16x1xi32> to vector<16xi32>
      %gather3A_519 = tpu.dynamic_gather %get3A_320[%gather3A_518] in [0] : vector<16xi32>, vector<16xi32> -> vector<16xi32>
      %mul3A_520 = arith.constant 16 : i32
      %mul3A_521 = vector.broadcast %mul3A_520 : i32 to vector<16xi32>
      %mul3A_522 = arith.muli %gather3A_519, %mul3A_521 : vector<16xi32>
      %add3A_523 = arith.addi %mul3A_522, %iota3A : vector<16xi32>
      %gather3A_524 = tpu.vector_load_idx %arg6[%add3A_523] : memref<4096xi32, #tpu.memory_space<vmem>>[vector<16xi32>], vector<16xi32>,
      %mul3A_525 = arith.constant 16 : i32
      %mul3A_526 = arith.muli %add3A_317, %mul3A_525 : i32
      %add3A_527 = arith.constant 8 : i32
      %add3A_528 = arith.addi %mul3A_526, %add3A_527 : i32
      %swap3A_529 = arith.index_cast %add3A_528 : i32 to index
      %swap3A_530 = arith.constant 0 : index
      %swap3A_531 = tpu.vector_load %arg8[%swap3A_529, %swap3A_530] {strides = array<i32>} : memref<2048x16xi32, #tpu.memory_space<vmem>>, vector<16xi32>,
      tpu.vector_store %arg8[%swap3A_529, %swap3A_530], %gather3A_524 {strides = array<i32>} : memref<2048x16xi32, #tpu.memory_space<vmem>>, vector<16xi32>,
      %broadcast_in_dim3A_532 = arith.constant 9 : i32
      %broadcast_in_dim3A_533 = vector.broadcast %broadcast_in_dim3A_532 : i32 to vector<16xi32>
      %lt3A_534 = arith.constant 0 : i32
      %lt3A_535 = vector.broadcast %lt3A_534 : i32 to vector<16xi32>
      %lt3A_536 = arith.cmpi slt, %broadcast_in_dim3A_533, %lt3A_535 : vector<16xi32>
      %add3A_537 = arith.constant 16 : i32
      %add3A_538 = vector.broadcast %add3A_537 : i32 to vector<16xi32>
      %add3A_539 = arith.addi %broadcast_in_dim3A_533, %add3A_538 : vector<16xi32>
      %select_n3A_540 = arith.select %lt3A_536, %add3A_539, %broadcast_in_dim3A_533 : vector<16xi1>, vector<16xi32>
      %broadcast_in_dim3A_541 = vector.shape_cast %select_n3A_540 : vector<16xi32> to vector<16x1xi32>
      %gather3A_542 = vector.shape_cast %broadcast_in_dim3A_541 : vector<16x1xi32> to vector<16xi32>
      %gather3A_543 = tpu.dynamic_gather %get3A_320[%gather3A_542] in [0] : vector<16xi32>, vector<16xi32> -> vector<16xi32>
      %mul3A_544 = arith.constant 16 : i32
      %mul3A_545 = vector.broadcast %mul3A_544 : i32 to vector<16xi32>
      %mul3A_546 = arith.muli %gather3A_543, %mul3A_545 : vector<16xi32>
      %add3A_547 = arith.addi %mul3A_546, %iota3A : vector<16xi32>
      %gather3A_548 = tpu.vector_load_idx %arg6[%add3A_547] : memref<4096xi32, #tpu.memory_space<vmem>>[vector<16xi32>], vector<16xi32>,
      %mul3A_549 = arith.constant 16 : i32
      %mul3A_550 = arith.muli %add3A_317, %mul3A_549 : i32
      %add3A_551 = arith.constant 9 : i32
      %add3A_552 = arith.addi %mul3A_550, %add3A_551 : i32
      %swap3A_553 = arith.index_cast %add3A_552 : i32 to index
      %swap3A_554 = arith.constant 0 : index
      %swap3A_555 = tpu.vector_load %arg8[%swap3A_553, %swap3A_554] {strides = array<i32>} : memref<2048x16xi32, #tpu.memory_space<vmem>>, vector<16xi32>,
      tpu.vector_store %arg8[%swap3A_553, %swap3A_554], %gather3A_548 {strides = array<i32>} : memref<2048x16xi32, #tpu.memory_space<vmem>>, vector<16xi32>,
      %broadcast_in_dim3A_556 = arith.constant 10 : i32
      %broadcast_in_dim3A_557 = vector.broadcast %broadcast_in_dim3A_556 : i32 to vector<16xi32>
      %lt3A_558 = arith.constant 0 : i32
      %lt3A_559 = vector.broadcast %lt3A_558 : i32 to vector<16xi32>
      %lt3A_560 = arith.cmpi slt, %broadcast_in_dim3A_557, %lt3A_559 : vector<16xi32>
      %add3A_561 = arith.constant 16 : i32
      %add3A_562 = vector.broadcast %add3A_561 : i32 to vector<16xi32>
      %add3A_563 = arith.addi %broadcast_in_dim3A_557, %add3A_562 : vector<16xi32>
      %select_n3A_564 = arith.select %lt3A_560, %add3A_563, %broadcast_in_dim3A_557 : vector<16xi1>, vector<16xi32>
      %broadcast_in_dim3A_565 = vector.shape_cast %select_n3A_564 : vector<16xi32> to vector<16x1xi32>
      %gather3A_566 = vector.shape_cast %broadcast_in_dim3A_565 : vector<16x1xi32> to vector<16xi32>
      %gather3A_567 = tpu.dynamic_gather %get3A_320[%gather3A_566] in [0] : vector<16xi32>, vector<16xi32> -> vector<16xi32>
      %mul3A_568 = arith.constant 16 : i32
      %mul3A_569 = vector.broadcast %mul3A_568 : i32 to vector<16xi32>
      %mul3A_570 = arith.muli %gather3A_567, %mul3A_569 : vector<16xi32>
      %add3A_571 = arith.addi %mul3A_570, %iota3A : vector<16xi32>
      %gather3A_572 = tpu.vector_load_idx %arg6[%add3A_571] : memref<4096xi32, #tpu.memory_space<vmem>>[vector<16xi32>], vector<16xi32>,
      %mul3A_573 = arith.constant 16 : i32
      %mul3A_574 = arith.muli %add3A_317, %mul3A_573 : i32
      %add3A_575 = arith.constant 10 : i32
      %add3A_576 = arith.addi %mul3A_574, %add3A_575 : i32
      %swap3A_577 = arith.index_cast %add3A_576 : i32 to index
      %swap3A_578 = arith.constant 0 : index
      %swap3A_579 = tpu.vector_load %arg8[%swap3A_577, %swap3A_578] {strides = array<i32>} : memref<2048x16xi32, #tpu.memory_space<vmem>>, vector<16xi32>,
      tpu.vector_store %arg8[%swap3A_577, %swap3A_578], %gather3A_572 {strides = array<i32>} : memref<2048x16xi32, #tpu.memory_space<vmem>>, vector<16xi32>,
      %broadcast_in_dim3A_580 = arith.constant 11 : i32
      %broadcast_in_dim3A_581 = vector.broadcast %broadcast_in_dim3A_580 : i32 to vector<16xi32>
      %lt3A_582 = arith.constant 0 : i32
      %lt3A_583 = vector.broadcast %lt3A_582 : i32 to vector<16xi32>
      %lt3A_584 = arith.cmpi slt, %broadcast_in_dim3A_581, %lt3A_583 : vector<16xi32>
      %add3A_585 = arith.constant 16 : i32
      %add3A_586 = vector.broadcast %add3A_585 : i32 to vector<16xi32>
      %add3A_587 = arith.addi %broadcast_in_dim3A_581, %add3A_586 : vector<16xi32>
      %select_n3A_588 = arith.select %lt3A_584, %add3A_587, %broadcast_in_dim3A_581 : vector<16xi1>, vector<16xi32>
      %broadcast_in_dim3A_589 = vector.shape_cast %select_n3A_588 : vector<16xi32> to vector<16x1xi32>
      %gather3A_590 = vector.shape_cast %broadcast_in_dim3A_589 : vector<16x1xi32> to vector<16xi32>
      %gather3A_591 = tpu.dynamic_gather %get3A_320[%gather3A_590] in [0] : vector<16xi32>, vector<16xi32> -> vector<16xi32>
      %mul3A_592 = arith.constant 16 : i32
      %mul3A_593 = vector.broadcast %mul3A_592 : i32 to vector<16xi32>
      %mul3A_594 = arith.muli %gather3A_591, %mul3A_593 : vector<16xi32>
      %add3A_595 = arith.addi %mul3A_594, %iota3A : vector<16xi32>
      %gather3A_596 = tpu.vector_load_idx %arg6[%add3A_595] : memref<4096xi32, #tpu.memory_space<vmem>>[vector<16xi32>], vector<16xi32>,
      %mul3A_597 = arith.constant 16 : i32
      %mul3A_598 = arith.muli %add3A_317, %mul3A_597 : i32
      %add3A_599 = arith.constant 11 : i32
      %add3A_600 = arith.addi %mul3A_598, %add3A_599 : i32
      %swap3A_601 = arith.index_cast %add3A_600 : i32 to index
      %swap3A_602 = arith.constant 0 : index
      %swap3A_603 = tpu.vector_load %arg8[%swap3A_601, %swap3A_602] {strides = array<i32>} : memref<2048x16xi32, #tpu.memory_space<vmem>>, vector<16xi32>,
      tpu.vector_store %arg8[%swap3A_601, %swap3A_602], %gather3A_596 {strides = array<i32>} : memref<2048x16xi32, #tpu.memory_space<vmem>>, vector<16xi32>,
      %broadcast_in_dim3A_604 = arith.constant 12 : i32
      %broadcast_in_dim3A_605 = vector.broadcast %broadcast_in_dim3A_604 : i32 to vector<16xi32>
      %lt3A_606 = arith.constant 0 : i32
      %lt3A_607 = vector.broadcast %lt3A_606 : i32 to vector<16xi32>
      %lt3A_608 = arith.cmpi slt, %broadcast_in_dim3A_605, %lt3A_607 : vector<16xi32>
      %add3A_609 = arith.constant 16 : i32
      %add3A_610 = vector.broadcast %add3A_609 : i32 to vector<16xi32>
      %add3A_611 = arith.addi %broadcast_in_dim3A_605, %add3A_610 : vector<16xi32>
      %select_n3A_612 = arith.select %lt3A_608, %add3A_611, %broadcast_in_dim3A_605 : vector<16xi1>, vector<16xi32>
      %broadcast_in_dim3A_613 = vector.shape_cast %select_n3A_612 : vector<16xi32> to vector<16x1xi32>
      %gather3A_614 = vector.shape_cast %broadcast_in_dim3A_613 : vector<16x1xi32> to vector<16xi32>
      %gather3A_615 = tpu.dynamic_gather %get3A_320[%gather3A_614] in [0] : vector<16xi32>, vector<16xi32> -> vector<16xi32>
      %mul3A_616 = arith.constant 16 : i32
      %mul3A_617 = vector.broadcast %mul3A_616 : i32 to vector<16xi32>
      %mul3A_618 = arith.muli %gather3A_615, %mul3A_617 : vector<16xi32>
      %add3A_619 = arith.addi %mul3A_618, %iota3A : vector<16xi32>
      %gather3A_620 = tpu.vector_load_idx %arg6[%add3A_619] : memref<4096xi32, #tpu.memory_space<vmem>>[vector<16xi32>], vector<16xi32>,
      %mul3A_621 = arith.constant 16 : i32
      %mul3A_622 = arith.muli %add3A_317, %mul3A_621 : i32
      %add3A_623 = arith.constant 12 : i32
      %add3A_624 = arith.addi %mul3A_622, %add3A_623 : i32
      %swap3A_625 = arith.index_cast %add3A_624 : i32 to index
      %swap3A_626 = arith.constant 0 : index
      %swap3A_627 = tpu.vector_load %arg8[%swap3A_625, %swap3A_626] {strides = array<i32>} : memref<2048x16xi32, #tpu.memory_space<vmem>>, vector<16xi32>,
      tpu.vector_store %arg8[%swap3A_625, %swap3A_626], %gather3A_620 {strides = array<i32>} : memref<2048x16xi32, #tpu.memory_space<vmem>>, vector<16xi32>,
      %broadcast_in_dim3A_628 = arith.constant 13 : i32
      %broadcast_in_dim3A_629 = vector.broadcast %broadcast_in_dim3A_628 : i32 to vector<16xi32>
      %lt3A_630 = arith.constant 0 : i32
      %lt3A_631 = vector.broadcast %lt3A_630 : i32 to vector<16xi32>
      %lt3A_632 = arith.cmpi slt, %broadcast_in_dim3A_629, %lt3A_631 : vector<16xi32>
      %add3A_633 = arith.constant 16 : i32
      %add3A_634 = vector.broadcast %add3A_633 : i32 to vector<16xi32>
      %add3A_635 = arith.addi %broadcast_in_dim3A_629, %add3A_634 : vector<16xi32>
      %select_n3A_636 = arith.select %lt3A_632, %add3A_635, %broadcast_in_dim3A_629 : vector<16xi1>, vector<16xi32>
      %broadcast_in_dim3A_637 = vector.shape_cast %select_n3A_636 : vector<16xi32> to vector<16x1xi32>
      %gather3A_638 = vector.shape_cast %broadcast_in_dim3A_637 : vector<16x1xi32> to vector<16xi32>
      %gather3A_639 = tpu.dynamic_gather %get3A_320[%gather3A_638] in [0] : vector<16xi32>, vector<16xi32> -> vector<16xi32>
      %mul3A_640 = arith.constant 16 : i32
      %mul3A_641 = vector.broadcast %mul3A_640 : i32 to vector<16xi32>
      %mul3A_642 = arith.muli %gather3A_639, %mul3A_641 : vector<16xi32>
      %add3A_643 = arith.addi %mul3A_642, %iota3A : vector<16xi32>
      %gather3A_644 = tpu.vector_load_idx %arg6[%add3A_643] : memref<4096xi32, #tpu.memory_space<vmem>>[vector<16xi32>], vector<16xi32>,
      %mul3A_645 = arith.constant 16 : i32
      %mul3A_646 = arith.muli %add3A_317, %mul3A_645 : i32
      %add3A_647 = arith.constant 13 : i32
      %add3A_648 = arith.addi %mul3A_646, %add3A_647 : i32
      %swap3A_649 = arith.index_cast %add3A_648 : i32 to index
      %swap3A_650 = arith.constant 0 : index
      %swap3A_651 = tpu.vector_load %arg8[%swap3A_649, %swap3A_650] {strides = array<i32>} : memref<2048x16xi32, #tpu.memory_space<vmem>>, vector<16xi32>,
      tpu.vector_store %arg8[%swap3A_649, %swap3A_650], %gather3A_644 {strides = array<i32>} : memref<2048x16xi32, #tpu.memory_space<vmem>>, vector<16xi32>,
      %broadcast_in_dim3A_652 = arith.constant 14 : i32
      %broadcast_in_dim3A_653 = vector.broadcast %broadcast_in_dim3A_652 : i32 to vector<16xi32>
      %lt3A_654 = arith.constant 0 : i32
      %lt3A_655 = vector.broadcast %lt3A_654 : i32 to vector<16xi32>
      %lt3A_656 = arith.cmpi slt, %broadcast_in_dim3A_653, %lt3A_655 : vector<16xi32>
      %add3A_657 = arith.constant 16 : i32
      %add3A_658 = vector.broadcast %add3A_657 : i32 to vector<16xi32>
      %add3A_659 = arith.addi %broadcast_in_dim3A_653, %add3A_658 : vector<16xi32>
      %select_n3A_660 = arith.select %lt3A_656, %add3A_659, %broadcast_in_dim3A_653 : vector<16xi1>, vector<16xi32>
      %broadcast_in_dim3A_661 = vector.shape_cast %select_n3A_660 : vector<16xi32> to vector<16x1xi32>
      %gather3A_662 = vector.shape_cast %broadcast_in_dim3A_661 : vector<16x1xi32> to vector<16xi32>
      %gather3A_663 = tpu.dynamic_gather %get3A_320[%gather3A_662] in [0] : vector<16xi32>, vector<16xi32> -> vector<16xi32>
      %mul3A_664 = arith.constant 16 : i32
      %mul3A_665 = vector.broadcast %mul3A_664 : i32 to vector<16xi32>
      %mul3A_666 = arith.muli %gather3A_663, %mul3A_665 : vector<16xi32>
      %add3A_667 = arith.addi %mul3A_666, %iota3A : vector<16xi32>
      %gather3A_668 = tpu.vector_load_idx %arg6[%add3A_667] : memref<4096xi32, #tpu.memory_space<vmem>>[vector<16xi32>], vector<16xi32>,
      %mul3A_669 = arith.constant 16 : i32
      %mul3A_670 = arith.muli %add3A_317, %mul3A_669 : i32
      %add3A_671 = arith.constant 14 : i32
      %add3A_672 = arith.addi %mul3A_670, %add3A_671 : i32
      %swap3A_673 = arith.index_cast %add3A_672 : i32 to index
      %swap3A_674 = arith.constant 0 : index
      %swap3A_675 = tpu.vector_load %arg8[%swap3A_673, %swap3A_674] {strides = array<i32>} : memref<2048x16xi32, #tpu.memory_space<vmem>>, vector<16xi32>,
      tpu.vector_store %arg8[%swap3A_673, %swap3A_674], %gather3A_668 {strides = array<i32>} : memref<2048x16xi32, #tpu.memory_space<vmem>>, vector<16xi32>,
      %broadcast_in_dim3A_676 = arith.constant 15 : i32
      %broadcast_in_dim3A_677 = vector.broadcast %broadcast_in_dim3A_676 : i32 to vector<16xi32>
      %lt3A_678 = arith.constant 0 : i32
      %lt3A_679 = vector.broadcast %lt3A_678 : i32 to vector<16xi32>
      %lt3A_680 = arith.cmpi slt, %broadcast_in_dim3A_677, %lt3A_679 : vector<16xi32>
      %add3A_681 = arith.constant 16 : i32
      %add3A_682 = vector.broadcast %add3A_681 : i32 to vector<16xi32>
      %add3A_683 = arith.addi %broadcast_in_dim3A_677, %add3A_682 : vector<16xi32>
      %select_n3A_684 = arith.select %lt3A_680, %add3A_683, %broadcast_in_dim3A_677 : vector<16xi1>, vector<16xi32>
      %broadcast_in_dim3A_685 = vector.shape_cast %select_n3A_684 : vector<16xi32> to vector<16x1xi32>
      %gather3A_686 = vector.shape_cast %broadcast_in_dim3A_685 : vector<16x1xi32> to vector<16xi32>
      %gather3A_687 = tpu.dynamic_gather %get3A_320[%gather3A_686] in [0] : vector<16xi32>, vector<16xi32> -> vector<16xi32>
      %mul3A_688 = arith.constant 16 : i32
      %mul3A_689 = vector.broadcast %mul3A_688 : i32 to vector<16xi32>
      %mul3A_690 = arith.muli %gather3A_687, %mul3A_689 : vector<16xi32>
      %add3A_691 = arith.addi %mul3A_690, %iota3A : vector<16xi32>
      %gather3A_692 = tpu.vector_load_idx %arg6[%add3A_691] : memref<4096xi32, #tpu.memory_space<vmem>>[vector<16xi32>], vector<16xi32>,
      %mul3A_693 = arith.constant 16 : i32
      %mul3A_694 = arith.muli %add3A_317, %mul3A_693 : i32
      %add3A_695 = arith.constant 15 : i32
      %add3A_696 = arith.addi %mul3A_694, %add3A_695 : i32
      %swap3A_697 = arith.index_cast %add3A_696 : i32 to index
      %swap3A_698 = arith.constant 0 : index
      %swap3A_699 = tpu.vector_load %arg8[%swap3A_697, %swap3A_698] {strides = array<i32>} : memref<2048x16xi32, #tpu.memory_space<vmem>>, vector<16xi32>,
      tpu.vector_store %arg8[%swap3A_697, %swap3A_698], %gather3A_692 {strides = array<i32>} : memref<2048x16xi32, #tpu.memory_space<vmem>>, vector<16xi32>,
      %scan3A_700 = arith.constant 1 : i32
      %scan3A_701 = arith.addi %scan3A_313, %scan3A_700 : i32
      %mul3A_702 = arith.constant 1 : i32
      %mul3A_703 = arith.muli %scan3A_701, %mul3A_702 : i32
      %add3A_704 = arith.constant 64 : i32
      %add3A_705 = arith.addi %add3A_704, %mul3A_703 : i32
      %mul3A_706 = arith.constant 16 : i32
      %mul3A_707 = arith.muli %add3A_705, %mul3A_706 : i32
      %get3A_708 = arith.index_cast %mul3A_707 : i32 to index
      %get3A_709 = tpu.vector_load %arg7[%get3A_708] {strides = array<i32>} : memref<2048xi32, #tpu.memory_space<vmem>>, vector<16xi32>,
      %broadcast_in_dim3A_710 = arith.constant 0 : i32
      %broadcast_in_dim3A_711 = vector.broadcast %broadcast_in_dim3A_710 : i32 to vector<16xi32>
      %lt3A_712 = arith.constant 0 : i32
      %lt3A_713 = vector.broadcast %lt3A_712 : i32 to vector<16xi32>
      %lt3A_714 = arith.cmpi slt, %broadcast_in_dim3A_711, %lt3A_713 : vector<16xi32>
      %add3A_715 = arith.constant 16 : i32
      %add3A_716 = vector.broadcast %add3A_715 : i32 to vector<16xi32>
      %add3A_717 = arith.addi %broadcast_in_dim3A_711, %add3A_716 : vector<16xi32>
      %select_n3A_718 = arith.select %lt3A_714, %add3A_717, %broadcast_in_dim3A_711 : vector<16xi1>, vector<16xi32>
      %broadcast_in_dim3A_719 = vector.shape_cast %select_n3A_718 : vector<16xi32> to vector<16x1xi32>
      %gather3A_720 = vector.shape_cast %broadcast_in_dim3A_719 : vector<16x1xi32> to vector<16xi32>
      %gather3A_721 = tpu.dynamic_gather %get3A_709[%gather3A_720] in [0] : vector<16xi32>, vector<16xi32> -> vector<16xi32>
      %mul3A_722 = arith.constant 16 : i32
      %mul3A_723 = vector.broadcast %mul3A_722 : i32 to vector<16xi32>
      %mul3A_724 = arith.muli %gather3A_721, %mul3A_723 : vector<16xi32>
      %add3A_725 = arith.addi %mul3A_724, %iota3A : vector<16xi32>
      %gather3A_726 = tpu.vector_load_idx %arg6[%add3A_725] : memref<4096xi32, #tpu.memory_space<vmem>>[vector<16xi32>], vector<16xi32>,
      %mul3A_727 = arith.constant 16 : i32
      %mul3A_728 = arith.muli %add3A_705, %mul3A_727 : i32
      %add3A_729 = arith.constant 0 : i32
      %add3A_730 = arith.addi %mul3A_728, %add3A_729 : i32
      %swap3A_731 = arith.index_cast %add3A_730 : i32 to index
      %swap3A_732 = arith.constant 0 : index
      %swap3A_733 = tpu.vector_load %arg8[%swap3A_731, %swap3A_732] {strides = array<i32>} : memref<2048x16xi32, #tpu.memory_space<vmem>>, vector<16xi32>,
      tpu.vector_store %arg8[%swap3A_731, %swap3A_732], %gather3A_726 {strides = array<i32>} : memref<2048x16xi32, #tpu.memory_space<vmem>>, vector<16xi32>,
      %broadcast_in_dim3A_734 = arith.constant 1 : i32
      %broadcast_in_dim3A_735 = vector.broadcast %broadcast_in_dim3A_734 : i32 to vector<16xi32>
      %lt3A_736 = arith.constant 0 : i32
      %lt3A_737 = vector.broadcast %lt3A_736 : i32 to vector<16xi32>
      %lt3A_738 = arith.cmpi slt, %broadcast_in_dim3A_735, %lt3A_737 : vector<16xi32>
      %add3A_739 = arith.constant 16 : i32
      %add3A_740 = vector.broadcast %add3A_739 : i32 to vector<16xi32>
      %add3A_741 = arith.addi %broadcast_in_dim3A_735, %add3A_740 : vector<16xi32>
      %select_n3A_742 = arith.select %lt3A_738, %add3A_741, %broadcast_in_dim3A_735 : vector<16xi1>, vector<16xi32>
      %broadcast_in_dim3A_743 = vector.shape_cast %select_n3A_742 : vector<16xi32> to vector<16x1xi32>
      %gather3A_744 = vector.shape_cast %broadcast_in_dim3A_743 : vector<16x1xi32> to vector<16xi32>
      %gather3A_745 = tpu.dynamic_gather %get3A_709[%gather3A_744] in [0] : vector<16xi32>, vector<16xi32> -> vector<16xi32>
      %mul3A_746 = arith.constant 16 : i32
      %mul3A_747 = vector.broadcast %mul3A_746 : i32 to vector<16xi32>
      %mul3A_748 = arith.muli %gather3A_745, %mul3A_747 : vector<16xi32>
      %add3A_749 = arith.addi %mul3A_748, %iota3A : vector<16xi32>
      %gather3A_750 = tpu.vector_load_idx %arg6[%add3A_749] : memref<4096xi32, #tpu.memory_space<vmem>>[vector<16xi32>], vector<16xi32>,
      %mul3A_751 = arith.constant 16 : i32
      %mul3A_752 = arith.muli %add3A_705, %mul3A_751 : i32
      %add3A_753 = arith.constant 1 : i32
      %add3A_754 = arith.addi %mul3A_752, %add3A_753 : i32
      %swap3A_755 = arith.index_cast %add3A_754 : i32 to index
      %swap3A_756 = arith.constant 0 : index
      %swap3A_757 = tpu.vector_load %arg8[%swap3A_755, %swap3A_756] {strides = array<i32>} : memref<2048x16xi32, #tpu.memory_space<vmem>>, vector<16xi32>,
      tpu.vector_store %arg8[%swap3A_755, %swap3A_756], %gather3A_750 {strides = array<i32>} : memref<2048x16xi32, #tpu.memory_space<vmem>>, vector<16xi32>,
      %broadcast_in_dim3A_758 = arith.constant 2 : i32
      %broadcast_in_dim3A_759 = vector.broadcast %broadcast_in_dim3A_758 : i32 to vector<16xi32>
      %lt3A_760 = arith.constant 0 : i32
      %lt3A_761 = vector.broadcast %lt3A_760 : i32 to vector<16xi32>
      %lt3A_762 = arith.cmpi slt, %broadcast_in_dim3A_759, %lt3A_761 : vector<16xi32>
      %add3A_763 = arith.constant 16 : i32
      %add3A_764 = vector.broadcast %add3A_763 : i32 to vector<16xi32>
      %add3A_765 = arith.addi %broadcast_in_dim3A_759, %add3A_764 : vector<16xi32>
      %select_n3A_766 = arith.select %lt3A_762, %add3A_765, %broadcast_in_dim3A_759 : vector<16xi1>, vector<16xi32>
      %broadcast_in_dim3A_767 = vector.shape_cast %select_n3A_766 : vector<16xi32> to vector<16x1xi32>
      %gather3A_768 = vector.shape_cast %broadcast_in_dim3A_767 : vector<16x1xi32> to vector<16xi32>
      %gather3A_769 = tpu.dynamic_gather %get3A_709[%gather3A_768] in [0] : vector<16xi32>, vector<16xi32> -> vector<16xi32>
      %mul3A_770 = arith.constant 16 : i32
      %mul3A_771 = vector.broadcast %mul3A_770 : i32 to vector<16xi32>
      %mul3A_772 = arith.muli %gather3A_769, %mul3A_771 : vector<16xi32>
      %add3A_773 = arith.addi %mul3A_772, %iota3A : vector<16xi32>
      %gather3A_774 = tpu.vector_load_idx %arg6[%add3A_773] : memref<4096xi32, #tpu.memory_space<vmem>>[vector<16xi32>], vector<16xi32>,
      %mul3A_775 = arith.constant 16 : i32
      %mul3A_776 = arith.muli %add3A_705, %mul3A_775 : i32
      %add3A_777 = arith.constant 2 : i32
      %add3A_778 = arith.addi %mul3A_776, %add3A_777 : i32
      %swap3A_779 = arith.index_cast %add3A_778 : i32 to index
      %swap3A_780 = arith.constant 0 : index
      %swap3A_781 = tpu.vector_load %arg8[%swap3A_779, %swap3A_780] {strides = array<i32>} : memref<2048x16xi32, #tpu.memory_space<vmem>>, vector<16xi32>,
      tpu.vector_store %arg8[%swap3A_779, %swap3A_780], %gather3A_774 {strides = array<i32>} : memref<2048x16xi32, #tpu.memory_space<vmem>>, vector<16xi32>,
      %broadcast_in_dim3A_782 = arith.constant 3 : i32
      %broadcast_in_dim3A_783 = vector.broadcast %broadcast_in_dim3A_782 : i32 to vector<16xi32>
      %lt3A_784 = arith.constant 0 : i32
      %lt3A_785 = vector.broadcast %lt3A_784 : i32 to vector<16xi32>
      %lt3A_786 = arith.cmpi slt, %broadcast_in_dim3A_783, %lt3A_785 : vector<16xi32>
      %add3A_787 = arith.constant 16 : i32
      %add3A_788 = vector.broadcast %add3A_787 : i32 to vector<16xi32>
      %add3A_789 = arith.addi %broadcast_in_dim3A_783, %add3A_788 : vector<16xi32>
      %select_n3A_790 = arith.select %lt3A_786, %add3A_789, %broadcast_in_dim3A_783 : vector<16xi1>, vector<16xi32>
      %broadcast_in_dim3A_791 = vector.shape_cast %select_n3A_790 : vector<16xi32> to vector<16x1xi32>
      %gather3A_792 = vector.shape_cast %broadcast_in_dim3A_791 : vector<16x1xi32> to vector<16xi32>
      %gather3A_793 = tpu.dynamic_gather %get3A_709[%gather3A_792] in [0] : vector<16xi32>, vector<16xi32> -> vector<16xi32>
      %mul3A_794 = arith.constant 16 : i32
      %mul3A_795 = vector.broadcast %mul3A_794 : i32 to vector<16xi32>
      %mul3A_796 = arith.muli %gather3A_793, %mul3A_795 : vector<16xi32>
      %add3A_797 = arith.addi %mul3A_796, %iota3A : vector<16xi32>
      %gather3A_798 = tpu.vector_load_idx %arg6[%add3A_797] : memref<4096xi32, #tpu.memory_space<vmem>>[vector<16xi32>], vector<16xi32>,
      %mul3A_799 = arith.constant 16 : i32
      %mul3A_800 = arith.muli %add3A_705, %mul3A_799 : i32
      %add3A_801 = arith.constant 3 : i32
      %add3A_802 = arith.addi %mul3A_800, %add3A_801 : i32
      %swap3A_803 = arith.index_cast %add3A_802 : i32 to index
      %swap3A_804 = arith.constant 0 : index
      %swap3A_805 = tpu.vector_load %arg8[%swap3A_803, %swap3A_804] {strides = array<i32>} : memref<2048x16xi32, #tpu.memory_space<vmem>>, vector<16xi32>,
      tpu.vector_store %arg8[%swap3A_803, %swap3A_804], %gather3A_798 {strides = array<i32>} : memref<2048x16xi32, #tpu.memory_space<vmem>>, vector<16xi32>,
      %broadcast_in_dim3A_806 = arith.constant 4 : i32
      %broadcast_in_dim3A_807 = vector.broadcast %broadcast_in_dim3A_806 : i32 to vector<16xi32>
      %lt3A_808 = arith.constant 0 : i32
      %lt3A_809 = vector.broadcast %lt3A_808 : i32 to vector<16xi32>
      %lt3A_810 = arith.cmpi slt, %broadcast_in_dim3A_807, %lt3A_809 : vector<16xi32>
      %add3A_811 = arith.constant 16 : i32
      %add3A_812 = vector.broadcast %add3A_811 : i32 to vector<16xi32>
      %add3A_813 = arith.addi %broadcast_in_dim3A_807, %add3A_812 : vector<16xi32>
      %select_n3A_814 = arith.select %lt3A_810, %add3A_813, %broadcast_in_dim3A_807 : vector<16xi1>, vector<16xi32>
      %broadcast_in_dim3A_815 = vector.shape_cast %select_n3A_814 : vector<16xi32> to vector<16x1xi32>
      %gather3A_816 = vector.shape_cast %broadcast_in_dim3A_815 : vector<16x1xi32> to vector<16xi32>
      %gather3A_817 = tpu.dynamic_gather %get3A_709[%gather3A_816] in [0] : vector<16xi32>, vector<16xi32> -> vector<16xi32>
      %mul3A_818 = arith.constant 16 : i32
      %mul3A_819 = vector.broadcast %mul3A_818 : i32 to vector<16xi32>
      %mul3A_820 = arith.muli %gather3A_817, %mul3A_819 : vector<16xi32>
      %add3A_821 = arith.addi %mul3A_820, %iota3A : vector<16xi32>
      %gather3A_822 = tpu.vector_load_idx %arg6[%add3A_821] : memref<4096xi32, #tpu.memory_space<vmem>>[vector<16xi32>], vector<16xi32>,
      %mul3A_823 = arith.constant 16 : i32
      %mul3A_824 = arith.muli %add3A_705, %mul3A_823 : i32
      %add3A_825 = arith.constant 4 : i32
      %add3A_826 = arith.addi %mul3A_824, %add3A_825 : i32
      %swap3A_827 = arith.index_cast %add3A_826 : i32 to index
      %swap3A_828 = arith.constant 0 : index
      %swap3A_829 = tpu.vector_load %arg8[%swap3A_827, %swap3A_828] {strides = array<i32>} : memref<2048x16xi32, #tpu.memory_space<vmem>>, vector<16xi32>,
      tpu.vector_store %arg8[%swap3A_827, %swap3A_828], %gather3A_822 {strides = array<i32>} : memref<2048x16xi32, #tpu.memory_space<vmem>>, vector<16xi32>,
      %broadcast_in_dim3A_830 = arith.constant 5 : i32
      %broadcast_in_dim3A_831 = vector.broadcast %broadcast_in_dim3A_830 : i32 to vector<16xi32>
      %lt3A_832 = arith.constant 0 : i32
      %lt3A_833 = vector.broadcast %lt3A_832 : i32 to vector<16xi32>
      %lt3A_834 = arith.cmpi slt, %broadcast_in_dim3A_831, %lt3A_833 : vector<16xi32>
      %add3A_835 = arith.constant 16 : i32
      %add3A_836 = vector.broadcast %add3A_835 : i32 to vector<16xi32>
      %add3A_837 = arith.addi %broadcast_in_dim3A_831, %add3A_836 : vector<16xi32>
      %select_n3A_838 = arith.select %lt3A_834, %add3A_837, %broadcast_in_dim3A_831 : vector<16xi1>, vector<16xi32>
      %broadcast_in_dim3A_839 = vector.shape_cast %select_n3A_838 : vector<16xi32> to vector<16x1xi32>
      %gather3A_840 = vector.shape_cast %broadcast_in_dim3A_839 : vector<16x1xi32> to vector<16xi32>
      %gather3A_841 = tpu.dynamic_gather %get3A_709[%gather3A_840] in [0] : vector<16xi32>, vector<16xi32> -> vector<16xi32>
      %mul3A_842 = arith.constant 16 : i32
      %mul3A_843 = vector.broadcast %mul3A_842 : i32 to vector<16xi32>
      %mul3A_844 = arith.muli %gather3A_841, %mul3A_843 : vector<16xi32>
      %add3A_845 = arith.addi %mul3A_844, %iota3A : vector<16xi32>
      %gather3A_846 = tpu.vector_load_idx %arg6[%add3A_845] : memref<4096xi32, #tpu.memory_space<vmem>>[vector<16xi32>], vector<16xi32>,
      %mul3A_847 = arith.constant 16 : i32
      %mul3A_848 = arith.muli %add3A_705, %mul3A_847 : i32
      %add3A_849 = arith.constant 5 : i32
      %add3A_850 = arith.addi %mul3A_848, %add3A_849 : i32
      %swap3A_851 = arith.index_cast %add3A_850 : i32 to index
      %swap3A_852 = arith.constant 0 : index
      %swap3A_853 = tpu.vector_load %arg8[%swap3A_851, %swap3A_852] {strides = array<i32>} : memref<2048x16xi32, #tpu.memory_space<vmem>>, vector<16xi32>,
      tpu.vector_store %arg8[%swap3A_851, %swap3A_852], %gather3A_846 {strides = array<i32>} : memref<2048x16xi32, #tpu.memory_space<vmem>>, vector<16xi32>,
      %broadcast_in_dim3A_854 = arith.constant 6 : i32
      %broadcast_in_dim3A_855 = vector.broadcast %broadcast_in_dim3A_854 : i32 to vector<16xi32>
      %lt3A_856 = arith.constant 0 : i32
      %lt3A_857 = vector.broadcast %lt3A_856 : i32 to vector<16xi32>
      %lt3A_858 = arith.cmpi slt, %broadcast_in_dim3A_855, %lt3A_857 : vector<16xi32>
      %add3A_859 = arith.constant 16 : i32
      %add3A_860 = vector.broadcast %add3A_859 : i32 to vector<16xi32>
      %add3A_861 = arith.addi %broadcast_in_dim3A_855, %add3A_860 : vector<16xi32>
      %select_n3A_862 = arith.select %lt3A_858, %add3A_861, %broadcast_in_dim3A_855 : vector<16xi1>, vector<16xi32>
      %broadcast_in_dim3A_863 = vector.shape_cast %select_n3A_862 : vector<16xi32> to vector<16x1xi32>
      %gather3A_864 = vector.shape_cast %broadcast_in_dim3A_863 : vector<16x1xi32> to vector<16xi32>
      %gather3A_865 = tpu.dynamic_gather %get3A_709[%gather3A_864] in [0] : vector<16xi32>, vector<16xi32> -> vector<16xi32>
      %mul3A_866 = arith.constant 16 : i32
      %mul3A_867 = vector.broadcast %mul3A_866 : i32 to vector<16xi32>
      %mul3A_868 = arith.muli %gather3A_865, %mul3A_867 : vector<16xi32>
      %add3A_869 = arith.addi %mul3A_868, %iota3A : vector<16xi32>
      %gather3A_870 = tpu.vector_load_idx %arg6[%add3A_869] : memref<4096xi32, #tpu.memory_space<vmem>>[vector<16xi32>], vector<16xi32>,
      %mul3A_871 = arith.constant 16 : i32
      %mul3A_872 = arith.muli %add3A_705, %mul3A_871 : i32
      %add3A_873 = arith.constant 6 : i32
      %add3A_874 = arith.addi %mul3A_872, %add3A_873 : i32
      %swap3A_875 = arith.index_cast %add3A_874 : i32 to index
      %swap3A_876 = arith.constant 0 : index
      %swap3A_877 = tpu.vector_load %arg8[%swap3A_875, %swap3A_876] {strides = array<i32>} : memref<2048x16xi32, #tpu.memory_space<vmem>>, vector<16xi32>,
      tpu.vector_store %arg8[%swap3A_875, %swap3A_876], %gather3A_870 {strides = array<i32>} : memref<2048x16xi32, #tpu.memory_space<vmem>>, vector<16xi32>,
      %broadcast_in_dim3A_878 = arith.constant 7 : i32
      %broadcast_in_dim3A_879 = vector.broadcast %broadcast_in_dim3A_878 : i32 to vector<16xi32>
      %lt3A_880 = arith.constant 0 : i32
      %lt3A_881 = vector.broadcast %lt3A_880 : i32 to vector<16xi32>
      %lt3A_882 = arith.cmpi slt, %broadcast_in_dim3A_879, %lt3A_881 : vector<16xi32>
      %add3A_883 = arith.constant 16 : i32
      %add3A_884 = vector.broadcast %add3A_883 : i32 to vector<16xi32>
      %add3A_885 = arith.addi %broadcast_in_dim3A_879, %add3A_884 : vector<16xi32>
      %select_n3A_886 = arith.select %lt3A_882, %add3A_885, %broadcast_in_dim3A_879 : vector<16xi1>, vector<16xi32>
      %broadcast_in_dim3A_887 = vector.shape_cast %select_n3A_886 : vector<16xi32> to vector<16x1xi32>
      %gather3A_888 = vector.shape_cast %broadcast_in_dim3A_887 : vector<16x1xi32> to vector<16xi32>
      %gather3A_889 = tpu.dynamic_gather %get3A_709[%gather3A_888] in [0] : vector<16xi32>, vector<16xi32> -> vector<16xi32>
      %mul3A_890 = arith.constant 16 : i32
      %mul3A_891 = vector.broadcast %mul3A_890 : i32 to vector<16xi32>
      %mul3A_892 = arith.muli %gather3A_889, %mul3A_891 : vector<16xi32>
      %add3A_893 = arith.addi %mul3A_892, %iota3A : vector<16xi32>
      %gather3A_894 = tpu.vector_load_idx %arg6[%add3A_893] : memref<4096xi32, #tpu.memory_space<vmem>>[vector<16xi32>], vector<16xi32>,
      %mul3A_895 = arith.constant 16 : i32
      %mul3A_896 = arith.muli %add3A_705, %mul3A_895 : i32
      %add3A_897 = arith.constant 7 : i32
      %add3A_898 = arith.addi %mul3A_896, %add3A_897 : i32
      %swap3A_899 = arith.index_cast %add3A_898 : i32 to index
      %swap3A_900 = arith.constant 0 : index
      %swap3A_901 = tpu.vector_load %arg8[%swap3A_899, %swap3A_900] {strides = array<i32>} : memref<2048x16xi32, #tpu.memory_space<vmem>>, vector<16xi32>,
      tpu.vector_store %arg8[%swap3A_899, %swap3A_900], %gather3A_894 {strides = array<i32>} : memref<2048x16xi32, #tpu.memory_space<vmem>>, vector<16xi32>,
      %broadcast_in_dim3A_902 = arith.constant 8 : i32
      %broadcast_in_dim3A_903 = vector.broadcast %broadcast_in_dim3A_902 : i32 to vector<16xi32>
      %lt3A_904 = arith.constant 0 : i32
      %lt3A_905 = vector.broadcast %lt3A_904 : i32 to vector<16xi32>
      %lt3A_906 = arith.cmpi slt, %broadcast_in_dim3A_903, %lt3A_905 : vector<16xi32>
      %add3A_907 = arith.constant 16 : i32
      %add3A_908 = vector.broadcast %add3A_907 : i32 to vector<16xi32>
      %add3A_909 = arith.addi %broadcast_in_dim3A_903, %add3A_908 : vector<16xi32>
      %select_n3A_910 = arith.select %lt3A_906, %add3A_909, %broadcast_in_dim3A_903 : vector<16xi1>, vector<16xi32>
      %broadcast_in_dim3A_911 = vector.shape_cast %select_n3A_910 : vector<16xi32> to vector<16x1xi32>
      %gather3A_912 = vector.shape_cast %broadcast_in_dim3A_911 : vector<16x1xi32> to vector<16xi32>
      %gather3A_913 = tpu.dynamic_gather %get3A_709[%gather3A_912] in [0] : vector<16xi32>, vector<16xi32> -> vector<16xi32>
      %mul3A_914 = arith.constant 16 : i32
      %mul3A_915 = vector.broadcast %mul3A_914 : i32 to vector<16xi32>
      %mul3A_916 = arith.muli %gather3A_913, %mul3A_915 : vector<16xi32>
      %add3A_917 = arith.addi %mul3A_916, %iota3A : vector<16xi32>
      %gather3A_918 = tpu.vector_load_idx %arg6[%add3A_917] : memref<4096xi32, #tpu.memory_space<vmem>>[vector<16xi32>], vector<16xi32>,
      %mul3A_919 = arith.constant 16 : i32
      %mul3A_920 = arith.muli %add3A_705, %mul3A_919 : i32
      %add3A_921 = arith.constant 8 : i32
      %add3A_922 = arith.addi %mul3A_920, %add3A_921 : i32
      %swap3A_923 = arith.index_cast %add3A_922 : i32 to index
      %swap3A_924 = arith.constant 0 : index
      %swap3A_925 = tpu.vector_load %arg8[%swap3A_923, %swap3A_924] {strides = array<i32>} : memref<2048x16xi32, #tpu.memory_space<vmem>>, vector<16xi32>,
      tpu.vector_store %arg8[%swap3A_923, %swap3A_924], %gather3A_918 {strides = array<i32>} : memref<2048x16xi32, #tpu.memory_space<vmem>>, vector<16xi32>,
      %broadcast_in_dim3A_926 = arith.constant 9 : i32
      %broadcast_in_dim3A_927 = vector.broadcast %broadcast_in_dim3A_926 : i32 to vector<16xi32>
      %lt3A_928 = arith.constant 0 : i32
      %lt3A_929 = vector.broadcast %lt3A_928 : i32 to vector<16xi32>
      %lt3A_930 = arith.cmpi slt, %broadcast_in_dim3A_927, %lt3A_929 : vector<16xi32>
      %add3A_931 = arith.constant 16 : i32
      %add3A_932 = vector.broadcast %add3A_931 : i32 to vector<16xi32>
      %add3A_933 = arith.addi %broadcast_in_dim3A_927, %add3A_932 : vector<16xi32>
      %select_n3A_934 = arith.select %lt3A_930, %add3A_933, %broadcast_in_dim3A_927 : vector<16xi1>, vector<16xi32>
      %broadcast_in_dim3A_935 = vector.shape_cast %select_n3A_934 : vector<16xi32> to vector<16x1xi32>
      %gather3A_936 = vector.shape_cast %broadcast_in_dim3A_935 : vector<16x1xi32> to vector<16xi32>
      %gather3A_937 = tpu.dynamic_gather %get3A_709[%gather3A_936] in [0] : vector<16xi32>, vector<16xi32> -> vector<16xi32>
      %mul3A_938 = arith.constant 16 : i32
      %mul3A_939 = vector.broadcast %mul3A_938 : i32 to vector<16xi32>
      %mul3A_940 = arith.muli %gather3A_937, %mul3A_939 : vector<16xi32>
      %add3A_941 = arith.addi %mul3A_940, %iota3A : vector<16xi32>
      %gather3A_942 = tpu.vector_load_idx %arg6[%add3A_941] : memref<4096xi32, #tpu.memory_space<vmem>>[vector<16xi32>], vector<16xi32>,
      %mul3A_943 = arith.constant 16 : i32
      %mul3A_944 = arith.muli %add3A_705, %mul3A_943 : i32
      %add3A_945 = arith.constant 9 : i32
      %add3A_946 = arith.addi %mul3A_944, %add3A_945 : i32
      %swap3A_947 = arith.index_cast %add3A_946 : i32 to index
      %swap3A_948 = arith.constant 0 : index
      %swap3A_949 = tpu.vector_load %arg8[%swap3A_947, %swap3A_948] {strides = array<i32>} : memref<2048x16xi32, #tpu.memory_space<vmem>>, vector<16xi32>,
      tpu.vector_store %arg8[%swap3A_947, %swap3A_948], %gather3A_942 {strides = array<i32>} : memref<2048x16xi32, #tpu.memory_space<vmem>>, vector<16xi32>,
      %broadcast_in_dim3A_950 = arith.constant 10 : i32
      %broadcast_in_dim3A_951 = vector.broadcast %broadcast_in_dim3A_950 : i32 to vector<16xi32>
      %lt3A_952 = arith.constant 0 : i32
      %lt3A_953 = vector.broadcast %lt3A_952 : i32 to vector<16xi32>
      %lt3A_954 = arith.cmpi slt, %broadcast_in_dim3A_951, %lt3A_953 : vector<16xi32>
      %add3A_955 = arith.constant 16 : i32
      %add3A_956 = vector.broadcast %add3A_955 : i32 to vector<16xi32>
      %add3A_957 = arith.addi %broadcast_in_dim3A_951, %add3A_956 : vector<16xi32>
      %select_n3A_958 = arith.select %lt3A_954, %add3A_957, %broadcast_in_dim3A_951 : vector<16xi1>, vector<16xi32>
      %broadcast_in_dim3A_959 = vector.shape_cast %select_n3A_958 : vector<16xi32> to vector<16x1xi32>
      %gather3A_960 = vector.shape_cast %broadcast_in_dim3A_959 : vector<16x1xi32> to vector<16xi32>
      %gather3A_961 = tpu.dynamic_gather %get3A_709[%gather3A_960] in [0] : vector<16xi32>, vector<16xi32> -> vector<16xi32>
      %mul3A_962 = arith.constant 16 : i32
      %mul3A_963 = vector.broadcast %mul3A_962 : i32 to vector<16xi32>
      %mul3A_964 = arith.muli %gather3A_961, %mul3A_963 : vector<16xi32>
      %add3A_965 = arith.addi %mul3A_964, %iota3A : vector<16xi32>
      %gather3A_966 = tpu.vector_load_idx %arg6[%add3A_965] : memref<4096xi32, #tpu.memory_space<vmem>>[vector<16xi32>], vector<16xi32>,
      %mul3A_967 = arith.constant 16 : i32
      %mul3A_968 = arith.muli %add3A_705, %mul3A_967 : i32
      %add3A_969 = arith.constant 10 : i32
      %add3A_970 = arith.addi %mul3A_968, %add3A_969 : i32
      %swap3A_971 = arith.index_cast %add3A_970 : i32 to index
      %swap3A_972 = arith.constant 0 : index
      %swap3A_973 = tpu.vector_load %arg8[%swap3A_971, %swap3A_972] {strides = array<i32>} : memref<2048x16xi32, #tpu.memory_space<vmem>>, vector<16xi32>,
      tpu.vector_store %arg8[%swap3A_971, %swap3A_972], %gather3A_966 {strides = array<i32>} : memref<2048x16xi32, #tpu.memory_space<vmem>>, vector<16xi32>,
      %broadcast_in_dim3A_974 = arith.constant 11 : i32
      %broadcast_in_dim3A_975 = vector.broadcast %broadcast_in_dim3A_974 : i32 to vector<16xi32>
      %lt3A_976 = arith.constant 0 : i32
      %lt3A_977 = vector.broadcast %lt3A_976 : i32 to vector<16xi32>
      %lt3A_978 = arith.cmpi slt, %broadcast_in_dim3A_975, %lt3A_977 : vector<16xi32>
      %add3A_979 = arith.constant 16 : i32
      %add3A_980 = vector.broadcast %add3A_979 : i32 to vector<16xi32>
      %add3A_981 = arith.addi %broadcast_in_dim3A_975, %add3A_980 : vector<16xi32>
      %select_n3A_982 = arith.select %lt3A_978, %add3A_981, %broadcast_in_dim3A_975 : vector<16xi1>, vector<16xi32>
      %broadcast_in_dim3A_983 = vector.shape_cast %select_n3A_982 : vector<16xi32> to vector<16x1xi32>
      %gather3A_984 = vector.shape_cast %broadcast_in_dim3A_983 : vector<16x1xi32> to vector<16xi32>
      %gather3A_985 = tpu.dynamic_gather %get3A_709[%gather3A_984] in [0] : vector<16xi32>, vector<16xi32> -> vector<16xi32>
      %mul3A_986 = arith.constant 16 : i32
      %mul3A_987 = vector.broadcast %mul3A_986 : i32 to vector<16xi32>
      %mul3A_988 = arith.muli %gather3A_985, %mul3A_987 : vector<16xi32>
      %add3A_989 = arith.addi %mul3A_988, %iota3A : vector<16xi32>
      %gather3A_990 = tpu.vector_load_idx %arg6[%add3A_989] : memref<4096xi32, #tpu.memory_space<vmem>>[vector<16xi32>], vector<16xi32>,
      %mul3A_991 = arith.constant 16 : i32
      %mul3A_992 = arith.muli %add3A_705, %mul3A_991 : i32
      %add3A_993 = arith.constant 11 : i32
      %add3A_994 = arith.addi %mul3A_992, %add3A_993 : i32
      %swap3A_995 = arith.index_cast %add3A_994 : i32 to index
      %swap3A_996 = arith.constant 0 : index
      %swap3A_997 = tpu.vector_load %arg8[%swap3A_995, %swap3A_996] {strides = array<i32>} : memref<2048x16xi32, #tpu.memory_space<vmem>>, vector<16xi32>,
      tpu.vector_store %arg8[%swap3A_995, %swap3A_996], %gather3A_990 {strides = array<i32>} : memref<2048x16xi32, #tpu.memory_space<vmem>>, vector<16xi32>,
      %broadcast_in_dim3A_998 = arith.constant 12 : i32
      %broadcast_in_dim3A_999 = vector.broadcast %broadcast_in_dim3A_998 : i32 to vector<16xi32>
      %lt3A_1000 = arith.constant 0 : i32
      %lt3A_1001 = vector.broadcast %lt3A_1000 : i32 to vector<16xi32>
      %lt3A_1002 = arith.cmpi slt, %broadcast_in_dim3A_999, %lt3A_1001 : vector<16xi32>
      %add3A_1003 = arith.constant 16 : i32
      %add3A_1004 = vector.broadcast %add3A_1003 : i32 to vector<16xi32>
      %add3A_1005 = arith.addi %broadcast_in_dim3A_999, %add3A_1004 : vector<16xi32>
      %select_n3A_1006 = arith.select %lt3A_1002, %add3A_1005, %broadcast_in_dim3A_999 : vector<16xi1>, vector<16xi32>
      %broadcast_in_dim3A_1007 = vector.shape_cast %select_n3A_1006 : vector<16xi32> to vector<16x1xi32>
      %gather3A_1008 = vector.shape_cast %broadcast_in_dim3A_1007 : vector<16x1xi32> to vector<16xi32>
      %gather3A_1009 = tpu.dynamic_gather %get3A_709[%gather3A_1008] in [0] : vector<16xi32>, vector<16xi32> -> vector<16xi32>
      %mul3A_1010 = arith.constant 16 : i32
      %mul3A_1011 = vector.broadcast %mul3A_1010 : i32 to vector<16xi32>
      %mul3A_1012 = arith.muli %gather3A_1009, %mul3A_1011 : vector<16xi32>
      %add3A_1013 = arith.addi %mul3A_1012, %iota3A : vector<16xi32>
      %gather3A_1014 = tpu.vector_load_idx %arg6[%add3A_1013] : memref<4096xi32, #tpu.memory_space<vmem>>[vector<16xi32>], vector<16xi32>,
      %mul3A_1015 = arith.constant 16 : i32
      %mul3A_1016 = arith.muli %add3A_705, %mul3A_1015 : i32
      %add3A_1017 = arith.constant 12 : i32
      %add3A_1018 = arith.addi %mul3A_1016, %add3A_1017 : i32
      %swap3A_1019 = arith.index_cast %add3A_1018 : i32 to index
      %swap3A_1020 = arith.constant 0 : index
      %swap3A_1021 = tpu.vector_load %arg8[%swap3A_1019, %swap3A_1020] {strides = array<i32>} : memref<2048x16xi32, #tpu.memory_space<vmem>>, vector<16xi32>,
      tpu.vector_store %arg8[%swap3A_1019, %swap3A_1020], %gather3A_1014 {strides = array<i32>} : memref<2048x16xi32, #tpu.memory_space<vmem>>, vector<16xi32>,
      %broadcast_in_dim3A_1022 = arith.constant 13 : i32
      %broadcast_in_dim3A_1023 = vector.broadcast %broadcast_in_dim3A_1022 : i32 to vector<16xi32>
      %lt3A_1024 = arith.constant 0 : i32
      %lt3A_1025 = vector.broadcast %lt3A_1024 : i32 to vector<16xi32>
      %lt3A_1026 = arith.cmpi slt, %broadcast_in_dim3A_1023, %lt3A_1025 : vector<16xi32>
      %add3A_1027 = arith.constant 16 : i32
      %add3A_1028 = vector.broadcast %add3A_1027 : i32 to vector<16xi32>
      %add3A_1029 = arith.addi %broadcast_in_dim3A_1023, %add3A_1028 : vector<16xi32>
      %select_n3A_1030 = arith.select %lt3A_1026, %add3A_1029, %broadcast_in_dim3A_1023 : vector<16xi1>, vector<16xi32>
      %broadcast_in_dim3A_1031 = vector.shape_cast %select_n3A_1030 : vector<16xi32> to vector<16x1xi32>
      %gather3A_1032 = vector.shape_cast %broadcast_in_dim3A_1031 : vector<16x1xi32> to vector<16xi32>
      %gather3A_1033 = tpu.dynamic_gather %get3A_709[%gather3A_1032] in [0] : vector<16xi32>, vector<16xi32> -> vector<16xi32>
      %mul3A_1034 = arith.constant 16 : i32
      %mul3A_1035 = vector.broadcast %mul3A_1034 : i32 to vector<16xi32>
      %mul3A_1036 = arith.muli %gather3A_1033, %mul3A_1035 : vector<16xi32>
      %add3A_1037 = arith.addi %mul3A_1036, %iota3A : vector<16xi32>
      %gather3A_1038 = tpu.vector_load_idx %arg6[%add3A_1037] : memref<4096xi32, #tpu.memory_space<vmem>>[vector<16xi32>], vector<16xi32>,
      %mul3A_1039 = arith.constant 16 : i32
      %mul3A_1040 = arith.muli %add3A_705, %mul3A_1039 : i32
      %add3A_1041 = arith.constant 13 : i32
      %add3A_1042 = arith.addi %mul3A_1040, %add3A_1041 : i32
      %swap3A_1043 = arith.index_cast %add3A_1042 : i32 to index
      %swap3A_1044 = arith.constant 0 : index
      %swap3A_1045 = tpu.vector_load %arg8[%swap3A_1043, %swap3A_1044] {strides = array<i32>} : memref<2048x16xi32, #tpu.memory_space<vmem>>, vector<16xi32>,
      tpu.vector_store %arg8[%swap3A_1043, %swap3A_1044], %gather3A_1038 {strides = array<i32>} : memref<2048x16xi32, #tpu.memory_space<vmem>>, vector<16xi32>,
      %broadcast_in_dim3A_1046 = arith.constant 14 : i32
      %broadcast_in_dim3A_1047 = vector.broadcast %broadcast_in_dim3A_1046 : i32 to vector<16xi32>
      %lt3A_1048 = arith.constant 0 : i32
      %lt3A_1049 = vector.broadcast %lt3A_1048 : i32 to vector<16xi32>
      %lt3A_1050 = arith.cmpi slt, %broadcast_in_dim3A_1047, %lt3A_1049 : vector<16xi32>
      %add3A_1051 = arith.constant 16 : i32
      %add3A_1052 = vector.broadcast %add3A_1051 : i32 to vector<16xi32>
      %add3A_1053 = arith.addi %broadcast_in_dim3A_1047, %add3A_1052 : vector<16xi32>
      %select_n3A_1054 = arith.select %lt3A_1050, %add3A_1053, %broadcast_in_dim3A_1047 : vector<16xi1>, vector<16xi32>
      %broadcast_in_dim3A_1055 = vector.shape_cast %select_n3A_1054 : vector<16xi32> to vector<16x1xi32>
      %gather3A_1056 = vector.shape_cast %broadcast_in_dim3A_1055 : vector<16x1xi32> to vector<16xi32>
      %gather3A_1057 = tpu.dynamic_gather %get3A_709[%gather3A_1056] in [0] : vector<16xi32>, vector<16xi32> -> vector<16xi32>
      %mul3A_1058 = arith.constant 16 : i32
      %mul3A_1059 = vector.broadcast %mul3A_1058 : i32 to vector<16xi32>
      %mul3A_1060 = arith.muli %gather3A_1057, %mul3A_1059 : vector<16xi32>
      %add3A_1061 = arith.addi %mul3A_1060, %iota3A : vector<16xi32>
      %gather3A_1062 = tpu.vector_load_idx %arg6[%add3A_1061] : memref<4096xi32, #tpu.memory_space<vmem>>[vector<16xi32>], vector<16xi32>,
      %mul3A_1063 = arith.constant 16 : i32
      %mul3A_1064 = arith.muli %add3A_705, %mul3A_1063 : i32
      %add3A_1065 = arith.constant 14 : i32
      %add3A_1066 = arith.addi %mul3A_1064, %add3A_1065 : i32
      %swap3A_1067 = arith.index_cast %add3A_1066 : i32 to index
      %swap3A_1068 = arith.constant 0 : index
      %swap3A_1069 = tpu.vector_load %arg8[%swap3A_1067, %swap3A_1068] {strides = array<i32>} : memref<2048x16xi32, #tpu.memory_space<vmem>>, vector<16xi32>,
      tpu.vector_store %arg8[%swap3A_1067, %swap3A_1068], %gather3A_1062 {strides = array<i32>} : memref<2048x16xi32, #tpu.memory_space<vmem>>, vector<16xi32>,
      %broadcast_in_dim3A_1070 = arith.constant 15 : i32
      %broadcast_in_dim3A_1071 = vector.broadcast %broadcast_in_dim3A_1070 : i32 to vector<16xi32>
      %lt3A_1072 = arith.constant 0 : i32
      %lt3A_1073 = vector.broadcast %lt3A_1072 : i32 to vector<16xi32>
      %lt3A_1074 = arith.cmpi slt, %broadcast_in_dim3A_1071, %lt3A_1073 : vector<16xi32>
      %add3A_1075 = arith.constant 16 : i32
      %add3A_1076 = vector.broadcast %add3A_1075 : i32 to vector<16xi32>
      %add3A_1077 = arith.addi %broadcast_in_dim3A_1071, %add3A_1076 : vector<16xi32>
      %select_n3A_1078 = arith.select %lt3A_1074, %add3A_1077, %broadcast_in_dim3A_1071 : vector<16xi1>, vector<16xi32>
      %broadcast_in_dim3A_1079 = vector.shape_cast %select_n3A_1078 : vector<16xi32> to vector<16x1xi32>
      %gather3A_1080 = vector.shape_cast %broadcast_in_dim3A_1079 : vector<16x1xi32> to vector<16xi32>
      %gather3A_1081 = tpu.dynamic_gather %get3A_709[%gather3A_1080] in [0] : vector<16xi32>, vector<16xi32> -> vector<16xi32>
      %mul3A_1082 = arith.constant 16 : i32
      %mul3A_1083 = vector.broadcast %mul3A_1082 : i32 to vector<16xi32>
      %mul3A_1084 = arith.muli %gather3A_1081, %mul3A_1083 : vector<16xi32>
      %add3A_1085 = arith.addi %mul3A_1084, %iota3A : vector<16xi32>
      %gather3A_1086 = tpu.vector_load_idx %arg6[%add3A_1085] : memref<4096xi32, #tpu.memory_space<vmem>>[vector<16xi32>], vector<16xi32>,
      %mul3A_1087 = arith.constant 16 : i32
      %mul3A_1088 = arith.muli %add3A_705, %mul3A_1087 : i32
      %add3A_1089 = arith.constant 15 : i32
      %add3A_1090 = arith.addi %mul3A_1088, %add3A_1089 : i32
      %swap3A_1091 = arith.index_cast %add3A_1090 : i32 to index
      %swap3A_1092 = arith.constant 0 : index
      %swap3A_1093 = tpu.vector_load %arg8[%swap3A_1091, %swap3A_1092] {strides = array<i32>} : memref<2048x16xi32, #tpu.memory_space<vmem>>, vector<16xi32>,
      tpu.vector_store %arg8[%swap3A_1091, %swap3A_1092], %gather3A_1086 {strides = array<i32>} : memref<2048x16xi32, #tpu.memory_space<vmem>>, vector<16xi32>,
    }
    %scan3A_70 = arith.constant 16 : i32
    %add3A_71 = arith.constant 1024 : i32
    %add3A_72 = arith.addi %mul3A_2, %add3A_71 : i32
    %dma_start3A_73 = arith.constant 1024 : i32
    %dma_start3A_74 = arith.constant 0 : i32
    %dma_start3A_75 = tpu.memref_slice %arg8[%dma_start3A_73, %dma_start3A_74] : memref<2048x16xi32, #tpu.memory_space<vmem>> -> memref<256x16xi32, #tpu.memory_space<vmem>>
    %dma_start3A_76 = arith.constant 0 : i32
    %dma_start3A_77 = tpu.memref_slice %arg5[%add3A_72, %dma_start3A_76] : memref<65536x16xi32, #tpu.memory_space<hbm>> -> memref<256x16xi32, #tpu.memory_space<hbm>>
    %dma_start3A_78 = arith.constant 0 : i32
    %dma_start3A_79 = tpu.memref_slice %arg5[%add3A_72, %dma_start3A_78] : memref<65536x16xi32, #tpu.memory_space<hbm>> -> memref<256x16xi32, #tpu.memory_space<hbm>>
    %dma_start3A_80 = arith.constant 1024 : i32
    %dma_start3A_81 = arith.constant 0 : i32
    %dma_start3A_82 = tpu.memref_slice %arg8[%dma_start3A_80, %dma_start3A_81] : memref<2048x16xi32, #tpu.memory_space<vmem>> -> memref<256x16xi32, #tpu.memory_space<vmem>>
    tpu.enqueue_dma source(%dma_start3A_82 : memref<256x16xi32, #tpu.memory_space<vmem>>) target(%dma_start3A_79 : memref<256x16xi32, #tpu.memory_space<hbm>>) target_semaphore(%arg10 : memref<!tpu.dma_semaphore, #tpu.memory_space<semaphore_mem>>)
    %scan3A_83 = arith.constant 0 : i32
    %scan3A_84 = arith.constant 16 : i32
    %scan3A_85 = arith.addi %scan3A_83, %scan3A_84 : i32
    %scan3A_86 = arith.constant 2 : i32
    scf.for %scan3A_313 = %scan3A_83 to %scan3A_85 step %scan3A_86  : i32 {
      %mul3A_314 = arith.constant 1 : i32
      %mul3A_315 = arith.muli %scan3A_313, %mul3A_314 : i32
      %add3A_316 = arith.constant 80 : i32
      %add3A_317 = arith.addi %add3A_316, %mul3A_315 : i32
      %mul3A_318 = arith.constant 16 : i32
      %mul3A_319 = arith.muli %add3A_317, %mul3A_318 : i32
      %get3A = arith.index_cast %mul3A_319 : i32 to index
      %get3A_320 = tpu.vector_load %arg7[%get3A] {strides = array<i32>} : memref<2048xi32, #tpu.memory_space<vmem>>, vector<16xi32>,
      %broadcast_in_dim3A = arith.constant 0 : i32
      %broadcast_in_dim3A_321 = vector.broadcast %broadcast_in_dim3A : i32 to vector<16xi32>
      %lt3A = arith.constant 0 : i32
      %lt3A_322 = vector.broadcast %lt3A : i32 to vector<16xi32>
      %lt3A_323 = arith.cmpi slt, %broadcast_in_dim3A_321, %lt3A_322 : vector<16xi32>
      %add3A_324 = arith.constant 16 : i32
      %add3A_325 = vector.broadcast %add3A_324 : i32 to vector<16xi32>
      %add3A_326 = arith.addi %broadcast_in_dim3A_321, %add3A_325 : vector<16xi32>
      %select_n3A = arith.select %lt3A_323, %add3A_326, %broadcast_in_dim3A_321 : vector<16xi1>, vector<16xi32>
      %broadcast_in_dim3A_327 = vector.shape_cast %select_n3A : vector<16xi32> to vector<16x1xi32>
      %gather3A = vector.shape_cast %broadcast_in_dim3A_327 : vector<16x1xi32> to vector<16xi32>
      %gather3A_328 = tpu.dynamic_gather %get3A_320[%gather3A] in [0] : vector<16xi32>, vector<16xi32> -> vector<16xi32>
      %mul3A_329 = arith.constant 16 : i32
      %mul3A_330 = vector.broadcast %mul3A_329 : i32 to vector<16xi32>
      %mul3A_331 = arith.muli %gather3A_328, %mul3A_330 : vector<16xi32>
      %add3A_332 = arith.addi %mul3A_331, %iota3A : vector<16xi32>
      %gather3A_333 = tpu.vector_load_idx %arg6[%add3A_332] : memref<4096xi32, #tpu.memory_space<vmem>>[vector<16xi32>], vector<16xi32>,
      %mul3A_334 = arith.constant 16 : i32
      %mul3A_335 = arith.muli %add3A_317, %mul3A_334 : i32
      %add3A_336 = arith.constant 0 : i32
      %add3A_337 = arith.addi %mul3A_335, %add3A_336 : i32
      %swap3A = arith.index_cast %add3A_337 : i32 to index
      %swap3A_338 = arith.constant 0 : index
      %swap3A_339 = tpu.vector_load %arg8[%swap3A, %swap3A_338] {strides = array<i32>} : memref<2048x16xi32, #tpu.memory_space<vmem>>, vector<16xi32>,
      tpu.vector_store %arg8[%swap3A, %swap3A_338], %gather3A_333 {strides = array<i32>} : memref<2048x16xi32, #tpu.memory_space<vmem>>, vector<16xi32>,
      %broadcast_in_dim3A_340 = arith.constant 1 : i32
      %broadcast_in_dim3A_341 = vector.broadcast %broadcast_in_dim3A_340 : i32 to vector<16xi32>
      %lt3A_342 = arith.constant 0 : i32
      %lt3A_343 = vector.broadcast %lt3A_342 : i32 to vector<16xi32>
      %lt3A_344 = arith.cmpi slt, %broadcast_in_dim3A_341, %lt3A_343 : vector<16xi32>
      %add3A_345 = arith.constant 16 : i32
      %add3A_346 = vector.broadcast %add3A_345 : i32 to vector<16xi32>
      %add3A_347 = arith.addi %broadcast_in_dim3A_341, %add3A_346 : vector<16xi32>
      %select_n3A_348 = arith.select %lt3A_344, %add3A_347, %broadcast_in_dim3A_341 : vector<16xi1>, vector<16xi32>
      %broadcast_in_dim3A_349 = vector.shape_cast %select_n3A_348 : vector<16xi32> to vector<16x1xi32>
      %gather3A_350 = vector.shape_cast %broadcast_in_dim3A_349 : vector<16x1xi32> to vector<16xi32>
      %gather3A_351 = tpu.dynamic_gather %get3A_320[%gather3A_350] in [0] : vector<16xi32>, vector<16xi32> -> vector<16xi32>
      %mul3A_352 = arith.constant 16 : i32
      %mul3A_353 = vector.broadcast %mul3A_352 : i32 to vector<16xi32>
      %mul3A_354 = arith.muli %gather3A_351, %mul3A_353 : vector<16xi32>
      %add3A_355 = arith.addi %mul3A_354, %iota3A : vector<16xi32>
      %gather3A_356 = tpu.vector_load_idx %arg6[%add3A_355] : memref<4096xi32, #tpu.memory_space<vmem>>[vector<16xi32>], vector<16xi32>,
      %mul3A_357 = arith.constant 16 : i32
      %mul3A_358 = arith.muli %add3A_317, %mul3A_357 : i32
      %add3A_359 = arith.constant 1 : i32
      %add3A_360 = arith.addi %mul3A_358, %add3A_359 : i32
      %swap3A_361 = arith.index_cast %add3A_360 : i32 to index
      %swap3A_362 = arith.constant 0 : index
      %swap3A_363 = tpu.vector_load %arg8[%swap3A_361, %swap3A_362] {strides = array<i32>} : memref<2048x16xi32, #tpu.memory_space<vmem>>, vector<16xi32>,
      tpu.vector_store %arg8[%swap3A_361, %swap3A_362], %gather3A_356 {strides = array<i32>} : memref<2048x16xi32, #tpu.memory_space<vmem>>, vector<16xi32>,
      %broadcast_in_dim3A_364 = arith.constant 2 : i32
      %broadcast_in_dim3A_365 = vector.broadcast %broadcast_in_dim3A_364 : i32 to vector<16xi32>
      %lt3A_366 = arith.constant 0 : i32
      %lt3A_367 = vector.broadcast %lt3A_366 : i32 to vector<16xi32>
      %lt3A_368 = arith.cmpi slt, %broadcast_in_dim3A_365, %lt3A_367 : vector<16xi32>
      %add3A_369 = arith.constant 16 : i32
      %add3A_370 = vector.broadcast %add3A_369 : i32 to vector<16xi32>
      %add3A_371 = arith.addi %broadcast_in_dim3A_365, %add3A_370 : vector<16xi32>
      %select_n3A_372 = arith.select %lt3A_368, %add3A_371, %broadcast_in_dim3A_365 : vector<16xi1>, vector<16xi32>
      %broadcast_in_dim3A_373 = vector.shape_cast %select_n3A_372 : vector<16xi32> to vector<16x1xi32>
      %gather3A_374 = vector.shape_cast %broadcast_in_dim3A_373 : vector<16x1xi32> to vector<16xi32>
      %gather3A_375 = tpu.dynamic_gather %get3A_320[%gather3A_374] in [0] : vector<16xi32>, vector<16xi32> -> vector<16xi32>
      %mul3A_376 = arith.constant 16 : i32
      %mul3A_377 = vector.broadcast %mul3A_376 : i32 to vector<16xi32>
      %mul3A_378 = arith.muli %gather3A_375, %mul3A_377 : vector<16xi32>
      %add3A_379 = arith.addi %mul3A_378, %iota3A : vector<16xi32>
      %gather3A_380 = tpu.vector_load_idx %arg6[%add3A_379] : memref<4096xi32, #tpu.memory_space<vmem>>[vector<16xi32>], vector<16xi32>,
      %mul3A_381 = arith.constant 16 : i32
      %mul3A_382 = arith.muli %add3A_317, %mul3A_381 : i32
      %add3A_383 = arith.constant 2 : i32
      %add3A_384 = arith.addi %mul3A_382, %add3A_383 : i32
      %swap3A_385 = arith.index_cast %add3A_384 : i32 to index
      %swap3A_386 = arith.constant 0 : index
      %swap3A_387 = tpu.vector_load %arg8[%swap3A_385, %swap3A_386] {strides = array<i32>} : memref<2048x16xi32, #tpu.memory_space<vmem>>, vector<16xi32>,
      tpu.vector_store %arg8[%swap3A_385, %swap3A_386], %gather3A_380 {strides = array<i32>} : memref<2048x16xi32, #tpu.memory_space<vmem>>, vector<16xi32>,
      %broadcast_in_dim3A_388 = arith.constant 3 : i32
      %broadcast_in_dim3A_389 = vector.broadcast %broadcast_in_dim3A_388 : i32 to vector<16xi32>
      %lt3A_390 = arith.constant 0 : i32
      %lt3A_391 = vector.broadcast %lt3A_390 : i32 to vector<16xi32>
      %lt3A_392 = arith.cmpi slt, %broadcast_in_dim3A_389, %lt3A_391 : vector<16xi32>
      %add3A_393 = arith.constant 16 : i32
      %add3A_394 = vector.broadcast %add3A_393 : i32 to vector<16xi32>
      %add3A_395 = arith.addi %broadcast_in_dim3A_389, %add3A_394 : vector<16xi32>
      %select_n3A_396 = arith.select %lt3A_392, %add3A_395, %broadcast_in_dim3A_389 : vector<16xi1>, vector<16xi32>
      %broadcast_in_dim3A_397 = vector.shape_cast %select_n3A_396 : vector<16xi32> to vector<16x1xi32>
      %gather3A_398 = vector.shape_cast %broadcast_in_dim3A_397 : vector<16x1xi32> to vector<16xi32>
      %gather3A_399 = tpu.dynamic_gather %get3A_320[%gather3A_398] in [0] : vector<16xi32>, vector<16xi32> -> vector<16xi32>
      %mul3A_400 = arith.constant 16 : i32
      %mul3A_401 = vector.broadcast %mul3A_400 : i32 to vector<16xi32>
      %mul3A_402 = arith.muli %gather3A_399, %mul3A_401 : vector<16xi32>
      %add3A_403 = arith.addi %mul3A_402, %iota3A : vector<16xi32>
      %gather3A_404 = tpu.vector_load_idx %arg6[%add3A_403] : memref<4096xi32, #tpu.memory_space<vmem>>[vector<16xi32>], vector<16xi32>,
      %mul3A_405 = arith.constant 16 : i32
      %mul3A_406 = arith.muli %add3A_317, %mul3A_405 : i32
      %add3A_407 = arith.constant 3 : i32
      %add3A_408 = arith.addi %mul3A_406, %add3A_407 : i32
      %swap3A_409 = arith.index_cast %add3A_408 : i32 to index
      %swap3A_410 = arith.constant 0 : index
      %swap3A_411 = tpu.vector_load %arg8[%swap3A_409, %swap3A_410] {strides = array<i32>} : memref<2048x16xi32, #tpu.memory_space<vmem>>, vector<16xi32>,
      tpu.vector_store %arg8[%swap3A_409, %swap3A_410], %gather3A_404 {strides = array<i32>} : memref<2048x16xi32, #tpu.memory_space<vmem>>, vector<16xi32>,
      %broadcast_in_dim3A_412 = arith.constant 4 : i32
      %broadcast_in_dim3A_413 = vector.broadcast %broadcast_in_dim3A_412 : i32 to vector<16xi32>
      %lt3A_414 = arith.constant 0 : i32
      %lt3A_415 = vector.broadcast %lt3A_414 : i32 to vector<16xi32>
      %lt3A_416 = arith.cmpi slt, %broadcast_in_dim3A_413, %lt3A_415 : vector<16xi32>
      %add3A_417 = arith.constant 16 : i32
      %add3A_418 = vector.broadcast %add3A_417 : i32 to vector<16xi32>
      %add3A_419 = arith.addi %broadcast_in_dim3A_413, %add3A_418 : vector<16xi32>
      %select_n3A_420 = arith.select %lt3A_416, %add3A_419, %broadcast_in_dim3A_413 : vector<16xi1>, vector<16xi32>
      %broadcast_in_dim3A_421 = vector.shape_cast %select_n3A_420 : vector<16xi32> to vector<16x1xi32>
      %gather3A_422 = vector.shape_cast %broadcast_in_dim3A_421 : vector<16x1xi32> to vector<16xi32>
      %gather3A_423 = tpu.dynamic_gather %get3A_320[%gather3A_422] in [0] : vector<16xi32>, vector<16xi32> -> vector<16xi32>
      %mul3A_424 = arith.constant 16 : i32
      %mul3A_425 = vector.broadcast %mul3A_424 : i32 to vector<16xi32>
      %mul3A_426 = arith.muli %gather3A_423, %mul3A_425 : vector<16xi32>
      %add3A_427 = arith.addi %mul3A_426, %iota3A : vector<16xi32>
      %gather3A_428 = tpu.vector_load_idx %arg6[%add3A_427] : memref<4096xi32, #tpu.memory_space<vmem>>[vector<16xi32>], vector<16xi32>,
      %mul3A_429 = arith.constant 16 : i32
      %mul3A_430 = arith.muli %add3A_317, %mul3A_429 : i32
      %add3A_431 = arith.constant 4 : i32
      %add3A_432 = arith.addi %mul3A_430, %add3A_431 : i32
      %swap3A_433 = arith.index_cast %add3A_432 : i32 to index
      %swap3A_434 = arith.constant 0 : index
      %swap3A_435 = tpu.vector_load %arg8[%swap3A_433, %swap3A_434] {strides = array<i32>} : memref<2048x16xi32, #tpu.memory_space<vmem>>, vector<16xi32>,
      tpu.vector_store %arg8[%swap3A_433, %swap3A_434], %gather3A_428 {strides = array<i32>} : memref<2048x16xi32, #tpu.memory_space<vmem>>, vector<16xi32>,
      %broadcast_in_dim3A_436 = arith.constant 5 : i32
      %broadcast_in_dim3A_437 = vector.broadcast %broadcast_in_dim3A_436 : i32 to vector<16xi32>
      %lt3A_438 = arith.constant 0 : i32
      %lt3A_439 = vector.broadcast %lt3A_438 : i32 to vector<16xi32>
      %lt3A_440 = arith.cmpi slt, %broadcast_in_dim3A_437, %lt3A_439 : vector<16xi32>
      %add3A_441 = arith.constant 16 : i32
      %add3A_442 = vector.broadcast %add3A_441 : i32 to vector<16xi32>
      %add3A_443 = arith.addi %broadcast_in_dim3A_437, %add3A_442 : vector<16xi32>
      %select_n3A_444 = arith.select %lt3A_440, %add3A_443, %broadcast_in_dim3A_437 : vector<16xi1>, vector<16xi32>
      %broadcast_in_dim3A_445 = vector.shape_cast %select_n3A_444 : vector<16xi32> to vector<16x1xi32>
      %gather3A_446 = vector.shape_cast %broadcast_in_dim3A_445 : vector<16x1xi32> to vector<16xi32>
      %gather3A_447 = tpu.dynamic_gather %get3A_320[%gather3A_446] in [0] : vector<16xi32>, vector<16xi32> -> vector<16xi32>
      %mul3A_448 = arith.constant 16 : i32
      %mul3A_449 = vector.broadcast %mul3A_448 : i32 to vector<16xi32>
      %mul3A_450 = arith.muli %gather3A_447, %mul3A_449 : vector<16xi32>
      %add3A_451 = arith.addi %mul3A_450, %iota3A : vector<16xi32>
      %gather3A_452 = tpu.vector_load_idx %arg6[%add3A_451] : memref<4096xi32, #tpu.memory_space<vmem>>[vector<16xi32>], vector<16xi32>,
      %mul3A_453 = arith.constant 16 : i32
      %mul3A_454 = arith.muli %add3A_317, %mul3A_453 : i32
      %add3A_455 = arith.constant 5 : i32
      %add3A_456 = arith.addi %mul3A_454, %add3A_455 : i32
      %swap3A_457 = arith.index_cast %add3A_456 : i32 to index
      %swap3A_458 = arith.constant 0 : index
      %swap3A_459 = tpu.vector_load %arg8[%swap3A_457, %swap3A_458] {strides = array<i32>} : memref<2048x16xi32, #tpu.memory_space<vmem>>, vector<16xi32>,
      tpu.vector_store %arg8[%swap3A_457, %swap3A_458], %gather3A_452 {strides = array<i32>} : memref<2048x16xi32, #tpu.memory_space<vmem>>, vector<16xi32>,
      %broadcast_in_dim3A_460 = arith.constant 6 : i32
      %broadcast_in_dim3A_461 = vector.broadcast %broadcast_in_dim3A_460 : i32 to vector<16xi32>
      %lt3A_462 = arith.constant 0 : i32
      %lt3A_463 = vector.broadcast %lt3A_462 : i32 to vector<16xi32>
      %lt3A_464 = arith.cmpi slt, %broadcast_in_dim3A_461, %lt3A_463 : vector<16xi32>
      %add3A_465 = arith.constant 16 : i32
      %add3A_466 = vector.broadcast %add3A_465 : i32 to vector<16xi32>
      %add3A_467 = arith.addi %broadcast_in_dim3A_461, %add3A_466 : vector<16xi32>
      %select_n3A_468 = arith.select %lt3A_464, %add3A_467, %broadcast_in_dim3A_461 : vector<16xi1>, vector<16xi32>
      %broadcast_in_dim3A_469 = vector.shape_cast %select_n3A_468 : vector<16xi32> to vector<16x1xi32>
      %gather3A_470 = vector.shape_cast %broadcast_in_dim3A_469 : vector<16x1xi32> to vector<16xi32>
      %gather3A_471 = tpu.dynamic_gather %get3A_320[%gather3A_470] in [0] : vector<16xi32>, vector<16xi32> -> vector<16xi32>
      %mul3A_472 = arith.constant 16 : i32
      %mul3A_473 = vector.broadcast %mul3A_472 : i32 to vector<16xi32>
      %mul3A_474 = arith.muli %gather3A_471, %mul3A_473 : vector<16xi32>
      %add3A_475 = arith.addi %mul3A_474, %iota3A : vector<16xi32>
      %gather3A_476 = tpu.vector_load_idx %arg6[%add3A_475] : memref<4096xi32, #tpu.memory_space<vmem>>[vector<16xi32>], vector<16xi32>,
      %mul3A_477 = arith.constant 16 : i32
      %mul3A_478 = arith.muli %add3A_317, %mul3A_477 : i32
      %add3A_479 = arith.constant 6 : i32
      %add3A_480 = arith.addi %mul3A_478, %add3A_479 : i32
      %swap3A_481 = arith.index_cast %add3A_480 : i32 to index
      %swap3A_482 = arith.constant 0 : index
      %swap3A_483 = tpu.vector_load %arg8[%swap3A_481, %swap3A_482] {strides = array<i32>} : memref<2048x16xi32, #tpu.memory_space<vmem>>, vector<16xi32>,
      tpu.vector_store %arg8[%swap3A_481, %swap3A_482], %gather3A_476 {strides = array<i32>} : memref<2048x16xi32, #tpu.memory_space<vmem>>, vector<16xi32>,
      %broadcast_in_dim3A_484 = arith.constant 7 : i32
      %broadcast_in_dim3A_485 = vector.broadcast %broadcast_in_dim3A_484 : i32 to vector<16xi32>
      %lt3A_486 = arith.constant 0 : i32
      %lt3A_487 = vector.broadcast %lt3A_486 : i32 to vector<16xi32>
      %lt3A_488 = arith.cmpi slt, %broadcast_in_dim3A_485, %lt3A_487 : vector<16xi32>
      %add3A_489 = arith.constant 16 : i32
      %add3A_490 = vector.broadcast %add3A_489 : i32 to vector<16xi32>
      %add3A_491 = arith.addi %broadcast_in_dim3A_485, %add3A_490 : vector<16xi32>
      %select_n3A_492 = arith.select %lt3A_488, %add3A_491, %broadcast_in_dim3A_485 : vector<16xi1>, vector<16xi32>
      %broadcast_in_dim3A_493 = vector.shape_cast %select_n3A_492 : vector<16xi32> to vector<16x1xi32>
      %gather3A_494 = vector.shape_cast %broadcast_in_dim3A_493 : vector<16x1xi32> to vector<16xi32>
      %gather3A_495 = tpu.dynamic_gather %get3A_320[%gather3A_494] in [0] : vector<16xi32>, vector<16xi32> -> vector<16xi32>
      %mul3A_496 = arith.constant 16 : i32
      %mul3A_497 = vector.broadcast %mul3A_496 : i32 to vector<16xi32>
      %mul3A_498 = arith.muli %gather3A_495, %mul3A_497 : vector<16xi32>
      %add3A_499 = arith.addi %mul3A_498, %iota3A : vector<16xi32>
      %gather3A_500 = tpu.vector_load_idx %arg6[%add3A_499] : memref<4096xi32, #tpu.memory_space<vmem>>[vector<16xi32>], vector<16xi32>,
      %mul3A_501 = arith.constant 16 : i32
      %mul3A_502 = arith.muli %add3A_317, %mul3A_501 : i32
      %add3A_503 = arith.constant 7 : i32
      %add3A_504 = arith.addi %mul3A_502, %add3A_503 : i32
      %swap3A_505 = arith.index_cast %add3A_504 : i32 to index
      %swap3A_506 = arith.constant 0 : index
      %swap3A_507 = tpu.vector_load %arg8[%swap3A_505, %swap3A_506] {strides = array<i32>} : memref<2048x16xi32, #tpu.memory_space<vmem>>, vector<16xi32>,
      tpu.vector_store %arg8[%swap3A_505, %swap3A_506], %gather3A_500 {strides = array<i32>} : memref<2048x16xi32, #tpu.memory_space<vmem>>, vector<16xi32>,
      %broadcast_in_dim3A_508 = arith.constant 8 : i32
      %broadcast_in_dim3A_509 = vector.broadcast %broadcast_in_dim3A_508 : i32 to vector<16xi32>
      %lt3A_510 = arith.constant 0 : i32
      %lt3A_511 = vector.broadcast %lt3A_510 : i32 to vector<16xi32>
      %lt3A_512 = arith.cmpi slt, %broadcast_in_dim3A_509, %lt3A_511 : vector<16xi32>
      %add3A_513 = arith.constant 16 : i32
      %add3A_514 = vector.broadcast %add3A_513 : i32 to vector<16xi32>
      %add3A_515 = arith.addi %broadcast_in_dim3A_509, %add3A_514 : vector<16xi32>
      %select_n3A_516 = arith.select %lt3A_512, %add3A_515, %broadcast_in_dim3A_509 : vector<16xi1>, vector<16xi32>
      %broadcast_in_dim3A_517 = vector.shape_cast %select_n3A_516 : vector<16xi32> to vector<16x1xi32>
      %gather3A_518 = vector.shape_cast %broadcast_in_dim3A_517 : vector<16x1xi32> to vector<16xi32>
      %gather3A_519 = tpu.dynamic_gather %get3A_320[%gather3A_518] in [0] : vector<16xi32>, vector<16xi32> -> vector<16xi32>
      %mul3A_520 = arith.constant 16 : i32
      %mul3A_521 = vector.broadcast %mul3A_520 : i32 to vector<16xi32>
      %mul3A_522 = arith.muli %gather3A_519, %mul3A_521 : vector<16xi32>
      %add3A_523 = arith.addi %mul3A_522, %iota3A : vector<16xi32>
      %gather3A_524 = tpu.vector_load_idx %arg6[%add3A_523] : memref<4096xi32, #tpu.memory_space<vmem>>[vector<16xi32>], vector<16xi32>,
      %mul3A_525 = arith.constant 16 : i32
      %mul3A_526 = arith.muli %add3A_317, %mul3A_525 : i32
      %add3A_527 = arith.constant 8 : i32
      %add3A_528 = arith.addi %mul3A_526, %add3A_527 : i32
      %swap3A_529 = arith.index_cast %add3A_528 : i32 to index
      %swap3A_530 = arith.constant 0 : index
      %swap3A_531 = tpu.vector_load %arg8[%swap3A_529, %swap3A_530] {strides = array<i32>} : memref<2048x16xi32, #tpu.memory_space<vmem>>, vector<16xi32>,
      tpu.vector_store %arg8[%swap3A_529, %swap3A_530], %gather3A_524 {strides = array<i32>} : memref<2048x16xi32, #tpu.memory_space<vmem>>, vector<16xi32>,
      %broadcast_in_dim3A_532 = arith.constant 9 : i32
      %broadcast_in_dim3A_533 = vector.broadcast %broadcast_in_dim3A_532 : i32 to vector<16xi32>
      %lt3A_534 = arith.constant 0 : i32
      %lt3A_535 = vector.broadcast %lt3A_534 : i32 to vector<16xi32>
      %lt3A_536 = arith.cmpi slt, %broadcast_in_dim3A_533, %lt3A_535 : vector<16xi32>
      %add3A_537 = arith.constant 16 : i32
      %add3A_538 = vector.broadcast %add3A_537 : i32 to vector<16xi32>
      %add3A_539 = arith.addi %broadcast_in_dim3A_533, %add3A_538 : vector<16xi32>
      %select_n3A_540 = arith.select %lt3A_536, %add3A_539, %broadcast_in_dim3A_533 : vector<16xi1>, vector<16xi32>
      %broadcast_in_dim3A_541 = vector.shape_cast %select_n3A_540 : vector<16xi32> to vector<16x1xi32>
      %gather3A_542 = vector.shape_cast %broadcast_in_dim3A_541 : vector<16x1xi32> to vector<16xi32>
      %gather3A_543 = tpu.dynamic_gather %get3A_320[%gather3A_542] in [0] : vector<16xi32>, vector<16xi32> -> vector<16xi32>
      %mul3A_544 = arith.constant 16 : i32
      %mul3A_545 = vector.broadcast %mul3A_544 : i32 to vector<16xi32>
      %mul3A_546 = arith.muli %gather3A_543, %mul3A_545 : vector<16xi32>
      %add3A_547 = arith.addi %mul3A_546, %iota3A : vector<16xi32>
      %gather3A_548 = tpu.vector_load_idx %arg6[%add3A_547] : memref<4096xi32, #tpu.memory_space<vmem>>[vector<16xi32>], vector<16xi32>,
      %mul3A_549 = arith.constant 16 : i32
      %mul3A_550 = arith.muli %add3A_317, %mul3A_549 : i32
      %add3A_551 = arith.constant 9 : i32
      %add3A_552 = arith.addi %mul3A_550, %add3A_551 : i32
      %swap3A_553 = arith.index_cast %add3A_552 : i32 to index
      %swap3A_554 = arith.constant 0 : index
      %swap3A_555 = tpu.vector_load %arg8[%swap3A_553, %swap3A_554] {strides = array<i32>} : memref<2048x16xi32, #tpu.memory_space<vmem>>, vector<16xi32>,
      tpu.vector_store %arg8[%swap3A_553, %swap3A_554], %gather3A_548 {strides = array<i32>} : memref<2048x16xi32, #tpu.memory_space<vmem>>, vector<16xi32>,
      %broadcast_in_dim3A_556 = arith.constant 10 : i32
      %broadcast_in_dim3A_557 = vector.broadcast %broadcast_in_dim3A_556 : i32 to vector<16xi32>
      %lt3A_558 = arith.constant 0 : i32
      %lt3A_559 = vector.broadcast %lt3A_558 : i32 to vector<16xi32>
      %lt3A_560 = arith.cmpi slt, %broadcast_in_dim3A_557, %lt3A_559 : vector<16xi32>
      %add3A_561 = arith.constant 16 : i32
      %add3A_562 = vector.broadcast %add3A_561 : i32 to vector<16xi32>
      %add3A_563 = arith.addi %broadcast_in_dim3A_557, %add3A_562 : vector<16xi32>
      %select_n3A_564 = arith.select %lt3A_560, %add3A_563, %broadcast_in_dim3A_557 : vector<16xi1>, vector<16xi32>
      %broadcast_in_dim3A_565 = vector.shape_cast %select_n3A_564 : vector<16xi32> to vector<16x1xi32>
      %gather3A_566 = vector.shape_cast %broadcast_in_dim3A_565 : vector<16x1xi32> to vector<16xi32>
      %gather3A_567 = tpu.dynamic_gather %get3A_320[%gather3A_566] in [0] : vector<16xi32>, vector<16xi32> -> vector<16xi32>
      %mul3A_568 = arith.constant 16 : i32
      %mul3A_569 = vector.broadcast %mul3A_568 : i32 to vector<16xi32>
      %mul3A_570 = arith.muli %gather3A_567, %mul3A_569 : vector<16xi32>
      %add3A_571 = arith.addi %mul3A_570, %iota3A : vector<16xi32>
      %gather3A_572 = tpu.vector_load_idx %arg6[%add3A_571] : memref<4096xi32, #tpu.memory_space<vmem>>[vector<16xi32>], vector<16xi32>,
      %mul3A_573 = arith.constant 16 : i32
      %mul3A_574 = arith.muli %add3A_317, %mul3A_573 : i32
      %add3A_575 = arith.constant 10 : i32
      %add3A_576 = arith.addi %mul3A_574, %add3A_575 : i32
      %swap3A_577 = arith.index_cast %add3A_576 : i32 to index
      %swap3A_578 = arith.constant 0 : index
      %swap3A_579 = tpu.vector_load %arg8[%swap3A_577, %swap3A_578] {strides = array<i32>} : memref<2048x16xi32, #tpu.memory_space<vmem>>, vector<16xi32>,
      tpu.vector_store %arg8[%swap3A_577, %swap3A_578], %gather3A_572 {strides = array<i32>} : memref<2048x16xi32, #tpu.memory_space<vmem>>, vector<16xi32>,
      %broadcast_in_dim3A_580 = arith.constant 11 : i32
      %broadcast_in_dim3A_581 = vector.broadcast %broadcast_in_dim3A_580 : i32 to vector<16xi32>
      %lt3A_582 = arith.constant 0 : i32
      %lt3A_583 = vector.broadcast %lt3A_582 : i32 to vector<16xi32>
      %lt3A_584 = arith.cmpi slt, %broadcast_in_dim3A_581, %lt3A_583 : vector<16xi32>
      %add3A_585 = arith.constant 16 : i32
      %add3A_586 = vector.broadcast %add3A_585 : i32 to vector<16xi32>
      %add3A_587 = arith.addi %broadcast_in_dim3A_581, %add3A_586 : vector<16xi32>
      %select_n3A_588 = arith.select %lt3A_584, %add3A_587, %broadcast_in_dim3A_581 : vector<16xi1>, vector<16xi32>
      %broadcast_in_dim3A_589 = vector.shape_cast %select_n3A_588 : vector<16xi32> to vector<16x1xi32>
      %gather3A_590 = vector.shape_cast %broadcast_in_dim3A_589 : vector<16x1xi32> to vector<16xi32>
      %gather3A_591 = tpu.dynamic_gather %get3A_320[%gather3A_590] in [0] : vector<16xi32>, vector<16xi32> -> vector<16xi32>
      %mul3A_592 = arith.constant 16 : i32
      %mul3A_593 = vector.broadcast %mul3A_592 : i32 to vector<16xi32>
      %mul3A_594 = arith.muli %gather3A_591, %mul3A_593 : vector<16xi32>
      %add3A_595 = arith.addi %mul3A_594, %iota3A : vector<16xi32>
      %gather3A_596 = tpu.vector_load_idx %arg6[%add3A_595] : memref<4096xi32, #tpu.memory_space<vmem>>[vector<16xi32>], vector<16xi32>,
      %mul3A_597 = arith.constant 16 : i32
      %mul3A_598 = arith.muli %add3A_317, %mul3A_597 : i32
      %add3A_599 = arith.constant 11 : i32
      %add3A_600 = arith.addi %mul3A_598, %add3A_599 : i32
      %swap3A_601 = arith.index_cast %add3A_600 : i32 to index
      %swap3A_602 = arith.constant 0 : index
      %swap3A_603 = tpu.vector_load %arg8[%swap3A_601, %swap3A_602] {strides = array<i32>} : memref<2048x16xi32, #tpu.memory_space<vmem>>, vector<16xi32>,
      tpu.vector_store %arg8[%swap3A_601, %swap3A_602], %gather3A_596 {strides = array<i32>} : memref<2048x16xi32, #tpu.memory_space<vmem>>, vector<16xi32>,
      %broadcast_in_dim3A_604 = arith.constant 12 : i32
      %broadcast_in_dim3A_605 = vector.broadcast %broadcast_in_dim3A_604 : i32 to vector<16xi32>
      %lt3A_606 = arith.constant 0 : i32
      %lt3A_607 = vector.broadcast %lt3A_606 : i32 to vector<16xi32>
      %lt3A_608 = arith.cmpi slt, %broadcast_in_dim3A_605, %lt3A_607 : vector<16xi32>
      %add3A_609 = arith.constant 16 : i32
      %add3A_610 = vector.broadcast %add3A_609 : i32 to vector<16xi32>
      %add3A_611 = arith.addi %broadcast_in_dim3A_605, %add3A_610 : vector<16xi32>
      %select_n3A_612 = arith.select %lt3A_608, %add3A_611, %broadcast_in_dim3A_605 : vector<16xi1>, vector<16xi32>
      %broadcast_in_dim3A_613 = vector.shape_cast %select_n3A_612 : vector<16xi32> to vector<16x1xi32>
      %gather3A_614 = vector.shape_cast %broadcast_in_dim3A_613 : vector<16x1xi32> to vector<16xi32>
      %gather3A_615 = tpu.dynamic_gather %get3A_320[%gather3A_614] in [0] : vector<16xi32>, vector<16xi32> -> vector<16xi32>
      %mul3A_616 = arith.constant 16 : i32
      %mul3A_617 = vector.broadcast %mul3A_616 : i32 to vector<16xi32>
      %mul3A_618 = arith.muli %gather3A_615, %mul3A_617 : vector<16xi32>
      %add3A_619 = arith.addi %mul3A_618, %iota3A : vector<16xi32>
      %gather3A_620 = tpu.vector_load_idx %arg6[%add3A_619] : memref<4096xi32, #tpu.memory_space<vmem>>[vector<16xi32>], vector<16xi32>,
      %mul3A_621 = arith.constant 16 : i32
      %mul3A_622 = arith.muli %add3A_317, %mul3A_621 : i32
      %add3A_623 = arith.constant 12 : i32
      %add3A_624 = arith.addi %mul3A_622, %add3A_623 : i32
      %swap3A_625 = arith.index_cast %add3A_624 : i32 to index
      %swap3A_626 = arith.constant 0 : index
      %swap3A_627 = tpu.vector_load %arg8[%swap3A_625, %swap3A_626] {strides = array<i32>} : memref<2048x16xi32, #tpu.memory_space<vmem>>, vector<16xi32>,
      tpu.vector_store %arg8[%swap3A_625, %swap3A_626], %gather3A_620 {strides = array<i32>} : memref<2048x16xi32, #tpu.memory_space<vmem>>, vector<16xi32>,
      %broadcast_in_dim3A_628 = arith.constant 13 : i32
      %broadcast_in_dim3A_629 = vector.broadcast %broadcast_in_dim3A_628 : i32 to vector<16xi32>
      %lt3A_630 = arith.constant 0 : i32
      %lt3A_631 = vector.broadcast %lt3A_630 : i32 to vector<16xi32>
      %lt3A_632 = arith.cmpi slt, %broadcast_in_dim3A_629, %lt3A_631 : vector<16xi32>
      %add3A_633 = arith.constant 16 : i32
      %add3A_634 = vector.broadcast %add3A_633 : i32 to vector<16xi32>
      %add3A_635 = arith.addi %broadcast_in_dim3A_629, %add3A_634 : vector<16xi32>
      %select_n3A_636 = arith.select %lt3A_632, %add3A_635, %broadcast_in_dim3A_629 : vector<16xi1>, vector<16xi32>
      %broadcast_in_dim3A_637 = vector.shape_cast %select_n3A_636 : vector<16xi32> to vector<16x1xi32>
      %gather3A_638 = vector.shape_cast %broadcast_in_dim3A_637 : vector<16x1xi32> to vector<16xi32>
      %gather3A_639 = tpu.dynamic_gather %get3A_320[%gather3A_638] in [0] : vector<16xi32>, vector<16xi32> -> vector<16xi32>
      %mul3A_640 = arith.constant 16 : i32
      %mul3A_641 = vector.broadcast %mul3A_640 : i32 to vector<16xi32>
      %mul3A_642 = arith.muli %gather3A_639, %mul3A_641 : vector<16xi32>
      %add3A_643 = arith.addi %mul3A_642, %iota3A : vector<16xi32>
      %gather3A_644 = tpu.vector_load_idx %arg6[%add3A_643] : memref<4096xi32, #tpu.memory_space<vmem>>[vector<16xi32>], vector<16xi32>,
      %mul3A_645 = arith.constant 16 : i32
      %mul3A_646 = arith.muli %add3A_317, %mul3A_645 : i32
      %add3A_647 = arith.constant 13 : i32
      %add3A_648 = arith.addi %mul3A_646, %add3A_647 : i32
      %swap3A_649 = arith.index_cast %add3A_648 : i32 to index
      %swap3A_650 = arith.constant 0 : index
      %swap3A_651 = tpu.vector_load %arg8[%swap3A_649, %swap3A_650] {strides = array<i32>} : memref<2048x16xi32, #tpu.memory_space<vmem>>, vector<16xi32>,
      tpu.vector_store %arg8[%swap3A_649, %swap3A_650], %gather3A_644 {strides = array<i32>} : memref<2048x16xi32, #tpu.memory_space<vmem>>, vector<16xi32>,
      %broadcast_in_dim3A_652 = arith.constant 14 : i32
      %broadcast_in_dim3A_653 = vector.broadcast %broadcast_in_dim3A_652 : i32 to vector<16xi32>
      %lt3A_654 = arith.constant 0 : i32
      %lt3A_655 = vector.broadcast %lt3A_654 : i32 to vector<16xi32>
      %lt3A_656 = arith.cmpi slt, %broadcast_in_dim3A_653, %lt3A_655 : vector<16xi32>
      %add3A_657 = arith.constant 16 : i32
      %add3A_658 = vector.broadcast %add3A_657 : i32 to vector<16xi32>
      %add3A_659 = arith.addi %broadcast_in_dim3A_653, %add3A_658 : vector<16xi32>
      %select_n3A_660 = arith.select %lt3A_656, %add3A_659, %broadcast_in_dim3A_653 : vector<16xi1>, vector<16xi32>
      %broadcast_in_dim3A_661 = vector.shape_cast %select_n3A_660 : vector<16xi32> to vector<16x1xi32>
      %gather3A_662 = vector.shape_cast %broadcast_in_dim3A_661 : vector<16x1xi32> to vector<16xi32>
      %gather3A_663 = tpu.dynamic_gather %get3A_320[%gather3A_662] in [0] : vector<16xi32>, vector<16xi32> -> vector<16xi32>
      %mul3A_664 = arith.constant 16 : i32
      %mul3A_665 = vector.broadcast %mul3A_664 : i32 to vector<16xi32>
      %mul3A_666 = arith.muli %gather3A_663, %mul3A_665 : vector<16xi32>
      %add3A_667 = arith.addi %mul3A_666, %iota3A : vector<16xi32>
      %gather3A_668 = tpu.vector_load_idx %arg6[%add3A_667] : memref<4096xi32, #tpu.memory_space<vmem>>[vector<16xi32>], vector<16xi32>,
      %mul3A_669 = arith.constant 16 : i32
      %mul3A_670 = arith.muli %add3A_317, %mul3A_669 : i32
      %add3A_671 = arith.constant 14 : i32
      %add3A_672 = arith.addi %mul3A_670, %add3A_671 : i32
      %swap3A_673 = arith.index_cast %add3A_672 : i32 to index
      %swap3A_674 = arith.constant 0 : index
      %swap3A_675 = tpu.vector_load %arg8[%swap3A_673, %swap3A_674] {strides = array<i32>} : memref<2048x16xi32, #tpu.memory_space<vmem>>, vector<16xi32>,
      tpu.vector_store %arg8[%swap3A_673, %swap3A_674], %gather3A_668 {strides = array<i32>} : memref<2048x16xi32, #tpu.memory_space<vmem>>, vector<16xi32>,
      %broadcast_in_dim3A_676 = arith.constant 15 : i32
      %broadcast_in_dim3A_677 = vector.broadcast %broadcast_in_dim3A_676 : i32 to vector<16xi32>
      %lt3A_678 = arith.constant 0 : i32
      %lt3A_679 = vector.broadcast %lt3A_678 : i32 to vector<16xi32>
      %lt3A_680 = arith.cmpi slt, %broadcast_in_dim3A_677, %lt3A_679 : vector<16xi32>
      %add3A_681 = arith.constant 16 : i32
      %add3A_682 = vector.broadcast %add3A_681 : i32 to vector<16xi32>
      %add3A_683 = arith.addi %broadcast_in_dim3A_677, %add3A_682 : vector<16xi32>
      %select_n3A_684 = arith.select %lt3A_680, %add3A_683, %broadcast_in_dim3A_677 : vector<16xi1>, vector<16xi32>
      %broadcast_in_dim3A_685 = vector.shape_cast %select_n3A_684 : vector<16xi32> to vector<16x1xi32>
      %gather3A_686 = vector.shape_cast %broadcast_in_dim3A_685 : vector<16x1xi32> to vector<16xi32>
      %gather3A_687 = tpu.dynamic_gather %get3A_320[%gather3A_686] in [0] : vector<16xi32>, vector<16xi32> -> vector<16xi32>
      %mul3A_688 = arith.constant 16 : i32
      %mul3A_689 = vector.broadcast %mul3A_688 : i32 to vector<16xi32>
      %mul3A_690 = arith.muli %gather3A_687, %mul3A_689 : vector<16xi32>
      %add3A_691 = arith.addi %mul3A_690, %iota3A : vector<16xi32>
      %gather3A_692 = tpu.vector_load_idx %arg6[%add3A_691] : memref<4096xi32, #tpu.memory_space<vmem>>[vector<16xi32>], vector<16xi32>,
      %mul3A_693 = arith.constant 16 : i32
      %mul3A_694 = arith.muli %add3A_317, %mul3A_693 : i32
      %add3A_695 = arith.constant 15 : i32
      %add3A_696 = arith.addi %mul3A_694, %add3A_695 : i32
      %swap3A_697 = arith.index_cast %add3A_696 : i32 to index
      %swap3A_698 = arith.constant 0 : index
      %swap3A_699 = tpu.vector_load %arg8[%swap3A_697, %swap3A_698] {strides = array<i32>} : memref<2048x16xi32, #tpu.memory_space<vmem>>, vector<16xi32>,
      tpu.vector_store %arg8[%swap3A_697, %swap3A_698], %gather3A_692 {strides = array<i32>} : memref<2048x16xi32, #tpu.memory_space<vmem>>, vector<16xi32>,
      %scan3A_700 = arith.constant 1 : i32
      %scan3A_701 = arith.addi %scan3A_313, %scan3A_700 : i32
      %mul3A_702 = arith.constant 1 : i32
      %mul3A_703 = arith.muli %scan3A_701, %mul3A_702 : i32
      %add3A_704 = arith.constant 80 : i32
      %add3A_705 = arith.addi %add3A_704, %mul3A_703 : i32
      %mul3A_706 = arith.constant 16 : i32
      %mul3A_707 = arith.muli %add3A_705, %mul3A_706 : i32
      %get3A_708 = arith.index_cast %mul3A_707 : i32 to index
      %get3A_709 = tpu.vector_load %arg7[%get3A_708] {strides = array<i32>} : memref<2048xi32, #tpu.memory_space<vmem>>, vector<16xi32>,
      %broadcast_in_dim3A_710 = arith.constant 0 : i32
      %broadcast_in_dim3A_711 = vector.broadcast %broadcast_in_dim3A_710 : i32 to vector<16xi32>
      %lt3A_712 = arith.constant 0 : i32
      %lt3A_713 = vector.broadcast %lt3A_712 : i32 to vector<16xi32>
      %lt3A_714 = arith.cmpi slt, %broadcast_in_dim3A_711, %lt3A_713 : vector<16xi32>
      %add3A_715 = arith.constant 16 : i32
      %add3A_716 = vector.broadcast %add3A_715 : i32 to vector<16xi32>
      %add3A_717 = arith.addi %broadcast_in_dim3A_711, %add3A_716 : vector<16xi32>
      %select_n3A_718 = arith.select %lt3A_714, %add3A_717, %broadcast_in_dim3A_711 : vector<16xi1>, vector<16xi32>
      %broadcast_in_dim3A_719 = vector.shape_cast %select_n3A_718 : vector<16xi32> to vector<16x1xi32>
      %gather3A_720 = vector.shape_cast %broadcast_in_dim3A_719 : vector<16x1xi32> to vector<16xi32>
      %gather3A_721 = tpu.dynamic_gather %get3A_709[%gather3A_720] in [0] : vector<16xi32>, vector<16xi32> -> vector<16xi32>
      %mul3A_722 = arith.constant 16 : i32
      %mul3A_723 = vector.broadcast %mul3A_722 : i32 to vector<16xi32>
      %mul3A_724 = arith.muli %gather3A_721, %mul3A_723 : vector<16xi32>
      %add3A_725 = arith.addi %mul3A_724, %iota3A : vector<16xi32>
      %gather3A_726 = tpu.vector_load_idx %arg6[%add3A_725] : memref<4096xi32, #tpu.memory_space<vmem>>[vector<16xi32>], vector<16xi32>,
      %mul3A_727 = arith.constant 16 : i32
      %mul3A_728 = arith.muli %add3A_705, %mul3A_727 : i32
      %add3A_729 = arith.constant 0 : i32
      %add3A_730 = arith.addi %mul3A_728, %add3A_729 : i32
      %swap3A_731 = arith.index_cast %add3A_730 : i32 to index
      %swap3A_732 = arith.constant 0 : index
      %swap3A_733 = tpu.vector_load %arg8[%swap3A_731, %swap3A_732] {strides = array<i32>} : memref<2048x16xi32, #tpu.memory_space<vmem>>, vector<16xi32>,
      tpu.vector_store %arg8[%swap3A_731, %swap3A_732], %gather3A_726 {strides = array<i32>} : memref<2048x16xi32, #tpu.memory_space<vmem>>, vector<16xi32>,
      %broadcast_in_dim3A_734 = arith.constant 1 : i32
      %broadcast_in_dim3A_735 = vector.broadcast %broadcast_in_dim3A_734 : i32 to vector<16xi32>
      %lt3A_736 = arith.constant 0 : i32
      %lt3A_737 = vector.broadcast %lt3A_736 : i32 to vector<16xi32>
      %lt3A_738 = arith.cmpi slt, %broadcast_in_dim3A_735, %lt3A_737 : vector<16xi32>
      %add3A_739 = arith.constant 16 : i32
      %add3A_740 = vector.broadcast %add3A_739 : i32 to vector<16xi32>
      %add3A_741 = arith.addi %broadcast_in_dim3A_735, %add3A_740 : vector<16xi32>
      %select_n3A_742 = arith.select %lt3A_738, %add3A_741, %broadcast_in_dim3A_735 : vector<16xi1>, vector<16xi32>
      %broadcast_in_dim3A_743 = vector.shape_cast %select_n3A_742 : vector<16xi32> to vector<16x1xi32>
      %gather3A_744 = vector.shape_cast %broadcast_in_dim3A_743 : vector<16x1xi32> to vector<16xi32>
      %gather3A_745 = tpu.dynamic_gather %get3A_709[%gather3A_744] in [0] : vector<16xi32>, vector<16xi32> -> vector<16xi32>
      %mul3A_746 = arith.constant 16 : i32
      %mul3A_747 = vector.broadcast %mul3A_746 : i32 to vector<16xi32>
      %mul3A_748 = arith.muli %gather3A_745, %mul3A_747 : vector<16xi32>
      %add3A_749 = arith.addi %mul3A_748, %iota3A : vector<16xi32>
      %gather3A_750 = tpu.vector_load_idx %arg6[%add3A_749] : memref<4096xi32, #tpu.memory_space<vmem>>[vector<16xi32>], vector<16xi32>,
      %mul3A_751 = arith.constant 16 : i32
      %mul3A_752 = arith.muli %add3A_705, %mul3A_751 : i32
      %add3A_753 = arith.constant 1 : i32
      %add3A_754 = arith.addi %mul3A_752, %add3A_753 : i32
      %swap3A_755 = arith.index_cast %add3A_754 : i32 to index
      %swap3A_756 = arith.constant 0 : index
      %swap3A_757 = tpu.vector_load %arg8[%swap3A_755, %swap3A_756] {strides = array<i32>} : memref<2048x16xi32, #tpu.memory_space<vmem>>, vector<16xi32>,
      tpu.vector_store %arg8[%swap3A_755, %swap3A_756], %gather3A_750 {strides = array<i32>} : memref<2048x16xi32, #tpu.memory_space<vmem>>, vector<16xi32>,
      %broadcast_in_dim3A_758 = arith.constant 2 : i32
      %broadcast_in_dim3A_759 = vector.broadcast %broadcast_in_dim3A_758 : i32 to vector<16xi32>
      %lt3A_760 = arith.constant 0 : i32
      %lt3A_761 = vector.broadcast %lt3A_760 : i32 to vector<16xi32>
      %lt3A_762 = arith.cmpi slt, %broadcast_in_dim3A_759, %lt3A_761 : vector<16xi32>
      %add3A_763 = arith.constant 16 : i32
      %add3A_764 = vector.broadcast %add3A_763 : i32 to vector<16xi32>
      %add3A_765 = arith.addi %broadcast_in_dim3A_759, %add3A_764 : vector<16xi32>
      %select_n3A_766 = arith.select %lt3A_762, %add3A_765, %broadcast_in_dim3A_759 : vector<16xi1>, vector<16xi32>
      %broadcast_in_dim3A_767 = vector.shape_cast %select_n3A_766 : vector<16xi32> to vector<16x1xi32>
      %gather3A_768 = vector.shape_cast %broadcast_in_dim3A_767 : vector<16x1xi32> to vector<16xi32>
      %gather3A_769 = tpu.dynamic_gather %get3A_709[%gather3A_768] in [0] : vector<16xi32>, vector<16xi32> -> vector<16xi32>
      %mul3A_770 = arith.constant 16 : i32
      %mul3A_771 = vector.broadcast %mul3A_770 : i32 to vector<16xi32>
      %mul3A_772 = arith.muli %gather3A_769, %mul3A_771 : vector<16xi32>
      %add3A_773 = arith.addi %mul3A_772, %iota3A : vector<16xi32>
      %gather3A_774 = tpu.vector_load_idx %arg6[%add3A_773] : memref<4096xi32, #tpu.memory_space<vmem>>[vector<16xi32>], vector<16xi32>,
      %mul3A_775 = arith.constant 16 : i32
      %mul3A_776 = arith.muli %add3A_705, %mul3A_775 : i32
      %add3A_777 = arith.constant 2 : i32
      %add3A_778 = arith.addi %mul3A_776, %add3A_777 : i32
      %swap3A_779 = arith.index_cast %add3A_778 : i32 to index
      %swap3A_780 = arith.constant 0 : index
      %swap3A_781 = tpu.vector_load %arg8[%swap3A_779, %swap3A_780] {strides = array<i32>} : memref<2048x16xi32, #tpu.memory_space<vmem>>, vector<16xi32>,
      tpu.vector_store %arg8[%swap3A_779, %swap3A_780], %gather3A_774 {strides = array<i32>} : memref<2048x16xi32, #tpu.memory_space<vmem>>, vector<16xi32>,
      %broadcast_in_dim3A_782 = arith.constant 3 : i32
      %broadcast_in_dim3A_783 = vector.broadcast %broadcast_in_dim3A_782 : i32 to vector<16xi32>
      %lt3A_784 = arith.constant 0 : i32
      %lt3A_785 = vector.broadcast %lt3A_784 : i32 to vector<16xi32>
      %lt3A_786 = arith.cmpi slt, %broadcast_in_dim3A_783, %lt3A_785 : vector<16xi32>
      %add3A_787 = arith.constant 16 : i32
      %add3A_788 = vector.broadcast %add3A_787 : i32 to vector<16xi32>
      %add3A_789 = arith.addi %broadcast_in_dim3A_783, %add3A_788 : vector<16xi32>
      %select_n3A_790 = arith.select %lt3A_786, %add3A_789, %broadcast_in_dim3A_783 : vector<16xi1>, vector<16xi32>
      %broadcast_in_dim3A_791 = vector.shape_cast %select_n3A_790 : vector<16xi32> to vector<16x1xi32>
      %gather3A_792 = vector.shape_cast %broadcast_in_dim3A_791 : vector<16x1xi32> to vector<16xi32>
      %gather3A_793 = tpu.dynamic_gather %get3A_709[%gather3A_792] in [0] : vector<16xi32>, vector<16xi32> -> vector<16xi32>
      %mul3A_794 = arith.constant 16 : i32
      %mul3A_795 = vector.broadcast %mul3A_794 : i32 to vector<16xi32>
      %mul3A_796 = arith.muli %gather3A_793, %mul3A_795 : vector<16xi32>
      %add3A_797 = arith.addi %mul3A_796, %iota3A : vector<16xi32>
      %gather3A_798 = tpu.vector_load_idx %arg6[%add3A_797] : memref<4096xi32, #tpu.memory_space<vmem>>[vector<16xi32>], vector<16xi32>,
      %mul3A_799 = arith.constant 16 : i32
      %mul3A_800 = arith.muli %add3A_705, %mul3A_799 : i32
      %add3A_801 = arith.constant 3 : i32
      %add3A_802 = arith.addi %mul3A_800, %add3A_801 : i32
      %swap3A_803 = arith.index_cast %add3A_802 : i32 to index
      %swap3A_804 = arith.constant 0 : index
      %swap3A_805 = tpu.vector_load %arg8[%swap3A_803, %swap3A_804] {strides = array<i32>} : memref<2048x16xi32, #tpu.memory_space<vmem>>, vector<16xi32>,
      tpu.vector_store %arg8[%swap3A_803, %swap3A_804], %gather3A_798 {strides = array<i32>} : memref<2048x16xi32, #tpu.memory_space<vmem>>, vector<16xi32>,
      %broadcast_in_dim3A_806 = arith.constant 4 : i32
      %broadcast_in_dim3A_807 = vector.broadcast %broadcast_in_dim3A_806 : i32 to vector<16xi32>
      %lt3A_808 = arith.constant 0 : i32
      %lt3A_809 = vector.broadcast %lt3A_808 : i32 to vector<16xi32>
      %lt3A_810 = arith.cmpi slt, %broadcast_in_dim3A_807, %lt3A_809 : vector<16xi32>
      %add3A_811 = arith.constant 16 : i32
      %add3A_812 = vector.broadcast %add3A_811 : i32 to vector<16xi32>
      %add3A_813 = arith.addi %broadcast_in_dim3A_807, %add3A_812 : vector<16xi32>
      %select_n3A_814 = arith.select %lt3A_810, %add3A_813, %broadcast_in_dim3A_807 : vector<16xi1>, vector<16xi32>
      %broadcast_in_dim3A_815 = vector.shape_cast %select_n3A_814 : vector<16xi32> to vector<16x1xi32>
      %gather3A_816 = vector.shape_cast %broadcast_in_dim3A_815 : vector<16x1xi32> to vector<16xi32>
      %gather3A_817 = tpu.dynamic_gather %get3A_709[%gather3A_816] in [0] : vector<16xi32>, vector<16xi32> -> vector<16xi32>
      %mul3A_818 = arith.constant 16 : i32
      %mul3A_819 = vector.broadcast %mul3A_818 : i32 to vector<16xi32>
      %mul3A_820 = arith.muli %gather3A_817, %mul3A_819 : vector<16xi32>
      %add3A_821 = arith.addi %mul3A_820, %iota3A : vector<16xi32>
      %gather3A_822 = tpu.vector_load_idx %arg6[%add3A_821] : memref<4096xi32, #tpu.memory_space<vmem>>[vector<16xi32>], vector<16xi32>,
      %mul3A_823 = arith.constant 16 : i32
      %mul3A_824 = arith.muli %add3A_705, %mul3A_823 : i32
      %add3A_825 = arith.constant 4 : i32
      %add3A_826 = arith.addi %mul3A_824, %add3A_825 : i32
      %swap3A_827 = arith.index_cast %add3A_826 : i32 to index
      %swap3A_828 = arith.constant 0 : index
      %swap3A_829 = tpu.vector_load %arg8[%swap3A_827, %swap3A_828] {strides = array<i32>} : memref<2048x16xi32, #tpu.memory_space<vmem>>, vector<16xi32>,
      tpu.vector_store %arg8[%swap3A_827, %swap3A_828], %gather3A_822 {strides = array<i32>} : memref<2048x16xi32, #tpu.memory_space<vmem>>, vector<16xi32>,
      %broadcast_in_dim3A_830 = arith.constant 5 : i32
      %broadcast_in_dim3A_831 = vector.broadcast %broadcast_in_dim3A_830 : i32 to vector<16xi32>
      %lt3A_832 = arith.constant 0 : i32
      %lt3A_833 = vector.broadcast %lt3A_832 : i32 to vector<16xi32>
      %lt3A_834 = arith.cmpi slt, %broadcast_in_dim3A_831, %lt3A_833 : vector<16xi32>
      %add3A_835 = arith.constant 16 : i32
      %add3A_836 = vector.broadcast %add3A_835 : i32 to vector<16xi32>
      %add3A_837 = arith.addi %broadcast_in_dim3A_831, %add3A_836 : vector<16xi32>
      %select_n3A_838 = arith.select %lt3A_834, %add3A_837, %broadcast_in_dim3A_831 : vector<16xi1>, vector<16xi32>
      %broadcast_in_dim3A_839 = vector.shape_cast %select_n3A_838 : vector<16xi32> to vector<16x1xi32>
      %gather3A_840 = vector.shape_cast %broadcast_in_dim3A_839 : vector<16x1xi32> to vector<16xi32>
      %gather3A_841 = tpu.dynamic_gather %get3A_709[%gather3A_840] in [0] : vector<16xi32>, vector<16xi32> -> vector<16xi32>
      %mul3A_842 = arith.constant 16 : i32
      %mul3A_843 = vector.broadcast %mul3A_842 : i32 to vector<16xi32>
      %mul3A_844 = arith.muli %gather3A_841, %mul3A_843 : vector<16xi32>
      %add3A_845 = arith.addi %mul3A_844, %iota3A : vector<16xi32>
      %gather3A_846 = tpu.vector_load_idx %arg6[%add3A_845] : memref<4096xi32, #tpu.memory_space<vmem>>[vector<16xi32>], vector<16xi32>,
      %mul3A_847 = arith.constant 16 : i32
      %mul3A_848 = arith.muli %add3A_705, %mul3A_847 : i32
      %add3A_849 = arith.constant 5 : i32
      %add3A_850 = arith.addi %mul3A_848, %add3A_849 : i32
      %swap3A_851 = arith.index_cast %add3A_850 : i32 to index
      %swap3A_852 = arith.constant 0 : index
      %swap3A_853 = tpu.vector_load %arg8[%swap3A_851, %swap3A_852] {strides = array<i32>} : memref<2048x16xi32, #tpu.memory_space<vmem>>, vector<16xi32>,
      tpu.vector_store %arg8[%swap3A_851, %swap3A_852], %gather3A_846 {strides = array<i32>} : memref<2048x16xi32, #tpu.memory_space<vmem>>, vector<16xi32>,
      %broadcast_in_dim3A_854 = arith.constant 6 : i32
      %broadcast_in_dim3A_855 = vector.broadcast %broadcast_in_dim3A_854 : i32 to vector<16xi32>
      %lt3A_856 = arith.constant 0 : i32
      %lt3A_857 = vector.broadcast %lt3A_856 : i32 to vector<16xi32>
      %lt3A_858 = arith.cmpi slt, %broadcast_in_dim3A_855, %lt3A_857 : vector<16xi32>
      %add3A_859 = arith.constant 16 : i32
      %add3A_860 = vector.broadcast %add3A_859 : i32 to vector<16xi32>
      %add3A_861 = arith.addi %broadcast_in_dim3A_855, %add3A_860 : vector<16xi32>
      %select_n3A_862 = arith.select %lt3A_858, %add3A_861, %broadcast_in_dim3A_855 : vector<16xi1>, vector<16xi32>
      %broadcast_in_dim3A_863 = vector.shape_cast %select_n3A_862 : vector<16xi32> to vector<16x1xi32>
      %gather3A_864 = vector.shape_cast %broadcast_in_dim3A_863 : vector<16x1xi32> to vector<16xi32>
      %gather3A_865 = tpu.dynamic_gather %get3A_709[%gather3A_864] in [0] : vector<16xi32>, vector<16xi32> -> vector<16xi32>
      %mul3A_866 = arith.constant 16 : i32
      %mul3A_867 = vector.broadcast %mul3A_866 : i32 to vector<16xi32>
      %mul3A_868 = arith.muli %gather3A_865, %mul3A_867 : vector<16xi32>
      %add3A_869 = arith.addi %mul3A_868, %iota3A : vector<16xi32>
      %gather3A_870 = tpu.vector_load_idx %arg6[%add3A_869] : memref<4096xi32, #tpu.memory_space<vmem>>[vector<16xi32>], vector<16xi32>,
      %mul3A_871 = arith.constant 16 : i32
      %mul3A_872 = arith.muli %add3A_705, %mul3A_871 : i32
      %add3A_873 = arith.constant 6 : i32
      %add3A_874 = arith.addi %mul3A_872, %add3A_873 : i32
      %swap3A_875 = arith.index_cast %add3A_874 : i32 to index
      %swap3A_876 = arith.constant 0 : index
      %swap3A_877 = tpu.vector_load %arg8[%swap3A_875, %swap3A_876] {strides = array<i32>} : memref<2048x16xi32, #tpu.memory_space<vmem>>, vector<16xi32>,
      tpu.vector_store %arg8[%swap3A_875, %swap3A_876], %gather3A_870 {strides = array<i32>} : memref<2048x16xi32, #tpu.memory_space<vmem>>, vector<16xi32>,
      %broadcast_in_dim3A_878 = arith.constant 7 : i32
      %broadcast_in_dim3A_879 = vector.broadcast %broadcast_in_dim3A_878 : i32 to vector<16xi32>
      %lt3A_880 = arith.constant 0 : i32
      %lt3A_881 = vector.broadcast %lt3A_880 : i32 to vector<16xi32>
      %lt3A_882 = arith.cmpi slt, %broadcast_in_dim3A_879, %lt3A_881 : vector<16xi32>
      %add3A_883 = arith.constant 16 : i32
      %add3A_884 = vector.broadcast %add3A_883 : i32 to vector<16xi32>
      %add3A_885 = arith.addi %broadcast_in_dim3A_879, %add3A_884 : vector<16xi32>
      %select_n3A_886 = arith.select %lt3A_882, %add3A_885, %broadcast_in_dim3A_879 : vector<16xi1>, vector<16xi32>
      %broadcast_in_dim3A_887 = vector.shape_cast %select_n3A_886 : vector<16xi32> to vector<16x1xi32>
      %gather3A_888 = vector.shape_cast %broadcast_in_dim3A_887 : vector<16x1xi32> to vector<16xi32>
      %gather3A_889 = tpu.dynamic_gather %get3A_709[%gather3A_888] in [0] : vector<16xi32>, vector<16xi32> -> vector<16xi32>
      %mul3A_890 = arith.constant 16 : i32
      %mul3A_891 = vector.broadcast %mul3A_890 : i32 to vector<16xi32>
      %mul3A_892 = arith.muli %gather3A_889, %mul3A_891 : vector<16xi32>
      %add3A_893 = arith.addi %mul3A_892, %iota3A : vector<16xi32>
      %gather3A_894 = tpu.vector_load_idx %arg6[%add3A_893] : memref<4096xi32, #tpu.memory_space<vmem>>[vector<16xi32>], vector<16xi32>,
      %mul3A_895 = arith.constant 16 : i32
      %mul3A_896 = arith.muli %add3A_705, %mul3A_895 : i32
      %add3A_897 = arith.constant 7 : i32
      %add3A_898 = arith.addi %mul3A_896, %add3A_897 : i32
      %swap3A_899 = arith.index_cast %add3A_898 : i32 to index
      %swap3A_900 = arith.constant 0 : index
      %swap3A_901 = tpu.vector_load %arg8[%swap3A_899, %swap3A_900] {strides = array<i32>} : memref<2048x16xi32, #tpu.memory_space<vmem>>, vector<16xi32>,
      tpu.vector_store %arg8[%swap3A_899, %swap3A_900], %gather3A_894 {strides = array<i32>} : memref<2048x16xi32, #tpu.memory_space<vmem>>, vector<16xi32>,
      %broadcast_in_dim3A_902 = arith.constant 8 : i32
      %broadcast_in_dim3A_903 = vector.broadcast %broadcast_in_dim3A_902 : i32 to vector<16xi32>
      %lt3A_904 = arith.constant 0 : i32
      %lt3A_905 = vector.broadcast %lt3A_904 : i32 to vector<16xi32>
      %lt3A_906 = arith.cmpi slt, %broadcast_in_dim3A_903, %lt3A_905 : vector<16xi32>
      %add3A_907 = arith.constant 16 : i32
      %add3A_908 = vector.broadcast %add3A_907 : i32 to vector<16xi32>
      %add3A_909 = arith.addi %broadcast_in_dim3A_903, %add3A_908 : vector<16xi32>
      %select_n3A_910 = arith.select %lt3A_906, %add3A_909, %broadcast_in_dim3A_903 : vector<16xi1>, vector<16xi32>
      %broadcast_in_dim3A_911 = vector.shape_cast %select_n3A_910 : vector<16xi32> to vector<16x1xi32>
      %gather3A_912 = vector.shape_cast %broadcast_in_dim3A_911 : vector<16x1xi32> to vector<16xi32>
      %gather3A_913 = tpu.dynamic_gather %get3A_709[%gather3A_912] in [0] : vector<16xi32>, vector<16xi32> -> vector<16xi32>
      %mul3A_914 = arith.constant 16 : i32
      %mul3A_915 = vector.broadcast %mul3A_914 : i32 to vector<16xi32>
      %mul3A_916 = arith.muli %gather3A_913, %mul3A_915 : vector<16xi32>
      %add3A_917 = arith.addi %mul3A_916, %iota3A : vector<16xi32>
      %gather3A_918 = tpu.vector_load_idx %arg6[%add3A_917] : memref<4096xi32, #tpu.memory_space<vmem>>[vector<16xi32>], vector<16xi32>,
      %mul3A_919 = arith.constant 16 : i32
      %mul3A_920 = arith.muli %add3A_705, %mul3A_919 : i32
      %add3A_921 = arith.constant 8 : i32
      %add3A_922 = arith.addi %mul3A_920, %add3A_921 : i32
      %swap3A_923 = arith.index_cast %add3A_922 : i32 to index
      %swap3A_924 = arith.constant 0 : index
      %swap3A_925 = tpu.vector_load %arg8[%swap3A_923, %swap3A_924] {strides = array<i32>} : memref<2048x16xi32, #tpu.memory_space<vmem>>, vector<16xi32>,
      tpu.vector_store %arg8[%swap3A_923, %swap3A_924], %gather3A_918 {strides = array<i32>} : memref<2048x16xi32, #tpu.memory_space<vmem>>, vector<16xi32>,
      %broadcast_in_dim3A_926 = arith.constant 9 : i32
      %broadcast_in_dim3A_927 = vector.broadcast %broadcast_in_dim3A_926 : i32 to vector<16xi32>
      %lt3A_928 = arith.constant 0 : i32
      %lt3A_929 = vector.broadcast %lt3A_928 : i32 to vector<16xi32>
      %lt3A_930 = arith.cmpi slt, %broadcast_in_dim3A_927, %lt3A_929 : vector<16xi32>
      %add3A_931 = arith.constant 16 : i32
      %add3A_932 = vector.broadcast %add3A_931 : i32 to vector<16xi32>
      %add3A_933 = arith.addi %broadcast_in_dim3A_927, %add3A_932 : vector<16xi32>
      %select_n3A_934 = arith.select %lt3A_930, %add3A_933, %broadcast_in_dim3A_927 : vector<16xi1>, vector<16xi32>
      %broadcast_in_dim3A_935 = vector.shape_cast %select_n3A_934 : vector<16xi32> to vector<16x1xi32>
      %gather3A_936 = vector.shape_cast %broadcast_in_dim3A_935 : vector<16x1xi32> to vector<16xi32>
      %gather3A_937 = tpu.dynamic_gather %get3A_709[%gather3A_936] in [0] : vector<16xi32>, vector<16xi32> -> vector<16xi32>
      %mul3A_938 = arith.constant 16 : i32
      %mul3A_939 = vector.broadcast %mul3A_938 : i32 to vector<16xi32>
      %mul3A_940 = arith.muli %gather3A_937, %mul3A_939 : vector<16xi32>
      %add3A_941 = arith.addi %mul3A_940, %iota3A : vector<16xi32>
      %gather3A_942 = tpu.vector_load_idx %arg6[%add3A_941] : memref<4096xi32, #tpu.memory_space<vmem>>[vector<16xi32>], vector<16xi32>,
      %mul3A_943 = arith.constant 16 : i32
      %mul3A_944 = arith.muli %add3A_705, %mul3A_943 : i32
      %add3A_945 = arith.constant 9 : i32
      %add3A_946 = arith.addi %mul3A_944, %add3A_945 : i32
      %swap3A_947 = arith.index_cast %add3A_946 : i32 to index
      %swap3A_948 = arith.constant 0 : index
      %swap3A_949 = tpu.vector_load %arg8[%swap3A_947, %swap3A_948] {strides = array<i32>} : memref<2048x16xi32, #tpu.memory_space<vmem>>, vector<16xi32>,
      tpu.vector_store %arg8[%swap3A_947, %swap3A_948], %gather3A_942 {strides = array<i32>} : memref<2048x16xi32, #tpu.memory_space<vmem>>, vector<16xi32>,
      %broadcast_in_dim3A_950 = arith.constant 10 : i32
      %broadcast_in_dim3A_951 = vector.broadcast %broadcast_in_dim3A_950 : i32 to vector<16xi32>
      %lt3A_952 = arith.constant 0 : i32
      %lt3A_953 = vector.broadcast %lt3A_952 : i32 to vector<16xi32>
      %lt3A_954 = arith.cmpi slt, %broadcast_in_dim3A_951, %lt3A_953 : vector<16xi32>
      %add3A_955 = arith.constant 16 : i32
      %add3A_956 = vector.broadcast %add3A_955 : i32 to vector<16xi32>
      %add3A_957 = arith.addi %broadcast_in_dim3A_951, %add3A_956 : vector<16xi32>
      %select_n3A_958 = arith.select %lt3A_954, %add3A_957, %broadcast_in_dim3A_951 : vector<16xi1>, vector<16xi32>
      %broadcast_in_dim3A_959 = vector.shape_cast %select_n3A_958 : vector<16xi32> to vector<16x1xi32>
      %gather3A_960 = vector.shape_cast %broadcast_in_dim3A_959 : vector<16x1xi32> to vector<16xi32>
      %gather3A_961 = tpu.dynamic_gather %get3A_709[%gather3A_960] in [0] : vector<16xi32>, vector<16xi32> -> vector<16xi32>
      %mul3A_962 = arith.constant 16 : i32
      %mul3A_963 = vector.broadcast %mul3A_962 : i32 to vector<16xi32>
      %mul3A_964 = arith.muli %gather3A_961, %mul3A_963 : vector<16xi32>
      %add3A_965 = arith.addi %mul3A_964, %iota3A : vector<16xi32>
      %gather3A_966 = tpu.vector_load_idx %arg6[%add3A_965] : memref<4096xi32, #tpu.memory_space<vmem>>[vector<16xi32>], vector<16xi32>,
      %mul3A_967 = arith.constant 16 : i32
      %mul3A_968 = arith.muli %add3A_705, %mul3A_967 : i32
      %add3A_969 = arith.constant 10 : i32
      %add3A_970 = arith.addi %mul3A_968, %add3A_969 : i32
      %swap3A_971 = arith.index_cast %add3A_970 : i32 to index
      %swap3A_972 = arith.constant 0 : index
      %swap3A_973 = tpu.vector_load %arg8[%swap3A_971, %swap3A_972] {strides = array<i32>} : memref<2048x16xi32, #tpu.memory_space<vmem>>, vector<16xi32>,
      tpu.vector_store %arg8[%swap3A_971, %swap3A_972], %gather3A_966 {strides = array<i32>} : memref<2048x16xi32, #tpu.memory_space<vmem>>, vector<16xi32>,
      %broadcast_in_dim3A_974 = arith.constant 11 : i32
      %broadcast_in_dim3A_975 = vector.broadcast %broadcast_in_dim3A_974 : i32 to vector<16xi32>
      %lt3A_976 = arith.constant 0 : i32
      %lt3A_977 = vector.broadcast %lt3A_976 : i32 to vector<16xi32>
      %lt3A_978 = arith.cmpi slt, %broadcast_in_dim3A_975, %lt3A_977 : vector<16xi32>
      %add3A_979 = arith.constant 16 : i32
      %add3A_980 = vector.broadcast %add3A_979 : i32 to vector<16xi32>
      %add3A_981 = arith.addi %broadcast_in_dim3A_975, %add3A_980 : vector<16xi32>
      %select_n3A_982 = arith.select %lt3A_978, %add3A_981, %broadcast_in_dim3A_975 : vector<16xi1>, vector<16xi32>
      %broadcast_in_dim3A_983 = vector.shape_cast %select_n3A_982 : vector<16xi32> to vector<16x1xi32>
      %gather3A_984 = vector.shape_cast %broadcast_in_dim3A_983 : vector<16x1xi32> to vector<16xi32>
      %gather3A_985 = tpu.dynamic_gather %get3A_709[%gather3A_984] in [0] : vector<16xi32>, vector<16xi32> -> vector<16xi32>
      %mul3A_986 = arith.constant 16 : i32
      %mul3A_987 = vector.broadcast %mul3A_986 : i32 to vector<16xi32>
      %mul3A_988 = arith.muli %gather3A_985, %mul3A_987 : vector<16xi32>
      %add3A_989 = arith.addi %mul3A_988, %iota3A : vector<16xi32>
      %gather3A_990 = tpu.vector_load_idx %arg6[%add3A_989] : memref<4096xi32, #tpu.memory_space<vmem>>[vector<16xi32>], vector<16xi32>,
      %mul3A_991 = arith.constant 16 : i32
      %mul3A_992 = arith.muli %add3A_705, %mul3A_991 : i32
      %add3A_993 = arith.constant 11 : i32
      %add3A_994 = arith.addi %mul3A_992, %add3A_993 : i32
      %swap3A_995 = arith.index_cast %add3A_994 : i32 to index
      %swap3A_996 = arith.constant 0 : index
      %swap3A_997 = tpu.vector_load %arg8[%swap3A_995, %swap3A_996] {strides = array<i32>} : memref<2048x16xi32, #tpu.memory_space<vmem>>, vector<16xi32>,
      tpu.vector_store %arg8[%swap3A_995, %swap3A_996], %gather3A_990 {strides = array<i32>} : memref<2048x16xi32, #tpu.memory_space<vmem>>, vector<16xi32>,
      %broadcast_in_dim3A_998 = arith.constant 12 : i32
      %broadcast_in_dim3A_999 = vector.broadcast %broadcast_in_dim3A_998 : i32 to vector<16xi32>
      %lt3A_1000 = arith.constant 0 : i32
      %lt3A_1001 = vector.broadcast %lt3A_1000 : i32 to vector<16xi32>
      %lt3A_1002 = arith.cmpi slt, %broadcast_in_dim3A_999, %lt3A_1001 : vector<16xi32>
      %add3A_1003 = arith.constant 16 : i32
      %add3A_1004 = vector.broadcast %add3A_1003 : i32 to vector<16xi32>
      %add3A_1005 = arith.addi %broadcast_in_dim3A_999, %add3A_1004 : vector<16xi32>
      %select_n3A_1006 = arith.select %lt3A_1002, %add3A_1005, %broadcast_in_dim3A_999 : vector<16xi1>, vector<16xi32>
      %broadcast_in_dim3A_1007 = vector.shape_cast %select_n3A_1006 : vector<16xi32> to vector<16x1xi32>
      %gather3A_1008 = vector.shape_cast %broadcast_in_dim3A_1007 : vector<16x1xi32> to vector<16xi32>
      %gather3A_1009 = tpu.dynamic_gather %get3A_709[%gather3A_1008] in [0] : vector<16xi32>, vector<16xi32> -> vector<16xi32>
      %mul3A_1010 = arith.constant 16 : i32
      %mul3A_1011 = vector.broadcast %mul3A_1010 : i32 to vector<16xi32>
      %mul3A_1012 = arith.muli %gather3A_1009, %mul3A_1011 : vector<16xi32>
      %add3A_1013 = arith.addi %mul3A_1012, %iota3A : vector<16xi32>
      %gather3A_1014 = tpu.vector_load_idx %arg6[%add3A_1013] : memref<4096xi32, #tpu.memory_space<vmem>>[vector<16xi32>], vector<16xi32>,
      %mul3A_1015 = arith.constant 16 : i32
      %mul3A_1016 = arith.muli %add3A_705, %mul3A_1015 : i32
      %add3A_1017 = arith.constant 12 : i32
      %add3A_1018 = arith.addi %mul3A_1016, %add3A_1017 : i32
      %swap3A_1019 = arith.index_cast %add3A_1018 : i32 to index
      %swap3A_1020 = arith.constant 0 : index
      %swap3A_1021 = tpu.vector_load %arg8[%swap3A_1019, %swap3A_1020] {strides = array<i32>} : memref<2048x16xi32, #tpu.memory_space<vmem>>, vector<16xi32>,
      tpu.vector_store %arg8[%swap3A_1019, %swap3A_1020], %gather3A_1014 {strides = array<i32>} : memref<2048x16xi32, #tpu.memory_space<vmem>>, vector<16xi32>,
      %broadcast_in_dim3A_1022 = arith.constant 13 : i32
      %broadcast_in_dim3A_1023 = vector.broadcast %broadcast_in_dim3A_1022 : i32 to vector<16xi32>
      %lt3A_1024 = arith.constant 0 : i32
      %lt3A_1025 = vector.broadcast %lt3A_1024 : i32 to vector<16xi32>
      %lt3A_1026 = arith.cmpi slt, %broadcast_in_dim3A_1023, %lt3A_1025 : vector<16xi32>
      %add3A_1027 = arith.constant 16 : i32
      %add3A_1028 = vector.broadcast %add3A_1027 : i32 to vector<16xi32>
      %add3A_1029 = arith.addi %broadcast_in_dim3A_1023, %add3A_1028 : vector<16xi32>
      %select_n3A_1030 = arith.select %lt3A_1026, %add3A_1029, %broadcast_in_dim3A_1023 : vector<16xi1>, vector<16xi32>
      %broadcast_in_dim3A_1031 = vector.shape_cast %select_n3A_1030 : vector<16xi32> to vector<16x1xi32>
      %gather3A_1032 = vector.shape_cast %broadcast_in_dim3A_1031 : vector<16x1xi32> to vector<16xi32>
      %gather3A_1033 = tpu.dynamic_gather %get3A_709[%gather3A_1032] in [0] : vector<16xi32>, vector<16xi32> -> vector<16xi32>
      %mul3A_1034 = arith.constant 16 : i32
      %mul3A_1035 = vector.broadcast %mul3A_1034 : i32 to vector<16xi32>
      %mul3A_1036 = arith.muli %gather3A_1033, %mul3A_1035 : vector<16xi32>
      %add3A_1037 = arith.addi %mul3A_1036, %iota3A : vector<16xi32>
      %gather3A_1038 = tpu.vector_load_idx %arg6[%add3A_1037] : memref<4096xi32, #tpu.memory_space<vmem>>[vector<16xi32>], vector<16xi32>,
      %mul3A_1039 = arith.constant 16 : i32
      %mul3A_1040 = arith.muli %add3A_705, %mul3A_1039 : i32
      %add3A_1041 = arith.constant 13 : i32
      %add3A_1042 = arith.addi %mul3A_1040, %add3A_1041 : i32
      %swap3A_1043 = arith.index_cast %add3A_1042 : i32 to index
      %swap3A_1044 = arith.constant 0 : index
      %swap3A_1045 = tpu.vector_load %arg8[%swap3A_1043, %swap3A_1044] {strides = array<i32>} : memref<2048x16xi32, #tpu.memory_space<vmem>>, vector<16xi32>,
      tpu.vector_store %arg8[%swap3A_1043, %swap3A_1044], %gather3A_1038 {strides = array<i32>} : memref<2048x16xi32, #tpu.memory_space<vmem>>, vector<16xi32>,
      %broadcast_in_dim3A_1046 = arith.constant 14 : i32
      %broadcast_in_dim3A_1047 = vector.broadcast %broadcast_in_dim3A_1046 : i32 to vector<16xi32>
      %lt3A_1048 = arith.constant 0 : i32
      %lt3A_1049 = vector.broadcast %lt3A_1048 : i32 to vector<16xi32>
      %lt3A_1050 = arith.cmpi slt, %broadcast_in_dim3A_1047, %lt3A_1049 : vector<16xi32>
      %add3A_1051 = arith.constant 16 : i32
      %add3A_1052 = vector.broadcast %add3A_1051 : i32 to vector<16xi32>
      %add3A_1053 = arith.addi %broadcast_in_dim3A_1047, %add3A_1052 : vector<16xi32>
      %select_n3A_1054 = arith.select %lt3A_1050, %add3A_1053, %broadcast_in_dim3A_1047 : vector<16xi1>, vector<16xi32>
      %broadcast_in_dim3A_1055 = vector.shape_cast %select_n3A_1054 : vector<16xi32> to vector<16x1xi32>
      %gather3A_1056 = vector.shape_cast %broadcast_in_dim3A_1055 : vector<16x1xi32> to vector<16xi32>
      %gather3A_1057 = tpu.dynamic_gather %get3A_709[%gather3A_1056] in [0] : vector<16xi32>, vector<16xi32> -> vector<16xi32>
      %mul3A_1058 = arith.constant 16 : i32
      %mul3A_1059 = vector.broadcast %mul3A_1058 : i32 to vector<16xi32>
      %mul3A_1060 = arith.muli %gather3A_1057, %mul3A_1059 : vector<16xi32>
      %add3A_1061 = arith.addi %mul3A_1060, %iota3A : vector<16xi32>
      %gather3A_1062 = tpu.vector_load_idx %arg6[%add3A_1061] : memref<4096xi32, #tpu.memory_space<vmem>>[vector<16xi32>], vector<16xi32>,
      %mul3A_1063 = arith.constant 16 : i32
      %mul3A_1064 = arith.muli %add3A_705, %mul3A_1063 : i32
      %add3A_1065 = arith.constant 14 : i32
      %add3A_1066 = arith.addi %mul3A_1064, %add3A_1065 : i32
      %swap3A_1067 = arith.index_cast %add3A_1066 : i32 to index
      %swap3A_1068 = arith.constant 0 : index
      %swap3A_1069 = tpu.vector_load %arg8[%swap3A_1067, %swap3A_1068] {strides = array<i32>} : memref<2048x16xi32, #tpu.memory_space<vmem>>, vector<16xi32>,
      tpu.vector_store %arg8[%swap3A_1067, %swap3A_1068], %gather3A_1062 {strides = array<i32>} : memref<2048x16xi32, #tpu.memory_space<vmem>>, vector<16xi32>,
      %broadcast_in_dim3A_1070 = arith.constant 15 : i32
      %broadcast_in_dim3A_1071 = vector.broadcast %broadcast_in_dim3A_1070 : i32 to vector<16xi32>
      %lt3A_1072 = arith.constant 0 : i32
      %lt3A_1073 = vector.broadcast %lt3A_1072 : i32 to vector<16xi32>
      %lt3A_1074 = arith.cmpi slt, %broadcast_in_dim3A_1071, %lt3A_1073 : vector<16xi32>
      %add3A_1075 = arith.constant 16 : i32
      %add3A_1076 = vector.broadcast %add3A_1075 : i32 to vector<16xi32>
      %add3A_1077 = arith.addi %broadcast_in_dim3A_1071, %add3A_1076 : vector<16xi32>
      %select_n3A_1078 = arith.select %lt3A_1074, %add3A_1077, %broadcast_in_dim3A_1071 : vector<16xi1>, vector<16xi32>
      %broadcast_in_dim3A_1079 = vector.shape_cast %select_n3A_1078 : vector<16xi32> to vector<16x1xi32>
      %gather3A_1080 = vector.shape_cast %broadcast_in_dim3A_1079 : vector<16x1xi32> to vector<16xi32>
      %gather3A_1081 = tpu.dynamic_gather %get3A_709[%gather3A_1080] in [0] : vector<16xi32>, vector<16xi32> -> vector<16xi32>
      %mul3A_1082 = arith.constant 16 : i32
      %mul3A_1083 = vector.broadcast %mul3A_1082 : i32 to vector<16xi32>
      %mul3A_1084 = arith.muli %gather3A_1081, %mul3A_1083 : vector<16xi32>
      %add3A_1085 = arith.addi %mul3A_1084, %iota3A : vector<16xi32>
      %gather3A_1086 = tpu.vector_load_idx %arg6[%add3A_1085] : memref<4096xi32, #tpu.memory_space<vmem>>[vector<16xi32>], vector<16xi32>,
      %mul3A_1087 = arith.constant 16 : i32
      %mul3A_1088 = arith.muli %add3A_705, %mul3A_1087 : i32
      %add3A_1089 = arith.constant 15 : i32
      %add3A_1090 = arith.addi %mul3A_1088, %add3A_1089 : i32
      %swap3A_1091 = arith.index_cast %add3A_1090 : i32 to index
      %swap3A_1092 = arith.constant 0 : index
      %swap3A_1093 = tpu.vector_load %arg8[%swap3A_1091, %swap3A_1092] {strides = array<i32>} : memref<2048x16xi32, #tpu.memory_space<vmem>>, vector<16xi32>,
      tpu.vector_store %arg8[%swap3A_1091, %swap3A_1092], %gather3A_1086 {strides = array<i32>} : memref<2048x16xi32, #tpu.memory_space<vmem>>, vector<16xi32>,
    }
    %scan3A_87 = arith.constant 16 : i32
    %add3A_88 = arith.constant 1280 : i32
    %add3A_89 = arith.addi %mul3A_2, %add3A_88 : i32
    %dma_start3A_90 = arith.constant 1280 : i32
    %dma_start3A_91 = arith.constant 0 : i32
    %dma_start3A_92 = tpu.memref_slice %arg8[%dma_start3A_90, %dma_start3A_91] : memref<2048x16xi32, #tpu.memory_space<vmem>> -> memref<256x16xi32, #tpu.memory_space<vmem>>
    %dma_start3A_93 = arith.constant 0 : i32
    %dma_start3A_94 = tpu.memref_slice %arg5[%add3A_89, %dma_start3A_93] : memref<65536x16xi32, #tpu.memory_space<hbm>> -> memref<256x16xi32, #tpu.memory_space<hbm>>
    %dma_start3A_95 = arith.constant 0 : i32
    %dma_start3A_96 = tpu.memref_slice %arg5[%add3A_89, %dma_start3A_95] : memref<65536x16xi32, #tpu.memory_space<hbm>> -> memref<256x16xi32, #tpu.memory_space<hbm>>
    %dma_start3A_97 = arith.constant 1280 : i32
    %dma_start3A_98 = arith.constant 0 : i32
    %dma_start3A_99 = tpu.memref_slice %arg8[%dma_start3A_97, %dma_start3A_98] : memref<2048x16xi32, #tpu.memory_space<vmem>> -> memref<256x16xi32, #tpu.memory_space<vmem>>
    tpu.enqueue_dma source(%dma_start3A_99 : memref<256x16xi32, #tpu.memory_space<vmem>>) target(%dma_start3A_96 : memref<256x16xi32, #tpu.memory_space<hbm>>) target_semaphore(%arg10 : memref<!tpu.dma_semaphore, #tpu.memory_space<semaphore_mem>>)
    %scan3A_100 = arith.constant 0 : i32
    %scan3A_101 = arith.constant 16 : i32
    %scan3A_102 = arith.addi %scan3A_100, %scan3A_101 : i32
    %scan3A_103 = arith.constant 2 : i32
    scf.for %scan3A_313 = %scan3A_100 to %scan3A_102 step %scan3A_103  : i32 {
      %mul3A_314 = arith.constant 1 : i32
      %mul3A_315 = arith.muli %scan3A_313, %mul3A_314 : i32
      %add3A_316 = arith.constant 96 : i32
      %add3A_317 = arith.addi %add3A_316, %mul3A_315 : i32
      %mul3A_318 = arith.constant 16 : i32
      %mul3A_319 = arith.muli %add3A_317, %mul3A_318 : i32
      %get3A = arith.index_cast %mul3A_319 : i32 to index
      %get3A_320 = tpu.vector_load %arg7[%get3A] {strides = array<i32>} : memref<2048xi32, #tpu.memory_space<vmem>>, vector<16xi32>,
      %broadcast_in_dim3A = arith.constant 0 : i32
      %broadcast_in_dim3A_321 = vector.broadcast %broadcast_in_dim3A : i32 to vector<16xi32>
      %lt3A = arith.constant 0 : i32
      %lt3A_322 = vector.broadcast %lt3A : i32 to vector<16xi32>
      %lt3A_323 = arith.cmpi slt, %broadcast_in_dim3A_321, %lt3A_322 : vector<16xi32>
      %add3A_324 = arith.constant 16 : i32
      %add3A_325 = vector.broadcast %add3A_324 : i32 to vector<16xi32>
      %add3A_326 = arith.addi %broadcast_in_dim3A_321, %add3A_325 : vector<16xi32>
      %select_n3A = arith.select %lt3A_323, %add3A_326, %broadcast_in_dim3A_321 : vector<16xi1>, vector<16xi32>
      %broadcast_in_dim3A_327 = vector.shape_cast %select_n3A : vector<16xi32> to vector<16x1xi32>
      %gather3A = vector.shape_cast %broadcast_in_dim3A_327 : vector<16x1xi32> to vector<16xi32>
      %gather3A_328 = tpu.dynamic_gather %get3A_320[%gather3A] in [0] : vector<16xi32>, vector<16xi32> -> vector<16xi32>
      %mul3A_329 = arith.constant 16 : i32
      %mul3A_330 = vector.broadcast %mul3A_329 : i32 to vector<16xi32>
      %mul3A_331 = arith.muli %gather3A_328, %mul3A_330 : vector<16xi32>
      %add3A_332 = arith.addi %mul3A_331, %iota3A : vector<16xi32>
      %gather3A_333 = tpu.vector_load_idx %arg6[%add3A_332] : memref<4096xi32, #tpu.memory_space<vmem>>[vector<16xi32>], vector<16xi32>,
      %mul3A_334 = arith.constant 16 : i32
      %mul3A_335 = arith.muli %add3A_317, %mul3A_334 : i32
      %add3A_336 = arith.constant 0 : i32
      %add3A_337 = arith.addi %mul3A_335, %add3A_336 : i32
      %swap3A = arith.index_cast %add3A_337 : i32 to index
      %swap3A_338 = arith.constant 0 : index
      %swap3A_339 = tpu.vector_load %arg8[%swap3A, %swap3A_338] {strides = array<i32>} : memref<2048x16xi32, #tpu.memory_space<vmem>>, vector<16xi32>,
      tpu.vector_store %arg8[%swap3A, %swap3A_338], %gather3A_333 {strides = array<i32>} : memref<2048x16xi32, #tpu.memory_space<vmem>>, vector<16xi32>,
      %broadcast_in_dim3A_340 = arith.constant 1 : i32
      %broadcast_in_dim3A_341 = vector.broadcast %broadcast_in_dim3A_340 : i32 to vector<16xi32>
      %lt3A_342 = arith.constant 0 : i32
      %lt3A_343 = vector.broadcast %lt3A_342 : i32 to vector<16xi32>
      %lt3A_344 = arith.cmpi slt, %broadcast_in_dim3A_341, %lt3A_343 : vector<16xi32>
      %add3A_345 = arith.constant 16 : i32
      %add3A_346 = vector.broadcast %add3A_345 : i32 to vector<16xi32>
      %add3A_347 = arith.addi %broadcast_in_dim3A_341, %add3A_346 : vector<16xi32>
      %select_n3A_348 = arith.select %lt3A_344, %add3A_347, %broadcast_in_dim3A_341 : vector<16xi1>, vector<16xi32>
      %broadcast_in_dim3A_349 = vector.shape_cast %select_n3A_348 : vector<16xi32> to vector<16x1xi32>
      %gather3A_350 = vector.shape_cast %broadcast_in_dim3A_349 : vector<16x1xi32> to vector<16xi32>
      %gather3A_351 = tpu.dynamic_gather %get3A_320[%gather3A_350] in [0] : vector<16xi32>, vector<16xi32> -> vector<16xi32>
      %mul3A_352 = arith.constant 16 : i32
      %mul3A_353 = vector.broadcast %mul3A_352 : i32 to vector<16xi32>
      %mul3A_354 = arith.muli %gather3A_351, %mul3A_353 : vector<16xi32>
      %add3A_355 = arith.addi %mul3A_354, %iota3A : vector<16xi32>
      %gather3A_356 = tpu.vector_load_idx %arg6[%add3A_355] : memref<4096xi32, #tpu.memory_space<vmem>>[vector<16xi32>], vector<16xi32>,
      %mul3A_357 = arith.constant 16 : i32
      %mul3A_358 = arith.muli %add3A_317, %mul3A_357 : i32
      %add3A_359 = arith.constant 1 : i32
      %add3A_360 = arith.addi %mul3A_358, %add3A_359 : i32
      %swap3A_361 = arith.index_cast %add3A_360 : i32 to index
      %swap3A_362 = arith.constant 0 : index
      %swap3A_363 = tpu.vector_load %arg8[%swap3A_361, %swap3A_362] {strides = array<i32>} : memref<2048x16xi32, #tpu.memory_space<vmem>>, vector<16xi32>,
      tpu.vector_store %arg8[%swap3A_361, %swap3A_362], %gather3A_356 {strides = array<i32>} : memref<2048x16xi32, #tpu.memory_space<vmem>>, vector<16xi32>,
      %broadcast_in_dim3A_364 = arith.constant 2 : i32
      %broadcast_in_dim3A_365 = vector.broadcast %broadcast_in_dim3A_364 : i32 to vector<16xi32>
      %lt3A_366 = arith.constant 0 : i32
      %lt3A_367 = vector.broadcast %lt3A_366 : i32 to vector<16xi32>
      %lt3A_368 = arith.cmpi slt, %broadcast_in_dim3A_365, %lt3A_367 : vector<16xi32>
      %add3A_369 = arith.constant 16 : i32
      %add3A_370 = vector.broadcast %add3A_369 : i32 to vector<16xi32>
      %add3A_371 = arith.addi %broadcast_in_dim3A_365, %add3A_370 : vector<16xi32>
      %select_n3A_372 = arith.select %lt3A_368, %add3A_371, %broadcast_in_dim3A_365 : vector<16xi1>, vector<16xi32>
      %broadcast_in_dim3A_373 = vector.shape_cast %select_n3A_372 : vector<16xi32> to vector<16x1xi32>
      %gather3A_374 = vector.shape_cast %broadcast_in_dim3A_373 : vector<16x1xi32> to vector<16xi32>
      %gather3A_375 = tpu.dynamic_gather %get3A_320[%gather3A_374] in [0] : vector<16xi32>, vector<16xi32> -> vector<16xi32>
      %mul3A_376 = arith.constant 16 : i32
      %mul3A_377 = vector.broadcast %mul3A_376 : i32 to vector<16xi32>
      %mul3A_378 = arith.muli %gather3A_375, %mul3A_377 : vector<16xi32>
      %add3A_379 = arith.addi %mul3A_378, %iota3A : vector<16xi32>
      %gather3A_380 = tpu.vector_load_idx %arg6[%add3A_379] : memref<4096xi32, #tpu.memory_space<vmem>>[vector<16xi32>], vector<16xi32>,
      %mul3A_381 = arith.constant 16 : i32
      %mul3A_382 = arith.muli %add3A_317, %mul3A_381 : i32
      %add3A_383 = arith.constant 2 : i32
      %add3A_384 = arith.addi %mul3A_382, %add3A_383 : i32
      %swap3A_385 = arith.index_cast %add3A_384 : i32 to index
      %swap3A_386 = arith.constant 0 : index
      %swap3A_387 = tpu.vector_load %arg8[%swap3A_385, %swap3A_386] {strides = array<i32>} : memref<2048x16xi32, #tpu.memory_space<vmem>>, vector<16xi32>,
      tpu.vector_store %arg8[%swap3A_385, %swap3A_386], %gather3A_380 {strides = array<i32>} : memref<2048x16xi32, #tpu.memory_space<vmem>>, vector<16xi32>,
      %broadcast_in_dim3A_388 = arith.constant 3 : i32
      %broadcast_in_dim3A_389 = vector.broadcast %broadcast_in_dim3A_388 : i32 to vector<16xi32>
      %lt3A_390 = arith.constant 0 : i32
      %lt3A_391 = vector.broadcast %lt3A_390 : i32 to vector<16xi32>
      %lt3A_392 = arith.cmpi slt, %broadcast_in_dim3A_389, %lt3A_391 : vector<16xi32>
      %add3A_393 = arith.constant 16 : i32
      %add3A_394 = vector.broadcast %add3A_393 : i32 to vector<16xi32>
      %add3A_395 = arith.addi %broadcast_in_dim3A_389, %add3A_394 : vector<16xi32>
      %select_n3A_396 = arith.select %lt3A_392, %add3A_395, %broadcast_in_dim3A_389 : vector<16xi1>, vector<16xi32>
      %broadcast_in_dim3A_397 = vector.shape_cast %select_n3A_396 : vector<16xi32> to vector<16x1xi32>
      %gather3A_398 = vector.shape_cast %broadcast_in_dim3A_397 : vector<16x1xi32> to vector<16xi32>
      %gather3A_399 = tpu.dynamic_gather %get3A_320[%gather3A_398] in [0] : vector<16xi32>, vector<16xi32> -> vector<16xi32>
      %mul3A_400 = arith.constant 16 : i32
      %mul3A_401 = vector.broadcast %mul3A_400 : i32 to vector<16xi32>
      %mul3A_402 = arith.muli %gather3A_399, %mul3A_401 : vector<16xi32>
      %add3A_403 = arith.addi %mul3A_402, %iota3A : vector<16xi32>
      %gather3A_404 = tpu.vector_load_idx %arg6[%add3A_403] : memref<4096xi32, #tpu.memory_space<vmem>>[vector<16xi32>], vector<16xi32>,
      %mul3A_405 = arith.constant 16 : i32
      %mul3A_406 = arith.muli %add3A_317, %mul3A_405 : i32
      %add3A_407 = arith.constant 3 : i32
      %add3A_408 = arith.addi %mul3A_406, %add3A_407 : i32
      %swap3A_409 = arith.index_cast %add3A_408 : i32 to index
      %swap3A_410 = arith.constant 0 : index
      %swap3A_411 = tpu.vector_load %arg8[%swap3A_409, %swap3A_410] {strides = array<i32>} : memref<2048x16xi32, #tpu.memory_space<vmem>>, vector<16xi32>,
      tpu.vector_store %arg8[%swap3A_409, %swap3A_410], %gather3A_404 {strides = array<i32>} : memref<2048x16xi32, #tpu.memory_space<vmem>>, vector<16xi32>,
      %broadcast_in_dim3A_412 = arith.constant 4 : i32
      %broadcast_in_dim3A_413 = vector.broadcast %broadcast_in_dim3A_412 : i32 to vector<16xi32>
      %lt3A_414 = arith.constant 0 : i32
      %lt3A_415 = vector.broadcast %lt3A_414 : i32 to vector<16xi32>
      %lt3A_416 = arith.cmpi slt, %broadcast_in_dim3A_413, %lt3A_415 : vector<16xi32>
      %add3A_417 = arith.constant 16 : i32
      %add3A_418 = vector.broadcast %add3A_417 : i32 to vector<16xi32>
      %add3A_419 = arith.addi %broadcast_in_dim3A_413, %add3A_418 : vector<16xi32>
      %select_n3A_420 = arith.select %lt3A_416, %add3A_419, %broadcast_in_dim3A_413 : vector<16xi1>, vector<16xi32>
      %broadcast_in_dim3A_421 = vector.shape_cast %select_n3A_420 : vector<16xi32> to vector<16x1xi32>
      %gather3A_422 = vector.shape_cast %broadcast_in_dim3A_421 : vector<16x1xi32> to vector<16xi32>
      %gather3A_423 = tpu.dynamic_gather %get3A_320[%gather3A_422] in [0] : vector<16xi32>, vector<16xi32> -> vector<16xi32>
      %mul3A_424 = arith.constant 16 : i32
      %mul3A_425 = vector.broadcast %mul3A_424 : i32 to vector<16xi32>
      %mul3A_426 = arith.muli %gather3A_423, %mul3A_425 : vector<16xi32>
      %add3A_427 = arith.addi %mul3A_426, %iota3A : vector<16xi32>
      %gather3A_428 = tpu.vector_load_idx %arg6[%add3A_427] : memref<4096xi32, #tpu.memory_space<vmem>>[vector<16xi32>], vector<16xi32>,
      %mul3A_429 = arith.constant 16 : i32
      %mul3A_430 = arith.muli %add3A_317, %mul3A_429 : i32
      %add3A_431 = arith.constant 4 : i32
      %add3A_432 = arith.addi %mul3A_430, %add3A_431 : i32
      %swap3A_433 = arith.index_cast %add3A_432 : i32 to index
      %swap3A_434 = arith.constant 0 : index
      %swap3A_435 = tpu.vector_load %arg8[%swap3A_433, %swap3A_434] {strides = array<i32>} : memref<2048x16xi32, #tpu.memory_space<vmem>>, vector<16xi32>,
      tpu.vector_store %arg8[%swap3A_433, %swap3A_434], %gather3A_428 {strides = array<i32>} : memref<2048x16xi32, #tpu.memory_space<vmem>>, vector<16xi32>,
      %broadcast_in_dim3A_436 = arith.constant 5 : i32
      %broadcast_in_dim3A_437 = vector.broadcast %broadcast_in_dim3A_436 : i32 to vector<16xi32>
      %lt3A_438 = arith.constant 0 : i32
      %lt3A_439 = vector.broadcast %lt3A_438 : i32 to vector<16xi32>
      %lt3A_440 = arith.cmpi slt, %broadcast_in_dim3A_437, %lt3A_439 : vector<16xi32>
      %add3A_441 = arith.constant 16 : i32
      %add3A_442 = vector.broadcast %add3A_441 : i32 to vector<16xi32>
      %add3A_443 = arith.addi %broadcast_in_dim3A_437, %add3A_442 : vector<16xi32>
      %select_n3A_444 = arith.select %lt3A_440, %add3A_443, %broadcast_in_dim3A_437 : vector<16xi1>, vector<16xi32>
      %broadcast_in_dim3A_445 = vector.shape_cast %select_n3A_444 : vector<16xi32> to vector<16x1xi32>
      %gather3A_446 = vector.shape_cast %broadcast_in_dim3A_445 : vector<16x1xi32> to vector<16xi32>
      %gather3A_447 = tpu.dynamic_gather %get3A_320[%gather3A_446] in [0] : vector<16xi32>, vector<16xi32> -> vector<16xi32>
      %mul3A_448 = arith.constant 16 : i32
      %mul3A_449 = vector.broadcast %mul3A_448 : i32 to vector<16xi32>
      %mul3A_450 = arith.muli %gather3A_447, %mul3A_449 : vector<16xi32>
      %add3A_451 = arith.addi %mul3A_450, %iota3A : vector<16xi32>
      %gather3A_452 = tpu.vector_load_idx %arg6[%add3A_451] : memref<4096xi32, #tpu.memory_space<vmem>>[vector<16xi32>], vector<16xi32>,
      %mul3A_453 = arith.constant 16 : i32
      %mul3A_454 = arith.muli %add3A_317, %mul3A_453 : i32
      %add3A_455 = arith.constant 5 : i32
      %add3A_456 = arith.addi %mul3A_454, %add3A_455 : i32
      %swap3A_457 = arith.index_cast %add3A_456 : i32 to index
      %swap3A_458 = arith.constant 0 : index
      %swap3A_459 = tpu.vector_load %arg8[%swap3A_457, %swap3A_458] {strides = array<i32>} : memref<2048x16xi32, #tpu.memory_space<vmem>>, vector<16xi32>,
      tpu.vector_store %arg8[%swap3A_457, %swap3A_458], %gather3A_452 {strides = array<i32>} : memref<2048x16xi32, #tpu.memory_space<vmem>>, vector<16xi32>,
      %broadcast_in_dim3A_460 = arith.constant 6 : i32
      %broadcast_in_dim3A_461 = vector.broadcast %broadcast_in_dim3A_460 : i32 to vector<16xi32>
      %lt3A_462 = arith.constant 0 : i32
      %lt3A_463 = vector.broadcast %lt3A_462 : i32 to vector<16xi32>
      %lt3A_464 = arith.cmpi slt, %broadcast_in_dim3A_461, %lt3A_463 : vector<16xi32>
      %add3A_465 = arith.constant 16 : i32
      %add3A_466 = vector.broadcast %add3A_465 : i32 to vector<16xi32>
      %add3A_467 = arith.addi %broadcast_in_dim3A_461, %add3A_466 : vector<16xi32>
      %select_n3A_468 = arith.select %lt3A_464, %add3A_467, %broadcast_in_dim3A_461 : vector<16xi1>, vector<16xi32>
      %broadcast_in_dim3A_469 = vector.shape_cast %select_n3A_468 : vector<16xi32> to vector<16x1xi32>
      %gather3A_470 = vector.shape_cast %broadcast_in_dim3A_469 : vector<16x1xi32> to vector<16xi32>
      %gather3A_471 = tpu.dynamic_gather %get3A_320[%gather3A_470] in [0] : vector<16xi32>, vector<16xi32> -> vector<16xi32>
      %mul3A_472 = arith.constant 16 : i32
      %mul3A_473 = vector.broadcast %mul3A_472 : i32 to vector<16xi32>
      %mul3A_474 = arith.muli %gather3A_471, %mul3A_473 : vector<16xi32>
      %add3A_475 = arith.addi %mul3A_474, %iota3A : vector<16xi32>
      %gather3A_476 = tpu.vector_load_idx %arg6[%add3A_475] : memref<4096xi32, #tpu.memory_space<vmem>>[vector<16xi32>], vector<16xi32>,
      %mul3A_477 = arith.constant 16 : i32
      %mul3A_478 = arith.muli %add3A_317, %mul3A_477 : i32
      %add3A_479 = arith.constant 6 : i32
      %add3A_480 = arith.addi %mul3A_478, %add3A_479 : i32
      %swap3A_481 = arith.index_cast %add3A_480 : i32 to index
      %swap3A_482 = arith.constant 0 : index
      %swap3A_483 = tpu.vector_load %arg8[%swap3A_481, %swap3A_482] {strides = array<i32>} : memref<2048x16xi32, #tpu.memory_space<vmem>>, vector<16xi32>,
      tpu.vector_store %arg8[%swap3A_481, %swap3A_482], %gather3A_476 {strides = array<i32>} : memref<2048x16xi32, #tpu.memory_space<vmem>>, vector<16xi32>,
      %broadcast_in_dim3A_484 = arith.constant 7 : i32
      %broadcast_in_dim3A_485 = vector.broadcast %broadcast_in_dim3A_484 : i32 to vector<16xi32>
      %lt3A_486 = arith.constant 0 : i32
      %lt3A_487 = vector.broadcast %lt3A_486 : i32 to vector<16xi32>
      %lt3A_488 = arith.cmpi slt, %broadcast_in_dim3A_485, %lt3A_487 : vector<16xi32>
      %add3A_489 = arith.constant 16 : i32
      %add3A_490 = vector.broadcast %add3A_489 : i32 to vector<16xi32>
      %add3A_491 = arith.addi %broadcast_in_dim3A_485, %add3A_490 : vector<16xi32>
      %select_n3A_492 = arith.select %lt3A_488, %add3A_491, %broadcast_in_dim3A_485 : vector<16xi1>, vector<16xi32>
      %broadcast_in_dim3A_493 = vector.shape_cast %select_n3A_492 : vector<16xi32> to vector<16x1xi32>
      %gather3A_494 = vector.shape_cast %broadcast_in_dim3A_493 : vector<16x1xi32> to vector<16xi32>
      %gather3A_495 = tpu.dynamic_gather %get3A_320[%gather3A_494] in [0] : vector<16xi32>, vector<16xi32> -> vector<16xi32>
      %mul3A_496 = arith.constant 16 : i32
      %mul3A_497 = vector.broadcast %mul3A_496 : i32 to vector<16xi32>
      %mul3A_498 = arith.muli %gather3A_495, %mul3A_497 : vector<16xi32>
      %add3A_499 = arith.addi %mul3A_498, %iota3A : vector<16xi32>
      %gather3A_500 = tpu.vector_load_idx %arg6[%add3A_499] : memref<4096xi32, #tpu.memory_space<vmem>>[vector<16xi32>], vector<16xi32>,
      %mul3A_501 = arith.constant 16 : i32
      %mul3A_502 = arith.muli %add3A_317, %mul3A_501 : i32
      %add3A_503 = arith.constant 7 : i32
      %add3A_504 = arith.addi %mul3A_502, %add3A_503 : i32
      %swap3A_505 = arith.index_cast %add3A_504 : i32 to index
      %swap3A_506 = arith.constant 0 : index
      %swap3A_507 = tpu.vector_load %arg8[%swap3A_505, %swap3A_506] {strides = array<i32>} : memref<2048x16xi32, #tpu.memory_space<vmem>>, vector<16xi32>,
      tpu.vector_store %arg8[%swap3A_505, %swap3A_506], %gather3A_500 {strides = array<i32>} : memref<2048x16xi32, #tpu.memory_space<vmem>>, vector<16xi32>,
      %broadcast_in_dim3A_508 = arith.constant 8 : i32
      %broadcast_in_dim3A_509 = vector.broadcast %broadcast_in_dim3A_508 : i32 to vector<16xi32>
      %lt3A_510 = arith.constant 0 : i32
      %lt3A_511 = vector.broadcast %lt3A_510 : i32 to vector<16xi32>
      %lt3A_512 = arith.cmpi slt, %broadcast_in_dim3A_509, %lt3A_511 : vector<16xi32>
      %add3A_513 = arith.constant 16 : i32
      %add3A_514 = vector.broadcast %add3A_513 : i32 to vector<16xi32>
      %add3A_515 = arith.addi %broadcast_in_dim3A_509, %add3A_514 : vector<16xi32>
      %select_n3A_516 = arith.select %lt3A_512, %add3A_515, %broadcast_in_dim3A_509 : vector<16xi1>, vector<16xi32>
      %broadcast_in_dim3A_517 = vector.shape_cast %select_n3A_516 : vector<16xi32> to vector<16x1xi32>
      %gather3A_518 = vector.shape_cast %broadcast_in_dim3A_517 : vector<16x1xi32> to vector<16xi32>
      %gather3A_519 = tpu.dynamic_gather %get3A_320[%gather3A_518] in [0] : vector<16xi32>, vector<16xi32> -> vector<16xi32>
      %mul3A_520 = arith.constant 16 : i32
      %mul3A_521 = vector.broadcast %mul3A_520 : i32 to vector<16xi32>
      %mul3A_522 = arith.muli %gather3A_519, %mul3A_521 : vector<16xi32>
      %add3A_523 = arith.addi %mul3A_522, %iota3A : vector<16xi32>
      %gather3A_524 = tpu.vector_load_idx %arg6[%add3A_523] : memref<4096xi32, #tpu.memory_space<vmem>>[vector<16xi32>], vector<16xi32>,
      %mul3A_525 = arith.constant 16 : i32
      %mul3A_526 = arith.muli %add3A_317, %mul3A_525 : i32
      %add3A_527 = arith.constant 8 : i32
      %add3A_528 = arith.addi %mul3A_526, %add3A_527 : i32
      %swap3A_529 = arith.index_cast %add3A_528 : i32 to index
      %swap3A_530 = arith.constant 0 : index
      %swap3A_531 = tpu.vector_load %arg8[%swap3A_529, %swap3A_530] {strides = array<i32>} : memref<2048x16xi32, #tpu.memory_space<vmem>>, vector<16xi32>,
      tpu.vector_store %arg8[%swap3A_529, %swap3A_530], %gather3A_524 {strides = array<i32>} : memref<2048x16xi32, #tpu.memory_space<vmem>>, vector<16xi32>,
      %broadcast_in_dim3A_532 = arith.constant 9 : i32
      %broadcast_in_dim3A_533 = vector.broadcast %broadcast_in_dim3A_532 : i32 to vector<16xi32>
      %lt3A_534 = arith.constant 0 : i32
      %lt3A_535 = vector.broadcast %lt3A_534 : i32 to vector<16xi32>
      %lt3A_536 = arith.cmpi slt, %broadcast_in_dim3A_533, %lt3A_535 : vector<16xi32>
      %add3A_537 = arith.constant 16 : i32
      %add3A_538 = vector.broadcast %add3A_537 : i32 to vector<16xi32>
      %add3A_539 = arith.addi %broadcast_in_dim3A_533, %add3A_538 : vector<16xi32>
      %select_n3A_540 = arith.select %lt3A_536, %add3A_539, %broadcast_in_dim3A_533 : vector<16xi1>, vector<16xi32>
      %broadcast_in_dim3A_541 = vector.shape_cast %select_n3A_540 : vector<16xi32> to vector<16x1xi32>
      %gather3A_542 = vector.shape_cast %broadcast_in_dim3A_541 : vector<16x1xi32> to vector<16xi32>
      %gather3A_543 = tpu.dynamic_gather %get3A_320[%gather3A_542] in [0] : vector<16xi32>, vector<16xi32> -> vector<16xi32>
      %mul3A_544 = arith.constant 16 : i32
      %mul3A_545 = vector.broadcast %mul3A_544 : i32 to vector<16xi32>
      %mul3A_546 = arith.muli %gather3A_543, %mul3A_545 : vector<16xi32>
      %add3A_547 = arith.addi %mul3A_546, %iota3A : vector<16xi32>
      %gather3A_548 = tpu.vector_load_idx %arg6[%add3A_547] : memref<4096xi32, #tpu.memory_space<vmem>>[vector<16xi32>], vector<16xi32>,
      %mul3A_549 = arith.constant 16 : i32
      %mul3A_550 = arith.muli %add3A_317, %mul3A_549 : i32
      %add3A_551 = arith.constant 9 : i32
      %add3A_552 = arith.addi %mul3A_550, %add3A_551 : i32
      %swap3A_553 = arith.index_cast %add3A_552 : i32 to index
      %swap3A_554 = arith.constant 0 : index
      %swap3A_555 = tpu.vector_load %arg8[%swap3A_553, %swap3A_554] {strides = array<i32>} : memref<2048x16xi32, #tpu.memory_space<vmem>>, vector<16xi32>,
      tpu.vector_store %arg8[%swap3A_553, %swap3A_554], %gather3A_548 {strides = array<i32>} : memref<2048x16xi32, #tpu.memory_space<vmem>>, vector<16xi32>,
      %broadcast_in_dim3A_556 = arith.constant 10 : i32
      %broadcast_in_dim3A_557 = vector.broadcast %broadcast_in_dim3A_556 : i32 to vector<16xi32>
      %lt3A_558 = arith.constant 0 : i32
      %lt3A_559 = vector.broadcast %lt3A_558 : i32 to vector<16xi32>
      %lt3A_560 = arith.cmpi slt, %broadcast_in_dim3A_557, %lt3A_559 : vector<16xi32>
      %add3A_561 = arith.constant 16 : i32
      %add3A_562 = vector.broadcast %add3A_561 : i32 to vector<16xi32>
      %add3A_563 = arith.addi %broadcast_in_dim3A_557, %add3A_562 : vector<16xi32>
      %select_n3A_564 = arith.select %lt3A_560, %add3A_563, %broadcast_in_dim3A_557 : vector<16xi1>, vector<16xi32>
      %broadcast_in_dim3A_565 = vector.shape_cast %select_n3A_564 : vector<16xi32> to vector<16x1xi32>
      %gather3A_566 = vector.shape_cast %broadcast_in_dim3A_565 : vector<16x1xi32> to vector<16xi32>
      %gather3A_567 = tpu.dynamic_gather %get3A_320[%gather3A_566] in [0] : vector<16xi32>, vector<16xi32> -> vector<16xi32>
      %mul3A_568 = arith.constant 16 : i32
      %mul3A_569 = vector.broadcast %mul3A_568 : i32 to vector<16xi32>
      %mul3A_570 = arith.muli %gather3A_567, %mul3A_569 : vector<16xi32>
      %add3A_571 = arith.addi %mul3A_570, %iota3A : vector<16xi32>
      %gather3A_572 = tpu.vector_load_idx %arg6[%add3A_571] : memref<4096xi32, #tpu.memory_space<vmem>>[vector<16xi32>], vector<16xi32>,
      %mul3A_573 = arith.constant 16 : i32
      %mul3A_574 = arith.muli %add3A_317, %mul3A_573 : i32
      %add3A_575 = arith.constant 10 : i32
      %add3A_576 = arith.addi %mul3A_574, %add3A_575 : i32
      %swap3A_577 = arith.index_cast %add3A_576 : i32 to index
      %swap3A_578 = arith.constant 0 : index
      %swap3A_579 = tpu.vector_load %arg8[%swap3A_577, %swap3A_578] {strides = array<i32>} : memref<2048x16xi32, #tpu.memory_space<vmem>>, vector<16xi32>,
      tpu.vector_store %arg8[%swap3A_577, %swap3A_578], %gather3A_572 {strides = array<i32>} : memref<2048x16xi32, #tpu.memory_space<vmem>>, vector<16xi32>,
      %broadcast_in_dim3A_580 = arith.constant 11 : i32
      %broadcast_in_dim3A_581 = vector.broadcast %broadcast_in_dim3A_580 : i32 to vector<16xi32>
      %lt3A_582 = arith.constant 0 : i32
      %lt3A_583 = vector.broadcast %lt3A_582 : i32 to vector<16xi32>
      %lt3A_584 = arith.cmpi slt, %broadcast_in_dim3A_581, %lt3A_583 : vector<16xi32>
      %add3A_585 = arith.constant 16 : i32
      %add3A_586 = vector.broadcast %add3A_585 : i32 to vector<16xi32>
      %add3A_587 = arith.addi %broadcast_in_dim3A_581, %add3A_586 : vector<16xi32>
      %select_n3A_588 = arith.select %lt3A_584, %add3A_587, %broadcast_in_dim3A_581 : vector<16xi1>, vector<16xi32>
      %broadcast_in_dim3A_589 = vector.shape_cast %select_n3A_588 : vector<16xi32> to vector<16x1xi32>
      %gather3A_590 = vector.shape_cast %broadcast_in_dim3A_589 : vector<16x1xi32> to vector<16xi32>
      %gather3A_591 = tpu.dynamic_gather %get3A_320[%gather3A_590] in [0] : vector<16xi32>, vector<16xi32> -> vector<16xi32>
      %mul3A_592 = arith.constant 16 : i32
      %mul3A_593 = vector.broadcast %mul3A_592 : i32 to vector<16xi32>
      %mul3A_594 = arith.muli %gather3A_591, %mul3A_593 : vector<16xi32>
      %add3A_595 = arith.addi %mul3A_594, %iota3A : vector<16xi32>
      %gather3A_596 = tpu.vector_load_idx %arg6[%add3A_595] : memref<4096xi32, #tpu.memory_space<vmem>>[vector<16xi32>], vector<16xi32>,
      %mul3A_597 = arith.constant 16 : i32
      %mul3A_598 = arith.muli %add3A_317, %mul3A_597 : i32
      %add3A_599 = arith.constant 11 : i32
      %add3A_600 = arith.addi %mul3A_598, %add3A_599 : i32
      %swap3A_601 = arith.index_cast %add3A_600 : i32 to index
      %swap3A_602 = arith.constant 0 : index
      %swap3A_603 = tpu.vector_load %arg8[%swap3A_601, %swap3A_602] {strides = array<i32>} : memref<2048x16xi32, #tpu.memory_space<vmem>>, vector<16xi32>,
      tpu.vector_store %arg8[%swap3A_601, %swap3A_602], %gather3A_596 {strides = array<i32>} : memref<2048x16xi32, #tpu.memory_space<vmem>>, vector<16xi32>,
      %broadcast_in_dim3A_604 = arith.constant 12 : i32
      %broadcast_in_dim3A_605 = vector.broadcast %broadcast_in_dim3A_604 : i32 to vector<16xi32>
      %lt3A_606 = arith.constant 0 : i32
      %lt3A_607 = vector.broadcast %lt3A_606 : i32 to vector<16xi32>
      %lt3A_608 = arith.cmpi slt, %broadcast_in_dim3A_605, %lt3A_607 : vector<16xi32>
      %add3A_609 = arith.constant 16 : i32
      %add3A_610 = vector.broadcast %add3A_609 : i32 to vector<16xi32>
      %add3A_611 = arith.addi %broadcast_in_dim3A_605, %add3A_610 : vector<16xi32>
      %select_n3A_612 = arith.select %lt3A_608, %add3A_611, %broadcast_in_dim3A_605 : vector<16xi1>, vector<16xi32>
      %broadcast_in_dim3A_613 = vector.shape_cast %select_n3A_612 : vector<16xi32> to vector<16x1xi32>
      %gather3A_614 = vector.shape_cast %broadcast_in_dim3A_613 : vector<16x1xi32> to vector<16xi32>
      %gather3A_615 = tpu.dynamic_gather %get3A_320[%gather3A_614] in [0] : vector<16xi32>, vector<16xi32> -> vector<16xi32>
      %mul3A_616 = arith.constant 16 : i32
      %mul3A_617 = vector.broadcast %mul3A_616 : i32 to vector<16xi32>
      %mul3A_618 = arith.muli %gather3A_615, %mul3A_617 : vector<16xi32>
      %add3A_619 = arith.addi %mul3A_618, %iota3A : vector<16xi32>
      %gather3A_620 = tpu.vector_load_idx %arg6[%add3A_619] : memref<4096xi32, #tpu.memory_space<vmem>>[vector<16xi32>], vector<16xi32>,
      %mul3A_621 = arith.constant 16 : i32
      %mul3A_622 = arith.muli %add3A_317, %mul3A_621 : i32
      %add3A_623 = arith.constant 12 : i32
      %add3A_624 = arith.addi %mul3A_622, %add3A_623 : i32
      %swap3A_625 = arith.index_cast %add3A_624 : i32 to index
      %swap3A_626 = arith.constant 0 : index
      %swap3A_627 = tpu.vector_load %arg8[%swap3A_625, %swap3A_626] {strides = array<i32>} : memref<2048x16xi32, #tpu.memory_space<vmem>>, vector<16xi32>,
      tpu.vector_store %arg8[%swap3A_625, %swap3A_626], %gather3A_620 {strides = array<i32>} : memref<2048x16xi32, #tpu.memory_space<vmem>>, vector<16xi32>,
      %broadcast_in_dim3A_628 = arith.constant 13 : i32
      %broadcast_in_dim3A_629 = vector.broadcast %broadcast_in_dim3A_628 : i32 to vector<16xi32>
      %lt3A_630 = arith.constant 0 : i32
      %lt3A_631 = vector.broadcast %lt3A_630 : i32 to vector<16xi32>
      %lt3A_632 = arith.cmpi slt, %broadcast_in_dim3A_629, %lt3A_631 : vector<16xi32>
      %add3A_633 = arith.constant 16 : i32
      %add3A_634 = vector.broadcast %add3A_633 : i32 to vector<16xi32>
      %add3A_635 = arith.addi %broadcast_in_dim3A_629, %add3A_634 : vector<16xi32>
      %select_n3A_636 = arith.select %lt3A_632, %add3A_635, %broadcast_in_dim3A_629 : vector<16xi1>, vector<16xi32>
      %broadcast_in_dim3A_637 = vector.shape_cast %select_n3A_636 : vector<16xi32> to vector<16x1xi32>
      %gather3A_638 = vector.shape_cast %broadcast_in_dim3A_637 : vector<16x1xi32> to vector<16xi32>
      %gather3A_639 = tpu.dynamic_gather %get3A_320[%gather3A_638] in [0] : vector<16xi32>, vector<16xi32> -> vector<16xi32>
      %mul3A_640 = arith.constant 16 : i32
      %mul3A_641 = vector.broadcast %mul3A_640 : i32 to vector<16xi32>
      %mul3A_642 = arith.muli %gather3A_639, %mul3A_641 : vector<16xi32>
      %add3A_643 = arith.addi %mul3A_642, %iota3A : vector<16xi32>
      %gather3A_644 = tpu.vector_load_idx %arg6[%add3A_643] : memref<4096xi32, #tpu.memory_space<vmem>>[vector<16xi32>], vector<16xi32>,
      %mul3A_645 = arith.constant 16 : i32
      %mul3A_646 = arith.muli %add3A_317, %mul3A_645 : i32
      %add3A_647 = arith.constant 13 : i32
      %add3A_648 = arith.addi %mul3A_646, %add3A_647 : i32
      %swap3A_649 = arith.index_cast %add3A_648 : i32 to index
      %swap3A_650 = arith.constant 0 : index
      %swap3A_651 = tpu.vector_load %arg8[%swap3A_649, %swap3A_650] {strides = array<i32>} : memref<2048x16xi32, #tpu.memory_space<vmem>>, vector<16xi32>,
      tpu.vector_store %arg8[%swap3A_649, %swap3A_650], %gather3A_644 {strides = array<i32>} : memref<2048x16xi32, #tpu.memory_space<vmem>>, vector<16xi32>,
      %broadcast_in_dim3A_652 = arith.constant 14 : i32
      %broadcast_in_dim3A_653 = vector.broadcast %broadcast_in_dim3A_652 : i32 to vector<16xi32>
      %lt3A_654 = arith.constant 0 : i32
      %lt3A_655 = vector.broadcast %lt3A_654 : i32 to vector<16xi32>
      %lt3A_656 = arith.cmpi slt, %broadcast_in_dim3A_653, %lt3A_655 : vector<16xi32>
      %add3A_657 = arith.constant 16 : i32
      %add3A_658 = vector.broadcast %add3A_657 : i32 to vector<16xi32>
      %add3A_659 = arith.addi %broadcast_in_dim3A_653, %add3A_658 : vector<16xi32>
      %select_n3A_660 = arith.select %lt3A_656, %add3A_659, %broadcast_in_dim3A_653 : vector<16xi1>, vector<16xi32>
      %broadcast_in_dim3A_661 = vector.shape_cast %select_n3A_660 : vector<16xi32> to vector<16x1xi32>
      %gather3A_662 = vector.shape_cast %broadcast_in_dim3A_661 : vector<16x1xi32> to vector<16xi32>
      %gather3A_663 = tpu.dynamic_gather %get3A_320[%gather3A_662] in [0] : vector<16xi32>, vector<16xi32> -> vector<16xi32>
      %mul3A_664 = arith.constant 16 : i32
      %mul3A_665 = vector.broadcast %mul3A_664 : i32 to vector<16xi32>
      %mul3A_666 = arith.muli %gather3A_663, %mul3A_665 : vector<16xi32>
      %add3A_667 = arith.addi %mul3A_666, %iota3A : vector<16xi32>
      %gather3A_668 = tpu.vector_load_idx %arg6[%add3A_667] : memref<4096xi32, #tpu.memory_space<vmem>>[vector<16xi32>], vector<16xi32>,
      %mul3A_669 = arith.constant 16 : i32
      %mul3A_670 = arith.muli %add3A_317, %mul3A_669 : i32
      %add3A_671 = arith.constant 14 : i32
      %add3A_672 = arith.addi %mul3A_670, %add3A_671 : i32
      %swap3A_673 = arith.index_cast %add3A_672 : i32 to index
      %swap3A_674 = arith.constant 0 : index
      %swap3A_675 = tpu.vector_load %arg8[%swap3A_673, %swap3A_674] {strides = array<i32>} : memref<2048x16xi32, #tpu.memory_space<vmem>>, vector<16xi32>,
      tpu.vector_store %arg8[%swap3A_673, %swap3A_674], %gather3A_668 {strides = array<i32>} : memref<2048x16xi32, #tpu.memory_space<vmem>>, vector<16xi32>,
      %broadcast_in_dim3A_676 = arith.constant 15 : i32
      %broadcast_in_dim3A_677 = vector.broadcast %broadcast_in_dim3A_676 : i32 to vector<16xi32>
      %lt3A_678 = arith.constant 0 : i32
      %lt3A_679 = vector.broadcast %lt3A_678 : i32 to vector<16xi32>
      %lt3A_680 = arith.cmpi slt, %broadcast_in_dim3A_677, %lt3A_679 : vector<16xi32>
      %add3A_681 = arith.constant 16 : i32
      %add3A_682 = vector.broadcast %add3A_681 : i32 to vector<16xi32>
      %add3A_683 = arith.addi %broadcast_in_dim3A_677, %add3A_682 : vector<16xi32>
      %select_n3A_684 = arith.select %lt3A_680, %add3A_683, %broadcast_in_dim3A_677 : vector<16xi1>, vector<16xi32>
      %broadcast_in_dim3A_685 = vector.shape_cast %select_n3A_684 : vector<16xi32> to vector<16x1xi32>
      %gather3A_686 = vector.shape_cast %broadcast_in_dim3A_685 : vector<16x1xi32> to vector<16xi32>
      %gather3A_687 = tpu.dynamic_gather %get3A_320[%gather3A_686] in [0] : vector<16xi32>, vector<16xi32> -> vector<16xi32>
      %mul3A_688 = arith.constant 16 : i32
      %mul3A_689 = vector.broadcast %mul3A_688 : i32 to vector<16xi32>
      %mul3A_690 = arith.muli %gather3A_687, %mul3A_689 : vector<16xi32>
      %add3A_691 = arith.addi %mul3A_690, %iota3A : vector<16xi32>
      %gather3A_692 = tpu.vector_load_idx %arg6[%add3A_691] : memref<4096xi32, #tpu.memory_space<vmem>>[vector<16xi32>], vector<16xi32>,
      %mul3A_693 = arith.constant 16 : i32
      %mul3A_694 = arith.muli %add3A_317, %mul3A_693 : i32
      %add3A_695 = arith.constant 15 : i32
      %add3A_696 = arith.addi %mul3A_694, %add3A_695 : i32
      %swap3A_697 = arith.index_cast %add3A_696 : i32 to index
      %swap3A_698 = arith.constant 0 : index
      %swap3A_699 = tpu.vector_load %arg8[%swap3A_697, %swap3A_698] {strides = array<i32>} : memref<2048x16xi32, #tpu.memory_space<vmem>>, vector<16xi32>,
      tpu.vector_store %arg8[%swap3A_697, %swap3A_698], %gather3A_692 {strides = array<i32>} : memref<2048x16xi32, #tpu.memory_space<vmem>>, vector<16xi32>,
      %scan3A_700 = arith.constant 1 : i32
      %scan3A_701 = arith.addi %scan3A_313, %scan3A_700 : i32
      %mul3A_702 = arith.constant 1 : i32
      %mul3A_703 = arith.muli %scan3A_701, %mul3A_702 : i32
      %add3A_704 = arith.constant 96 : i32
      %add3A_705 = arith.addi %add3A_704, %mul3A_703 : i32
      %mul3A_706 = arith.constant 16 : i32
      %mul3A_707 = arith.muli %add3A_705, %mul3A_706 : i32
      %get3A_708 = arith.index_cast %mul3A_707 : i32 to index
      %get3A_709 = tpu.vector_load %arg7[%get3A_708] {strides = array<i32>} : memref<2048xi32, #tpu.memory_space<vmem>>, vector<16xi32>,
      %broadcast_in_dim3A_710 = arith.constant 0 : i32
      %broadcast_in_dim3A_711 = vector.broadcast %broadcast_in_dim3A_710 : i32 to vector<16xi32>
      %lt3A_712 = arith.constant 0 : i32
      %lt3A_713 = vector.broadcast %lt3A_712 : i32 to vector<16xi32>
      %lt3A_714 = arith.cmpi slt, %broadcast_in_dim3A_711, %lt3A_713 : vector<16xi32>
      %add3A_715 = arith.constant 16 : i32
      %add3A_716 = vector.broadcast %add3A_715 : i32 to vector<16xi32>
      %add3A_717 = arith.addi %broadcast_in_dim3A_711, %add3A_716 : vector<16xi32>
      %select_n3A_718 = arith.select %lt3A_714, %add3A_717, %broadcast_in_dim3A_711 : vector<16xi1>, vector<16xi32>
      %broadcast_in_dim3A_719 = vector.shape_cast %select_n3A_718 : vector<16xi32> to vector<16x1xi32>
      %gather3A_720 = vector.shape_cast %broadcast_in_dim3A_719 : vector<16x1xi32> to vector<16xi32>
      %gather3A_721 = tpu.dynamic_gather %get3A_709[%gather3A_720] in [0] : vector<16xi32>, vector<16xi32> -> vector<16xi32>
      %mul3A_722 = arith.constant 16 : i32
      %mul3A_723 = vector.broadcast %mul3A_722 : i32 to vector<16xi32>
      %mul3A_724 = arith.muli %gather3A_721, %mul3A_723 : vector<16xi32>
      %add3A_725 = arith.addi %mul3A_724, %iota3A : vector<16xi32>
      %gather3A_726 = tpu.vector_load_idx %arg6[%add3A_725] : memref<4096xi32, #tpu.memory_space<vmem>>[vector<16xi32>], vector<16xi32>,
      %mul3A_727 = arith.constant 16 : i32
      %mul3A_728 = arith.muli %add3A_705, %mul3A_727 : i32
      %add3A_729 = arith.constant 0 : i32
      %add3A_730 = arith.addi %mul3A_728, %add3A_729 : i32
      %swap3A_731 = arith.index_cast %add3A_730 : i32 to index
      %swap3A_732 = arith.constant 0 : index
      %swap3A_733 = tpu.vector_load %arg8[%swap3A_731, %swap3A_732] {strides = array<i32>} : memref<2048x16xi32, #tpu.memory_space<vmem>>, vector<16xi32>,
      tpu.vector_store %arg8[%swap3A_731, %swap3A_732], %gather3A_726 {strides = array<i32>} : memref<2048x16xi32, #tpu.memory_space<vmem>>, vector<16xi32>,
      %broadcast_in_dim3A_734 = arith.constant 1 : i32
      %broadcast_in_dim3A_735 = vector.broadcast %broadcast_in_dim3A_734 : i32 to vector<16xi32>
      %lt3A_736 = arith.constant 0 : i32
      %lt3A_737 = vector.broadcast %lt3A_736 : i32 to vector<16xi32>
      %lt3A_738 = arith.cmpi slt, %broadcast_in_dim3A_735, %lt3A_737 : vector<16xi32>
      %add3A_739 = arith.constant 16 : i32
      %add3A_740 = vector.broadcast %add3A_739 : i32 to vector<16xi32>
      %add3A_741 = arith.addi %broadcast_in_dim3A_735, %add3A_740 : vector<16xi32>
      %select_n3A_742 = arith.select %lt3A_738, %add3A_741, %broadcast_in_dim3A_735 : vector<16xi1>, vector<16xi32>
      %broadcast_in_dim3A_743 = vector.shape_cast %select_n3A_742 : vector<16xi32> to vector<16x1xi32>
      %gather3A_744 = vector.shape_cast %broadcast_in_dim3A_743 : vector<16x1xi32> to vector<16xi32>
      %gather3A_745 = tpu.dynamic_gather %get3A_709[%gather3A_744] in [0] : vector<16xi32>, vector<16xi32> -> vector<16xi32>
      %mul3A_746 = arith.constant 16 : i32
      %mul3A_747 = vector.broadcast %mul3A_746 : i32 to vector<16xi32>
      %mul3A_748 = arith.muli %gather3A_745, %mul3A_747 : vector<16xi32>
      %add3A_749 = arith.addi %mul3A_748, %iota3A : vector<16xi32>
      %gather3A_750 = tpu.vector_load_idx %arg6[%add3A_749] : memref<4096xi32, #tpu.memory_space<vmem>>[vector<16xi32>], vector<16xi32>,
      %mul3A_751 = arith.constant 16 : i32
      %mul3A_752 = arith.muli %add3A_705, %mul3A_751 : i32
      %add3A_753 = arith.constant 1 : i32
      %add3A_754 = arith.addi %mul3A_752, %add3A_753 : i32
      %swap3A_755 = arith.index_cast %add3A_754 : i32 to index
      %swap3A_756 = arith.constant 0 : index
      %swap3A_757 = tpu.vector_load %arg8[%swap3A_755, %swap3A_756] {strides = array<i32>} : memref<2048x16xi32, #tpu.memory_space<vmem>>, vector<16xi32>,
      tpu.vector_store %arg8[%swap3A_755, %swap3A_756], %gather3A_750 {strides = array<i32>} : memref<2048x16xi32, #tpu.memory_space<vmem>>, vector<16xi32>,
      %broadcast_in_dim3A_758 = arith.constant 2 : i32
      %broadcast_in_dim3A_759 = vector.broadcast %broadcast_in_dim3A_758 : i32 to vector<16xi32>
      %lt3A_760 = arith.constant 0 : i32
      %lt3A_761 = vector.broadcast %lt3A_760 : i32 to vector<16xi32>
      %lt3A_762 = arith.cmpi slt, %broadcast_in_dim3A_759, %lt3A_761 : vector<16xi32>
      %add3A_763 = arith.constant 16 : i32
      %add3A_764 = vector.broadcast %add3A_763 : i32 to vector<16xi32>
      %add3A_765 = arith.addi %broadcast_in_dim3A_759, %add3A_764 : vector<16xi32>
      %select_n3A_766 = arith.select %lt3A_762, %add3A_765, %broadcast_in_dim3A_759 : vector<16xi1>, vector<16xi32>
      %broadcast_in_dim3A_767 = vector.shape_cast %select_n3A_766 : vector<16xi32> to vector<16x1xi32>
      %gather3A_768 = vector.shape_cast %broadcast_in_dim3A_767 : vector<16x1xi32> to vector<16xi32>
      %gather3A_769 = tpu.dynamic_gather %get3A_709[%gather3A_768] in [0] : vector<16xi32>, vector<16xi32> -> vector<16xi32>
      %mul3A_770 = arith.constant 16 : i32
      %mul3A_771 = vector.broadcast %mul3A_770 : i32 to vector<16xi32>
      %mul3A_772 = arith.muli %gather3A_769, %mul3A_771 : vector<16xi32>
      %add3A_773 = arith.addi %mul3A_772, %iota3A : vector<16xi32>
      %gather3A_774 = tpu.vector_load_idx %arg6[%add3A_773] : memref<4096xi32, #tpu.memory_space<vmem>>[vector<16xi32>], vector<16xi32>,
      %mul3A_775 = arith.constant 16 : i32
      %mul3A_776 = arith.muli %add3A_705, %mul3A_775 : i32
      %add3A_777 = arith.constant 2 : i32
      %add3A_778 = arith.addi %mul3A_776, %add3A_777 : i32
      %swap3A_779 = arith.index_cast %add3A_778 : i32 to index
      %swap3A_780 = arith.constant 0 : index
      %swap3A_781 = tpu.vector_load %arg8[%swap3A_779, %swap3A_780] {strides = array<i32>} : memref<2048x16xi32, #tpu.memory_space<vmem>>, vector<16xi32>,
      tpu.vector_store %arg8[%swap3A_779, %swap3A_780], %gather3A_774 {strides = array<i32>} : memref<2048x16xi32, #tpu.memory_space<vmem>>, vector<16xi32>,
      %broadcast_in_dim3A_782 = arith.constant 3 : i32
      %broadcast_in_dim3A_783 = vector.broadcast %broadcast_in_dim3A_782 : i32 to vector<16xi32>
      %lt3A_784 = arith.constant 0 : i32
      %lt3A_785 = vector.broadcast %lt3A_784 : i32 to vector<16xi32>
      %lt3A_786 = arith.cmpi slt, %broadcast_in_dim3A_783, %lt3A_785 : vector<16xi32>
      %add3A_787 = arith.constant 16 : i32
      %add3A_788 = vector.broadcast %add3A_787 : i32 to vector<16xi32>
      %add3A_789 = arith.addi %broadcast_in_dim3A_783, %add3A_788 : vector<16xi32>
      %select_n3A_790 = arith.select %lt3A_786, %add3A_789, %broadcast_in_dim3A_783 : vector<16xi1>, vector<16xi32>
      %broadcast_in_dim3A_791 = vector.shape_cast %select_n3A_790 : vector<16xi32> to vector<16x1xi32>
      %gather3A_792 = vector.shape_cast %broadcast_in_dim3A_791 : vector<16x1xi32> to vector<16xi32>
      %gather3A_793 = tpu.dynamic_gather %get3A_709[%gather3A_792] in [0] : vector<16xi32>, vector<16xi32> -> vector<16xi32>
      %mul3A_794 = arith.constant 16 : i32
      %mul3A_795 = vector.broadcast %mul3A_794 : i32 to vector<16xi32>
      %mul3A_796 = arith.muli %gather3A_793, %mul3A_795 : vector<16xi32>
      %add3A_797 = arith.addi %mul3A_796, %iota3A : vector<16xi32>
      %gather3A_798 = tpu.vector_load_idx %arg6[%add3A_797] : memref<4096xi32, #tpu.memory_space<vmem>>[vector<16xi32>], vector<16xi32>,
      %mul3A_799 = arith.constant 16 : i32
      %mul3A_800 = arith.muli %add3A_705, %mul3A_799 : i32
      %add3A_801 = arith.constant 3 : i32
      %add3A_802 = arith.addi %mul3A_800, %add3A_801 : i32
      %swap3A_803 = arith.index_cast %add3A_802 : i32 to index
      %swap3A_804 = arith.constant 0 : index
      %swap3A_805 = tpu.vector_load %arg8[%swap3A_803, %swap3A_804] {strides = array<i32>} : memref<2048x16xi32, #tpu.memory_space<vmem>>, vector<16xi32>,
      tpu.vector_store %arg8[%swap3A_803, %swap3A_804], %gather3A_798 {strides = array<i32>} : memref<2048x16xi32, #tpu.memory_space<vmem>>, vector<16xi32>,
      %broadcast_in_dim3A_806 = arith.constant 4 : i32
      %broadcast_in_dim3A_807 = vector.broadcast %broadcast_in_dim3A_806 : i32 to vector<16xi32>
      %lt3A_808 = arith.constant 0 : i32
      %lt3A_809 = vector.broadcast %lt3A_808 : i32 to vector<16xi32>
      %lt3A_810 = arith.cmpi slt, %broadcast_in_dim3A_807, %lt3A_809 : vector<16xi32>
      %add3A_811 = arith.constant 16 : i32
      %add3A_812 = vector.broadcast %add3A_811 : i32 to vector<16xi32>
      %add3A_813 = arith.addi %broadcast_in_dim3A_807, %add3A_812 : vector<16xi32>
      %select_n3A_814 = arith.select %lt3A_810, %add3A_813, %broadcast_in_dim3A_807 : vector<16xi1>, vector<16xi32>
      %broadcast_in_dim3A_815 = vector.shape_cast %select_n3A_814 : vector<16xi32> to vector<16x1xi32>
      %gather3A_816 = vector.shape_cast %broadcast_in_dim3A_815 : vector<16x1xi32> to vector<16xi32>
      %gather3A_817 = tpu.dynamic_gather %get3A_709[%gather3A_816] in [0] : vector<16xi32>, vector<16xi32> -> vector<16xi32>
      %mul3A_818 = arith.constant 16 : i32
      %mul3A_819 = vector.broadcast %mul3A_818 : i32 to vector<16xi32>
      %mul3A_820 = arith.muli %gather3A_817, %mul3A_819 : vector<16xi32>
      %add3A_821 = arith.addi %mul3A_820, %iota3A : vector<16xi32>
      %gather3A_822 = tpu.vector_load_idx %arg6[%add3A_821] : memref<4096xi32, #tpu.memory_space<vmem>>[vector<16xi32>], vector<16xi32>,
      %mul3A_823 = arith.constant 16 : i32
      %mul3A_824 = arith.muli %add3A_705, %mul3A_823 : i32
      %add3A_825 = arith.constant 4 : i32
      %add3A_826 = arith.addi %mul3A_824, %add3A_825 : i32
      %swap3A_827 = arith.index_cast %add3A_826 : i32 to index
      %swap3A_828 = arith.constant 0 : index
      %swap3A_829 = tpu.vector_load %arg8[%swap3A_827, %swap3A_828] {strides = array<i32>} : memref<2048x16xi32, #tpu.memory_space<vmem>>, vector<16xi32>,
      tpu.vector_store %arg8[%swap3A_827, %swap3A_828], %gather3A_822 {strides = array<i32>} : memref<2048x16xi32, #tpu.memory_space<vmem>>, vector<16xi32>,
      %broadcast_in_dim3A_830 = arith.constant 5 : i32
      %broadcast_in_dim3A_831 = vector.broadcast %broadcast_in_dim3A_830 : i32 to vector<16xi32>
      %lt3A_832 = arith.constant 0 : i32
      %lt3A_833 = vector.broadcast %lt3A_832 : i32 to vector<16xi32>
      %lt3A_834 = arith.cmpi slt, %broadcast_in_dim3A_831, %lt3A_833 : vector<16xi32>
      %add3A_835 = arith.constant 16 : i32
      %add3A_836 = vector.broadcast %add3A_835 : i32 to vector<16xi32>
      %add3A_837 = arith.addi %broadcast_in_dim3A_831, %add3A_836 : vector<16xi32>
      %select_n3A_838 = arith.select %lt3A_834, %add3A_837, %broadcast_in_dim3A_831 : vector<16xi1>, vector<16xi32>
      %broadcast_in_dim3A_839 = vector.shape_cast %select_n3A_838 : vector<16xi32> to vector<16x1xi32>
      %gather3A_840 = vector.shape_cast %broadcast_in_dim3A_839 : vector<16x1xi32> to vector<16xi32>
      %gather3A_841 = tpu.dynamic_gather %get3A_709[%gather3A_840] in [0] : vector<16xi32>, vector<16xi32> -> vector<16xi32>
      %mul3A_842 = arith.constant 16 : i32
      %mul3A_843 = vector.broadcast %mul3A_842 : i32 to vector<16xi32>
      %mul3A_844 = arith.muli %gather3A_841, %mul3A_843 : vector<16xi32>
      %add3A_845 = arith.addi %mul3A_844, %iota3A : vector<16xi32>
      %gather3A_846 = tpu.vector_load_idx %arg6[%add3A_845] : memref<4096xi32, #tpu.memory_space<vmem>>[vector<16xi32>], vector<16xi32>,
      %mul3A_847 = arith.constant 16 : i32
      %mul3A_848 = arith.muli %add3A_705, %mul3A_847 : i32
      %add3A_849 = arith.constant 5 : i32
      %add3A_850 = arith.addi %mul3A_848, %add3A_849 : i32
      %swap3A_851 = arith.index_cast %add3A_850 : i32 to index
      %swap3A_852 = arith.constant 0 : index
      %swap3A_853 = tpu.vector_load %arg8[%swap3A_851, %swap3A_852] {strides = array<i32>} : memref<2048x16xi32, #tpu.memory_space<vmem>>, vector<16xi32>,
      tpu.vector_store %arg8[%swap3A_851, %swap3A_852], %gather3A_846 {strides = array<i32>} : memref<2048x16xi32, #tpu.memory_space<vmem>>, vector<16xi32>,
      %broadcast_in_dim3A_854 = arith.constant 6 : i32
      %broadcast_in_dim3A_855 = vector.broadcast %broadcast_in_dim3A_854 : i32 to vector<16xi32>
      %lt3A_856 = arith.constant 0 : i32
      %lt3A_857 = vector.broadcast %lt3A_856 : i32 to vector<16xi32>
      %lt3A_858 = arith.cmpi slt, %broadcast_in_dim3A_855, %lt3A_857 : vector<16xi32>
      %add3A_859 = arith.constant 16 : i32
      %add3A_860 = vector.broadcast %add3A_859 : i32 to vector<16xi32>
      %add3A_861 = arith.addi %broadcast_in_dim3A_855, %add3A_860 : vector<16xi32>
      %select_n3A_862 = arith.select %lt3A_858, %add3A_861, %broadcast_in_dim3A_855 : vector<16xi1>, vector<16xi32>
      %broadcast_in_dim3A_863 = vector.shape_cast %select_n3A_862 : vector<16xi32> to vector<16x1xi32>
      %gather3A_864 = vector.shape_cast %broadcast_in_dim3A_863 : vector<16x1xi32> to vector<16xi32>
      %gather3A_865 = tpu.dynamic_gather %get3A_709[%gather3A_864] in [0] : vector<16xi32>, vector<16xi32> -> vector<16xi32>
      %mul3A_866 = arith.constant 16 : i32
      %mul3A_867 = vector.broadcast %mul3A_866 : i32 to vector<16xi32>
      %mul3A_868 = arith.muli %gather3A_865, %mul3A_867 : vector<16xi32>
      %add3A_869 = arith.addi %mul3A_868, %iota3A : vector<16xi32>
      %gather3A_870 = tpu.vector_load_idx %arg6[%add3A_869] : memref<4096xi32, #tpu.memory_space<vmem>>[vector<16xi32>], vector<16xi32>,
      %mul3A_871 = arith.constant 16 : i32
      %mul3A_872 = arith.muli %add3A_705, %mul3A_871 : i32
      %add3A_873 = arith.constant 6 : i32
      %add3A_874 = arith.addi %mul3A_872, %add3A_873 : i32
      %swap3A_875 = arith.index_cast %add3A_874 : i32 to index
      %swap3A_876 = arith.constant 0 : index
      %swap3A_877 = tpu.vector_load %arg8[%swap3A_875, %swap3A_876] {strides = array<i32>} : memref<2048x16xi32, #tpu.memory_space<vmem>>, vector<16xi32>,
      tpu.vector_store %arg8[%swap3A_875, %swap3A_876], %gather3A_870 {strides = array<i32>} : memref<2048x16xi32, #tpu.memory_space<vmem>>, vector<16xi32>,
      %broadcast_in_dim3A_878 = arith.constant 7 : i32
      %broadcast_in_dim3A_879 = vector.broadcast %broadcast_in_dim3A_878 : i32 to vector<16xi32>
      %lt3A_880 = arith.constant 0 : i32
      %lt3A_881 = vector.broadcast %lt3A_880 : i32 to vector<16xi32>
      %lt3A_882 = arith.cmpi slt, %broadcast_in_dim3A_879, %lt3A_881 : vector<16xi32>
      %add3A_883 = arith.constant 16 : i32
      %add3A_884 = vector.broadcast %add3A_883 : i32 to vector<16xi32>
      %add3A_885 = arith.addi %broadcast_in_dim3A_879, %add3A_884 : vector<16xi32>
      %select_n3A_886 = arith.select %lt3A_882, %add3A_885, %broadcast_in_dim3A_879 : vector<16xi1>, vector<16xi32>
      %broadcast_in_dim3A_887 = vector.shape_cast %select_n3A_886 : vector<16xi32> to vector<16x1xi32>
      %gather3A_888 = vector.shape_cast %broadcast_in_dim3A_887 : vector<16x1xi32> to vector<16xi32>
      %gather3A_889 = tpu.dynamic_gather %get3A_709[%gather3A_888] in [0] : vector<16xi32>, vector<16xi32> -> vector<16xi32>
      %mul3A_890 = arith.constant 16 : i32
      %mul3A_891 = vector.broadcast %mul3A_890 : i32 to vector<16xi32>
      %mul3A_892 = arith.muli %gather3A_889, %mul3A_891 : vector<16xi32>
      %add3A_893 = arith.addi %mul3A_892, %iota3A : vector<16xi32>
      %gather3A_894 = tpu.vector_load_idx %arg6[%add3A_893] : memref<4096xi32, #tpu.memory_space<vmem>>[vector<16xi32>], vector<16xi32>,
      %mul3A_895 = arith.constant 16 : i32
      %mul3A_896 = arith.muli %add3A_705, %mul3A_895 : i32
      %add3A_897 = arith.constant 7 : i32
      %add3A_898 = arith.addi %mul3A_896, %add3A_897 : i32
      %swap3A_899 = arith.index_cast %add3A_898 : i32 to index
      %swap3A_900 = arith.constant 0 : index
      %swap3A_901 = tpu.vector_load %arg8[%swap3A_899, %swap3A_900] {strides = array<i32>} : memref<2048x16xi32, #tpu.memory_space<vmem>>, vector<16xi32>,
      tpu.vector_store %arg8[%swap3A_899, %swap3A_900], %gather3A_894 {strides = array<i32>} : memref<2048x16xi32, #tpu.memory_space<vmem>>, vector<16xi32>,
      %broadcast_in_dim3A_902 = arith.constant 8 : i32
      %broadcast_in_dim3A_903 = vector.broadcast %broadcast_in_dim3A_902 : i32 to vector<16xi32>
      %lt3A_904 = arith.constant 0 : i32
      %lt3A_905 = vector.broadcast %lt3A_904 : i32 to vector<16xi32>
      %lt3A_906 = arith.cmpi slt, %broadcast_in_dim3A_903, %lt3A_905 : vector<16xi32>
      %add3A_907 = arith.constant 16 : i32
      %add3A_908 = vector.broadcast %add3A_907 : i32 to vector<16xi32>
      %add3A_909 = arith.addi %broadcast_in_dim3A_903, %add3A_908 : vector<16xi32>
      %select_n3A_910 = arith.select %lt3A_906, %add3A_909, %broadcast_in_dim3A_903 : vector<16xi1>, vector<16xi32>
      %broadcast_in_dim3A_911 = vector.shape_cast %select_n3A_910 : vector<16xi32> to vector<16x1xi32>
      %gather3A_912 = vector.shape_cast %broadcast_in_dim3A_911 : vector<16x1xi32> to vector<16xi32>
      %gather3A_913 = tpu.dynamic_gather %get3A_709[%gather3A_912] in [0] : vector<16xi32>, vector<16xi32> -> vector<16xi32>
      %mul3A_914 = arith.constant 16 : i32
      %mul3A_915 = vector.broadcast %mul3A_914 : i32 to vector<16xi32>
      %mul3A_916 = arith.muli %gather3A_913, %mul3A_915 : vector<16xi32>
      %add3A_917 = arith.addi %mul3A_916, %iota3A : vector<16xi32>
      %gather3A_918 = tpu.vector_load_idx %arg6[%add3A_917] : memref<4096xi32, #tpu.memory_space<vmem>>[vector<16xi32>], vector<16xi32>,
      %mul3A_919 = arith.constant 16 : i32
      %mul3A_920 = arith.muli %add3A_705, %mul3A_919 : i32
      %add3A_921 = arith.constant 8 : i32
      %add3A_922 = arith.addi %mul3A_920, %add3A_921 : i32
      %swap3A_923 = arith.index_cast %add3A_922 : i32 to index
      %swap3A_924 = arith.constant 0 : index
      %swap3A_925 = tpu.vector_load %arg8[%swap3A_923, %swap3A_924] {strides = array<i32>} : memref<2048x16xi32, #tpu.memory_space<vmem>>, vector<16xi32>,
      tpu.vector_store %arg8[%swap3A_923, %swap3A_924], %gather3A_918 {strides = array<i32>} : memref<2048x16xi32, #tpu.memory_space<vmem>>, vector<16xi32>,
      %broadcast_in_dim3A_926 = arith.constant 9 : i32
      %broadcast_in_dim3A_927 = vector.broadcast %broadcast_in_dim3A_926 : i32 to vector<16xi32>
      %lt3A_928 = arith.constant 0 : i32
      %lt3A_929 = vector.broadcast %lt3A_928 : i32 to vector<16xi32>
      %lt3A_930 = arith.cmpi slt, %broadcast_in_dim3A_927, %lt3A_929 : vector<16xi32>
      %add3A_931 = arith.constant 16 : i32
      %add3A_932 = vector.broadcast %add3A_931 : i32 to vector<16xi32>
      %add3A_933 = arith.addi %broadcast_in_dim3A_927, %add3A_932 : vector<16xi32>
      %select_n3A_934 = arith.select %lt3A_930, %add3A_933, %broadcast_in_dim3A_927 : vector<16xi1>, vector<16xi32>
      %broadcast_in_dim3A_935 = vector.shape_cast %select_n3A_934 : vector<16xi32> to vector<16x1xi32>
      %gather3A_936 = vector.shape_cast %broadcast_in_dim3A_935 : vector<16x1xi32> to vector<16xi32>
      %gather3A_937 = tpu.dynamic_gather %get3A_709[%gather3A_936] in [0] : vector<16xi32>, vector<16xi32> -> vector<16xi32>
      %mul3A_938 = arith.constant 16 : i32
      %mul3A_939 = vector.broadcast %mul3A_938 : i32 to vector<16xi32>
      %mul3A_940 = arith.muli %gather3A_937, %mul3A_939 : vector<16xi32>
      %add3A_941 = arith.addi %mul3A_940, %iota3A : vector<16xi32>
      %gather3A_942 = tpu.vector_load_idx %arg6[%add3A_941] : memref<4096xi32, #tpu.memory_space<vmem>>[vector<16xi32>], vector<16xi32>,
      %mul3A_943 = arith.constant 16 : i32
      %mul3A_944 = arith.muli %add3A_705, %mul3A_943 : i32
      %add3A_945 = arith.constant 9 : i32
      %add3A_946 = arith.addi %mul3A_944, %add3A_945 : i32
      %swap3A_947 = arith.index_cast %add3A_946 : i32 to index
      %swap3A_948 = arith.constant 0 : index
      %swap3A_949 = tpu.vector_load %arg8[%swap3A_947, %swap3A_948] {strides = array<i32>} : memref<2048x16xi32, #tpu.memory_space<vmem>>, vector<16xi32>,
      tpu.vector_store %arg8[%swap3A_947, %swap3A_948], %gather3A_942 {strides = array<i32>} : memref<2048x16xi32, #tpu.memory_space<vmem>>, vector<16xi32>,
      %broadcast_in_dim3A_950 = arith.constant 10 : i32
      %broadcast_in_dim3A_951 = vector.broadcast %broadcast_in_dim3A_950 : i32 to vector<16xi32>
      %lt3A_952 = arith.constant 0 : i32
      %lt3A_953 = vector.broadcast %lt3A_952 : i32 to vector<16xi32>
      %lt3A_954 = arith.cmpi slt, %broadcast_in_dim3A_951, %lt3A_953 : vector<16xi32>
      %add3A_955 = arith.constant 16 : i32
      %add3A_956 = vector.broadcast %add3A_955 : i32 to vector<16xi32>
      %add3A_957 = arith.addi %broadcast_in_dim3A_951, %add3A_956 : vector<16xi32>
      %select_n3A_958 = arith.select %lt3A_954, %add3A_957, %broadcast_in_dim3A_951 : vector<16xi1>, vector<16xi32>
      %broadcast_in_dim3A_959 = vector.shape_cast %select_n3A_958 : vector<16xi32> to vector<16x1xi32>
      %gather3A_960 = vector.shape_cast %broadcast_in_dim3A_959 : vector<16x1xi32> to vector<16xi32>
      %gather3A_961 = tpu.dynamic_gather %get3A_709[%gather3A_960] in [0] : vector<16xi32>, vector<16xi32> -> vector<16xi32>
      %mul3A_962 = arith.constant 16 : i32
      %mul3A_963 = vector.broadcast %mul3A_962 : i32 to vector<16xi32>
      %mul3A_964 = arith.muli %gather3A_961, %mul3A_963 : vector<16xi32>
      %add3A_965 = arith.addi %mul3A_964, %iota3A : vector<16xi32>
      %gather3A_966 = tpu.vector_load_idx %arg6[%add3A_965] : memref<4096xi32, #tpu.memory_space<vmem>>[vector<16xi32>], vector<16xi32>,
      %mul3A_967 = arith.constant 16 : i32
      %mul3A_968 = arith.muli %add3A_705, %mul3A_967 : i32
      %add3A_969 = arith.constant 10 : i32
      %add3A_970 = arith.addi %mul3A_968, %add3A_969 : i32
      %swap3A_971 = arith.index_cast %add3A_970 : i32 to index
      %swap3A_972 = arith.constant 0 : index
      %swap3A_973 = tpu.vector_load %arg8[%swap3A_971, %swap3A_972] {strides = array<i32>} : memref<2048x16xi32, #tpu.memory_space<vmem>>, vector<16xi32>,
      tpu.vector_store %arg8[%swap3A_971, %swap3A_972], %gather3A_966 {strides = array<i32>} : memref<2048x16xi32, #tpu.memory_space<vmem>>, vector<16xi32>,
      %broadcast_in_dim3A_974 = arith.constant 11 : i32
      %broadcast_in_dim3A_975 = vector.broadcast %broadcast_in_dim3A_974 : i32 to vector<16xi32>
      %lt3A_976 = arith.constant 0 : i32
      %lt3A_977 = vector.broadcast %lt3A_976 : i32 to vector<16xi32>
      %lt3A_978 = arith.cmpi slt, %broadcast_in_dim3A_975, %lt3A_977 : vector<16xi32>
      %add3A_979 = arith.constant 16 : i32
      %add3A_980 = vector.broadcast %add3A_979 : i32 to vector<16xi32>
      %add3A_981 = arith.addi %broadcast_in_dim3A_975, %add3A_980 : vector<16xi32>
      %select_n3A_982 = arith.select %lt3A_978, %add3A_981, %broadcast_in_dim3A_975 : vector<16xi1>, vector<16xi32>
      %broadcast_in_dim3A_983 = vector.shape_cast %select_n3A_982 : vector<16xi32> to vector<16x1xi32>
      %gather3A_984 = vector.shape_cast %broadcast_in_dim3A_983 : vector<16x1xi32> to vector<16xi32>
      %gather3A_985 = tpu.dynamic_gather %get3A_709[%gather3A_984] in [0] : vector<16xi32>, vector<16xi32> -> vector<16xi32>
      %mul3A_986 = arith.constant 16 : i32
      %mul3A_987 = vector.broadcast %mul3A_986 : i32 to vector<16xi32>
      %mul3A_988 = arith.muli %gather3A_985, %mul3A_987 : vector<16xi32>
      %add3A_989 = arith.addi %mul3A_988, %iota3A : vector<16xi32>
      %gather3A_990 = tpu.vector_load_idx %arg6[%add3A_989] : memref<4096xi32, #tpu.memory_space<vmem>>[vector<16xi32>], vector<16xi32>,
      %mul3A_991 = arith.constant 16 : i32
      %mul3A_992 = arith.muli %add3A_705, %mul3A_991 : i32
      %add3A_993 = arith.constant 11 : i32
      %add3A_994 = arith.addi %mul3A_992, %add3A_993 : i32
      %swap3A_995 = arith.index_cast %add3A_994 : i32 to index
      %swap3A_996 = arith.constant 0 : index
      %swap3A_997 = tpu.vector_load %arg8[%swap3A_995, %swap3A_996] {strides = array<i32>} : memref<2048x16xi32, #tpu.memory_space<vmem>>, vector<16xi32>,
      tpu.vector_store %arg8[%swap3A_995, %swap3A_996], %gather3A_990 {strides = array<i32>} : memref<2048x16xi32, #tpu.memory_space<vmem>>, vector<16xi32>,
      %broadcast_in_dim3A_998 = arith.constant 12 : i32
      %broadcast_in_dim3A_999 = vector.broadcast %broadcast_in_dim3A_998 : i32 to vector<16xi32>
      %lt3A_1000 = arith.constant 0 : i32
      %lt3A_1001 = vector.broadcast %lt3A_1000 : i32 to vector<16xi32>
      %lt3A_1002 = arith.cmpi slt, %broadcast_in_dim3A_999, %lt3A_1001 : vector<16xi32>
      %add3A_1003 = arith.constant 16 : i32
      %add3A_1004 = vector.broadcast %add3A_1003 : i32 to vector<16xi32>
      %add3A_1005 = arith.addi %broadcast_in_dim3A_999, %add3A_1004 : vector<16xi32>
      %select_n3A_1006 = arith.select %lt3A_1002, %add3A_1005, %broadcast_in_dim3A_999 : vector<16xi1>, vector<16xi32>
      %broadcast_in_dim3A_1007 = vector.shape_cast %select_n3A_1006 : vector<16xi32> to vector<16x1xi32>
      %gather3A_1008 = vector.shape_cast %broadcast_in_dim3A_1007 : vector<16x1xi32> to vector<16xi32>
      %gather3A_1009 = tpu.dynamic_gather %get3A_709[%gather3A_1008] in [0] : vector<16xi32>, vector<16xi32> -> vector<16xi32>
      %mul3A_1010 = arith.constant 16 : i32
      %mul3A_1011 = vector.broadcast %mul3A_1010 : i32 to vector<16xi32>
      %mul3A_1012 = arith.muli %gather3A_1009, %mul3A_1011 : vector<16xi32>
      %add3A_1013 = arith.addi %mul3A_1012, %iota3A : vector<16xi32>
      %gather3A_1014 = tpu.vector_load_idx %arg6[%add3A_1013] : memref<4096xi32, #tpu.memory_space<vmem>>[vector<16xi32>], vector<16xi32>,
      %mul3A_1015 = arith.constant 16 : i32
      %mul3A_1016 = arith.muli %add3A_705, %mul3A_1015 : i32
      %add3A_1017 = arith.constant 12 : i32
      %add3A_1018 = arith.addi %mul3A_1016, %add3A_1017 : i32
      %swap3A_1019 = arith.index_cast %add3A_1018 : i32 to index
      %swap3A_1020 = arith.constant 0 : index
      %swap3A_1021 = tpu.vector_load %arg8[%swap3A_1019, %swap3A_1020] {strides = array<i32>} : memref<2048x16xi32, #tpu.memory_space<vmem>>, vector<16xi32>,
      tpu.vector_store %arg8[%swap3A_1019, %swap3A_1020], %gather3A_1014 {strides = array<i32>} : memref<2048x16xi32, #tpu.memory_space<vmem>>, vector<16xi32>,
      %broadcast_in_dim3A_1022 = arith.constant 13 : i32
      %broadcast_in_dim3A_1023 = vector.broadcast %broadcast_in_dim3A_1022 : i32 to vector<16xi32>
      %lt3A_1024 = arith.constant 0 : i32
      %lt3A_1025 = vector.broadcast %lt3A_1024 : i32 to vector<16xi32>
      %lt3A_1026 = arith.cmpi slt, %broadcast_in_dim3A_1023, %lt3A_1025 : vector<16xi32>
      %add3A_1027 = arith.constant 16 : i32
      %add3A_1028 = vector.broadcast %add3A_1027 : i32 to vector<16xi32>
      %add3A_1029 = arith.addi %broadcast_in_dim3A_1023, %add3A_1028 : vector<16xi32>
      %select_n3A_1030 = arith.select %lt3A_1026, %add3A_1029, %broadcast_in_dim3A_1023 : vector<16xi1>, vector<16xi32>
      %broadcast_in_dim3A_1031 = vector.shape_cast %select_n3A_1030 : vector<16xi32> to vector<16x1xi32>
      %gather3A_1032 = vector.shape_cast %broadcast_in_dim3A_1031 : vector<16x1xi32> to vector<16xi32>
      %gather3A_1033 = tpu.dynamic_gather %get3A_709[%gather3A_1032] in [0] : vector<16xi32>, vector<16xi32> -> vector<16xi32>
      %mul3A_1034 = arith.constant 16 : i32
      %mul3A_1035 = vector.broadcast %mul3A_1034 : i32 to vector<16xi32>
      %mul3A_1036 = arith.muli %gather3A_1033, %mul3A_1035 : vector<16xi32>
      %add3A_1037 = arith.addi %mul3A_1036, %iota3A : vector<16xi32>
      %gather3A_1038 = tpu.vector_load_idx %arg6[%add3A_1037] : memref<4096xi32, #tpu.memory_space<vmem>>[vector<16xi32>], vector<16xi32>,
      %mul3A_1039 = arith.constant 16 : i32
      %mul3A_1040 = arith.muli %add3A_705, %mul3A_1039 : i32
      %add3A_1041 = arith.constant 13 : i32
      %add3A_1042 = arith.addi %mul3A_1040, %add3A_1041 : i32
      %swap3A_1043 = arith.index_cast %add3A_1042 : i32 to index
      %swap3A_1044 = arith.constant 0 : index
      %swap3A_1045 = tpu.vector_load %arg8[%swap3A_1043, %swap3A_1044] {strides = array<i32>} : memref<2048x16xi32, #tpu.memory_space<vmem>>, vector<16xi32>,
      tpu.vector_store %arg8[%swap3A_1043, %swap3A_1044], %gather3A_1038 {strides = array<i32>} : memref<2048x16xi32, #tpu.memory_space<vmem>>, vector<16xi32>,
      %broadcast_in_dim3A_1046 = arith.constant 14 : i32
      %broadcast_in_dim3A_1047 = vector.broadcast %broadcast_in_dim3A_1046 : i32 to vector<16xi32>
      %lt3A_1048 = arith.constant 0 : i32
      %lt3A_1049 = vector.broadcast %lt3A_1048 : i32 to vector<16xi32>
      %lt3A_1050 = arith.cmpi slt, %broadcast_in_dim3A_1047, %lt3A_1049 : vector<16xi32>
      %add3A_1051 = arith.constant 16 : i32
      %add3A_1052 = vector.broadcast %add3A_1051 : i32 to vector<16xi32>
      %add3A_1053 = arith.addi %broadcast_in_dim3A_1047, %add3A_1052 : vector<16xi32>
      %select_n3A_1054 = arith.select %lt3A_1050, %add3A_1053, %broadcast_in_dim3A_1047 : vector<16xi1>, vector<16xi32>
      %broadcast_in_dim3A_1055 = vector.shape_cast %select_n3A_1054 : vector<16xi32> to vector<16x1xi32>
      %gather3A_1056 = vector.shape_cast %broadcast_in_dim3A_1055 : vector<16x1xi32> to vector<16xi32>
      %gather3A_1057 = tpu.dynamic_gather %get3A_709[%gather3A_1056] in [0] : vector<16xi32>, vector<16xi32> -> vector<16xi32>
      %mul3A_1058 = arith.constant 16 : i32
      %mul3A_1059 = vector.broadcast %mul3A_1058 : i32 to vector<16xi32>
      %mul3A_1060 = arith.muli %gather3A_1057, %mul3A_1059 : vector<16xi32>
      %add3A_1061 = arith.addi %mul3A_1060, %iota3A : vector<16xi32>
      %gather3A_1062 = tpu.vector_load_idx %arg6[%add3A_1061] : memref<4096xi32, #tpu.memory_space<vmem>>[vector<16xi32>], vector<16xi32>,
      %mul3A_1063 = arith.constant 16 : i32
      %mul3A_1064 = arith.muli %add3A_705, %mul3A_1063 : i32
      %add3A_1065 = arith.constant 14 : i32
      %add3A_1066 = arith.addi %mul3A_1064, %add3A_1065 : i32
      %swap3A_1067 = arith.index_cast %add3A_1066 : i32 to index
      %swap3A_1068 = arith.constant 0 : index
      %swap3A_1069 = tpu.vector_load %arg8[%swap3A_1067, %swap3A_1068] {strides = array<i32>} : memref<2048x16xi32, #tpu.memory_space<vmem>>, vector<16xi32>,
      tpu.vector_store %arg8[%swap3A_1067, %swap3A_1068], %gather3A_1062 {strides = array<i32>} : memref<2048x16xi32, #tpu.memory_space<vmem>>, vector<16xi32>,
      %broadcast_in_dim3A_1070 = arith.constant 15 : i32
      %broadcast_in_dim3A_1071 = vector.broadcast %broadcast_in_dim3A_1070 : i32 to vector<16xi32>
      %lt3A_1072 = arith.constant 0 : i32
      %lt3A_1073 = vector.broadcast %lt3A_1072 : i32 to vector<16xi32>
      %lt3A_1074 = arith.cmpi slt, %broadcast_in_dim3A_1071, %lt3A_1073 : vector<16xi32>
      %add3A_1075 = arith.constant 16 : i32
      %add3A_1076 = vector.broadcast %add3A_1075 : i32 to vector<16xi32>
      %add3A_1077 = arith.addi %broadcast_in_dim3A_1071, %add3A_1076 : vector<16xi32>
      %select_n3A_1078 = arith.select %lt3A_1074, %add3A_1077, %broadcast_in_dim3A_1071 : vector<16xi1>, vector<16xi32>
      %broadcast_in_dim3A_1079 = vector.shape_cast %select_n3A_1078 : vector<16xi32> to vector<16x1xi32>
      %gather3A_1080 = vector.shape_cast %broadcast_in_dim3A_1079 : vector<16x1xi32> to vector<16xi32>
      %gather3A_1081 = tpu.dynamic_gather %get3A_709[%gather3A_1080] in [0] : vector<16xi32>, vector<16xi32> -> vector<16xi32>
      %mul3A_1082 = arith.constant 16 : i32
      %mul3A_1083 = vector.broadcast %mul3A_1082 : i32 to vector<16xi32>
      %mul3A_1084 = arith.muli %gather3A_1081, %mul3A_1083 : vector<16xi32>
      %add3A_1085 = arith.addi %mul3A_1084, %iota3A : vector<16xi32>
      %gather3A_1086 = tpu.vector_load_idx %arg6[%add3A_1085] : memref<4096xi32, #tpu.memory_space<vmem>>[vector<16xi32>], vector<16xi32>,
      %mul3A_1087 = arith.constant 16 : i32
      %mul3A_1088 = arith.muli %add3A_705, %mul3A_1087 : i32
      %add3A_1089 = arith.constant 15 : i32
      %add3A_1090 = arith.addi %mul3A_1088, %add3A_1089 : i32
      %swap3A_1091 = arith.index_cast %add3A_1090 : i32 to index
      %swap3A_1092 = arith.constant 0 : index
      %swap3A_1093 = tpu.vector_load %arg8[%swap3A_1091, %swap3A_1092] {strides = array<i32>} : memref<2048x16xi32, #tpu.memory_space<vmem>>, vector<16xi32>,
      tpu.vector_store %arg8[%swap3A_1091, %swap3A_1092], %gather3A_1086 {strides = array<i32>} : memref<2048x16xi32, #tpu.memory_space<vmem>>, vector<16xi32>,
    }
    %scan3A_104 = arith.constant 16 : i32
    %add3A_105 = arith.constant 1536 : i32
    %add3A_106 = arith.addi %mul3A_2, %add3A_105 : i32
    %dma_start3A_107 = arith.constant 1536 : i32
    %dma_start3A_108 = arith.constant 0 : i32
    %dma_start3A_109 = tpu.memref_slice %arg8[%dma_start3A_107, %dma_start3A_108] : memref<2048x16xi32, #tpu.memory_space<vmem>> -> memref<256x16xi32, #tpu.memory_space<vmem>>
    %dma_start3A_110 = arith.constant 0 : i32
    %dma_start3A_111 = tpu.memref_slice %arg5[%add3A_106, %dma_start3A_110] : memref<65536x16xi32, #tpu.memory_space<hbm>> -> memref<256x16xi32, #tpu.memory_space<hbm>>
    %dma_start3A_112 = arith.constant 0 : i32
    %dma_start3A_113 = tpu.memref_slice %arg5[%add3A_106, %dma_start3A_112] : memref<65536x16xi32, #tpu.memory_space<hbm>> -> memref<256x16xi32, #tpu.memory_space<hbm>>
    %dma_start3A_114 = arith.constant 1536 : i32
    %dma_start3A_115 = arith.constant 0 : i32
    %dma_start3A_116 = tpu.memref_slice %arg8[%dma_start3A_114, %dma_start3A_115] : memref<2048x16xi32, #tpu.memory_space<vmem>> -> memref<256x16xi32, #tpu.memory_space<vmem>>
    tpu.enqueue_dma source(%dma_start3A_116 : memref<256x16xi32, #tpu.memory_space<vmem>>) target(%dma_start3A_113 : memref<256x16xi32, #tpu.memory_space<hbm>>) target_semaphore(%arg10 : memref<!tpu.dma_semaphore, #tpu.memory_space<semaphore_mem>>)
    %scan3A_117 = arith.constant 0 : i32
    %scan3A_118 = arith.constant 16 : i32
    %scan3A_119 = arith.addi %scan3A_117, %scan3A_118 : i32
    %scan3A_120 = arith.constant 2 : i32
    scf.for %scan3A_313 = %scan3A_117 to %scan3A_119 step %scan3A_120  : i32 {
      %mul3A_314 = arith.constant 1 : i32
      %mul3A_315 = arith.muli %scan3A_313, %mul3A_314 : i32
      %add3A_316 = arith.constant 112 : i32
      %add3A_317 = arith.addi %add3A_316, %mul3A_315 : i32
      %mul3A_318 = arith.constant 16 : i32
      %mul3A_319 = arith.muli %add3A_317, %mul3A_318 : i32
      %get3A = arith.index_cast %mul3A_319 : i32 to index
      %get3A_320 = tpu.vector_load %arg7[%get3A] {strides = array<i32>} : memref<2048xi32, #tpu.memory_space<vmem>>, vector<16xi32>,
      %broadcast_in_dim3A = arith.constant 0 : i32
      %broadcast_in_dim3A_321 = vector.broadcast %broadcast_in_dim3A : i32 to vector<16xi32>
      %lt3A = arith.constant 0 : i32
      %lt3A_322 = vector.broadcast %lt3A : i32 to vector<16xi32>
      %lt3A_323 = arith.cmpi slt, %broadcast_in_dim3A_321, %lt3A_322 : vector<16xi32>
      %add3A_324 = arith.constant 16 : i32
      %add3A_325 = vector.broadcast %add3A_324 : i32 to vector<16xi32>
      %add3A_326 = arith.addi %broadcast_in_dim3A_321, %add3A_325 : vector<16xi32>
      %select_n3A = arith.select %lt3A_323, %add3A_326, %broadcast_in_dim3A_321 : vector<16xi1>, vector<16xi32>
      %broadcast_in_dim3A_327 = vector.shape_cast %select_n3A : vector<16xi32> to vector<16x1xi32>
      %gather3A = vector.shape_cast %broadcast_in_dim3A_327 : vector<16x1xi32> to vector<16xi32>
      %gather3A_328 = tpu.dynamic_gather %get3A_320[%gather3A] in [0] : vector<16xi32>, vector<16xi32> -> vector<16xi32>
      %mul3A_329 = arith.constant 16 : i32
      %mul3A_330 = vector.broadcast %mul3A_329 : i32 to vector<16xi32>
      %mul3A_331 = arith.muli %gather3A_328, %mul3A_330 : vector<16xi32>
      %add3A_332 = arith.addi %mul3A_331, %iota3A : vector<16xi32>
      %gather3A_333 = tpu.vector_load_idx %arg6[%add3A_332] : memref<4096xi32, #tpu.memory_space<vmem>>[vector<16xi32>], vector<16xi32>,
      %mul3A_334 = arith.constant 16 : i32
      %mul3A_335 = arith.muli %add3A_317, %mul3A_334 : i32
      %add3A_336 = arith.constant 0 : i32
      %add3A_337 = arith.addi %mul3A_335, %add3A_336 : i32
      %swap3A = arith.index_cast %add3A_337 : i32 to index
      %swap3A_338 = arith.constant 0 : index
      %swap3A_339 = tpu.vector_load %arg8[%swap3A, %swap3A_338] {strides = array<i32>} : memref<2048x16xi32, #tpu.memory_space<vmem>>, vector<16xi32>,
      tpu.vector_store %arg8[%swap3A, %swap3A_338], %gather3A_333 {strides = array<i32>} : memref<2048x16xi32, #tpu.memory_space<vmem>>, vector<16xi32>,
      %broadcast_in_dim3A_340 = arith.constant 1 : i32
      %broadcast_in_dim3A_341 = vector.broadcast %broadcast_in_dim3A_340 : i32 to vector<16xi32>
      %lt3A_342 = arith.constant 0 : i32
      %lt3A_343 = vector.broadcast %lt3A_342 : i32 to vector<16xi32>
      %lt3A_344 = arith.cmpi slt, %broadcast_in_dim3A_341, %lt3A_343 : vector<16xi32>
      %add3A_345 = arith.constant 16 : i32
      %add3A_346 = vector.broadcast %add3A_345 : i32 to vector<16xi32>
      %add3A_347 = arith.addi %broadcast_in_dim3A_341, %add3A_346 : vector<16xi32>
      %select_n3A_348 = arith.select %lt3A_344, %add3A_347, %broadcast_in_dim3A_341 : vector<16xi1>, vector<16xi32>
      %broadcast_in_dim3A_349 = vector.shape_cast %select_n3A_348 : vector<16xi32> to vector<16x1xi32>
      %gather3A_350 = vector.shape_cast %broadcast_in_dim3A_349 : vector<16x1xi32> to vector<16xi32>
      %gather3A_351 = tpu.dynamic_gather %get3A_320[%gather3A_350] in [0] : vector<16xi32>, vector<16xi32> -> vector<16xi32>
      %mul3A_352 = arith.constant 16 : i32
      %mul3A_353 = vector.broadcast %mul3A_352 : i32 to vector<16xi32>
      %mul3A_354 = arith.muli %gather3A_351, %mul3A_353 : vector<16xi32>
      %add3A_355 = arith.addi %mul3A_354, %iota3A : vector<16xi32>
      %gather3A_356 = tpu.vector_load_idx %arg6[%add3A_355] : memref<4096xi32, #tpu.memory_space<vmem>>[vector<16xi32>], vector<16xi32>,
      %mul3A_357 = arith.constant 16 : i32
      %mul3A_358 = arith.muli %add3A_317, %mul3A_357 : i32
      %add3A_359 = arith.constant 1 : i32
      %add3A_360 = arith.addi %mul3A_358, %add3A_359 : i32
      %swap3A_361 = arith.index_cast %add3A_360 : i32 to index
      %swap3A_362 = arith.constant 0 : index
      %swap3A_363 = tpu.vector_load %arg8[%swap3A_361, %swap3A_362] {strides = array<i32>} : memref<2048x16xi32, #tpu.memory_space<vmem>>, vector<16xi32>,
      tpu.vector_store %arg8[%swap3A_361, %swap3A_362], %gather3A_356 {strides = array<i32>} : memref<2048x16xi32, #tpu.memory_space<vmem>>, vector<16xi32>,
      %broadcast_in_dim3A_364 = arith.constant 2 : i32
      %broadcast_in_dim3A_365 = vector.broadcast %broadcast_in_dim3A_364 : i32 to vector<16xi32>
      %lt3A_366 = arith.constant 0 : i32
      %lt3A_367 = vector.broadcast %lt3A_366 : i32 to vector<16xi32>
      %lt3A_368 = arith.cmpi slt, %broadcast_in_dim3A_365, %lt3A_367 : vector<16xi32>
      %add3A_369 = arith.constant 16 : i32
      %add3A_370 = vector.broadcast %add3A_369 : i32 to vector<16xi32>
      %add3A_371 = arith.addi %broadcast_in_dim3A_365, %add3A_370 : vector<16xi32>
      %select_n3A_372 = arith.select %lt3A_368, %add3A_371, %broadcast_in_dim3A_365 : vector<16xi1>, vector<16xi32>
      %broadcast_in_dim3A_373 = vector.shape_cast %select_n3A_372 : vector<16xi32> to vector<16x1xi32>
      %gather3A_374 = vector.shape_cast %broadcast_in_dim3A_373 : vector<16x1xi32> to vector<16xi32>
      %gather3A_375 = tpu.dynamic_gather %get3A_320[%gather3A_374] in [0] : vector<16xi32>, vector<16xi32> -> vector<16xi32>
      %mul3A_376 = arith.constant 16 : i32
      %mul3A_377 = vector.broadcast %mul3A_376 : i32 to vector<16xi32>
      %mul3A_378 = arith.muli %gather3A_375, %mul3A_377 : vector<16xi32>
      %add3A_379 = arith.addi %mul3A_378, %iota3A : vector<16xi32>
      %gather3A_380 = tpu.vector_load_idx %arg6[%add3A_379] : memref<4096xi32, #tpu.memory_space<vmem>>[vector<16xi32>], vector<16xi32>,
      %mul3A_381 = arith.constant 16 : i32
      %mul3A_382 = arith.muli %add3A_317, %mul3A_381 : i32
      %add3A_383 = arith.constant 2 : i32
      %add3A_384 = arith.addi %mul3A_382, %add3A_383 : i32
      %swap3A_385 = arith.index_cast %add3A_384 : i32 to index
      %swap3A_386 = arith.constant 0 : index
      %swap3A_387 = tpu.vector_load %arg8[%swap3A_385, %swap3A_386] {strides = array<i32>} : memref<2048x16xi32, #tpu.memory_space<vmem>>, vector<16xi32>,
      tpu.vector_store %arg8[%swap3A_385, %swap3A_386], %gather3A_380 {strides = array<i32>} : memref<2048x16xi32, #tpu.memory_space<vmem>>, vector<16xi32>,
      %broadcast_in_dim3A_388 = arith.constant 3 : i32
      %broadcast_in_dim3A_389 = vector.broadcast %broadcast_in_dim3A_388 : i32 to vector<16xi32>
      %lt3A_390 = arith.constant 0 : i32
      %lt3A_391 = vector.broadcast %lt3A_390 : i32 to vector<16xi32>
      %lt3A_392 = arith.cmpi slt, %broadcast_in_dim3A_389, %lt3A_391 : vector<16xi32>
      %add3A_393 = arith.constant 16 : i32
      %add3A_394 = vector.broadcast %add3A_393 : i32 to vector<16xi32>
      %add3A_395 = arith.addi %broadcast_in_dim3A_389, %add3A_394 : vector<16xi32>
      %select_n3A_396 = arith.select %lt3A_392, %add3A_395, %broadcast_in_dim3A_389 : vector<16xi1>, vector<16xi32>
      %broadcast_in_dim3A_397 = vector.shape_cast %select_n3A_396 : vector<16xi32> to vector<16x1xi32>
      %gather3A_398 = vector.shape_cast %broadcast_in_dim3A_397 : vector<16x1xi32> to vector<16xi32>
      %gather3A_399 = tpu.dynamic_gather %get3A_320[%gather3A_398] in [0] : vector<16xi32>, vector<16xi32> -> vector<16xi32>
      %mul3A_400 = arith.constant 16 : i32
      %mul3A_401 = vector.broadcast %mul3A_400 : i32 to vector<16xi32>
      %mul3A_402 = arith.muli %gather3A_399, %mul3A_401 : vector<16xi32>
      %add3A_403 = arith.addi %mul3A_402, %iota3A : vector<16xi32>
      %gather3A_404 = tpu.vector_load_idx %arg6[%add3A_403] : memref<4096xi32, #tpu.memory_space<vmem>>[vector<16xi32>], vector<16xi32>,
      %mul3A_405 = arith.constant 16 : i32
      %mul3A_406 = arith.muli %add3A_317, %mul3A_405 : i32
      %add3A_407 = arith.constant 3 : i32
      %add3A_408 = arith.addi %mul3A_406, %add3A_407 : i32
      %swap3A_409 = arith.index_cast %add3A_408 : i32 to index
      %swap3A_410 = arith.constant 0 : index
      %swap3A_411 = tpu.vector_load %arg8[%swap3A_409, %swap3A_410] {strides = array<i32>} : memref<2048x16xi32, #tpu.memory_space<vmem>>, vector<16xi32>,
      tpu.vector_store %arg8[%swap3A_409, %swap3A_410], %gather3A_404 {strides = array<i32>} : memref<2048x16xi32, #tpu.memory_space<vmem>>, vector<16xi32>,
      %broadcast_in_dim3A_412 = arith.constant 4 : i32
      %broadcast_in_dim3A_413 = vector.broadcast %broadcast_in_dim3A_412 : i32 to vector<16xi32>
      %lt3A_414 = arith.constant 0 : i32
      %lt3A_415 = vector.broadcast %lt3A_414 : i32 to vector<16xi32>
      %lt3A_416 = arith.cmpi slt, %broadcast_in_dim3A_413, %lt3A_415 : vector<16xi32>
      %add3A_417 = arith.constant 16 : i32
      %add3A_418 = vector.broadcast %add3A_417 : i32 to vector<16xi32>
      %add3A_419 = arith.addi %broadcast_in_dim3A_413, %add3A_418 : vector<16xi32>
      %select_n3A_420 = arith.select %lt3A_416, %add3A_419, %broadcast_in_dim3A_413 : vector<16xi1>, vector<16xi32>
      %broadcast_in_dim3A_421 = vector.shape_cast %select_n3A_420 : vector<16xi32> to vector<16x1xi32>
      %gather3A_422 = vector.shape_cast %broadcast_in_dim3A_421 : vector<16x1xi32> to vector<16xi32>
      %gather3A_423 = tpu.dynamic_gather %get3A_320[%gather3A_422] in [0] : vector<16xi32>, vector<16xi32> -> vector<16xi32>
      %mul3A_424 = arith.constant 16 : i32
      %mul3A_425 = vector.broadcast %mul3A_424 : i32 to vector<16xi32>
      %mul3A_426 = arith.muli %gather3A_423, %mul3A_425 : vector<16xi32>
      %add3A_427 = arith.addi %mul3A_426, %iota3A : vector<16xi32>
      %gather3A_428 = tpu.vector_load_idx %arg6[%add3A_427] : memref<4096xi32, #tpu.memory_space<vmem>>[vector<16xi32>], vector<16xi32>,
      %mul3A_429 = arith.constant 16 : i32
      %mul3A_430 = arith.muli %add3A_317, %mul3A_429 : i32
      %add3A_431 = arith.constant 4 : i32
      %add3A_432 = arith.addi %mul3A_430, %add3A_431 : i32
      %swap3A_433 = arith.index_cast %add3A_432 : i32 to index
      %swap3A_434 = arith.constant 0 : index
      %swap3A_435 = tpu.vector_load %arg8[%swap3A_433, %swap3A_434] {strides = array<i32>} : memref<2048x16xi32, #tpu.memory_space<vmem>>, vector<16xi32>,
      tpu.vector_store %arg8[%swap3A_433, %swap3A_434], %gather3A_428 {strides = array<i32>} : memref<2048x16xi32, #tpu.memory_space<vmem>>, vector<16xi32>,
      %broadcast_in_dim3A_436 = arith.constant 5 : i32
      %broadcast_in_dim3A_437 = vector.broadcast %broadcast_in_dim3A_436 : i32 to vector<16xi32>
      %lt3A_438 = arith.constant 0 : i32
      %lt3A_439 = vector.broadcast %lt3A_438 : i32 to vector<16xi32>
      %lt3A_440 = arith.cmpi slt, %broadcast_in_dim3A_437, %lt3A_439 : vector<16xi32>
      %add3A_441 = arith.constant 16 : i32
      %add3A_442 = vector.broadcast %add3A_441 : i32 to vector<16xi32>
      %add3A_443 = arith.addi %broadcast_in_dim3A_437, %add3A_442 : vector<16xi32>
      %select_n3A_444 = arith.select %lt3A_440, %add3A_443, %broadcast_in_dim3A_437 : vector<16xi1>, vector<16xi32>
      %broadcast_in_dim3A_445 = vector.shape_cast %select_n3A_444 : vector<16xi32> to vector<16x1xi32>
      %gather3A_446 = vector.shape_cast %broadcast_in_dim3A_445 : vector<16x1xi32> to vector<16xi32>
      %gather3A_447 = tpu.dynamic_gather %get3A_320[%gather3A_446] in [0] : vector<16xi32>, vector<16xi32> -> vector<16xi32>
      %mul3A_448 = arith.constant 16 : i32
      %mul3A_449 = vector.broadcast %mul3A_448 : i32 to vector<16xi32>
      %mul3A_450 = arith.muli %gather3A_447, %mul3A_449 : vector<16xi32>
      %add3A_451 = arith.addi %mul3A_450, %iota3A : vector<16xi32>
      %gather3A_452 = tpu.vector_load_idx %arg6[%add3A_451] : memref<4096xi32, #tpu.memory_space<vmem>>[vector<16xi32>], vector<16xi32>,
      %mul3A_453 = arith.constant 16 : i32
      %mul3A_454 = arith.muli %add3A_317, %mul3A_453 : i32
      %add3A_455 = arith.constant 5 : i32
      %add3A_456 = arith.addi %mul3A_454, %add3A_455 : i32
      %swap3A_457 = arith.index_cast %add3A_456 : i32 to index
      %swap3A_458 = arith.constant 0 : index
      %swap3A_459 = tpu.vector_load %arg8[%swap3A_457, %swap3A_458] {strides = array<i32>} : memref<2048x16xi32, #tpu.memory_space<vmem>>, vector<16xi32>,
      tpu.vector_store %arg8[%swap3A_457, %swap3A_458], %gather3A_452 {strides = array<i32>} : memref<2048x16xi32, #tpu.memory_space<vmem>>, vector<16xi32>,
      %broadcast_in_dim3A_460 = arith.constant 6 : i32
      %broadcast_in_dim3A_461 = vector.broadcast %broadcast_in_dim3A_460 : i32 to vector<16xi32>
      %lt3A_462 = arith.constant 0 : i32
      %lt3A_463 = vector.broadcast %lt3A_462 : i32 to vector<16xi32>
      %lt3A_464 = arith.cmpi slt, %broadcast_in_dim3A_461, %lt3A_463 : vector<16xi32>
      %add3A_465 = arith.constant 16 : i32
      %add3A_466 = vector.broadcast %add3A_465 : i32 to vector<16xi32>
      %add3A_467 = arith.addi %broadcast_in_dim3A_461, %add3A_466 : vector<16xi32>
      %select_n3A_468 = arith.select %lt3A_464, %add3A_467, %broadcast_in_dim3A_461 : vector<16xi1>, vector<16xi32>
      %broadcast_in_dim3A_469 = vector.shape_cast %select_n3A_468 : vector<16xi32> to vector<16x1xi32>
      %gather3A_470 = vector.shape_cast %broadcast_in_dim3A_469 : vector<16x1xi32> to vector<16xi32>
      %gather3A_471 = tpu.dynamic_gather %get3A_320[%gather3A_470] in [0] : vector<16xi32>, vector<16xi32> -> vector<16xi32>
      %mul3A_472 = arith.constant 16 : i32
      %mul3A_473 = vector.broadcast %mul3A_472 : i32 to vector<16xi32>
      %mul3A_474 = arith.muli %gather3A_471, %mul3A_473 : vector<16xi32>
      %add3A_475 = arith.addi %mul3A_474, %iota3A : vector<16xi32>
      %gather3A_476 = tpu.vector_load_idx %arg6[%add3A_475] : memref<4096xi32, #tpu.memory_space<vmem>>[vector<16xi32>], vector<16xi32>,
      %mul3A_477 = arith.constant 16 : i32
      %mul3A_478 = arith.muli %add3A_317, %mul3A_477 : i32
      %add3A_479 = arith.constant 6 : i32
      %add3A_480 = arith.addi %mul3A_478, %add3A_479 : i32
      %swap3A_481 = arith.index_cast %add3A_480 : i32 to index
      %swap3A_482 = arith.constant 0 : index
      %swap3A_483 = tpu.vector_load %arg8[%swap3A_481, %swap3A_482] {strides = array<i32>} : memref<2048x16xi32, #tpu.memory_space<vmem>>, vector<16xi32>,
      tpu.vector_store %arg8[%swap3A_481, %swap3A_482], %gather3A_476 {strides = array<i32>} : memref<2048x16xi32, #tpu.memory_space<vmem>>, vector<16xi32>,
      %broadcast_in_dim3A_484 = arith.constant 7 : i32
      %broadcast_in_dim3A_485 = vector.broadcast %broadcast_in_dim3A_484 : i32 to vector<16xi32>
      %lt3A_486 = arith.constant 0 : i32
      %lt3A_487 = vector.broadcast %lt3A_486 : i32 to vector<16xi32>
      %lt3A_488 = arith.cmpi slt, %broadcast_in_dim3A_485, %lt3A_487 : vector<16xi32>
      %add3A_489 = arith.constant 16 : i32
      %add3A_490 = vector.broadcast %add3A_489 : i32 to vector<16xi32>
      %add3A_491 = arith.addi %broadcast_in_dim3A_485, %add3A_490 : vector<16xi32>
      %select_n3A_492 = arith.select %lt3A_488, %add3A_491, %broadcast_in_dim3A_485 : vector<16xi1>, vector<16xi32>
      %broadcast_in_dim3A_493 = vector.shape_cast %select_n3A_492 : vector<16xi32> to vector<16x1xi32>
      %gather3A_494 = vector.shape_cast %broadcast_in_dim3A_493 : vector<16x1xi32> to vector<16xi32>
      %gather3A_495 = tpu.dynamic_gather %get3A_320[%gather3A_494] in [0] : vector<16xi32>, vector<16xi32> -> vector<16xi32>
      %mul3A_496 = arith.constant 16 : i32
      %mul3A_497 = vector.broadcast %mul3A_496 : i32 to vector<16xi32>
      %mul3A_498 = arith.muli %gather3A_495, %mul3A_497 : vector<16xi32>
      %add3A_499 = arith.addi %mul3A_498, %iota3A : vector<16xi32>
      %gather3A_500 = tpu.vector_load_idx %arg6[%add3A_499] : memref<4096xi32, #tpu.memory_space<vmem>>[vector<16xi32>], vector<16xi32>,
      %mul3A_501 = arith.constant 16 : i32
      %mul3A_502 = arith.muli %add3A_317, %mul3A_501 : i32
      %add3A_503 = arith.constant 7 : i32
      %add3A_504 = arith.addi %mul3A_502, %add3A_503 : i32
      %swap3A_505 = arith.index_cast %add3A_504 : i32 to index
      %swap3A_506 = arith.constant 0 : index
      %swap3A_507 = tpu.vector_load %arg8[%swap3A_505, %swap3A_506] {strides = array<i32>} : memref<2048x16xi32, #tpu.memory_space<vmem>>, vector<16xi32>,
      tpu.vector_store %arg8[%swap3A_505, %swap3A_506], %gather3A_500 {strides = array<i32>} : memref<2048x16xi32, #tpu.memory_space<vmem>>, vector<16xi32>,
      %broadcast_in_dim3A_508 = arith.constant 8 : i32
      %broadcast_in_dim3A_509 = vector.broadcast %broadcast_in_dim3A_508 : i32 to vector<16xi32>
      %lt3A_510 = arith.constant 0 : i32
      %lt3A_511 = vector.broadcast %lt3A_510 : i32 to vector<16xi32>
      %lt3A_512 = arith.cmpi slt, %broadcast_in_dim3A_509, %lt3A_511 : vector<16xi32>
      %add3A_513 = arith.constant 16 : i32
      %add3A_514 = vector.broadcast %add3A_513 : i32 to vector<16xi32>
      %add3A_515 = arith.addi %broadcast_in_dim3A_509, %add3A_514 : vector<16xi32>
      %select_n3A_516 = arith.select %lt3A_512, %add3A_515, %broadcast_in_dim3A_509 : vector<16xi1>, vector<16xi32>
      %broadcast_in_dim3A_517 = vector.shape_cast %select_n3A_516 : vector<16xi32> to vector<16x1xi32>
      %gather3A_518 = vector.shape_cast %broadcast_in_dim3A_517 : vector<16x1xi32> to vector<16xi32>
      %gather3A_519 = tpu.dynamic_gather %get3A_320[%gather3A_518] in [0] : vector<16xi32>, vector<16xi32> -> vector<16xi32>
      %mul3A_520 = arith.constant 16 : i32
      %mul3A_521 = vector.broadcast %mul3A_520 : i32 to vector<16xi32>
      %mul3A_522 = arith.muli %gather3A_519, %mul3A_521 : vector<16xi32>
      %add3A_523 = arith.addi %mul3A_522, %iota3A : vector<16xi32>
      %gather3A_524 = tpu.vector_load_idx %arg6[%add3A_523] : memref<4096xi32, #tpu.memory_space<vmem>>[vector<16xi32>], vector<16xi32>,
      %mul3A_525 = arith.constant 16 : i32
      %mul3A_526 = arith.muli %add3A_317, %mul3A_525 : i32
      %add3A_527 = arith.constant 8 : i32
      %add3A_528 = arith.addi %mul3A_526, %add3A_527 : i32
      %swap3A_529 = arith.index_cast %add3A_528 : i32 to index
      %swap3A_530 = arith.constant 0 : index
      %swap3A_531 = tpu.vector_load %arg8[%swap3A_529, %swap3A_530] {strides = array<i32>} : memref<2048x16xi32, #tpu.memory_space<vmem>>, vector<16xi32>,
      tpu.vector_store %arg8[%swap3A_529, %swap3A_530], %gather3A_524 {strides = array<i32>} : memref<2048x16xi32, #tpu.memory_space<vmem>>, vector<16xi32>,
      %broadcast_in_dim3A_532 = arith.constant 9 : i32
      %broadcast_in_dim3A_533 = vector.broadcast %broadcast_in_dim3A_532 : i32 to vector<16xi32>
      %lt3A_534 = arith.constant 0 : i32
      %lt3A_535 = vector.broadcast %lt3A_534 : i32 to vector<16xi32>
      %lt3A_536 = arith.cmpi slt, %broadcast_in_dim3A_533, %lt3A_535 : vector<16xi32>
      %add3A_537 = arith.constant 16 : i32
      %add3A_538 = vector.broadcast %add3A_537 : i32 to vector<16xi32>
      %add3A_539 = arith.addi %broadcast_in_dim3A_533, %add3A_538 : vector<16xi32>
      %select_n3A_540 = arith.select %lt3A_536, %add3A_539, %broadcast_in_dim3A_533 : vector<16xi1>, vector<16xi32>
      %broadcast_in_dim3A_541 = vector.shape_cast %select_n3A_540 : vector<16xi32> to vector<16x1xi32>
      %gather3A_542 = vector.shape_cast %broadcast_in_dim3A_541 : vector<16x1xi32> to vector<16xi32>
      %gather3A_543 = tpu.dynamic_gather %get3A_320[%gather3A_542] in [0] : vector<16xi32>, vector<16xi32> -> vector<16xi32>
      %mul3A_544 = arith.constant 16 : i32
      %mul3A_545 = vector.broadcast %mul3A_544 : i32 to vector<16xi32>
      %mul3A_546 = arith.muli %gather3A_543, %mul3A_545 : vector<16xi32>
      %add3A_547 = arith.addi %mul3A_546, %iota3A : vector<16xi32>
      %gather3A_548 = tpu.vector_load_idx %arg6[%add3A_547] : memref<4096xi32, #tpu.memory_space<vmem>>[vector<16xi32>], vector<16xi32>,
      %mul3A_549 = arith.constant 16 : i32
      %mul3A_550 = arith.muli %add3A_317, %mul3A_549 : i32
      %add3A_551 = arith.constant 9 : i32
      %add3A_552 = arith.addi %mul3A_550, %add3A_551 : i32
      %swap3A_553 = arith.index_cast %add3A_552 : i32 to index
      %swap3A_554 = arith.constant 0 : index
      %swap3A_555 = tpu.vector_load %arg8[%swap3A_553, %swap3A_554] {strides = array<i32>} : memref<2048x16xi32, #tpu.memory_space<vmem>>, vector<16xi32>,
      tpu.vector_store %arg8[%swap3A_553, %swap3A_554], %gather3A_548 {strides = array<i32>} : memref<2048x16xi32, #tpu.memory_space<vmem>>, vector<16xi32>,
      %broadcast_in_dim3A_556 = arith.constant 10 : i32
      %broadcast_in_dim3A_557 = vector.broadcast %broadcast_in_dim3A_556 : i32 to vector<16xi32>
      %lt3A_558 = arith.constant 0 : i32
      %lt3A_559 = vector.broadcast %lt3A_558 : i32 to vector<16xi32>
      %lt3A_560 = arith.cmpi slt, %broadcast_in_dim3A_557, %lt3A_559 : vector<16xi32>
      %add3A_561 = arith.constant 16 : i32
      %add3A_562 = vector.broadcast %add3A_561 : i32 to vector<16xi32>
      %add3A_563 = arith.addi %broadcast_in_dim3A_557, %add3A_562 : vector<16xi32>
      %select_n3A_564 = arith.select %lt3A_560, %add3A_563, %broadcast_in_dim3A_557 : vector<16xi1>, vector<16xi32>
      %broadcast_in_dim3A_565 = vector.shape_cast %select_n3A_564 : vector<16xi32> to vector<16x1xi32>
      %gather3A_566 = vector.shape_cast %broadcast_in_dim3A_565 : vector<16x1xi32> to vector<16xi32>
      %gather3A_567 = tpu.dynamic_gather %get3A_320[%gather3A_566] in [0] : vector<16xi32>, vector<16xi32> -> vector<16xi32>
      %mul3A_568 = arith.constant 16 : i32
      %mul3A_569 = vector.broadcast %mul3A_568 : i32 to vector<16xi32>
      %mul3A_570 = arith.muli %gather3A_567, %mul3A_569 : vector<16xi32>
      %add3A_571 = arith.addi %mul3A_570, %iota3A : vector<16xi32>
      %gather3A_572 = tpu.vector_load_idx %arg6[%add3A_571] : memref<4096xi32, #tpu.memory_space<vmem>>[vector<16xi32>], vector<16xi32>,
      %mul3A_573 = arith.constant 16 : i32
      %mul3A_574 = arith.muli %add3A_317, %mul3A_573 : i32
      %add3A_575 = arith.constant 10 : i32
      %add3A_576 = arith.addi %mul3A_574, %add3A_575 : i32
      %swap3A_577 = arith.index_cast %add3A_576 : i32 to index
      %swap3A_578 = arith.constant 0 : index
      %swap3A_579 = tpu.vector_load %arg8[%swap3A_577, %swap3A_578] {strides = array<i32>} : memref<2048x16xi32, #tpu.memory_space<vmem>>, vector<16xi32>,
      tpu.vector_store %arg8[%swap3A_577, %swap3A_578], %gather3A_572 {strides = array<i32>} : memref<2048x16xi32, #tpu.memory_space<vmem>>, vector<16xi32>,
      %broadcast_in_dim3A_580 = arith.constant 11 : i32
      %broadcast_in_dim3A_581 = vector.broadcast %broadcast_in_dim3A_580 : i32 to vector<16xi32>
      %lt3A_582 = arith.constant 0 : i32
      %lt3A_583 = vector.broadcast %lt3A_582 : i32 to vector<16xi32>
      %lt3A_584 = arith.cmpi slt, %broadcast_in_dim3A_581, %lt3A_583 : vector<16xi32>
      %add3A_585 = arith.constant 16 : i32
      %add3A_586 = vector.broadcast %add3A_585 : i32 to vector<16xi32>
      %add3A_587 = arith.addi %broadcast_in_dim3A_581, %add3A_586 : vector<16xi32>
      %select_n3A_588 = arith.select %lt3A_584, %add3A_587, %broadcast_in_dim3A_581 : vector<16xi1>, vector<16xi32>
      %broadcast_in_dim3A_589 = vector.shape_cast %select_n3A_588 : vector<16xi32> to vector<16x1xi32>
      %gather3A_590 = vector.shape_cast %broadcast_in_dim3A_589 : vector<16x1xi32> to vector<16xi32>
      %gather3A_591 = tpu.dynamic_gather %get3A_320[%gather3A_590] in [0] : vector<16xi32>, vector<16xi32> -> vector<16xi32>
      %mul3A_592 = arith.constant 16 : i32
      %mul3A_593 = vector.broadcast %mul3A_592 : i32 to vector<16xi32>
      %mul3A_594 = arith.muli %gather3A_591, %mul3A_593 : vector<16xi32>
      %add3A_595 = arith.addi %mul3A_594, %iota3A : vector<16xi32>
      %gather3A_596 = tpu.vector_load_idx %arg6[%add3A_595] : memref<4096xi32, #tpu.memory_space<vmem>>[vector<16xi32>], vector<16xi32>,
      %mul3A_597 = arith.constant 16 : i32
      %mul3A_598 = arith.muli %add3A_317, %mul3A_597 : i32
      %add3A_599 = arith.constant 11 : i32
      %add3A_600 = arith.addi %mul3A_598, %add3A_599 : i32
      %swap3A_601 = arith.index_cast %add3A_600 : i32 to index
      %swap3A_602 = arith.constant 0 : index
      %swap3A_603 = tpu.vector_load %arg8[%swap3A_601, %swap3A_602] {strides = array<i32>} : memref<2048x16xi32, #tpu.memory_space<vmem>>, vector<16xi32>,
      tpu.vector_store %arg8[%swap3A_601, %swap3A_602], %gather3A_596 {strides = array<i32>} : memref<2048x16xi32, #tpu.memory_space<vmem>>, vector<16xi32>,
      %broadcast_in_dim3A_604 = arith.constant 12 : i32
      %broadcast_in_dim3A_605 = vector.broadcast %broadcast_in_dim3A_604 : i32 to vector<16xi32>
      %lt3A_606 = arith.constant 0 : i32
      %lt3A_607 = vector.broadcast %lt3A_606 : i32 to vector<16xi32>
      %lt3A_608 = arith.cmpi slt, %broadcast_in_dim3A_605, %lt3A_607 : vector<16xi32>
      %add3A_609 = arith.constant 16 : i32
      %add3A_610 = vector.broadcast %add3A_609 : i32 to vector<16xi32>
      %add3A_611 = arith.addi %broadcast_in_dim3A_605, %add3A_610 : vector<16xi32>
      %select_n3A_612 = arith.select %lt3A_608, %add3A_611, %broadcast_in_dim3A_605 : vector<16xi1>, vector<16xi32>
      %broadcast_in_dim3A_613 = vector.shape_cast %select_n3A_612 : vector<16xi32> to vector<16x1xi32>
      %gather3A_614 = vector.shape_cast %broadcast_in_dim3A_613 : vector<16x1xi32> to vector<16xi32>
      %gather3A_615 = tpu.dynamic_gather %get3A_320[%gather3A_614] in [0] : vector<16xi32>, vector<16xi32> -> vector<16xi32>
      %mul3A_616 = arith.constant 16 : i32
      %mul3A_617 = vector.broadcast %mul3A_616 : i32 to vector<16xi32>
      %mul3A_618 = arith.muli %gather3A_615, %mul3A_617 : vector<16xi32>
      %add3A_619 = arith.addi %mul3A_618, %iota3A : vector<16xi32>
      %gather3A_620 = tpu.vector_load_idx %arg6[%add3A_619] : memref<4096xi32, #tpu.memory_space<vmem>>[vector<16xi32>], vector<16xi32>,
      %mul3A_621 = arith.constant 16 : i32
      %mul3A_622 = arith.muli %add3A_317, %mul3A_621 : i32
      %add3A_623 = arith.constant 12 : i32
      %add3A_624 = arith.addi %mul3A_622, %add3A_623 : i32
      %swap3A_625 = arith.index_cast %add3A_624 : i32 to index
      %swap3A_626 = arith.constant 0 : index
      %swap3A_627 = tpu.vector_load %arg8[%swap3A_625, %swap3A_626] {strides = array<i32>} : memref<2048x16xi32, #tpu.memory_space<vmem>>, vector<16xi32>,
      tpu.vector_store %arg8[%swap3A_625, %swap3A_626], %gather3A_620 {strides = array<i32>} : memref<2048x16xi32, #tpu.memory_space<vmem>>, vector<16xi32>,
      %broadcast_in_dim3A_628 = arith.constant 13 : i32
      %broadcast_in_dim3A_629 = vector.broadcast %broadcast_in_dim3A_628 : i32 to vector<16xi32>
      %lt3A_630 = arith.constant 0 : i32
      %lt3A_631 = vector.broadcast %lt3A_630 : i32 to vector<16xi32>
      %lt3A_632 = arith.cmpi slt, %broadcast_in_dim3A_629, %lt3A_631 : vector<16xi32>
      %add3A_633 = arith.constant 16 : i32
      %add3A_634 = vector.broadcast %add3A_633 : i32 to vector<16xi32>
      %add3A_635 = arith.addi %broadcast_in_dim3A_629, %add3A_634 : vector<16xi32>
      %select_n3A_636 = arith.select %lt3A_632, %add3A_635, %broadcast_in_dim3A_629 : vector<16xi1>, vector<16xi32>
      %broadcast_in_dim3A_637 = vector.shape_cast %select_n3A_636 : vector<16xi32> to vector<16x1xi32>
      %gather3A_638 = vector.shape_cast %broadcast_in_dim3A_637 : vector<16x1xi32> to vector<16xi32>
      %gather3A_639 = tpu.dynamic_gather %get3A_320[%gather3A_638] in [0] : vector<16xi32>, vector<16xi32> -> vector<16xi32>
      %mul3A_640 = arith.constant 16 : i32
      %mul3A_641 = vector.broadcast %mul3A_640 : i32 to vector<16xi32>
      %mul3A_642 = arith.muli %gather3A_639, %mul3A_641 : vector<16xi32>
      %add3A_643 = arith.addi %mul3A_642, %iota3A : vector<16xi32>
      %gather3A_644 = tpu.vector_load_idx %arg6[%add3A_643] : memref<4096xi32, #tpu.memory_space<vmem>>[vector<16xi32>], vector<16xi32>,
      %mul3A_645 = arith.constant 16 : i32
      %mul3A_646 = arith.muli %add3A_317, %mul3A_645 : i32
      %add3A_647 = arith.constant 13 : i32
      %add3A_648 = arith.addi %mul3A_646, %add3A_647 : i32
      %swap3A_649 = arith.index_cast %add3A_648 : i32 to index
      %swap3A_650 = arith.constant 0 : index
      %swap3A_651 = tpu.vector_load %arg8[%swap3A_649, %swap3A_650] {strides = array<i32>} : memref<2048x16xi32, #tpu.memory_space<vmem>>, vector<16xi32>,
      tpu.vector_store %arg8[%swap3A_649, %swap3A_650], %gather3A_644 {strides = array<i32>} : memref<2048x16xi32, #tpu.memory_space<vmem>>, vector<16xi32>,
      %broadcast_in_dim3A_652 = arith.constant 14 : i32
      %broadcast_in_dim3A_653 = vector.broadcast %broadcast_in_dim3A_652 : i32 to vector<16xi32>
      %lt3A_654 = arith.constant 0 : i32
      %lt3A_655 = vector.broadcast %lt3A_654 : i32 to vector<16xi32>
      %lt3A_656 = arith.cmpi slt, %broadcast_in_dim3A_653, %lt3A_655 : vector<16xi32>
      %add3A_657 = arith.constant 16 : i32
      %add3A_658 = vector.broadcast %add3A_657 : i32 to vector<16xi32>
      %add3A_659 = arith.addi %broadcast_in_dim3A_653, %add3A_658 : vector<16xi32>
      %select_n3A_660 = arith.select %lt3A_656, %add3A_659, %broadcast_in_dim3A_653 : vector<16xi1>, vector<16xi32>
      %broadcast_in_dim3A_661 = vector.shape_cast %select_n3A_660 : vector<16xi32> to vector<16x1xi32>
      %gather3A_662 = vector.shape_cast %broadcast_in_dim3A_661 : vector<16x1xi32> to vector<16xi32>
      %gather3A_663 = tpu.dynamic_gather %get3A_320[%gather3A_662] in [0] : vector<16xi32>, vector<16xi32> -> vector<16xi32>
      %mul3A_664 = arith.constant 16 : i32
      %mul3A_665 = vector.broadcast %mul3A_664 : i32 to vector<16xi32>
      %mul3A_666 = arith.muli %gather3A_663, %mul3A_665 : vector<16xi32>
      %add3A_667 = arith.addi %mul3A_666, %iota3A : vector<16xi32>
      %gather3A_668 = tpu.vector_load_idx %arg6[%add3A_667] : memref<4096xi32, #tpu.memory_space<vmem>>[vector<16xi32>], vector<16xi32>,
      %mul3A_669 = arith.constant 16 : i32
      %mul3A_670 = arith.muli %add3A_317, %mul3A_669 : i32
      %add3A_671 = arith.constant 14 : i32
      %add3A_672 = arith.addi %mul3A_670, %add3A_671 : i32
      %swap3A_673 = arith.index_cast %add3A_672 : i32 to index
      %swap3A_674 = arith.constant 0 : index
      %swap3A_675 = tpu.vector_load %arg8[%swap3A_673, %swap3A_674] {strides = array<i32>} : memref<2048x16xi32, #tpu.memory_space<vmem>>, vector<16xi32>,
      tpu.vector_store %arg8[%swap3A_673, %swap3A_674], %gather3A_668 {strides = array<i32>} : memref<2048x16xi32, #tpu.memory_space<vmem>>, vector<16xi32>,
      %broadcast_in_dim3A_676 = arith.constant 15 : i32
      %broadcast_in_dim3A_677 = vector.broadcast %broadcast_in_dim3A_676 : i32 to vector<16xi32>
      %lt3A_678 = arith.constant 0 : i32
      %lt3A_679 = vector.broadcast %lt3A_678 : i32 to vector<16xi32>
      %lt3A_680 = arith.cmpi slt, %broadcast_in_dim3A_677, %lt3A_679 : vector<16xi32>
      %add3A_681 = arith.constant 16 : i32
      %add3A_682 = vector.broadcast %add3A_681 : i32 to vector<16xi32>
      %add3A_683 = arith.addi %broadcast_in_dim3A_677, %add3A_682 : vector<16xi32>
      %select_n3A_684 = arith.select %lt3A_680, %add3A_683, %broadcast_in_dim3A_677 : vector<16xi1>, vector<16xi32>
      %broadcast_in_dim3A_685 = vector.shape_cast %select_n3A_684 : vector<16xi32> to vector<16x1xi32>
      %gather3A_686 = vector.shape_cast %broadcast_in_dim3A_685 : vector<16x1xi32> to vector<16xi32>
      %gather3A_687 = tpu.dynamic_gather %get3A_320[%gather3A_686] in [0] : vector<16xi32>, vector<16xi32> -> vector<16xi32>
      %mul3A_688 = arith.constant 16 : i32
      %mul3A_689 = vector.broadcast %mul3A_688 : i32 to vector<16xi32>
      %mul3A_690 = arith.muli %gather3A_687, %mul3A_689 : vector<16xi32>
      %add3A_691 = arith.addi %mul3A_690, %iota3A : vector<16xi32>
      %gather3A_692 = tpu.vector_load_idx %arg6[%add3A_691] : memref<4096xi32, #tpu.memory_space<vmem>>[vector<16xi32>], vector<16xi32>,
      %mul3A_693 = arith.constant 16 : i32
      %mul3A_694 = arith.muli %add3A_317, %mul3A_693 : i32
      %add3A_695 = arith.constant 15 : i32
      %add3A_696 = arith.addi %mul3A_694, %add3A_695 : i32
      %swap3A_697 = arith.index_cast %add3A_696 : i32 to index
      %swap3A_698 = arith.constant 0 : index
      %swap3A_699 = tpu.vector_load %arg8[%swap3A_697, %swap3A_698] {strides = array<i32>} : memref<2048x16xi32, #tpu.memory_space<vmem>>, vector<16xi32>,
      tpu.vector_store %arg8[%swap3A_697, %swap3A_698], %gather3A_692 {strides = array<i32>} : memref<2048x16xi32, #tpu.memory_space<vmem>>, vector<16xi32>,
      %scan3A_700 = arith.constant 1 : i32
      %scan3A_701 = arith.addi %scan3A_313, %scan3A_700 : i32
      %mul3A_702 = arith.constant 1 : i32
      %mul3A_703 = arith.muli %scan3A_701, %mul3A_702 : i32
      %add3A_704 = arith.constant 112 : i32
      %add3A_705 = arith.addi %add3A_704, %mul3A_703 : i32
      %mul3A_706 = arith.constant 16 : i32
      %mul3A_707 = arith.muli %add3A_705, %mul3A_706 : i32
      %get3A_708 = arith.index_cast %mul3A_707 : i32 to index
      %get3A_709 = tpu.vector_load %arg7[%get3A_708] {strides = array<i32>} : memref<2048xi32, #tpu.memory_space<vmem>>, vector<16xi32>,
      %broadcast_in_dim3A_710 = arith.constant 0 : i32
      %broadcast_in_dim3A_711 = vector.broadcast %broadcast_in_dim3A_710 : i32 to vector<16xi32>
      %lt3A_712 = arith.constant 0 : i32
      %lt3A_713 = vector.broadcast %lt3A_712 : i32 to vector<16xi32>
      %lt3A_714 = arith.cmpi slt, %broadcast_in_dim3A_711, %lt3A_713 : vector<16xi32>
      %add3A_715 = arith.constant 16 : i32
      %add3A_716 = vector.broadcast %add3A_715 : i32 to vector<16xi32>
      %add3A_717 = arith.addi %broadcast_in_dim3A_711, %add3A_716 : vector<16xi32>
      %select_n3A_718 = arith.select %lt3A_714, %add3A_717, %broadcast_in_dim3A_711 : vector<16xi1>, vector<16xi32>
      %broadcast_in_dim3A_719 = vector.shape_cast %select_n3A_718 : vector<16xi32> to vector<16x1xi32>
      %gather3A_720 = vector.shape_cast %broadcast_in_dim3A_719 : vector<16x1xi32> to vector<16xi32>
      %gather3A_721 = tpu.dynamic_gather %get3A_709[%gather3A_720] in [0] : vector<16xi32>, vector<16xi32> -> vector<16xi32>
      %mul3A_722 = arith.constant 16 : i32
      %mul3A_723 = vector.broadcast %mul3A_722 : i32 to vector<16xi32>
      %mul3A_724 = arith.muli %gather3A_721, %mul3A_723 : vector<16xi32>
      %add3A_725 = arith.addi %mul3A_724, %iota3A : vector<16xi32>
      %gather3A_726 = tpu.vector_load_idx %arg6[%add3A_725] : memref<4096xi32, #tpu.memory_space<vmem>>[vector<16xi32>], vector<16xi32>,
      %mul3A_727 = arith.constant 16 : i32
      %mul3A_728 = arith.muli %add3A_705, %mul3A_727 : i32
      %add3A_729 = arith.constant 0 : i32
      %add3A_730 = arith.addi %mul3A_728, %add3A_729 : i32
      %swap3A_731 = arith.index_cast %add3A_730 : i32 to index
      %swap3A_732 = arith.constant 0 : index
      %swap3A_733 = tpu.vector_load %arg8[%swap3A_731, %swap3A_732] {strides = array<i32>} : memref<2048x16xi32, #tpu.memory_space<vmem>>, vector<16xi32>,
      tpu.vector_store %arg8[%swap3A_731, %swap3A_732], %gather3A_726 {strides = array<i32>} : memref<2048x16xi32, #tpu.memory_space<vmem>>, vector<16xi32>,
      %broadcast_in_dim3A_734 = arith.constant 1 : i32
      %broadcast_in_dim3A_735 = vector.broadcast %broadcast_in_dim3A_734 : i32 to vector<16xi32>
      %lt3A_736 = arith.constant 0 : i32
      %lt3A_737 = vector.broadcast %lt3A_736 : i32 to vector<16xi32>
      %lt3A_738 = arith.cmpi slt, %broadcast_in_dim3A_735, %lt3A_737 : vector<16xi32>
      %add3A_739 = arith.constant 16 : i32
      %add3A_740 = vector.broadcast %add3A_739 : i32 to vector<16xi32>
      %add3A_741 = arith.addi %broadcast_in_dim3A_735, %add3A_740 : vector<16xi32>
      %select_n3A_742 = arith.select %lt3A_738, %add3A_741, %broadcast_in_dim3A_735 : vector<16xi1>, vector<16xi32>
      %broadcast_in_dim3A_743 = vector.shape_cast %select_n3A_742 : vector<16xi32> to vector<16x1xi32>
      %gather3A_744 = vector.shape_cast %broadcast_in_dim3A_743 : vector<16x1xi32> to vector<16xi32>
      %gather3A_745 = tpu.dynamic_gather %get3A_709[%gather3A_744] in [0] : vector<16xi32>, vector<16xi32> -> vector<16xi32>
      %mul3A_746 = arith.constant 16 : i32
      %mul3A_747 = vector.broadcast %mul3A_746 : i32 to vector<16xi32>
      %mul3A_748 = arith.muli %gather3A_745, %mul3A_747 : vector<16xi32>
      %add3A_749 = arith.addi %mul3A_748, %iota3A : vector<16xi32>
      %gather3A_750 = tpu.vector_load_idx %arg6[%add3A_749] : memref<4096xi32, #tpu.memory_space<vmem>>[vector<16xi32>], vector<16xi32>,
      %mul3A_751 = arith.constant 16 : i32
      %mul3A_752 = arith.muli %add3A_705, %mul3A_751 : i32
      %add3A_753 = arith.constant 1 : i32
      %add3A_754 = arith.addi %mul3A_752, %add3A_753 : i32
      %swap3A_755 = arith.index_cast %add3A_754 : i32 to index
      %swap3A_756 = arith.constant 0 : index
      %swap3A_757 = tpu.vector_load %arg8[%swap3A_755, %swap3A_756] {strides = array<i32>} : memref<2048x16xi32, #tpu.memory_space<vmem>>, vector<16xi32>,
      tpu.vector_store %arg8[%swap3A_755, %swap3A_756], %gather3A_750 {strides = array<i32>} : memref<2048x16xi32, #tpu.memory_space<vmem>>, vector<16xi32>,
      %broadcast_in_dim3A_758 = arith.constant 2 : i32
      %broadcast_in_dim3A_759 = vector.broadcast %broadcast_in_dim3A_758 : i32 to vector<16xi32>
      %lt3A_760 = arith.constant 0 : i32
      %lt3A_761 = vector.broadcast %lt3A_760 : i32 to vector<16xi32>
      %lt3A_762 = arith.cmpi slt, %broadcast_in_dim3A_759, %lt3A_761 : vector<16xi32>
      %add3A_763 = arith.constant 16 : i32
      %add3A_764 = vector.broadcast %add3A_763 : i32 to vector<16xi32>
      %add3A_765 = arith.addi %broadcast_in_dim3A_759, %add3A_764 : vector<16xi32>
      %select_n3A_766 = arith.select %lt3A_762, %add3A_765, %broadcast_in_dim3A_759 : vector<16xi1>, vector<16xi32>
      %broadcast_in_dim3A_767 = vector.shape_cast %select_n3A_766 : vector<16xi32> to vector<16x1xi32>
      %gather3A_768 = vector.shape_cast %broadcast_in_dim3A_767 : vector<16x1xi32> to vector<16xi32>
      %gather3A_769 = tpu.dynamic_gather %get3A_709[%gather3A_768] in [0] : vector<16xi32>, vector<16xi32> -> vector<16xi32>
      %mul3A_770 = arith.constant 16 : i32
      %mul3A_771 = vector.broadcast %mul3A_770 : i32 to vector<16xi32>
      %mul3A_772 = arith.muli %gather3A_769, %mul3A_771 : vector<16xi32>
      %add3A_773 = arith.addi %mul3A_772, %iota3A : vector<16xi32>
      %gather3A_774 = tpu.vector_load_idx %arg6[%add3A_773] : memref<4096xi32, #tpu.memory_space<vmem>>[vector<16xi32>], vector<16xi32>,
      %mul3A_775 = arith.constant 16 : i32
      %mul3A_776 = arith.muli %add3A_705, %mul3A_775 : i32
      %add3A_777 = arith.constant 2 : i32
      %add3A_778 = arith.addi %mul3A_776, %add3A_777 : i32
      %swap3A_779 = arith.index_cast %add3A_778 : i32 to index
      %swap3A_780 = arith.constant 0 : index
      %swap3A_781 = tpu.vector_load %arg8[%swap3A_779, %swap3A_780] {strides = array<i32>} : memref<2048x16xi32, #tpu.memory_space<vmem>>, vector<16xi32>,
      tpu.vector_store %arg8[%swap3A_779, %swap3A_780], %gather3A_774 {strides = array<i32>} : memref<2048x16xi32, #tpu.memory_space<vmem>>, vector<16xi32>,
      %broadcast_in_dim3A_782 = arith.constant 3 : i32
      %broadcast_in_dim3A_783 = vector.broadcast %broadcast_in_dim3A_782 : i32 to vector<16xi32>
      %lt3A_784 = arith.constant 0 : i32
      %lt3A_785 = vector.broadcast %lt3A_784 : i32 to vector<16xi32>
      %lt3A_786 = arith.cmpi slt, %broadcast_in_dim3A_783, %lt3A_785 : vector<16xi32>
      %add3A_787 = arith.constant 16 : i32
      %add3A_788 = vector.broadcast %add3A_787 : i32 to vector<16xi32>
      %add3A_789 = arith.addi %broadcast_in_dim3A_783, %add3A_788 : vector<16xi32>
      %select_n3A_790 = arith.select %lt3A_786, %add3A_789, %broadcast_in_dim3A_783 : vector<16xi1>, vector<16xi32>
      %broadcast_in_dim3A_791 = vector.shape_cast %select_n3A_790 : vector<16xi32> to vector<16x1xi32>
      %gather3A_792 = vector.shape_cast %broadcast_in_dim3A_791 : vector<16x1xi32> to vector<16xi32>
      %gather3A_793 = tpu.dynamic_gather %get3A_709[%gather3A_792] in [0] : vector<16xi32>, vector<16xi32> -> vector<16xi32>
      %mul3A_794 = arith.constant 16 : i32
      %mul3A_795 = vector.broadcast %mul3A_794 : i32 to vector<16xi32>
      %mul3A_796 = arith.muli %gather3A_793, %mul3A_795 : vector<16xi32>
      %add3A_797 = arith.addi %mul3A_796, %iota3A : vector<16xi32>
      %gather3A_798 = tpu.vector_load_idx %arg6[%add3A_797] : memref<4096xi32, #tpu.memory_space<vmem>>[vector<16xi32>], vector<16xi32>,
      %mul3A_799 = arith.constant 16 : i32
      %mul3A_800 = arith.muli %add3A_705, %mul3A_799 : i32
      %add3A_801 = arith.constant 3 : i32
      %add3A_802 = arith.addi %mul3A_800, %add3A_801 : i32
      %swap3A_803 = arith.index_cast %add3A_802 : i32 to index
      %swap3A_804 = arith.constant 0 : index
      %swap3A_805 = tpu.vector_load %arg8[%swap3A_803, %swap3A_804] {strides = array<i32>} : memref<2048x16xi32, #tpu.memory_space<vmem>>, vector<16xi32>,
      tpu.vector_store %arg8[%swap3A_803, %swap3A_804], %gather3A_798 {strides = array<i32>} : memref<2048x16xi32, #tpu.memory_space<vmem>>, vector<16xi32>,
      %broadcast_in_dim3A_806 = arith.constant 4 : i32
      %broadcast_in_dim3A_807 = vector.broadcast %broadcast_in_dim3A_806 : i32 to vector<16xi32>
      %lt3A_808 = arith.constant 0 : i32
      %lt3A_809 = vector.broadcast %lt3A_808 : i32 to vector<16xi32>
      %lt3A_810 = arith.cmpi slt, %broadcast_in_dim3A_807, %lt3A_809 : vector<16xi32>
      %add3A_811 = arith.constant 16 : i32
      %add3A_812 = vector.broadcast %add3A_811 : i32 to vector<16xi32>
      %add3A_813 = arith.addi %broadcast_in_dim3A_807, %add3A_812 : vector<16xi32>
      %select_n3A_814 = arith.select %lt3A_810, %add3A_813, %broadcast_in_dim3A_807 : vector<16xi1>, vector<16xi32>
      %broadcast_in_dim3A_815 = vector.shape_cast %select_n3A_814 : vector<16xi32> to vector<16x1xi32>
      %gather3A_816 = vector.shape_cast %broadcast_in_dim3A_815 : vector<16x1xi32> to vector<16xi32>
      %gather3A_817 = tpu.dynamic_gather %get3A_709[%gather3A_816] in [0] : vector<16xi32>, vector<16xi32> -> vector<16xi32>
      %mul3A_818 = arith.constant 16 : i32
      %mul3A_819 = vector.broadcast %mul3A_818 : i32 to vector<16xi32>
      %mul3A_820 = arith.muli %gather3A_817, %mul3A_819 : vector<16xi32>
      %add3A_821 = arith.addi %mul3A_820, %iota3A : vector<16xi32>
      %gather3A_822 = tpu.vector_load_idx %arg6[%add3A_821] : memref<4096xi32, #tpu.memory_space<vmem>>[vector<16xi32>], vector<16xi32>,
      %mul3A_823 = arith.constant 16 : i32
      %mul3A_824 = arith.muli %add3A_705, %mul3A_823 : i32
      %add3A_825 = arith.constant 4 : i32
      %add3A_826 = arith.addi %mul3A_824, %add3A_825 : i32
      %swap3A_827 = arith.index_cast %add3A_826 : i32 to index
      %swap3A_828 = arith.constant 0 : index
      %swap3A_829 = tpu.vector_load %arg8[%swap3A_827, %swap3A_828] {strides = array<i32>} : memref<2048x16xi32, #tpu.memory_space<vmem>>, vector<16xi32>,
      tpu.vector_store %arg8[%swap3A_827, %swap3A_828], %gather3A_822 {strides = array<i32>} : memref<2048x16xi32, #tpu.memory_space<vmem>>, vector<16xi32>,
      %broadcast_in_dim3A_830 = arith.constant 5 : i32
      %broadcast_in_dim3A_831 = vector.broadcast %broadcast_in_dim3A_830 : i32 to vector<16xi32>
      %lt3A_832 = arith.constant 0 : i32
      %lt3A_833 = vector.broadcast %lt3A_832 : i32 to vector<16xi32>
      %lt3A_834 = arith.cmpi slt, %broadcast_in_dim3A_831, %lt3A_833 : vector<16xi32>
      %add3A_835 = arith.constant 16 : i32
      %add3A_836 = vector.broadcast %add3A_835 : i32 to vector<16xi32>
      %add3A_837 = arith.addi %broadcast_in_dim3A_831, %add3A_836 : vector<16xi32>
      %select_n3A_838 = arith.select %lt3A_834, %add3A_837, %broadcast_in_dim3A_831 : vector<16xi1>, vector<16xi32>
      %broadcast_in_dim3A_839 = vector.shape_cast %select_n3A_838 : vector<16xi32> to vector<16x1xi32>
      %gather3A_840 = vector.shape_cast %broadcast_in_dim3A_839 : vector<16x1xi32> to vector<16xi32>
      %gather3A_841 = tpu.dynamic_gather %get3A_709[%gather3A_840] in [0] : vector<16xi32>, vector<16xi32> -> vector<16xi32>
      %mul3A_842 = arith.constant 16 : i32
      %mul3A_843 = vector.broadcast %mul3A_842 : i32 to vector<16xi32>
      %mul3A_844 = arith.muli %gather3A_841, %mul3A_843 : vector<16xi32>
      %add3A_845 = arith.addi %mul3A_844, %iota3A : vector<16xi32>
      %gather3A_846 = tpu.vector_load_idx %arg6[%add3A_845] : memref<4096xi32, #tpu.memory_space<vmem>>[vector<16xi32>], vector<16xi32>,
      %mul3A_847 = arith.constant 16 : i32
      %mul3A_848 = arith.muli %add3A_705, %mul3A_847 : i32
      %add3A_849 = arith.constant 5 : i32
      %add3A_850 = arith.addi %mul3A_848, %add3A_849 : i32
      %swap3A_851 = arith.index_cast %add3A_850 : i32 to index
      %swap3A_852 = arith.constant 0 : index
      %swap3A_853 = tpu.vector_load %arg8[%swap3A_851, %swap3A_852] {strides = array<i32>} : memref<2048x16xi32, #tpu.memory_space<vmem>>, vector<16xi32>,
      tpu.vector_store %arg8[%swap3A_851, %swap3A_852], %gather3A_846 {strides = array<i32>} : memref<2048x16xi32, #tpu.memory_space<vmem>>, vector<16xi32>,
      %broadcast_in_dim3A_854 = arith.constant 6 : i32
      %broadcast_in_dim3A_855 = vector.broadcast %broadcast_in_dim3A_854 : i32 to vector<16xi32>
      %lt3A_856 = arith.constant 0 : i32
      %lt3A_857 = vector.broadcast %lt3A_856 : i32 to vector<16xi32>
      %lt3A_858 = arith.cmpi slt, %broadcast_in_dim3A_855, %lt3A_857 : vector<16xi32>
      %add3A_859 = arith.constant 16 : i32
      %add3A_860 = vector.broadcast %add3A_859 : i32 to vector<16xi32>
      %add3A_861 = arith.addi %broadcast_in_dim3A_855, %add3A_860 : vector<16xi32>
      %select_n3A_862 = arith.select %lt3A_858, %add3A_861, %broadcast_in_dim3A_855 : vector<16xi1>, vector<16xi32>
      %broadcast_in_dim3A_863 = vector.shape_cast %select_n3A_862 : vector<16xi32> to vector<16x1xi32>
      %gather3A_864 = vector.shape_cast %broadcast_in_dim3A_863 : vector<16x1xi32> to vector<16xi32>
      %gather3A_865 = tpu.dynamic_gather %get3A_709[%gather3A_864] in [0] : vector<16xi32>, vector<16xi32> -> vector<16xi32>
      %mul3A_866 = arith.constant 16 : i32
      %mul3A_867 = vector.broadcast %mul3A_866 : i32 to vector<16xi32>
      %mul3A_868 = arith.muli %gather3A_865, %mul3A_867 : vector<16xi32>
      %add3A_869 = arith.addi %mul3A_868, %iota3A : vector<16xi32>
      %gather3A_870 = tpu.vector_load_idx %arg6[%add3A_869] : memref<4096xi32, #tpu.memory_space<vmem>>[vector<16xi32>], vector<16xi32>,
      %mul3A_871 = arith.constant 16 : i32
      %mul3A_872 = arith.muli %add3A_705, %mul3A_871 : i32
      %add3A_873 = arith.constant 6 : i32
      %add3A_874 = arith.addi %mul3A_872, %add3A_873 : i32
      %swap3A_875 = arith.index_cast %add3A_874 : i32 to index
      %swap3A_876 = arith.constant 0 : index
      %swap3A_877 = tpu.vector_load %arg8[%swap3A_875, %swap3A_876] {strides = array<i32>} : memref<2048x16xi32, #tpu.memory_space<vmem>>, vector<16xi32>,
      tpu.vector_store %arg8[%swap3A_875, %swap3A_876], %gather3A_870 {strides = array<i32>} : memref<2048x16xi32, #tpu.memory_space<vmem>>, vector<16xi32>,
      %broadcast_in_dim3A_878 = arith.constant 7 : i32
      %broadcast_in_dim3A_879 = vector.broadcast %broadcast_in_dim3A_878 : i32 to vector<16xi32>
      %lt3A_880 = arith.constant 0 : i32
      %lt3A_881 = vector.broadcast %lt3A_880 : i32 to vector<16xi32>
      %lt3A_882 = arith.cmpi slt, %broadcast_in_dim3A_879, %lt3A_881 : vector<16xi32>
      %add3A_883 = arith.constant 16 : i32
      %add3A_884 = vector.broadcast %add3A_883 : i32 to vector<16xi32>
      %add3A_885 = arith.addi %broadcast_in_dim3A_879, %add3A_884 : vector<16xi32>
      %select_n3A_886 = arith.select %lt3A_882, %add3A_885, %broadcast_in_dim3A_879 : vector<16xi1>, vector<16xi32>
      %broadcast_in_dim3A_887 = vector.shape_cast %select_n3A_886 : vector<16xi32> to vector<16x1xi32>
      %gather3A_888 = vector.shape_cast %broadcast_in_dim3A_887 : vector<16x1xi32> to vector<16xi32>
      %gather3A_889 = tpu.dynamic_gather %get3A_709[%gather3A_888] in [0] : vector<16xi32>, vector<16xi32> -> vector<16xi32>
      %mul3A_890 = arith.constant 16 : i32
      %mul3A_891 = vector.broadcast %mul3A_890 : i32 to vector<16xi32>
      %mul3A_892 = arith.muli %gather3A_889, %mul3A_891 : vector<16xi32>
      %add3A_893 = arith.addi %mul3A_892, %iota3A : vector<16xi32>
      %gather3A_894 = tpu.vector_load_idx %arg6[%add3A_893] : memref<4096xi32, #tpu.memory_space<vmem>>[vector<16xi32>], vector<16xi32>,
      %mul3A_895 = arith.constant 16 : i32
      %mul3A_896 = arith.muli %add3A_705, %mul3A_895 : i32
      %add3A_897 = arith.constant 7 : i32
      %add3A_898 = arith.addi %mul3A_896, %add3A_897 : i32
      %swap3A_899 = arith.index_cast %add3A_898 : i32 to index
      %swap3A_900 = arith.constant 0 : index
      %swap3A_901 = tpu.vector_load %arg8[%swap3A_899, %swap3A_900] {strides = array<i32>} : memref<2048x16xi32, #tpu.memory_space<vmem>>, vector<16xi32>,
      tpu.vector_store %arg8[%swap3A_899, %swap3A_900], %gather3A_894 {strides = array<i32>} : memref<2048x16xi32, #tpu.memory_space<vmem>>, vector<16xi32>,
      %broadcast_in_dim3A_902 = arith.constant 8 : i32
      %broadcast_in_dim3A_903 = vector.broadcast %broadcast_in_dim3A_902 : i32 to vector<16xi32>
      %lt3A_904 = arith.constant 0 : i32
      %lt3A_905 = vector.broadcast %lt3A_904 : i32 to vector<16xi32>
      %lt3A_906 = arith.cmpi slt, %broadcast_in_dim3A_903, %lt3A_905 : vector<16xi32>
      %add3A_907 = arith.constant 16 : i32
      %add3A_908 = vector.broadcast %add3A_907 : i32 to vector<16xi32>
      %add3A_909 = arith.addi %broadcast_in_dim3A_903, %add3A_908 : vector<16xi32>
      %select_n3A_910 = arith.select %lt3A_906, %add3A_909, %broadcast_in_dim3A_903 : vector<16xi1>, vector<16xi32>
      %broadcast_in_dim3A_911 = vector.shape_cast %select_n3A_910 : vector<16xi32> to vector<16x1xi32>
      %gather3A_912 = vector.shape_cast %broadcast_in_dim3A_911 : vector<16x1xi32> to vector<16xi32>
      %gather3A_913 = tpu.dynamic_gather %get3A_709[%gather3A_912] in [0] : vector<16xi32>, vector<16xi32> -> vector<16xi32>
      %mul3A_914 = arith.constant 16 : i32
      %mul3A_915 = vector.broadcast %mul3A_914 : i32 to vector<16xi32>
      %mul3A_916 = arith.muli %gather3A_913, %mul3A_915 : vector<16xi32>
      %add3A_917 = arith.addi %mul3A_916, %iota3A : vector<16xi32>
      %gather3A_918 = tpu.vector_load_idx %arg6[%add3A_917] : memref<4096xi32, #tpu.memory_space<vmem>>[vector<16xi32>], vector<16xi32>,
      %mul3A_919 = arith.constant 16 : i32
      %mul3A_920 = arith.muli %add3A_705, %mul3A_919 : i32
      %add3A_921 = arith.constant 8 : i32
      %add3A_922 = arith.addi %mul3A_920, %add3A_921 : i32
      %swap3A_923 = arith.index_cast %add3A_922 : i32 to index
      %swap3A_924 = arith.constant 0 : index
      %swap3A_925 = tpu.vector_load %arg8[%swap3A_923, %swap3A_924] {strides = array<i32>} : memref<2048x16xi32, #tpu.memory_space<vmem>>, vector<16xi32>,
      tpu.vector_store %arg8[%swap3A_923, %swap3A_924], %gather3A_918 {strides = array<i32>} : memref<2048x16xi32, #tpu.memory_space<vmem>>, vector<16xi32>,
      %broadcast_in_dim3A_926 = arith.constant 9 : i32
      %broadcast_in_dim3A_927 = vector.broadcast %broadcast_in_dim3A_926 : i32 to vector<16xi32>
      %lt3A_928 = arith.constant 0 : i32
      %lt3A_929 = vector.broadcast %lt3A_928 : i32 to vector<16xi32>
      %lt3A_930 = arith.cmpi slt, %broadcast_in_dim3A_927, %lt3A_929 : vector<16xi32>
      %add3A_931 = arith.constant 16 : i32
      %add3A_932 = vector.broadcast %add3A_931 : i32 to vector<16xi32>
      %add3A_933 = arith.addi %broadcast_in_dim3A_927, %add3A_932 : vector<16xi32>
      %select_n3A_934 = arith.select %lt3A_930, %add3A_933, %broadcast_in_dim3A_927 : vector<16xi1>, vector<16xi32>
      %broadcast_in_dim3A_935 = vector.shape_cast %select_n3A_934 : vector<16xi32> to vector<16x1xi32>
      %gather3A_936 = vector.shape_cast %broadcast_in_dim3A_935 : vector<16x1xi32> to vector<16xi32>
      %gather3A_937 = tpu.dynamic_gather %get3A_709[%gather3A_936] in [0] : vector<16xi32>, vector<16xi32> -> vector<16xi32>
      %mul3A_938 = arith.constant 16 : i32
      %mul3A_939 = vector.broadcast %mul3A_938 : i32 to vector<16xi32>
      %mul3A_940 = arith.muli %gather3A_937, %mul3A_939 : vector<16xi32>
      %add3A_941 = arith.addi %mul3A_940, %iota3A : vector<16xi32>
      %gather3A_942 = tpu.vector_load_idx %arg6[%add3A_941] : memref<4096xi32, #tpu.memory_space<vmem>>[vector<16xi32>], vector<16xi32>,
      %mul3A_943 = arith.constant 16 : i32
      %mul3A_944 = arith.muli %add3A_705, %mul3A_943 : i32
      %add3A_945 = arith.constant 9 : i32
      %add3A_946 = arith.addi %mul3A_944, %add3A_945 : i32
      %swap3A_947 = arith.index_cast %add3A_946 : i32 to index
      %swap3A_948 = arith.constant 0 : index
      %swap3A_949 = tpu.vector_load %arg8[%swap3A_947, %swap3A_948] {strides = array<i32>} : memref<2048x16xi32, #tpu.memory_space<vmem>>, vector<16xi32>,
      tpu.vector_store %arg8[%swap3A_947, %swap3A_948], %gather3A_942 {strides = array<i32>} : memref<2048x16xi32, #tpu.memory_space<vmem>>, vector<16xi32>,
      %broadcast_in_dim3A_950 = arith.constant 10 : i32
      %broadcast_in_dim3A_951 = vector.broadcast %broadcast_in_dim3A_950 : i32 to vector<16xi32>
      %lt3A_952 = arith.constant 0 : i32
      %lt3A_953 = vector.broadcast %lt3A_952 : i32 to vector<16xi32>
      %lt3A_954 = arith.cmpi slt, %broadcast_in_dim3A_951, %lt3A_953 : vector<16xi32>
      %add3A_955 = arith.constant 16 : i32
      %add3A_956 = vector.broadcast %add3A_955 : i32 to vector<16xi32>
      %add3A_957 = arith.addi %broadcast_in_dim3A_951, %add3A_956 : vector<16xi32>
      %select_n3A_958 = arith.select %lt3A_954, %add3A_957, %broadcast_in_dim3A_951 : vector<16xi1>, vector<16xi32>
      %broadcast_in_dim3A_959 = vector.shape_cast %select_n3A_958 : vector<16xi32> to vector<16x1xi32>
      %gather3A_960 = vector.shape_cast %broadcast_in_dim3A_959 : vector<16x1xi32> to vector<16xi32>
      %gather3A_961 = tpu.dynamic_gather %get3A_709[%gather3A_960] in [0] : vector<16xi32>, vector<16xi32> -> vector<16xi32>
      %mul3A_962 = arith.constant 16 : i32
      %mul3A_963 = vector.broadcast %mul3A_962 : i32 to vector<16xi32>
      %mul3A_964 = arith.muli %gather3A_961, %mul3A_963 : vector<16xi32>
      %add3A_965 = arith.addi %mul3A_964, %iota3A : vector<16xi32>
      %gather3A_966 = tpu.vector_load_idx %arg6[%add3A_965] : memref<4096xi32, #tpu.memory_space<vmem>>[vector<16xi32>], vector<16xi32>,
      %mul3A_967 = arith.constant 16 : i32
      %mul3A_968 = arith.muli %add3A_705, %mul3A_967 : i32
      %add3A_969 = arith.constant 10 : i32
      %add3A_970 = arith.addi %mul3A_968, %add3A_969 : i32
      %swap3A_971 = arith.index_cast %add3A_970 : i32 to index
      %swap3A_972 = arith.constant 0 : index
      %swap3A_973 = tpu.vector_load %arg8[%swap3A_971, %swap3A_972] {strides = array<i32>} : memref<2048x16xi32, #tpu.memory_space<vmem>>, vector<16xi32>,
      tpu.vector_store %arg8[%swap3A_971, %swap3A_972], %gather3A_966 {strides = array<i32>} : memref<2048x16xi32, #tpu.memory_space<vmem>>, vector<16xi32>,
      %broadcast_in_dim3A_974 = arith.constant 11 : i32
      %broadcast_in_dim3A_975 = vector.broadcast %broadcast_in_dim3A_974 : i32 to vector<16xi32>
      %lt3A_976 = arith.constant 0 : i32
      %lt3A_977 = vector.broadcast %lt3A_976 : i32 to vector<16xi32>
      %lt3A_978 = arith.cmpi slt, %broadcast_in_dim3A_975, %lt3A_977 : vector<16xi32>
      %add3A_979 = arith.constant 16 : i32
      %add3A_980 = vector.broadcast %add3A_979 : i32 to vector<16xi32>
      %add3A_981 = arith.addi %broadcast_in_dim3A_975, %add3A_980 : vector<16xi32>
      %select_n3A_982 = arith.select %lt3A_978, %add3A_981, %broadcast_in_dim3A_975 : vector<16xi1>, vector<16xi32>
      %broadcast_in_dim3A_983 = vector.shape_cast %select_n3A_982 : vector<16xi32> to vector<16x1xi32>
      %gather3A_984 = vector.shape_cast %broadcast_in_dim3A_983 : vector<16x1xi32> to vector<16xi32>
      %gather3A_985 = tpu.dynamic_gather %get3A_709[%gather3A_984] in [0] : vector<16xi32>, vector<16xi32> -> vector<16xi32>
      %mul3A_986 = arith.constant 16 : i32
      %mul3A_987 = vector.broadcast %mul3A_986 : i32 to vector<16xi32>
      %mul3A_988 = arith.muli %gather3A_985, %mul3A_987 : vector<16xi32>
      %add3A_989 = arith.addi %mul3A_988, %iota3A : vector<16xi32>
      %gather3A_990 = tpu.vector_load_idx %arg6[%add3A_989] : memref<4096xi32, #tpu.memory_space<vmem>>[vector<16xi32>], vector<16xi32>,
      %mul3A_991 = arith.constant 16 : i32
      %mul3A_992 = arith.muli %add3A_705, %mul3A_991 : i32
      %add3A_993 = arith.constant 11 : i32
      %add3A_994 = arith.addi %mul3A_992, %add3A_993 : i32
      %swap3A_995 = arith.index_cast %add3A_994 : i32 to index
      %swap3A_996 = arith.constant 0 : index
      %swap3A_997 = tpu.vector_load %arg8[%swap3A_995, %swap3A_996] {strides = array<i32>} : memref<2048x16xi32, #tpu.memory_space<vmem>>, vector<16xi32>,
      tpu.vector_store %arg8[%swap3A_995, %swap3A_996], %gather3A_990 {strides = array<i32>} : memref<2048x16xi32, #tpu.memory_space<vmem>>, vector<16xi32>,
      %broadcast_in_dim3A_998 = arith.constant 12 : i32
      %broadcast_in_dim3A_999 = vector.broadcast %broadcast_in_dim3A_998 : i32 to vector<16xi32>
      %lt3A_1000 = arith.constant 0 : i32
      %lt3A_1001 = vector.broadcast %lt3A_1000 : i32 to vector<16xi32>
      %lt3A_1002 = arith.cmpi slt, %broadcast_in_dim3A_999, %lt3A_1001 : vector<16xi32>
      %add3A_1003 = arith.constant 16 : i32
      %add3A_1004 = vector.broadcast %add3A_1003 : i32 to vector<16xi32>
      %add3A_1005 = arith.addi %broadcast_in_dim3A_999, %add3A_1004 : vector<16xi32>
      %select_n3A_1006 = arith.select %lt3A_1002, %add3A_1005, %broadcast_in_dim3A_999 : vector<16xi1>, vector<16xi32>
      %broadcast_in_dim3A_1007 = vector.shape_cast %select_n3A_1006 : vector<16xi32> to vector<16x1xi32>
      %gather3A_1008 = vector.shape_cast %broadcast_in_dim3A_1007 : vector<16x1xi32> to vector<16xi32>
      %gather3A_1009 = tpu.dynamic_gather %get3A_709[%gather3A_1008] in [0] : vector<16xi32>, vector<16xi32> -> vector<16xi32>
      %mul3A_1010 = arith.constant 16 : i32
      %mul3A_1011 = vector.broadcast %mul3A_1010 : i32 to vector<16xi32>
      %mul3A_1012 = arith.muli %gather3A_1009, %mul3A_1011 : vector<16xi32>
      %add3A_1013 = arith.addi %mul3A_1012, %iota3A : vector<16xi32>
      %gather3A_1014 = tpu.vector_load_idx %arg6[%add3A_1013] : memref<4096xi32, #tpu.memory_space<vmem>>[vector<16xi32>], vector<16xi32>,
      %mul3A_1015 = arith.constant 16 : i32
      %mul3A_1016 = arith.muli %add3A_705, %mul3A_1015 : i32
      %add3A_1017 = arith.constant 12 : i32
      %add3A_1018 = arith.addi %mul3A_1016, %add3A_1017 : i32
      %swap3A_1019 = arith.index_cast %add3A_1018 : i32 to index
      %swap3A_1020 = arith.constant 0 : index
      %swap3A_1021 = tpu.vector_load %arg8[%swap3A_1019, %swap3A_1020] {strides = array<i32>} : memref<2048x16xi32, #tpu.memory_space<vmem>>, vector<16xi32>,
      tpu.vector_store %arg8[%swap3A_1019, %swap3A_1020], %gather3A_1014 {strides = array<i32>} : memref<2048x16xi32, #tpu.memory_space<vmem>>, vector<16xi32>,
      %broadcast_in_dim3A_1022 = arith.constant 13 : i32
      %broadcast_in_dim3A_1023 = vector.broadcast %broadcast_in_dim3A_1022 : i32 to vector<16xi32>
      %lt3A_1024 = arith.constant 0 : i32
      %lt3A_1025 = vector.broadcast %lt3A_1024 : i32 to vector<16xi32>
      %lt3A_1026 = arith.cmpi slt, %broadcast_in_dim3A_1023, %lt3A_1025 : vector<16xi32>
      %add3A_1027 = arith.constant 16 : i32
      %add3A_1028 = vector.broadcast %add3A_1027 : i32 to vector<16xi32>
      %add3A_1029 = arith.addi %broadcast_in_dim3A_1023, %add3A_1028 : vector<16xi32>
      %select_n3A_1030 = arith.select %lt3A_1026, %add3A_1029, %broadcast_in_dim3A_1023 : vector<16xi1>, vector<16xi32>
      %broadcast_in_dim3A_1031 = vector.shape_cast %select_n3A_1030 : vector<16xi32> to vector<16x1xi32>
      %gather3A_1032 = vector.shape_cast %broadcast_in_dim3A_1031 : vector<16x1xi32> to vector<16xi32>
      %gather3A_1033 = tpu.dynamic_gather %get3A_709[%gather3A_1032] in [0] : vector<16xi32>, vector<16xi32> -> vector<16xi32>
      %mul3A_1034 = arith.constant 16 : i32
      %mul3A_1035 = vector.broadcast %mul3A_1034 : i32 to vector<16xi32>
      %mul3A_1036 = arith.muli %gather3A_1033, %mul3A_1035 : vector<16xi32>
      %add3A_1037 = arith.addi %mul3A_1036, %iota3A : vector<16xi32>
      %gather3A_1038 = tpu.vector_load_idx %arg6[%add3A_1037] : memref<4096xi32, #tpu.memory_space<vmem>>[vector<16xi32>], vector<16xi32>,
      %mul3A_1039 = arith.constant 16 : i32
      %mul3A_1040 = arith.muli %add3A_705, %mul3A_1039 : i32
      %add3A_1041 = arith.constant 13 : i32
      %add3A_1042 = arith.addi %mul3A_1040, %add3A_1041 : i32
      %swap3A_1043 = arith.index_cast %add3A_1042 : i32 to index
      %swap3A_1044 = arith.constant 0 : index
      %swap3A_1045 = tpu.vector_load %arg8[%swap3A_1043, %swap3A_1044] {strides = array<i32>} : memref<2048x16xi32, #tpu.memory_space<vmem>>, vector<16xi32>,
      tpu.vector_store %arg8[%swap3A_1043, %swap3A_1044], %gather3A_1038 {strides = array<i32>} : memref<2048x16xi32, #tpu.memory_space<vmem>>, vector<16xi32>,
      %broadcast_in_dim3A_1046 = arith.constant 14 : i32
      %broadcast_in_dim3A_1047 = vector.broadcast %broadcast_in_dim3A_1046 : i32 to vector<16xi32>
      %lt3A_1048 = arith.constant 0 : i32
      %lt3A_1049 = vector.broadcast %lt3A_1048 : i32 to vector<16xi32>
      %lt3A_1050 = arith.cmpi slt, %broadcast_in_dim3A_1047, %lt3A_1049 : vector<16xi32>
      %add3A_1051 = arith.constant 16 : i32
      %add3A_1052 = vector.broadcast %add3A_1051 : i32 to vector<16xi32>
      %add3A_1053 = arith.addi %broadcast_in_dim3A_1047, %add3A_1052 : vector<16xi32>
      %select_n3A_1054 = arith.select %lt3A_1050, %add3A_1053, %broadcast_in_dim3A_1047 : vector<16xi1>, vector<16xi32>
      %broadcast_in_dim3A_1055 = vector.shape_cast %select_n3A_1054 : vector<16xi32> to vector<16x1xi32>
      %gather3A_1056 = vector.shape_cast %broadcast_in_dim3A_1055 : vector<16x1xi32> to vector<16xi32>
      %gather3A_1057 = tpu.dynamic_gather %get3A_709[%gather3A_1056] in [0] : vector<16xi32>, vector<16xi32> -> vector<16xi32>
      %mul3A_1058 = arith.constant 16 : i32
      %mul3A_1059 = vector.broadcast %mul3A_1058 : i32 to vector<16xi32>
      %mul3A_1060 = arith.muli %gather3A_1057, %mul3A_1059 : vector<16xi32>
      %add3A_1061 = arith.addi %mul3A_1060, %iota3A : vector<16xi32>
      %gather3A_1062 = tpu.vector_load_idx %arg6[%add3A_1061] : memref<4096xi32, #tpu.memory_space<vmem>>[vector<16xi32>], vector<16xi32>,
      %mul3A_1063 = arith.constant 16 : i32
      %mul3A_1064 = arith.muli %add3A_705, %mul3A_1063 : i32
      %add3A_1065 = arith.constant 14 : i32
      %add3A_1066 = arith.addi %mul3A_1064, %add3A_1065 : i32
      %swap3A_1067 = arith.index_cast %add3A_1066 : i32 to index
      %swap3A_1068 = arith.constant 0 : index
      %swap3A_1069 = tpu.vector_load %arg8[%swap3A_1067, %swap3A_1068] {strides = array<i32>} : memref<2048x16xi32, #tpu.memory_space<vmem>>, vector<16xi32>,
      tpu.vector_store %arg8[%swap3A_1067, %swap3A_1068], %gather3A_1062 {strides = array<i32>} : memref<2048x16xi32, #tpu.memory_space<vmem>>, vector<16xi32>,
      %broadcast_in_dim3A_1070 = arith.constant 15 : i32
      %broadcast_in_dim3A_1071 = vector.broadcast %broadcast_in_dim3A_1070 : i32 to vector<16xi32>
      %lt3A_1072 = arith.constant 0 : i32
      %lt3A_1073 = vector.broadcast %lt3A_1072 : i32 to vector<16xi32>
      %lt3A_1074 = arith.cmpi slt, %broadcast_in_dim3A_1071, %lt3A_1073 : vector<16xi32>
      %add3A_1075 = arith.constant 16 : i32
      %add3A_1076 = vector.broadcast %add3A_1075 : i32 to vector<16xi32>
      %add3A_1077 = arith.addi %broadcast_in_dim3A_1071, %add3A_1076 : vector<16xi32>
      %select_n3A_1078 = arith.select %lt3A_1074, %add3A_1077, %broadcast_in_dim3A_1071 : vector<16xi1>, vector<16xi32>
      %broadcast_in_dim3A_1079 = vector.shape_cast %select_n3A_1078 : vector<16xi32> to vector<16x1xi32>
      %gather3A_1080 = vector.shape_cast %broadcast_in_dim3A_1079 : vector<16x1xi32> to vector<16xi32>
      %gather3A_1081 = tpu.dynamic_gather %get3A_709[%gather3A_1080] in [0] : vector<16xi32>, vector<16xi32> -> vector<16xi32>
      %mul3A_1082 = arith.constant 16 : i32
      %mul3A_1083 = vector.broadcast %mul3A_1082 : i32 to vector<16xi32>
      %mul3A_1084 = arith.muli %gather3A_1081, %mul3A_1083 : vector<16xi32>
      %add3A_1085 = arith.addi %mul3A_1084, %iota3A : vector<16xi32>
      %gather3A_1086 = tpu.vector_load_idx %arg6[%add3A_1085] : memref<4096xi32, #tpu.memory_space<vmem>>[vector<16xi32>], vector<16xi32>,
      %mul3A_1087 = arith.constant 16 : i32
      %mul3A_1088 = arith.muli %add3A_705, %mul3A_1087 : i32
      %add3A_1089 = arith.constant 15 : i32
      %add3A_1090 = arith.addi %mul3A_1088, %add3A_1089 : i32
      %swap3A_1091 = arith.index_cast %add3A_1090 : i32 to index
      %swap3A_1092 = arith.constant 0 : index
      %swap3A_1093 = tpu.vector_load %arg8[%swap3A_1091, %swap3A_1092] {strides = array<i32>} : memref<2048x16xi32, #tpu.memory_space<vmem>>, vector<16xi32>,
      tpu.vector_store %arg8[%swap3A_1091, %swap3A_1092], %gather3A_1086 {strides = array<i32>} : memref<2048x16xi32, #tpu.memory_space<vmem>>, vector<16xi32>,
    }
    %scan3A_121 = arith.constant 16 : i32
    %add3A_122 = arith.constant 1792 : i32
    %add3A_123 = arith.addi %mul3A_2, %add3A_122 : i32
    %dma_start3A_124 = arith.constant 1792 : i32
    %dma_start3A_125 = arith.constant 0 : i32
    %dma_start3A_126 = tpu.memref_slice %arg8[%dma_start3A_124, %dma_start3A_125] : memref<2048x16xi32, #tpu.memory_space<vmem>> -> memref<256x16xi32, #tpu.memory_space<vmem>>
    %dma_start3A_127 = arith.constant 0 : i32
    %dma_start3A_128 = tpu.memref_slice %arg5[%add3A_123, %dma_start3A_127] : memref<65536x16xi32, #tpu.memory_space<hbm>> -> memref<256x16xi32, #tpu.memory_space<hbm>>
    %dma_start3A_129 = arith.constant 0 : i32
    %dma_start3A_130 = tpu.memref_slice %arg5[%add3A_123, %dma_start3A_129] : memref<65536x16xi32, #tpu.memory_space<hbm>> -> memref<256x16xi32, #tpu.memory_space<hbm>>
    %dma_start3A_131 = arith.constant 1792 : i32
    %dma_start3A_132 = arith.constant 0 : i32
    %dma_start3A_133 = tpu.memref_slice %arg8[%dma_start3A_131, %dma_start3A_132] : memref<2048x16xi32, #tpu.memory_space<vmem>> -> memref<256x16xi32, #tpu.memory_space<vmem>>
    tpu.enqueue_dma source(%dma_start3A_133 : memref<256x16xi32, #tpu.memory_space<vmem>>) target(%dma_start3A_130 : memref<256x16xi32, #tpu.memory_space<hbm>>) target_semaphore(%arg10 : memref<!tpu.dma_semaphore, #tpu.memory_space<semaphore_mem>>)
    %dma_wait3A = arith.constant 0 : i32
    %dma_wait3A_134 = arith.constant 0 : i32
    %dma_wait3A_135 = tpu.memref_slice %arg8[%dma_wait3A, %dma_wait3A_134] : memref<2048x16xi32, #tpu.memory_space<vmem>> -> memref<128x16xi32, #tpu.memory_space<vmem>>
    %dma_wait3A_136 = arith.constant 0 : i32
    %dma_wait3A_137 = tpu.memref_slice %arg7[%dma_wait3A_136] : memref<2048xi32, #tpu.memory_space<vmem>> -> memref<128xi32, #tpu.memory_space<vmem>>
    %dma_wait3A_138 = arith.constant 0 : i32
    %dma_wait3A_139 = arith.constant 0 : i32
    %dma_wait3A_140 = tpu.memref_slice %arg3[%dma_wait3A_138, %dma_wait3A_139] : memref<256x16xi32, #tpu.memory_space<hbm>> -> memref<256x16xi32, #tpu.memory_space<hbm>>
    tpu.wait_indirect_dma semaphore(%arg9 : memref<!tpu.dma_semaphore, #tpu.memory_space<semaphore_mem>>) src(%dma_wait3A_140 : memref<256x16xi32, #tpu.memory_space<hbm>>) dst(%dma_wait3A_135 : memref<128x16xi32, #tpu.memory_space<vmem>>)
    %dma_wait3A_141 = arith.constant 128 : i32
    %dma_wait3A_142 = arith.constant 0 : i32
    %dma_wait3A_143 = tpu.memref_slice %arg8[%dma_wait3A_141, %dma_wait3A_142] : memref<2048x16xi32, #tpu.memory_space<vmem>> -> memref<128x16xi32, #tpu.memory_space<vmem>>
    %dma_wait3A_144 = arith.constant 128 : i32
    %dma_wait3A_145 = tpu.memref_slice %arg7[%dma_wait3A_144] : memref<2048xi32, #tpu.memory_space<vmem>> -> memref<128xi32, #tpu.memory_space<vmem>>
    %dma_wait3A_146 = arith.constant 0 : i32
    %dma_wait3A_147 = arith.constant 0 : i32
    %dma_wait3A_148 = tpu.memref_slice %arg3[%dma_wait3A_146, %dma_wait3A_147] : memref<256x16xi32, #tpu.memory_space<hbm>> -> memref<256x16xi32, #tpu.memory_space<hbm>>
    tpu.wait_indirect_dma semaphore(%arg9 : memref<!tpu.dma_semaphore, #tpu.memory_space<semaphore_mem>>) src(%dma_wait3A_148 : memref<256x16xi32, #tpu.memory_space<hbm>>) dst(%dma_wait3A_143 : memref<128x16xi32, #tpu.memory_space<vmem>>)
    %dma_wait3A_149 = arith.constant 256 : i32
    %dma_wait3A_150 = arith.constant 0 : i32
    %dma_wait3A_151 = tpu.memref_slice %arg8[%dma_wait3A_149, %dma_wait3A_150] : memref<2048x16xi32, #tpu.memory_space<vmem>> -> memref<128x16xi32, #tpu.memory_space<vmem>>
    %dma_wait3A_152 = arith.constant 256 : i32
    %dma_wait3A_153 = tpu.memref_slice %arg7[%dma_wait3A_152] : memref<2048xi32, #tpu.memory_space<vmem>> -> memref<128xi32, #tpu.memory_space<vmem>>
    %dma_wait3A_154 = arith.constant 0 : i32
    %dma_wait3A_155 = arith.constant 0 : i32
    %dma_wait3A_156 = tpu.memref_slice %arg3[%dma_wait3A_154, %dma_wait3A_155] : memref<256x16xi32, #tpu.memory_space<hbm>> -> memref<256x16xi32, #tpu.memory_space<hbm>>
    tpu.wait_indirect_dma semaphore(%arg9 : memref<!tpu.dma_semaphore, #tpu.memory_space<semaphore_mem>>) src(%dma_wait3A_156 : memref<256x16xi32, #tpu.memory_space<hbm>>) dst(%dma_wait3A_151 : memref<128x16xi32, #tpu.memory_space<vmem>>)
    %dma_wait3A_157 = arith.constant 384 : i32
    %dma_wait3A_158 = arith.constant 0 : i32
    %dma_wait3A_159 = tpu.memref_slice %arg8[%dma_wait3A_157, %dma_wait3A_158] : memref<2048x16xi32, #tpu.memory_space<vmem>> -> memref<128x16xi32, #tpu.memory_space<vmem>>
    %dma_wait3A_160 = arith.constant 384 : i32
    %dma_wait3A_161 = tpu.memref_slice %arg7[%dma_wait3A_160] : memref<2048xi32, #tpu.memory_space<vmem>> -> memref<128xi32, #tpu.memory_space<vmem>>
    %dma_wait3A_162 = arith.constant 0 : i32
    %dma_wait3A_163 = arith.constant 0 : i32
    %dma_wait3A_164 = tpu.memref_slice %arg3[%dma_wait3A_162, %dma_wait3A_163] : memref<256x16xi32, #tpu.memory_space<hbm>> -> memref<256x16xi32, #tpu.memory_space<hbm>>
    tpu.wait_indirect_dma semaphore(%arg9 : memref<!tpu.dma_semaphore, #tpu.memory_space<semaphore_mem>>) src(%dma_wait3A_164 : memref<256x16xi32, #tpu.memory_space<hbm>>) dst(%dma_wait3A_159 : memref<128x16xi32, #tpu.memory_space<vmem>>)
    %dma_wait3A_165 = arith.constant 512 : i32
    %dma_wait3A_166 = arith.constant 0 : i32
    %dma_wait3A_167 = tpu.memref_slice %arg8[%dma_wait3A_165, %dma_wait3A_166] : memref<2048x16xi32, #tpu.memory_space<vmem>> -> memref<128x16xi32, #tpu.memory_space<vmem>>
    %dma_wait3A_168 = arith.constant 512 : i32
    %dma_wait3A_169 = tpu.memref_slice %arg7[%dma_wait3A_168] : memref<2048xi32, #tpu.memory_space<vmem>> -> memref<128xi32, #tpu.memory_space<vmem>>
    %dma_wait3A_170 = arith.constant 0 : i32
    %dma_wait3A_171 = arith.constant 0 : i32
    %dma_wait3A_172 = tpu.memref_slice %arg3[%dma_wait3A_170, %dma_wait3A_171] : memref<256x16xi32, #tpu.memory_space<hbm>> -> memref<256x16xi32, #tpu.memory_space<hbm>>
    tpu.wait_indirect_dma semaphore(%arg9 : memref<!tpu.dma_semaphore, #tpu.memory_space<semaphore_mem>>) src(%dma_wait3A_172 : memref<256x16xi32, #tpu.memory_space<hbm>>) dst(%dma_wait3A_167 : memref<128x16xi32, #tpu.memory_space<vmem>>)
    %dma_wait3A_173 = arith.constant 640 : i32
    %dma_wait3A_174 = arith.constant 0 : i32
    %dma_wait3A_175 = tpu.memref_slice %arg8[%dma_wait3A_173, %dma_wait3A_174] : memref<2048x16xi32, #tpu.memory_space<vmem>> -> memref<128x16xi32, #tpu.memory_space<vmem>>
    %dma_wait3A_176 = arith.constant 640 : i32
    %dma_wait3A_177 = tpu.memref_slice %arg7[%dma_wait3A_176] : memref<2048xi32, #tpu.memory_space<vmem>> -> memref<128xi32, #tpu.memory_space<vmem>>
    %dma_wait3A_178 = arith.constant 0 : i32
    %dma_wait3A_179 = arith.constant 0 : i32
    %dma_wait3A_180 = tpu.memref_slice %arg3[%dma_wait3A_178, %dma_wait3A_179] : memref<256x16xi32, #tpu.memory_space<hbm>> -> memref<256x16xi32, #tpu.memory_space<hbm>>
    tpu.wait_indirect_dma semaphore(%arg9 : memref<!tpu.dma_semaphore, #tpu.memory_space<semaphore_mem>>) src(%dma_wait3A_180 : memref<256x16xi32, #tpu.memory_space<hbm>>) dst(%dma_wait3A_175 : memref<128x16xi32, #tpu.memory_space<vmem>>)
    %add3A_181 = arith.constant 0 : i32
    %add3A_182 = arith.addi %mul3A_2, %add3A_181 : i32
    %dma_start3A_183 = arith.constant 0 : i32
    %dma_start3A_184 = arith.constant 0 : i32
    %dma_start3A_185 = tpu.memref_slice %arg8[%dma_start3A_183, %dma_start3A_184] : memref<2048x16xi32, #tpu.memory_space<vmem>> -> memref<256x16xi32, #tpu.memory_space<vmem>>
    %dma_start3A_186 = arith.constant 0 : i32
    %dma_start3A_187 = tpu.memref_slice %arg5[%add3A_182, %dma_start3A_186] : memref<65536x16xi32, #tpu.memory_space<hbm>> -> memref<256x16xi32, #tpu.memory_space<hbm>>
    %dma_start3A_188 = arith.constant 0 : i32
    %dma_start3A_189 = tpu.memref_slice %arg5[%add3A_182, %dma_start3A_188] : memref<65536x16xi32, #tpu.memory_space<hbm>> -> memref<256x16xi32, #tpu.memory_space<hbm>>
    %dma_start3A_190 = arith.constant 0 : i32
    %dma_start3A_191 = arith.constant 0 : i32
    %dma_start3A_192 = tpu.memref_slice %arg8[%dma_start3A_190, %dma_start3A_191] : memref<2048x16xi32, #tpu.memory_space<vmem>> -> memref<256x16xi32, #tpu.memory_space<vmem>>
    tpu.enqueue_dma source(%dma_start3A_192 : memref<256x16xi32, #tpu.memory_space<vmem>>) target(%dma_start3A_189 : memref<256x16xi32, #tpu.memory_space<hbm>>) target_semaphore(%arg10 : memref<!tpu.dma_semaphore, #tpu.memory_space<semaphore_mem>>)
    %add3A_193 = arith.constant 256 : i32
    %add3A_194 = arith.addi %mul3A_2, %add3A_193 : i32
    %dma_start3A_195 = arith.constant 256 : i32
    %dma_start3A_196 = arith.constant 0 : i32
    %dma_start3A_197 = tpu.memref_slice %arg8[%dma_start3A_195, %dma_start3A_196] : memref<2048x16xi32, #tpu.memory_space<vmem>> -> memref<256x16xi32, #tpu.memory_space<vmem>>
    %dma_start3A_198 = arith.constant 0 : i32
    %dma_start3A_199 = tpu.memref_slice %arg5[%add3A_194, %dma_start3A_198] : memref<65536x16xi32, #tpu.memory_space<hbm>> -> memref<256x16xi32, #tpu.memory_space<hbm>>
    %dma_start3A_200 = arith.constant 0 : i32
    %dma_start3A_201 = tpu.memref_slice %arg5[%add3A_194, %dma_start3A_200] : memref<65536x16xi32, #tpu.memory_space<hbm>> -> memref<256x16xi32, #tpu.memory_space<hbm>>
    %dma_start3A_202 = arith.constant 256 : i32
    %dma_start3A_203 = arith.constant 0 : i32
    %dma_start3A_204 = tpu.memref_slice %arg8[%dma_start3A_202, %dma_start3A_203] : memref<2048x16xi32, #tpu.memory_space<vmem>> -> memref<256x16xi32, #tpu.memory_space<vmem>>
    tpu.enqueue_dma source(%dma_start3A_204 : memref<256x16xi32, #tpu.memory_space<vmem>>) target(%dma_start3A_201 : memref<256x16xi32, #tpu.memory_space<hbm>>) target_semaphore(%arg10 : memref<!tpu.dma_semaphore, #tpu.memory_space<semaphore_mem>>)
    %add3A_205 = arith.constant 512 : i32
    %add3A_206 = arith.addi %mul3A_2, %add3A_205 : i32
    %dma_start3A_207 = arith.constant 512 : i32
    %dma_start3A_208 = arith.constant 0 : i32
    %dma_start3A_209 = tpu.memref_slice %arg8[%dma_start3A_207, %dma_start3A_208] : memref<2048x16xi32, #tpu.memory_space<vmem>> -> memref<256x16xi32, #tpu.memory_space<vmem>>
    %dma_start3A_210 = arith.constant 0 : i32
    %dma_start3A_211 = tpu.memref_slice %arg5[%add3A_206, %dma_start3A_210] : memref<65536x16xi32, #tpu.memory_space<hbm>> -> memref<256x16xi32, #tpu.memory_space<hbm>>
    %dma_start3A_212 = arith.constant 0 : i32
    %dma_start3A_213 = tpu.memref_slice %arg5[%add3A_206, %dma_start3A_212] : memref<65536x16xi32, #tpu.memory_space<hbm>> -> memref<256x16xi32, #tpu.memory_space<hbm>>
    %dma_start3A_214 = arith.constant 512 : i32
    %dma_start3A_215 = arith.constant 0 : i32
    %dma_start3A_216 = tpu.memref_slice %arg8[%dma_start3A_214, %dma_start3A_215] : memref<2048x16xi32, #tpu.memory_space<vmem>> -> memref<256x16xi32, #tpu.memory_space<vmem>>
    tpu.enqueue_dma source(%dma_start3A_216 : memref<256x16xi32, #tpu.memory_space<vmem>>) target(%dma_start3A_213 : memref<256x16xi32, #tpu.memory_space<hbm>>) target_semaphore(%arg10 : memref<!tpu.dma_semaphore, #tpu.memory_space<semaphore_mem>>)
    %add3A_217 = arith.constant 0 : i32
    %add3A_218 = arith.addi %mul3A_2, %add3A_217 : i32
    %dma_wait3A_219 = arith.constant 0 : i32
    %dma_wait3A_220 = arith.constant 0 : i32
    %dma_wait3A_221 = tpu.memref_slice %arg8[%dma_wait3A_219, %dma_wait3A_220] : memref<2048x16xi32, #tpu.memory_space<vmem>> -> memref<256x16xi32, #tpu.memory_space<vmem>>
    %dma_wait3A_222 = arith.constant 0 : i32
    %dma_wait3A_223 = tpu.memref_slice %arg5[%add3A_218, %dma_wait3A_222] : memref<65536x16xi32, #tpu.memory_space<hbm>> -> memref<256x16xi32, #tpu.memory_space<hbm>>
    %dma_wait3A_224 = arith.constant 0 : i32
    %dma_wait3A_225 = tpu.memref_slice %arg5[%add3A_218, %dma_wait3A_224] : memref<65536x16xi32, #tpu.memory_space<hbm>> -> memref<256x16xi32, #tpu.memory_space<hbm>>
    %dma_wait3A_226 = arith.constant 0 : i32
    %dma_wait3A_227 = arith.constant 0 : i32
    %dma_wait3A_228 = tpu.memref_slice %arg8[%dma_wait3A_226, %dma_wait3A_227] : memref<2048x16xi32, #tpu.memory_space<vmem>> -> memref<256x16xi32, #tpu.memory_space<vmem>>
    tpu.wait_dma2 semaphore(%arg10 : memref<!tpu.dma_semaphore, #tpu.memory_space<semaphore_mem>>) src(%dma_wait3A_228 : memref<256x16xi32, #tpu.memory_space<vmem>>) dst(%dma_wait3A_225 : memref<256x16xi32, #tpu.memory_space<hbm>>)
    %add3A_229 = arith.constant 256 : i32
    %add3A_230 = arith.addi %mul3A_2, %add3A_229 : i32
    %dma_wait3A_231 = arith.constant 256 : i32
    %dma_wait3A_232 = arith.constant 0 : i32
    %dma_wait3A_233 = tpu.memref_slice %arg8[%dma_wait3A_231, %dma_wait3A_232] : memref<2048x16xi32, #tpu.memory_space<vmem>> -> memref<256x16xi32, #tpu.memory_space<vmem>>
    %dma_wait3A_234 = arith.constant 0 : i32
    %dma_wait3A_235 = tpu.memref_slice %arg5[%add3A_230, %dma_wait3A_234] : memref<65536x16xi32, #tpu.memory_space<hbm>> -> memref<256x16xi32, #tpu.memory_space<hbm>>
    %dma_wait3A_236 = arith.constant 0 : i32
    %dma_wait3A_237 = tpu.memref_slice %arg5[%add3A_230, %dma_wait3A_236] : memref<65536x16xi32, #tpu.memory_space<hbm>> -> memref<256x16xi32, #tpu.memory_space<hbm>>
    %dma_wait3A_238 = arith.constant 256 : i32
    %dma_wait3A_239 = arith.constant 0 : i32
    %dma_wait3A_240 = tpu.memref_slice %arg8[%dma_wait3A_238, %dma_wait3A_239] : memref<2048x16xi32, #tpu.memory_space<vmem>> -> memref<256x16xi32, #tpu.memory_space<vmem>>
    tpu.wait_dma2 semaphore(%arg10 : memref<!tpu.dma_semaphore, #tpu.memory_space<semaphore_mem>>) src(%dma_wait3A_240 : memref<256x16xi32, #tpu.memory_space<vmem>>) dst(%dma_wait3A_237 : memref<256x16xi32, #tpu.memory_space<hbm>>)
    %add3A_241 = arith.constant 512 : i32
    %add3A_242 = arith.addi %mul3A_2, %add3A_241 : i32
    %dma_wait3A_243 = arith.constant 512 : i32
    %dma_wait3A_244 = arith.constant 0 : i32
    %dma_wait3A_245 = tpu.memref_slice %arg8[%dma_wait3A_243, %dma_wait3A_244] : memref<2048x16xi32, #tpu.memory_space<vmem>> -> memref<256x16xi32, #tpu.memory_space<vmem>>
    %dma_wait3A_246 = arith.constant 0 : i32
    %dma_wait3A_247 = tpu.memref_slice %arg5[%add3A_242, %dma_wait3A_246] : memref<65536x16xi32, #tpu.memory_space<hbm>> -> memref<256x16xi32, #tpu.memory_space<hbm>>
    %dma_wait3A_248 = arith.constant 0 : i32
    %dma_wait3A_249 = tpu.memref_slice %arg5[%add3A_242, %dma_wait3A_248] : memref<65536x16xi32, #tpu.memory_space<hbm>> -> memref<256x16xi32, #tpu.memory_space<hbm>>
    %dma_wait3A_250 = arith.constant 512 : i32
    %dma_wait3A_251 = arith.constant 0 : i32
    %dma_wait3A_252 = tpu.memref_slice %arg8[%dma_wait3A_250, %dma_wait3A_251] : memref<2048x16xi32, #tpu.memory_space<vmem>> -> memref<256x16xi32, #tpu.memory_space<vmem>>
    tpu.wait_dma2 semaphore(%arg10 : memref<!tpu.dma_semaphore, #tpu.memory_space<semaphore_mem>>) src(%dma_wait3A_252 : memref<256x16xi32, #tpu.memory_space<vmem>>) dst(%dma_wait3A_249 : memref<256x16xi32, #tpu.memory_space<hbm>>)
    %add3A_253 = arith.constant 768 : i32
    %add3A_254 = arith.addi %mul3A_2, %add3A_253 : i32
    %dma_wait3A_255 = arith.constant 768 : i32
    %dma_wait3A_256 = arith.constant 0 : i32
    %dma_wait3A_257 = tpu.memref_slice %arg8[%dma_wait3A_255, %dma_wait3A_256] : memref<2048x16xi32, #tpu.memory_space<vmem>> -> memref<256x16xi32, #tpu.memory_space<vmem>>
    %dma_wait3A_258 = arith.constant 0 : i32
    %dma_wait3A_259 = tpu.memref_slice %arg5[%add3A_254, %dma_wait3A_258] : memref<65536x16xi32, #tpu.memory_space<hbm>> -> memref<256x16xi32, #tpu.memory_space<hbm>>
    %dma_wait3A_260 = arith.constant 0 : i32
    %dma_wait3A_261 = tpu.memref_slice %arg5[%add3A_254, %dma_wait3A_260] : memref<65536x16xi32, #tpu.memory_space<hbm>> -> memref<256x16xi32, #tpu.memory_space<hbm>>
    %dma_wait3A_262 = arith.constant 768 : i32
    %dma_wait3A_263 = arith.constant 0 : i32
    %dma_wait3A_264 = tpu.memref_slice %arg8[%dma_wait3A_262, %dma_wait3A_263] : memref<2048x16xi32, #tpu.memory_space<vmem>> -> memref<256x16xi32, #tpu.memory_space<vmem>>
    tpu.wait_dma2 semaphore(%arg10 : memref<!tpu.dma_semaphore, #tpu.memory_space<semaphore_mem>>) src(%dma_wait3A_264 : memref<256x16xi32, #tpu.memory_space<vmem>>) dst(%dma_wait3A_261 : memref<256x16xi32, #tpu.memory_space<hbm>>)
    %add3A_265 = arith.constant 1024 : i32
    %add3A_266 = arith.addi %mul3A_2, %add3A_265 : i32
    %dma_wait3A_267 = arith.constant 1024 : i32
    %dma_wait3A_268 = arith.constant 0 : i32
    %dma_wait3A_269 = tpu.memref_slice %arg8[%dma_wait3A_267, %dma_wait3A_268] : memref<2048x16xi32, #tpu.memory_space<vmem>> -> memref<256x16xi32, #tpu.memory_space<vmem>>
    %dma_wait3A_270 = arith.constant 0 : i32
    %dma_wait3A_271 = tpu.memref_slice %arg5[%add3A_266, %dma_wait3A_270] : memref<65536x16xi32, #tpu.memory_space<hbm>> -> memref<256x16xi32, #tpu.memory_space<hbm>>
    %dma_wait3A_272 = arith.constant 0 : i32
    %dma_wait3A_273 = tpu.memref_slice %arg5[%add3A_266, %dma_wait3A_272] : memref<65536x16xi32, #tpu.memory_space<hbm>> -> memref<256x16xi32, #tpu.memory_space<hbm>>
    %dma_wait3A_274 = arith.constant 1024 : i32
    %dma_wait3A_275 = arith.constant 0 : i32
    %dma_wait3A_276 = tpu.memref_slice %arg8[%dma_wait3A_274, %dma_wait3A_275] : memref<2048x16xi32, #tpu.memory_space<vmem>> -> memref<256x16xi32, #tpu.memory_space<vmem>>
    tpu.wait_dma2 semaphore(%arg10 : memref<!tpu.dma_semaphore, #tpu.memory_space<semaphore_mem>>) src(%dma_wait3A_276 : memref<256x16xi32, #tpu.memory_space<vmem>>) dst(%dma_wait3A_273 : memref<256x16xi32, #tpu.memory_space<hbm>>)
    %add3A_277 = arith.constant 1280 : i32
    %add3A_278 = arith.addi %mul3A_2, %add3A_277 : i32
    %dma_wait3A_279 = arith.constant 1280 : i32
    %dma_wait3A_280 = arith.constant 0 : i32
    %dma_wait3A_281 = tpu.memref_slice %arg8[%dma_wait3A_279, %dma_wait3A_280] : memref<2048x16xi32, #tpu.memory_space<vmem>> -> memref<256x16xi32, #tpu.memory_space<vmem>>
    %dma_wait3A_282 = arith.constant 0 : i32
    %dma_wait3A_283 = tpu.memref_slice %arg5[%add3A_278, %dma_wait3A_282] : memref<65536x16xi32, #tpu.memory_space<hbm>> -> memref<256x16xi32, #tpu.memory_space<hbm>>
    %dma_wait3A_284 = arith.constant 0 : i32
    %dma_wait3A_285 = tpu.memref_slice %arg5[%add3A_278, %dma_wait3A_284] : memref<65536x16xi32, #tpu.memory_space<hbm>> -> memref<256x16xi32, #tpu.memory_space<hbm>>
    %dma_wait3A_286 = arith.constant 1280 : i32
    %dma_wait3A_287 = arith.constant 0 : i32
    %dma_wait3A_288 = tpu.memref_slice %arg8[%dma_wait3A_286, %dma_wait3A_287] : memref<2048x16xi32, #tpu.memory_space<vmem>> -> memref<256x16xi32, #tpu.memory_space<vmem>>
    tpu.wait_dma2 semaphore(%arg10 : memref<!tpu.dma_semaphore, #tpu.memory_space<semaphore_mem>>) src(%dma_wait3A_288 : memref<256x16xi32, #tpu.memory_space<vmem>>) dst(%dma_wait3A_285 : memref<256x16xi32, #tpu.memory_space<hbm>>)
    %add3A_289 = arith.constant 1536 : i32
    %add3A_290 = arith.addi %mul3A_2, %add3A_289 : i32
    %dma_wait3A_291 = arith.constant 1536 : i32
    %dma_wait3A_292 = arith.constant 0 : i32
    %dma_wait3A_293 = tpu.memref_slice %arg8[%dma_wait3A_291, %dma_wait3A_292] : memref<2048x16xi32, #tpu.memory_space<vmem>> -> memref<256x16xi32, #tpu.memory_space<vmem>>
    %dma_wait3A_294 = arith.constant 0 : i32
    %dma_wait3A_295 = tpu.memref_slice %arg5[%add3A_290, %dma_wait3A_294] : memref<65536x16xi32, #tpu.memory_space<hbm>> -> memref<256x16xi32, #tpu.memory_space<hbm>>
    %dma_wait3A_296 = arith.constant 0 : i32
    %dma_wait3A_297 = tpu.memref_slice %arg5[%add3A_290, %dma_wait3A_296] : memref<65536x16xi32, #tpu.memory_space<hbm>> -> memref<256x16xi32, #tpu.memory_space<hbm>>
    %dma_wait3A_298 = arith.constant 1536 : i32
    %dma_wait3A_299 = arith.constant 0 : i32
    %dma_wait3A_300 = tpu.memref_slice %arg8[%dma_wait3A_298, %dma_wait3A_299] : memref<2048x16xi32, #tpu.memory_space<vmem>> -> memref<256x16xi32, #tpu.memory_space<vmem>>
    tpu.wait_dma2 semaphore(%arg10 : memref<!tpu.dma_semaphore, #tpu.memory_space<semaphore_mem>>) src(%dma_wait3A_300 : memref<256x16xi32, #tpu.memory_space<vmem>>) dst(%dma_wait3A_297 : memref<256x16xi32, #tpu.memory_space<hbm>>)
    %add3A_301 = arith.constant 1792 : i32
    %add3A_302 = arith.addi %mul3A_2, %add3A_301 : i32
    %dma_wait3A_303 = arith.constant 1792 : i32
    %dma_wait3A_304 = arith.constant 0 : i32
    %dma_wait3A_305 = tpu.memref_slice %arg8[%dma_wait3A_303, %dma_wait3A_304] : memref<2048x16xi32, #tpu.memory_space<vmem>> -> memref<256x16xi32, #tpu.memory_space<vmem>>
    %dma_wait3A_306 = arith.constant 0 : i32
    %dma_wait3A_307 = tpu.memref_slice %arg5[%add3A_302, %dma_wait3A_306] : memref<65536x16xi32, #tpu.memory_space<hbm>> -> memref<256x16xi32, #tpu.memory_space<hbm>>
    %dma_wait3A_308 = arith.constant 0 : i32
    %dma_wait3A_309 = tpu.memref_slice %arg5[%add3A_302, %dma_wait3A_308] : memref<65536x16xi32, #tpu.memory_space<hbm>> -> memref<256x16xi32, #tpu.memory_space<hbm>>
    %dma_wait3A_310 = arith.constant 1792 : i32
    %dma_wait3A_311 = arith.constant 0 : i32
    %dma_wait3A_312 = tpu.memref_slice %arg8[%dma_wait3A_310, %dma_wait3A_311] : memref<2048x16xi32, #tpu.memory_space<vmem>> -> memref<256x16xi32, #tpu.memory_space<vmem>>
    tpu.wait_dma2 semaphore(%arg10 : memref<!tpu.dma_semaphore, #tpu.memory_space<semaphore_mem>>) src(%dma_wait3A_312 : memref<256x16xi32, #tpu.memory_space<vmem>>) dst(%dma_wait3A_309 : memref<256x16xi32, #tpu.memory_space<hbm>>)
    return
  }
}

module attributes {stable_mosaic.version = 14 : i64} {
  func.func @_mm_body(%arg0: i32, %arg1: memref<2048x128xi32, #tpu.memory_space<vmem>>, %arg2: memref<1x128x768xbf16, #tpu.memory_space<vmem>>, %arg3: memref<1x128x768xbf16, #tpu.memory_space<vmem>>, %arg4: memref<768xf32, #tpu.memory_space<vmem>>, %arg5: memref<2048x768xf32, #tpu.memory_space<vmem>>) attributes {dimension_semantics = [#tpu.dimension_semantics<arbitrary>], iteration_bounds = array<i64: 4>, scalar_prefetch = 0 : i64, scratch_operands = 0 : i64, tpu.core_type = #tpu.core_type<tc>, window_params = [{transform_indices = @transform_0, window_bounds = array<i64: 2048, 128>}, {transform_indices = @transform_1, window_bounds = array<i64: 1, 128, 768>}, {transform_indices = @transform_2, window_bounds = array<i64: 1, 128, 768>}, {pipeline_mode = #tpu.pipeline_mode<synchronous>, transform_indices = @transform_3, window_bounds = array<i64: 768>}, {transform_indices = @transform_4, window_bounds = array<i64: 2048, 768>}]} {
    %get3A = arith.constant 0 : index
    %get3A_0 = arith.constant 0 : index
    %get3A_1 = vector.load %arg1[%get3A, %get3A_0] : memref<2048x128xi32, #tpu.memory_space<vmem>>, vector<2048x128xi32>
    %bitcast3A = tpu.bitcast %get3A_1 : vector<2048x128xi32> -> vector<4096x128xbf16>
    %reshape3A = vector.shape_cast %bitcast3A : vector<4096x128xbf16> to vector<2048x2x128xbf16>
    %slice3A = vector.extract_strided_slice %reshape3A {offsets = [0, 0, 0], sizes = [2048, 1, 128], strides = [1, 1, 1]} : vector<2048x2x128xbf16> to vector<2048x1x128xbf16>
    %squeeze3A = vector.shape_cast %slice3A : vector<2048x1x128xbf16> to vector<2048x128xbf16>
    %slice3A_2 = vector.extract_strided_slice %reshape3A {offsets = [0, 1, 0], sizes = [2048, 1, 128], strides = [1, 1, 1]} : vector<2048x2x128xbf16> to vector<2048x1x128xbf16>
    %squeeze3A_3 = vector.shape_cast %slice3A_2 : vector<2048x1x128xbf16> to vector<2048x128xbf16>
    %get3A_4 = arith.constant 0 : index
    %get3A_5 = arith.constant 0 : index
    %get3A_6 = arith.constant 0 : index
    %get3A_7 = vector.load %arg2[%get3A_4, %get3A_5, %get3A_6] : memref<1x128x768xbf16, #tpu.memory_space<vmem>>, vector<1x128x768xbf16>
    %get3A_8 = vector.shape_cast %get3A_7 : vector<1x128x768xbf16> to vector<128x768xbf16>
    %dot_general3A = arith.constant dense<0.000000e+00> : vector<2048x768xf32>
    %dot_general3A_9 = tpu.matmul %squeeze3A, %get3A_8, %dot_general3A {dimension_numbers = #tpu.dot_dimension_numbers<[1], [0], [0], [1], [0, 0, 1, 1], [], []>, transpose_lhs_hint = false} : vector<2048x128xbf16>, vector<128x768xbf16>, vector<2048x768xf32> -> vector<2048x768xf32>
    %get3A_10 = arith.constant 0 : index
    %get3A_11 = arith.constant 0 : index
    %get3A_12 = arith.constant 0 : index
    %get3A_13 = vector.load %arg3[%get3A_10, %get3A_11, %get3A_12] : memref<1x128x768xbf16, #tpu.memory_space<vmem>>, vector<1x128x768xbf16>
    %get3A_14 = vector.shape_cast %get3A_13 : vector<1x128x768xbf16> to vector<128x768xbf16>
    %dot_general3A_15 = arith.constant dense<0.000000e+00> : vector<2048x768xf32>
    %dot_general3A_16 = tpu.matmul %squeeze3A_3, %get3A_14, %dot_general3A_15 {dimension_numbers = #tpu.dot_dimension_numbers<[1], [0], [0], [1], [0, 0, 1, 1], [], []>, transpose_lhs_hint = false} : vector<2048x128xbf16>, vector<128x768xbf16>, vector<2048x768xf32> -> vector<2048x768xf32>
    %add3A = arith.addf %dot_general3A_9, %dot_general3A_16 : vector<2048x768xf32>
    %get3A_17 = arith.constant 0 : index
    %get3A_18 = vector.load %arg4[%get3A_17] : memref<768xf32, #tpu.memory_space<vmem>>, vector<768xf32>
    %broadcast_in_dim3A = vector.shape_cast %get3A_18 : vector<768xf32> to vector<1x768xf32>
    %add3A_19 = vector.broadcast %broadcast_in_dim3A : vector<1x768xf32> to vector<2048x768xf32>
    %add3A_20 = arith.addf %add3A, %add3A_19 : vector<2048x768xf32>
    %swap3A = arith.constant 0 : index
    %swap3A_21 = arith.constant 0 : index
    %swap3A_22 = vector.load %arg5[%swap3A, %swap3A_21] : memref<2048x768xf32, #tpu.memory_space<vmem>>, vector<2048x768xf32>
    tpu.vector_store %arg5[%swap3A, %swap3A_21], %add3A_20 {strides = array<i32>} : memref<2048x768xf32, #tpu.memory_space<vmem>>, vector<2048x768xf32>,
    return
  }
  func.func @transform_0(%arg0: i32) -> (i32, i32) {
    %c0_i32 = arith.constant 0 : i32
    %c0_i32_0 = arith.constant 0 : i32
    return %arg0, %c0_i32 : i32, i32
  }
  func.func @transform_1(%arg0: i32) -> (i32, i32, i32) {
    %c0_i32 = arith.constant 0 : i32
    %c0_i32_0 = arith.constant 0 : i32
    %c0_i32_1 = arith.constant 0 : i32
    %c0_i32_2 = arith.constant 0 : i32
    return %c0_i32, %c0_i32_0, %c0_i32_1 : i32, i32, i32
  }
  func.func @transform_2(%arg0: i32) -> (i32, i32, i32) {
    %c1_i32 = arith.constant 1 : i32
    %c0_i32 = arith.constant 0 : i32
    %c0_i32_0 = arith.constant 0 : i32
    %c0_i32_1 = arith.constant 0 : i32
    return %c1_i32, %c0_i32, %c0_i32_0 : i32, i32, i32
  }
  func.func @transform_3(%arg0: i32) -> i32 {
    %c0_i32 = arith.constant 0 : i32
    %c0_i32_0 = arith.constant 0 : i32
    return %c0_i32 : i32
  }
  func.func @transform_4(%arg0: i32) -> (i32, i32) {
    %c0_i32 = arith.constant 0 : i32
    %c0_i32_0 = arith.constant 0 : i32
    return %arg0, %c0_i32 : i32, i32
  }
}

</mosaic_0001>

<sc_bundles>
// kernel: kernel.4.cloned.1.call-start
scs
__scs_entry_jumppad:
0x0: {  	(pc) =	sbr.rel $0x88, $3  }
0x1: {  	(tag) =	ssettag $0x0;
	lr =	simm.s32 $0x1  }
0x2: {  	[smem:$0x3F9D] =	sst lr;
	_ =	strace $0xD0000000  }
0x3: {  	_ = 	snop  }
0x4: {  	_ = 	snop  }
0x5: {  	_ = 	snop  }
0x6: {  	_ = 	snop  }
0x7: {  	_ = 	snop  }
__scs_overlays_trampoline_lowered:
0x8: {  	[smem:$0x3FAC] =	sst s0  }
0x9: {  	[smem:$0x3FAD] =	sst s1  }
0xa: {  	[smem:$0x3FAE] =	sst s2  }
0xb: {  	[smem:$0x3FAF] =	sst s3  }
0xc: {  	[smem:$0x3FB0] =	sst s4  }
0xd: {  	[smem:$0x3FB1] =	sst s5  }
0xe: {  	[smem:$0x3FB2] =	sst s6  }
0xf: {  	[smem:$0x3FB3] =	sst s7  }
0x10: {  	[smem:$0x3FB4] =	sst s8  }
0x11: {  	[smem:$0x3FB5] =	sst s9;
	s0 =	simm.s32 @!p0 $0x0  }
0x12: {  	s1 =	sld [smem:$0x3F9B];
	s0 =	simm.s32 @p0 $0x1  }
0x13: {  	[smem:$0x3FB6] =	sst s0;
	s0 =	simm.s32 @!p1 $0x0  }
0x14: {  	s2 =	sld [smem:$0x3F9A];
	s0 =	simm.s32 @p1 $0x1  }
0x15: {  	[smem:$0x3FB7] =	sst s0;
	s0 =	simm.s32 @!p2 $0x0  }
0x16: {  	s3 =	sld [smem:$0x3FDB];
	s0 =	simm.s32 @p2 $0x1  }
0x17: {  	s4 =	simm.s32 $0x1BF5;
	[smem:$0x3FB9] =	sst s0  }
0x18: {  	s0 =	sld [smem:$0x3F9C];
	_ =	swait.ge [sflag:s4], $0x0  }
0x19: {  	s7 =	sld [smem:$0x3F9D]  }
0x1a: {  	s8 =	sadd.s32 $0xFFFFE003, lr  }
0x1b: {  	s9 =	sadd.s32 $0xFFFFFEF7, lr;
	s5 =	simm.s32 $0xFFFFFFFF;
	p2 =	slt.u32 s8, $0xFFFFF086  }
0x1c: {  	p1 =	slt.u32 s9, $0xF7A;
	s5 =	simm.s32 @!p2 $0x0  }
0x1d: {  	s5 =	simm.s32 @p1 $0x1;
	p0 =	seq.s32 s7, s2  }
0x1e: {  	s7 =	smul.u32 @!p0 $0xF7A, s2;
	p2 =	seq.s32 @!p0 s5, $0x0  }
0x1f: {  	s9 =	smul.u32 $0xF7A, s1;
	s8 =	simm.s32 @!p0 $0x1BF5;
	p2 =	por !p2, p0  }
0x20: {  	[sflag:s8] =	ssyncset.s32 @!p0 $0xFFFFF086;
	s6 =	sadd.s32 @!p0 s3, s7;
	s7 =	simm.s32 @!p0 $0x108  }
0x21: {  	s3 =	sadd.s32 s3, s9;
	s6 =	sadd.s32 @!p0 $0x88, s6;
	s7 =	simm.s32 @p2 $0x1082  }
0x22: {  	[simem:s7], [sflag:s8] =	dma.local @!p0 [hbm:s6], $0xF7A  }
0x23: {  	s9 =	sor.u32 $0xD0000000, s2;
	s6 =	simm.s32 $0x108;
	_ =	swait.ge @!p0 [sflag:s8], $0x0  }
0x24: {  	s3 =	sadd.s32 $0x88, s3;
	s6 =	simm.s32 @!p1 $0x1082;
	[sflag:s4] =	ssyncset.s32 $0xFFFFF086  }
0x25: {  	[simem:s6], [sflag:s4] =	dma.local [hbm:s3], $0xF7A  }
0x26: {  	[smem:$0x3F9D] =	sst s1;
	(tag) =	ssettag s2;
	_ =	strace s9  }
0x27: {  	s1 =	sld [smem:$0x3FAD]  }
0x28: {  	s2 =	sld [smem:$0x3FAE]  }
0x29: {  	s4 =	sld [smem:$0x3FB0]  }
0x2a: {  	p0 =	seq.s32 s5, $0x0;
	s5 =	sld [smem:$0x3FB1]  }
0x2b: {  	s6 =	sld [smem:$0x3FB2]  }
0x2c: {  	s7 =	sld [smem:$0x3FB3]  }
0x2d: {  	s3 =	simm.s32 $0x108;
	s8 =	sld [smem:$0x3FB4]  }
0x2e: {  	s3 =	simm.s32 @!p0 $0x1082;
	s9 =	sld [smem:$0x3FB5]  }
0x2f: {  	lr =	sadd.s32 s0, s3;
	s0 =	sld [smem:$0x3FAC]  }
0x30: {  	s3 =	sld [smem:$0x3FAF]  }
0x31: {  	[smem:$0x3FB8] =	sst s10  }
0x32: {  	s10 =	sld [smem:$0x3FB6];
	_ =	sdelay $0x3  }
0x33: {  	p0 =	seq.s32 s10, $0x1;
	s10 =	sld [smem:$0x3FB8];
	_ =	sdelay $0x3  }
0x34: {  	[smem:$0x3FB8] =	sst s10  }
0x35: {  	s10 =	sld [smem:$0x3FB7];
	_ =	sdelay $0x3  }
0x36: {  	p1 =	seq.s32 s10, $0x1;
	s10 =	sld [smem:$0x3FB8];
	_ =	sdelay $0x3  }
0x37: {  	[smem:$0x3FB8] =	sst s10  }
0x38: {  	s10 =	sld [smem:$0x3FB9]  }
0x39: {  	_ = 	snop;
	(pc) =	sbr.ind lr, $3  }
0x3a: {  	_ = 	snop  }
0x3b: {  	_ = 	snop  }
0x3c: {  	p2 =	seq.s32 s10, $0x1;
	s10 =	sld [smem:$0x3FB8]  }
0x3d: {  	_ =	shalt  }
0x3e: {  	_ =	shalt  }
0x3f: {  	_ =	shalt  }
0x40: {  	_ =	shalt  }
0x41: {  	_ =	shalt  }
0x42: {  	_ =	shalt  }
0x43: {  	_ =	shalt  }
0x44: {  	_ =	shalt  }
0x45: {  	_ =	shalt  }
0x46: {  	_ =	shalt  }
0x47: {  	_ =	shalt  }
0x48: {  	_ =	shalt  }
0x49: {  	_ =	shalt  }
0x4a: {  	_ =	shalt  }
0x4b: {  	_ =	shalt  }
0x4c: {  	_ =	shalt  }
0x4d: {  	_ =	shalt  }
0x4e: {  	_ =	shalt  }
0x4f: {  	_ =	shalt  }
0x50: {  	_ =	shalt  }
0x51: {  	_ =	shalt  }
0x52: {  	_ =	shalt  }
0x53: {  	_ =	shalt  }
0x54: {  	_ =	shalt  }
0x55: {  	_ =	shalt  }
0x56: {  	_ =	shalt  }
0x57: {  	_ =	shalt  }
0x58: {  	_ =	shalt  }
0x59: {  	_ =	shalt  }
0x5a: {  	_ =	shalt  }
0x5b: {  	_ =	shalt  }
0x5c: {  	_ =	shalt  }
0x5d: {  	_ =	shalt  }
0x5e: {  	_ =	shalt  }
0x5f: {  	_ =	shalt  }
0x60: {  	_ =	shalt  }
0x61: {  	_ =	shalt  }
0x62: {  	_ =	shalt  }
0x63: {  	_ =	shalt  }
0x64: {  	_ =	shalt  }
0x65: {  	_ =	shalt  }
0x66: {  	_ =	shalt  }
0x67: {  	_ =	shalt  }
0x68: {  	_ =	shalt  }
0x69: {  	_ =	shalt  }
0x6a: {  	_ =	shalt  }
0x6b: {  	_ =	shalt  }
0x6c: {  	_ =	shalt  }
0x6d: {  	_ =	shalt  }
0x6e: {  	_ =	shalt  }
0x6f: {  	_ =	shalt  }
0x70: {  	_ =	shalt  }
0x71: {  	_ =	shalt  }
0x72: {  	_ =	shalt  }
0x73: {  	_ =	shalt  }
0x74: {  	_ =	shalt  }
0x75: {  	_ =	shalt  }
0x76: {  	_ =	shalt  }
0x77: {  	_ =	shalt  }
0x78: {  	_ =	shalt  }
0x79: {  	_ =	shalt  }
0x7a: {  	_ =	shalt  }
0x7b: {  	_ =	shalt  }
0x7c: {  	_ =	shalt  }
0x7d: {  	_ =	shalt  }
0x7e: {  	_ =	shalt  }
0x7f: {  	_ =	shalt  }
0x80: {  	_ =	shalt  }
0x81: {  	_ =	shalt  }
0x82: {  	_ =	shalt  }
0x83: {  	_ =	shalt  }
0x84: {  	_ =	shalt  }
0x85: {  	_ =	shalt  }
0x86: {  	_ =	shalt  }
0x87: {  	_ =	shalt  }
.Lfunc_end0:
.L_simem_size_0:
called_computation_lowered:
.L_overlay_start_0:
0x88: {  	s2 =	sld [smem:$0x3FD9]  }
0x89: {  	s3 =	sld [smem:$0x3FFE];
	_ =	sdelay $0x1  }
0x8a: {  	s1 =	srdreg.scid  }
0x8b: {  	s0 =	sand.u32 $0x1, s1  }
0x8c: {  	s14 =	sshll.u32 s0, $0xA;
	s2 =	sadd.s32 s3, s2  }
0x8d: {  	s2 =	sadd.s32 s2, s14  }
0x8e: {  	[smem:$0x3FC4] =	sst s2  }
0x8f: {  	_ = 	snop  }
0x90: {  	s2 =	sld [smem:$0x3FD0];
	_ =	sdelay $0x2  }
0x91: {  	s15 =	simm.s32 $0xA;
	s4 =	simm.s32 $0x10  }
0x92: {  	[smem:s4], [sflag:s15] =	dma.local [hbm:s2], $0x1  }
0x93: {  	_ =	swait.eq [sflag:s15], $0x1  }
0x94: {  	[sflag:s15] =	ssyncset.done $0x0  }
0x95: {  	[sflag:s15] =	ssyncadd.s32 $0xFFFFFFFF  }
0x96: {  	s16 =	sld [smem:$0x10];
	(tm) =	ssettm $0x1  }
0x97: {  	s17 =	sld [smem:$0x3FFB];
	_ =	sdelay $0x3  }
0x98: {  	_ =	strace s17  }
0x99: {  	s3 =	sld [smem:$0x3FFC];
	_ =	sdelay $0x3  }
0x9a: {  	_ =	strace s3  }
0x9b: {  	s3 =	sld [smem:$0x3FFD];
	_ =	sdelay $0x3  }
0x9c: {  	_ =	strace s3  }
0x9d: {  	_ =	strace $0x8FFFFFFF  }
0x9e: {  	s18 =	sld [smem:$0x3FDB];
	_ =	sdelay $0x1  }
0x9f: {  	s19 =	simm.s32 $_scs_section_size  }
0xa0: {  	s5 =	simm.s32 $_size__tile_overlayer_lowered;
	s6 =	simm.s32 $_tile_overlayer_lowered  }
0xa1: {  	s22 =	simm.s32 $0x1BFF;
	s21 =	sshll.u32 s6, $0x1;
	s3 =	sadd.s32 s19, s18  }
0xa2: {  	s7 =	simm.s32 $0x0;
	s20 =	sshll.u32 s5, $0x1;
	s5 =	sadd.s32 s21, s3  }
0xa3: {  	[timem:s7], [sflag:s22] =	dma.local [hbm:s5], s20  }
0xa4: {  	_ =	swait.ge [sflag:s22], s20  }
0xa5: {  	s4 =	ssub.s32 $0x0, s20;
	[sflag:s22] =	ssyncset.done $0x0  }
0xa6: {  	[sflag:s22] =	ssyncadd.s32 s4;
	_ =	sdelay $0x1  }
0xa7: {  	s23 =	simm.s32 $0x1B8B  }
0xa8: {  	_ =	swait.ge [sflag:s23], $0x1  }
0xa9: {  	[sflag:s23] =	ssyncset.done $0x0  }
0xaa: {  	s25 =	simm.s32 $0x1B8E;
	s24 =	sld [smem:$0x3FFE];
	[sflag:s23] =	ssyncadd.s32 $0xFFFFFFFF  }
0xab: {  	s26 =	simm.s32 $execute0_lowered;
	[smem:$0x3FD2] =	sst s25  }
0xac: {  	s5 =	sshll.u32 s26, $0x1;
	_ =	strace $0x80000046;
	[dreg:$0x1] =	wrdreg $0xFFFFFFFF  }
0xad: {  	s28 =	simm.s32 $_size_execute0_lowered;
	s3 =	sadd.s32 s3, s5;
	[dreg:$0x0] =	wrdreg $0x0  }
0xae: {  	s5 =	sshll.u32 s28, $0x1;
	[dreg:$0x2] =	wrdreg s3  }
0xaf: {  	[dreg:$0x3] =	wrdreg s5  }
0xb0: {  	[dreg:$0x4] =	wrdreg $0xC0  }
0xb1: {  	_ =	task [dreg:s7], $0x5FFFF  }
0xb2: {  	[dreg:$0x1] =	wrdreg $0xFFFFFFFF  }
0xb3: {  	[dreg:$0x0] =	wrdreg $0x60  }
0xb4: {  	[dreg:$0x2] =	wrdreg s24  }
0xb5: {  	[dreg:$0x3] =	wrdreg s16  }
0xb6: {  	[dreg:$0x4] =	wrdreg $0x9  }
0xb7: {  	_ =	task.clear_ibuf [dreg:s7], $0x5FFFF;
	_ =	strace $0x90000046  }
0xb8: {  	s29 =	simm.s32 $0x9;
	_ =	strace $0x80000048  }
0xb9: {  	_ =	swait.ge [sflag:s29], $0x1  }
0xba: {  	[sflag:s29] =	ssyncadd.s32 $0xFFFFFFFF  }
0xbb: {  	_ =	strace $0x90000048  }
0xbc: {  	_ =	sfence  }
0xbd: {  	s30 =	sld [smem:$0x0];
	_ =	sdelay $0x2  }
0xbe: {  	s31 =	sshll.u32 s1, $0xD;
	s1 =	sshrl.u32 s1, $0x2  }
0xbf: {  	s3 =	sand.u32 $0x4000, s31;
	s1 =	sadd.s32 s1, s30  }
0xc0: {  	s0 =	sor.u32 s3, s0;
	s1 =	sshll.u32 s1, $0x11  }
0xc1: {  	s0 =	sor.u32 s1, s0  }
0xc2: {  	s0 =	sadd.s32 $0x8F2B, s0  }
0xc3: {  	[sflag:s0] =	ssyncadd.remote.s32 $0x1  }
0xc4: {  	_ =	sfence.sel $0xFFFF  }
0xc5: {  	[dreg:$0x0] =	wrdreg $0xFFFFFFFF;
	(pc) =	sbr.abs _section_cstart, $3  }
0xc6: {  	[dreg:$0x1] =	wrdreg $0xFFFFFFFF  }
0xc7: {  	_ =	task.clear_ibuf [dreg:s7], $0x2FFFF;
	_ =	strace $0x9FFFFFFF  }
0xc8: {  	(tm) =	ssettm $0x7FFFFFFF  }
0xc9: {  	_ =	shalt  }
tec
execute0_lowered:
.L_overlay_start_1:
0x0: {  	(tag) =	ssettag $0x1  }
0x1: {  	s0 =	rddreg [dreg:$0x0]  }
0x2: {  	s1 =	rddreg [dreg:$0x1]  }
0x3: {  	s2 =	srdreg.scid;
	s3 =	stileid.u32;
	s15 =	simm.s32 $0x1000  }
0x4: {  	s16 =	simm.s32 $0x3;
	s17 =	simm.s32 $0x80;
	s18 =	simm.s32 $0x1800  }
0x5: {  	s22 =	simm.s32 $0x2800;
	s26 =	simm.s32 $0x3800;
	s29 =	simm.s32 $0x4000  }
0x6: {  	s30 =	simm.s32 $0x4800;
	s31 =	simm.s32 $0x5800;
	s19 =	simm.s32 $0x8800  }
0x7: {  	s20 =	simm.s32 $0x1;
	s21 =	simm.s32 $0x2;
	s23 =	simm.s32 $0x0  }
0x8: {  	s4 =	sand.u32 $0x1, s2;
	s2 =	simm.s32 $0x0;
	s3 =	sshll.u32 s3, $0xC  }
0x9: {  	s5 =	sshll.u32 s4, $0xB;
	[smem:$0x7FF] =	sst s2;
	s7 =	ssub.s32 $0x2, s4  }
0xa: {  	s4 =	sadd.s32 $0x200, s0;
	s5 =	sor.u32 s5, s3;
	_ =	strace $0x80000047  }
0xb: {  	v0 =	vimm.s32 $0x0;
	v1 =	vimm.s32 $0x4;
	s28 =	sshrl.u32 s7, $0x1;
	s3 =	sshrl.u32 s5, $0x3;
	s8 =	sshll.u32 s5, $0x1  }
0xc: {  	v2 =	vlaneseq.u32;
	v3 =	vimm.s32 $0x1;
	v4 =	vimm.s32 $0x2;
	s6 =	sadd.s32 s3, s0;
	s3 =	sadd.s32 $0x400, s0;
	s0 =	ssub.s32 s7, s28  }
0xd: {  	v5 =	vimm.s32 $0x3;
	v6 =	vimm.s32 $0x5;
	v7 =	vimm.s32 $0x6;
	s5 =	sadd.s32 $0x600, s6;
	s6 =	sadd.s32 s1, s8;
	s14 =	smax.u32 s0, $0x1  }
0xe: {  	v8 =	vimm.s32 $0x7;
	v9 =	vimm.s32 $0x8;
	v10 =	vimm.s32 $0x9;
	s0 =	simm.s32 $0x6800;
	s1 =	simm.s32 $0x7800;
	s7 =	sadd.s32 $0x600, s6  }
0xf: {  	v11 =	vimm.s32 $0xA;
	v12 =	vimm.s32 $0xB;
	v13 =	vimm.s32 $0xC;
	s8 =	sadd.s32 $0x800, s6;
	s9 =	sadd.s32 $0xA00, s6;
	s10 =	sadd.s32 $0xC00, s6  }
0x10: {  	v14 =	vimm.s32 $0xD;
	v15 =	vimm.s32 $0xE;
	v16 =	vimm.s32 $0xF;
	s11 =	sadd.s32 $0xE00, s6;
	s12 =	sadd.s32 $0x200, s6;
	s13 =	sadd.s32 $0x400, s6  }
.LBB2_1:
0x11: {  	[tilespmem:s15], [sflag:$0x3] =	stream.linear.gather [hbm4b:s5+s2], $0x800, $0x38;
	[tilespmem:$0x9800] =	vst v63  }
0x12: {  	_ =	swait.ge [sflag:s16], $0x800  }
0x13: {  	[sflag:s16] =	ssyncset.done $0x0  }
0x14: {  	[sflag:s16] =	ssyncadd.s32 $0xFFFFF800  }
0x15: {  	[tilespmem:s18], [sflag:$0x1] =	stream.indirect.gather [hbm4b:s3+s17], $0x10, s15, s17, $0xb8;
	[tilespmem:$0x9800] =	vst v63  }
0x16: {  	s24 =	simm.s32 $0x1080;
	s25 =	simm.s32 $0x2000  }
0x17: {  	[tilespmem:s25], [sflag:$0x1] =	stream.indirect.gather [hbm4b:s3+s17], $0x10, s24, s17, $0xb8;
	[tilespmem:$0x9800] =	vst v63  }
0x18: {  	s25 =	simm.s32 $0x1100  }
0x19: {  	[tilespmem:s22], [sflag:$0x1] =	stream.indirect.gather [hbm4b:s3+s17], $0x10, s25, s17, $0xb8;
	[tilespmem:$0x9800] =	vst v63  }
0x1a: {  	s24 =	simm.s32 $0x1180;
	s25 =	simm.s32 $0x3000  }
0x1b: {  	[tilespmem:s25], [sflag:$0x1] =	stream.indirect.gather [hbm4b:s3+s17], $0x10, s24, s17, $0xb8;
	[tilespmem:$0x9800] =	vst v63  }
0x1c: {  	s25 =	simm.s32 $0x1200  }
0x1d: {  	[tilespmem:s26], [sflag:$0x1] =	stream.indirect.gather [hbm4b:s3+s17], $0x10, s25, s17, $0xb8;
	[tilespmem:$0x9800] =	vst v63  }
0x1e: {  	s25 =	simm.s32 $0x1280  }
0x1f: {  	[tilespmem:s29], [sflag:$0x1] =	stream.indirect.gather [hbm4b:s3+s17], $0x10, s25, s17, $0xb8;
	[tilespmem:$0x9800] =	vst v63  }
0x20: {  	_ = 	snop  }
0x21: {  	[tilespmem:s2], [sflag:$0x3] =	stream.linear.gather [hbm4b:s4+s2], $0x1000, $0x38;
	[tilespmem:$0x9800] =	vst v63  }
0x22: {  	_ =	swait.ge [sflag:s16], $0x1000  }
0x23: {  	s28 =	simm.s32 $0x1310;
	[sflag:s16] =	ssyncset.done $0x0  }
0x24: {  	s24 =	simm.s32 $0xFFFFFFFE;
	s25 =	simm.s32 $0x49F0;
	[sflag:s16] =	ssyncadd.s32 $0xFFFFF000  }
.LBB2_2:
0x25: {  	v17 =	vld [tilespmem:s28+$0xFFFFFFF0];
	_ =	sdelay $0x4  }
0x26: {  	v18 =	vperm.xlane v17, v0;
	_ =	sdelay $0x1  }
0x27: {  	v18 =	vshll.u32 v18, $0x4  }
0x28: {  	v18 =	vor.u32 v2, v18;
	_ =	sdelay $0x2  }
0x29: {  	v19 =	vperm.xlane v17, v3;
	_ =	sdelay $0x1  }
0x2a: {  	v19 =	vshll.u32 v19, $0x4;
	v18 =	vld.idx.msk [tilespmem:v18+s2+$0x0], $0xffff  }
0x2b: {  	v19 =	vor.u32 v2, v19;
	_ =	sdelay $0x2  }
0x2c: {  	v20 =	vperm.xlane v17, v4  }
0x2d: {  	[tilespmem:s25+$0xFFFFFE10] =	vst v18  }
0x2e: {  	v18 =	vld.idx.msk [tilespmem:v19+s2+$0x0], $0xffff;
	v19 =	vshll.u32 v20, $0x4  }
0x2f: {  	v19 =	vor.u32 v2, v19;
	_ =	sdelay $0x2  }
0x30: {  	v39 =	vperm.xlane v17, v5  }
0x31: {  	[tilespmem:s25+$0xFFFFFE20] =	vst v18  }
0x32: {  	v18 =	vld.idx.msk [tilespmem:v19+s2+$0x0], $0xffff;
	v19 =	vshll.u32 v39, $0x4  }
0x33: {  	v19 =	vor.u32 v2, v19;
	_ =	sdelay $0x2  }
0x34: {  	v40 =	vperm.xlane v17, v1  }
0x35: {  	[tilespmem:s25+$0xFFFFFE30] =	vst v18  }
0x36: {  	v18 =	vld.idx.msk [tilespmem:v19+s2+$0x0], $0xffff;
	v19 =	vshll.u32 v40, $0x4  }
0x37: {  	v19 =	vor.u32 v2, v19;
	_ =	sdelay $0x2  }
0x38: {  	v41 =	vperm.xlane v17, v6  }
0x39: {  	[tilespmem:s25+$0xFFFFFE40] =	vst v18  }
0x3a: {  	v18 =	vld.idx.msk [tilespmem:v19+s2+$0x0], $0xffff;
	v19 =	vshll.u32 v41, $0x4  }
0x3b: {  	v19 =	vor.u32 v2, v19;
	_ =	sdelay $0x2  }
0x3c: {  	v42 =	vperm.xlane v17, v7  }
0x3d: {  	[tilespmem:s25+$0xFFFFFE50] =	vst v18  }
0x3e: {  	v18 =	vld.idx.msk [tilespmem:v19+s2+$0x0], $0xffff;
	v19 =	vshll.u32 v42, $0x4  }
0x3f: {  	v19 =	vor.u32 v2, v19;
	_ =	sdelay $0x2  }
0x40: {  	v43 =	vperm.xlane v17, v8  }
0x41: {  	[tilespmem:s25+$0xFFFFFE60] =	vst v18  }
0x42: {  	v18 =	vld.idx.msk [tilespmem:v19+s2+$0x0], $0xffff;
	v19 =	vshll.u32 v43, $0x4  }
0x43: {  	v19 =	vor.u32 v2, v19;
	_ =	sdelay $0x2  }
0x44: {  	v44 =	vperm.xlane v17, v9  }
0x45: {  	[tilespmem:s25+$0xFFFFFE70] =	vst v18  }
0x46: {  	v18 =	vld.idx.msk [tilespmem:v19+s2+$0x0], $0xffff;
	v19 =	vshll.u32 v44, $0x4  }
0x47: {  	v19 =	vor.u32 v2, v19;
	_ =	sdelay $0x2  }
0x48: {  	v45 =	vperm.xlane v17, v10  }
0x49: {  	[tilespmem:s25+$0xFFFFFE80] =	vst v18  }
0x4a: {  	v18 =	vld.idx.msk [tilespmem:v19+s2+$0x0], $0xffff;
	v19 =	vshll.u32 v45, $0x4  }
0x4b: {  	v19 =	vor.u32 v2, v19;
	_ =	sdelay $0x2  }
0x4c: {  	v46 =	vperm.xlane v17, v11  }
0x4d: {  	[tilespmem:s25+$0xFFFFFE90] =	vst v18  }
0x4e: {  	v18 =	vld.idx.msk [tilespmem:v19+s2+$0x0], $0xffff;
	v19 =	vshll.u32 v46, $0x4  }
0x4f: {  	v19 =	vor.u32 v2, v19;
	_ =	sdelay $0x2  }
0x50: {  	v47 =	vperm.xlane v17, v12  }
0x51: {  	[tilespmem:s25+$0xFFFFFEA0] =	vst v18  }
0x52: {  	v18 =	vld.idx.msk [tilespmem:v19+s2+$0x0], $0xffff;
	v19 =	vshll.u32 v47, $0x4  }
0x53: {  	v19 =	vor.u32 v2, v19;
	_ =	sdelay $0x2  }
0x54: {  	v48 =	vperm.xlane v17, v13  }
0x55: {  	[tilespmem:s25+$0xFFFFFEB0] =	vst v18  }
0x56: {  	v18 =	vld.idx.msk [tilespmem:v19+s2+$0x0], $0xffff;
	v19 =	vshll.u32 v48, $0x4  }
0x57: {  	v19 =	vor.u32 v2, v19;
	_ =	sdelay $0x2  }
0x58: {  	v49 =	vperm.xlane v17, v14  }
0x59: {  	[tilespmem:s25+$0xFFFFFEC0] =	vst v18  }
0x5a: {  	v18 =	vld.idx.msk [tilespmem:v19+s2+$0x0], $0xffff;
	v19 =	vshll.u32 v49, $0x4  }
0x5b: {  	v19 =	vor.u32 v2, v19;
	_ =	sdelay $0x2  }
0x5c: {  	v50 =	vperm.xlane v17, v15  }
0x5d: {  	[tilespmem:s25+$0xFFFFFED0] =	vst v18  }
0x5e: {  	v18 =	vld.idx.msk [tilespmem:v19+s2+$0x0], $0xffff;
	v19 =	vshll.u32 v50, $0x4  }
0x5f: {  	v19 =	vor.u32 v2, v19;
	_ =	sdelay $0x2  }
0x60: {  	v17 =	vperm.xlane v17, v16  }
0x61: {  	[tilespmem:s25+$0xFFFFFEE0] =	vst v18  }
0x62: {  	v17 =	vshll.u32 v17, $0x4;
	v18 =	vld.idx.msk [tilespmem:v19+s2+$0x0], $0xffff  }
0x63: {  	v17 =	vor.u32 v2, v17;
	_ =	sdelay $0x3  }
0x64: {  	[tilespmem:s25+$0xFFFFFEF0] =	vst v18  }
0x65: {  	v17 =	vld.idx.msk [tilespmem:v17+s2+$0x0], $0xffff;
	_ =	sdelay $0x4  }
0x66: {  	[tilespmem:s25+$0xFFFFFF00] =	vst v17  }
0x67: {  	v17 =	vld [tilespmem:s28+$0x0];
	_ =	sdelay $0x4  }
0x68: {  	v18 =	vperm.xlane v17, v0;
	_ =	sdelay $0x1  }
0x69: {  	v18 =	vshll.u32 v18, $0x4  }
0x6a: {  	v18 =	vor.u32 v2, v18;
	_ =	sdelay $0x2  }
0x6b: {  	v19 =	vperm.xlane v17, v3;
	_ =	sdelay $0x1  }
0x6c: {  	v19 =	vshll.u32 v19, $0x4;
	v18 =	vld.idx.msk [tilespmem:v18+s2+$0x0], $0xffff  }
0x6d: {  	v19 =	vor.u32 v2, v19;
	_ =	sdelay $0x2  }
0x6e: {  	v51 =	vperm.xlane v17, v4  }
0x6f: {  	[tilespmem:s25+$0xFFFFFF10] =	vst v18  }
0x70: {  	v18 =	vld.idx.msk [tilespmem:v19+s2+$0x0], $0xffff;
	v19 =	vshll.u32 v51, $0x4  }
0x71: {  	v19 =	vor.u32 v2, v19;
	_ =	sdelay $0x2  }
0x72: {  	v52 =	vperm.xlane v17, v5  }
0x73: {  	[tilespmem:s25+$0xFFFFFF20] =	vst v18  }
0x74: {  	v18 =	vld.idx.msk [tilespmem:v19+s2+$0x0], $0xffff;
	v19 =	vshll.u32 v52, $0x4  }
0x75: {  	v19 =	vor.u32 v2, v19;
	_ =	sdelay $0x2  }
0x76: {  	v53 =	vperm.xlane v17, v1  }
0x77: {  	[tilespmem:s25+$0xFFFFFF30] =	vst v18  }
0x78: {  	v18 =	vld.idx.msk [tilespmem:v19+s2+$0x0], $0xffff;
	v19 =	vshll.u32 v53, $0x4  }
0x79: {  	v19 =	vor.u32 v2, v19;
	_ =	sdelay $0x2  }
0x7a: {  	v54 =	vperm.xlane v17, v6  }
0x7b: {  	[tilespmem:s25+$0xFFFFFF40] =	vst v18  }
0x7c: {  	v18 =	vld.idx.msk [tilespmem:v19+s2+$0x0], $0xffff;
	v19 =	vshll.u32 v54, $0x4  }
0x7d: {  	v19 =	vor.u32 v2, v19;
	_ =	sdelay $0x2  }
0x7e: {  	v55 =	vperm.xlane v17, v7  }
0x7f: {  	[tilespmem:s25+$0xFFFFFF50] =	vst v18  }
0x80: {  	v18 =	vld.idx.msk [tilespmem:v19+s2+$0x0], $0xffff;
	v19 =	vshll.u32 v55, $0x4  }
0x81: {  	v19 =	vor.u32 v2, v19;
	_ =	sdelay $0x2  }
0x82: {  	v56 =	vperm.xlane v17, v8  }
0x83: {  	[tilespmem:s25+$0xFFFFFF60] =	vst v18  }
0x84: {  	v18 =	vld.idx.msk [tilespmem:v19+s2+$0x0], $0xffff;
	v19 =	vshll.u32 v56, $0x4  }
0x85: {  	v19 =	vor.u32 v2, v19;
	_ =	sdelay $0x2  }
0x86: {  	v57 =	vperm.xlane v17, v9  }
0x87: {  	[tilespmem:s25+$0xFFFFFF70] =	vst v18  }
0x88: {  	v18 =	vld.idx.msk [tilespmem:v19+s2+$0x0], $0xffff;
	v19 =	vshll.u32 v57, $0x4  }
0x89: {  	v19 =	vor.u32 v2, v19;
	_ =	sdelay $0x2  }
0x8a: {  	v58 =	vperm.xlane v17, v10  }
0x8b: {  	[tilespmem:s25+$0xFFFFFF80] =	vst v18  }
0x8c: {  	v18 =	vld.idx.msk [tilespmem:v19+s2+$0x0], $0xffff;
	v19 =	vshll.u32 v58, $0x4  }
0x8d: {  	v19 =	vor.u32 v2, v19;
	_ =	sdelay $0x2  }
0x8e: {  	v59 =	vperm.xlane v17, v11  }
0x8f: {  	[tilespmem:s25+$0xFFFFFF90] =	vst v18  }
0x90: {  	v18 =	vld.idx.msk [tilespmem:v19+s2+$0x0], $0xffff;
	v19 =	vshll.u32 v59, $0x4  }
0x91: {  	v19 =	vor.u32 v2, v19;
	_ =	sdelay $0x2  }
0x92: {  	v60 =	vperm.xlane v17, v12  }
0x93: {  	[tilespmem:s25+$0xFFFFFFA0] =	vst v18  }
0x94: {  	v18 =	vld.idx.msk [tilespmem:v19+s2+$0x0], $0xffff;
	v19 =	vshll.u32 v60, $0x4  }
0x95: {  	v19 =	vor.u32 v2, v19;
	_ =	sdelay $0x2  }
0x96: {  	v61 =	vperm.xlane v17, v13  }
0x97: {  	[tilespmem:s25+$0xFFFFFFB0] =	vst v18  }
0x98: {  	v18 =	vld.idx.msk [tilespmem:v19+s2+$0x0], $0xffff;
	v19 =	vshll.u32 v61, $0x4  }
0x99: {  	v19 =	vor.u32 v2, v19;
	_ =	sdelay $0x2  }
0x9a: {  	v62 =	vperm.xlane v17, v14  }
0x9b: {  	[tilespmem:s25+$0xFFFFFFC0] =	vst v18  }
0x9c: {  	v18 =	vld.idx.msk [tilespmem:v19+s2+$0x0], $0xffff;
	v19 =	vshll.u32 v62, $0x4  }
0x9d: {  	v19 =	vor.u32 v2, v19;
	_ =	sdelay $0x2  }
0x9e: {  	v63 =	vperm.xlane v17, v15  }
0x9f: {  	[tilespmem:s25+$0xFFFFFFD0] =	vst v18  }
0xa0: {  	v18 =	vld.idx.msk [tilespmem:v19+s2+$0x0], $0xffff;
	v19 =	vshll.u32 v63, $0x4  }
0xa1: {  	v19 =	vor.u32 v2, v19;
	_ =	sdelay $0x2  }
0xa2: {  	v17 =	vperm.xlane v17, v16  }
0xa3: {  	[tilespmem:s25+$0xFFFFFFE0] =	vst v18  }
0xa4: {  	v17 =	vshll.u32 v17, $0x4;
	v18 =	vld.idx.msk [tilespmem:v19+s2+$0x0], $0xffff  }
0xa5: {  	v17 =	vor.u32 v2, v17;
	_ =	sdelay $0x3  }
0xa6: {  	s24 =	sadd.s32 $0x2, s24;
	[tilespmem:s25+$0xFFFFFFF0] =	vst v18  }
0xa7: {  	p0 =	slt.u32 s24, $0xE;
	v17 =	vld.idx.msk [tilespmem:v17+s2+$0x0], $0xffff  }
.Ltmp0:
0xa8: {  	_ = 	snop;
	(pc) =	sbr.rel @p0 .LBB2_2-.Ltmp0, $2  }
0xa9: {  	_ =	sdelay $0x2  }
0xaa: {  	s28 =	sadd.s32 $0x20, s28;
	[tilespmem:s25+$0x0] =	vst v17;
	s25 =	sadd.s32 $0x200, s25  }
0xab: {  	[hbm4b:s7+s2] =	stream.linear.scatter [tilespmem:s30], [sflag:$0x2], $0x1000, $0x38;
	[tilespmem:$0x9800] =	vst v63  }
0xac: {  	s24 =	simm.s32 $0xFFFFFFFE;
	s25 =	simm.s32 $0x59F0;
	s28 =	simm.s32 $0x1410  }
.LBB2_4:
0xad: {  	v17 =	vld [tilespmem:s28+$0xFFFFFFF0];
	_ =	sdelay $0x4  }
0xae: {  	v18 =	vperm.xlane v17, v0;
	_ =	sdelay $0x1  }
0xaf: {  	v18 =	vshll.u32 v18, $0x4  }
0xb0: {  	v18 =	vor.u32 v2, v18;
	_ =	sdelay $0x2  }
0xb1: {  	v19 =	vperm.xlane v17, v3;
	_ =	sdelay $0x1  }
0xb2: {  	v19 =	vshll.u32 v19, $0x4;
	v18 =	vld.idx.msk [tilespmem:v18+s2+$0x0], $0xffff  }
0xb3: {  	v19 =	vor.u32 v2, v19;
	_ =	sdelay $0x2  }
0xb4: {  	v20 =	vperm.xlane v17, v4  }
0xb5: {  	[tilespmem:s25+$0xFFFFFE10] =	vst v18  }
0xb6: {  	v18 =	vld.idx.msk [tilespmem:v19+s2+$0x0], $0xffff;
	v19 =	vshll.u32 v20, $0x4  }
0xb7: {  	v19 =	vor.u32 v2, v19;
	_ =	sdelay $0x2  }
0xb8: {  	v39 =	vperm.xlane v17, v5  }
0xb9: {  	[tilespmem:s25+$0xFFFFFE20] =	vst v18  }
0xba: {  	v18 =	vld.idx.msk [tilespmem:v19+s2+$0x0], $0xffff;
	v19 =	vshll.u32 v39, $0x4  }
0xbb: {  	v19 =	vor.u32 v2, v19;
	_ =	sdelay $0x2  }
0xbc: {  	v40 =	vperm.xlane v17, v1  }
0xbd: {  	[tilespmem:s25+$0xFFFFFE30] =	vst v18  }
0xbe: {  	v18 =	vld.idx.msk [tilespmem:v19+s2+$0x0], $0xffff;
	v19 =	vshll.u32 v40, $0x4  }
0xbf: {  	v19 =	vor.u32 v2, v19;
	_ =	sdelay $0x2  }
0xc0: {  	v41 =	vperm.xlane v17, v6  }
0xc1: {  	[tilespmem:s25+$0xFFFFFE40] =	vst v18  }
0xc2: {  	v18 =	vld.idx.msk [tilespmem:v19+s2+$0x0], $0xffff;
	v19 =	vshll.u32 v41, $0x4  }
0xc3: {  	v19 =	vor.u32 v2, v19;
	_ =	sdelay $0x2  }
0xc4: {  	v42 =	vperm.xlane v17, v7  }
0xc5: {  	[tilespmem:s25+$0xFFFFFE50] =	vst v18  }
0xc6: {  	v18 =	vld.idx.msk [tilespmem:v19+s2+$0x0], $0xffff;
	v19 =	vshll.u32 v42, $0x4  }
0xc7: {  	v19 =	vor.u32 v2, v19;
	_ =	sdelay $0x2  }
0xc8: {  	v43 =	vperm.xlane v17, v8  }
0xc9: {  	[tilespmem:s25+$0xFFFFFE60] =	vst v18  }
0xca: {  	v18 =	vld.idx.msk [tilespmem:v19+s2+$0x0], $0xffff;
	v19 =	vshll.u32 v43, $0x4  }
0xcb: {  	v19 =	vor.u32 v2, v19;
	_ =	sdelay $0x2  }
0xcc: {  	v44 =	vperm.xlane v17, v9  }
0xcd: {  	[tilespmem:s25+$0xFFFFFE70] =	vst v18  }
0xce: {  	v18 =	vld.idx.msk [tilespmem:v19+s2+$0x0], $0xffff;
	v19 =	vshll.u32 v44, $0x4  }
0xcf: {  	v19 =	vor.u32 v2, v19;
	_ =	sdelay $0x2  }
0xd0: {  	v45 =	vperm.xlane v17, v10  }
0xd1: {  	[tilespmem:s25+$0xFFFFFE80] =	vst v18  }
0xd2: {  	v18 =	vld.idx.msk [tilespmem:v19+s2+$0x0], $0xffff;
	v19 =	vshll.u32 v45, $0x4  }
0xd3: {  	v19 =	vor.u32 v2, v19;
	_ =	sdelay $0x2  }
0xd4: {  	v46 =	vperm.xlane v17, v11  }
0xd5: {  	[tilespmem:s25+$0xFFFFFE90] =	vst v18  }
0xd6: {  	v18 =	vld.idx.msk [tilespmem:v19+s2+$0x0], $0xffff;
	v19 =	vshll.u32 v46, $0x4  }
0xd7: {  	v19 =	vor.u32 v2, v19;
	_ =	sdelay $0x2  }
0xd8: {  	v47 =	vperm.xlane v17, v12  }
0xd9: {  	[tilespmem:s25+$0xFFFFFEA0] =	vst v18  }
0xda: {  	v18 =	vld.idx.msk [tilespmem:v19+s2+$0x0], $0xffff;
	v19 =	vshll.u32 v47, $0x4  }
0xdb: {  	v19 =	vor.u32 v2, v19;
	_ =	sdelay $0x2  }
0xdc: {  	v48 =	vperm.xlane v17, v13  }
0xdd: {  	[tilespmem:s25+$0xFFFFFEB0] =	vst v18  }
0xde: {  	v18 =	vld.idx.msk [tilespmem:v19+s2+$0x0], $0xffff;
	v19 =	vshll.u32 v48, $0x4  }
0xdf: {  	v19 =	vor.u32 v2, v19;
	_ =	sdelay $0x2  }
0xe0: {  	v49 =	vperm.xlane v17, v14  }
0xe1: {  	[tilespmem:s25+$0xFFFFFEC0] =	vst v18  }
0xe2: {  	v18 =	vld.idx.msk [tilespmem:v19+s2+$0x0], $0xffff;
	v19 =	vshll.u32 v49, $0x4  }
0xe3: {  	v19 =	vor.u32 v2, v19;
	_ =	sdelay $0x2  }
0xe4: {  	v50 =	vperm.xlane v17, v15  }
0xe5: {  	[tilespmem:s25+$0xFFFFFED0] =	vst v18  }
0xe6: {  	v18 =	vld.idx.msk [tilespmem:v19+s2+$0x0], $0xffff;
	v19 =	vshll.u32 v50, $0x4  }
0xe7: {  	v19 =	vor.u32 v2, v19;
	_ =	sdelay $0x2  }
0xe8: {  	v17 =	vperm.xlane v17, v16  }
0xe9: {  	[tilespmem:s25+$0xFFFFFEE0] =	vst v18  }
0xea: {  	v17 =	vshll.u32 v17, $0x4;
	v18 =	vld.idx.msk [tilespmem:v19+s2+$0x0], $0xffff  }
0xeb: {  	v17 =	vor.u32 v2, v17;
	_ =	sdelay $0x3  }
0xec: {  	[tilespmem:s25+$0xFFFFFEF0] =	vst v18  }
0xed: {  	v17 =	vld.idx.msk [tilespmem:v17+s2+$0x0], $0xffff;
	_ =	sdelay $0x4  }
0xee: {  	[tilespmem:s25+$0xFFFFFF00] =	vst v17  }
0xef: {  	v17 =	vld [tilespmem:s28+$0x0];
	_ =	sdelay $0x4  }
0xf0: {  	v18 =	vperm.xlane v17, v0;
	_ =	sdelay $0x1  }
0xf1: {  	v18 =	vshll.u32 v18, $0x4  }
0xf2: {  	v18 =	vor.u32 v2, v18;
	_ =	sdelay $0x2  }
0xf3: {  	v19 =	vperm.xlane v17, v3;
	_ =	sdelay $0x1  }
0xf4: {  	v19 =	vshll.u32 v19, $0x4;
	v18 =	vld.idx.msk [tilespmem:v18+s2+$0x0], $0xffff  }
0xf5: {  	v19 =	vor.u32 v2, v19;
	_ =	sdelay $0x2  }
0xf6: {  	v51 =	vperm.xlane v17, v4  }
0xf7: {  	[tilespmem:s25+$0xFFFFFF10] =	vst v18  }
0xf8: {  	v18 =	vld.idx.msk [tilespmem:v19+s2+$0x0], $0xffff;
	v19 =	vshll.u32 v51, $0x4  }
0xf9: {  	v19 =	vor.u32 v2, v19;
	_ =	sdelay $0x2  }
0xfa: {  	v52 =	vperm.xlane v17, v5  }
0xfb: {  	[tilespmem:s25+$0xFFFFFF20] =	vst v18  }
0xfc: {  	v18 =	vld.idx.msk [tilespmem:v19+s2+$0x0], $0xffff;
	v19 =	vshll.u32 v52, $0x4  }
0xfd: {  	v19 =	vor.u32 v2, v19;
	_ =	sdelay $0x2  }
0xfe: {  	v53 =	vperm.xlane v17, v1  }
0xff: {  	[tilespmem:s25+$0xFFFFFF30] =	vst v18  }
0x100: {  	v18 =	vld.idx.msk [tilespmem:v19+s2+$0x0], $0xffff;
	v19 =	vshll.u32 v53, $0x4  }
0x101: {  	v19 =	vor.u32 v2, v19;
	_ =	sdelay $0x2  }
0x102: {  	v54 =	vperm.xlane v17, v6  }
0x103: {  	[tilespmem:s25+$0xFFFFFF40] =	vst v18  }
0x104: {  	v18 =	vld.idx.msk [tilespmem:v19+s2+$0x0], $0xffff;
	v19 =	vshll.u32 v54, $0x4  }
0x105: {  	v19 =	vor.u32 v2, v19;
	_ =	sdelay $0x2  }
0x106: {  	v55 =	vperm.xlane v17, v7  }
0x107: {  	[tilespmem:s25+$0xFFFFFF50] =	vst v18  }
0x108: {  	v18 =	vld.idx.msk [tilespmem:v19+s2+$0x0], $0xffff;
	v19 =	vshll.u32 v55, $0x4  }
0x109: {  	v19 =	vor.u32 v2, v19;
	_ =	sdelay $0x2  }
0x10a: {  	v56 =	vperm.xlane v17, v8  }
0x10b: {  	[tilespmem:s25+$0xFFFFFF60] =	vst v18  }
0x10c: {  	v18 =	vld.idx.msk [tilespmem:v19+s2+$0x0], $0xffff;
	v19 =	vshll.u32 v56, $0x4  }
0x10d: {  	v19 =	vor.u32 v2, v19;
	_ =	sdelay $0x2  }
0x10e: {  	v57 =	vperm.xlane v17, v9  }
0x10f: {  	[tilespmem:s25+$0xFFFFFF70] =	vst v18  }
0x110: {  	v18 =	vld.idx.msk [tilespmem:v19+s2+$0x0], $0xffff;
	v19 =	vshll.u32 v57, $0x4  }
0x111: {  	v19 =	vor.u32 v2, v19;
	_ =	sdelay $0x2  }
0x112: {  	v58 =	vperm.xlane v17, v10  }
0x113: {  	[tilespmem:s25+$0xFFFFFF80] =	vst v18  }
0x114: {  	v18 =	vld.idx.msk [tilespmem:v19+s2+$0x0], $0xffff;
	v19 =	vshll.u32 v58, $0x4  }
0x115: {  	v19 =	vor.u32 v2, v19;
	_ =	sdelay $0x2  }
0x116: {  	v59 =	vperm.xlane v17, v11  }
0x117: {  	[tilespmem:s25+$0xFFFFFF90] =	vst v18  }
0x118: {  	v18 =	vld.idx.msk [tilespmem:v19+s2+$0x0], $0xffff;
	v19 =	vshll.u32 v59, $0x4  }
0x119: {  	v19 =	vor.u32 v2, v19;
	_ =	sdelay $0x2  }
0x11a: {  	v60 =	vperm.xlane v17, v12  }
0x11b: {  	[tilespmem:s25+$0xFFFFFFA0] =	vst v18  }
0x11c: {  	v18 =	vld.idx.msk [tilespmem:v19+s2+$0x0], $0xffff;
	v19 =	vshll.u32 v60, $0x4  }
0x11d: {  	v19 =	vor.u32 v2, v19;
	_ =	sdelay $0x2  }
0x11e: {  	v61 =	vperm.xlane v17, v13  }
0x11f: {  	[tilespmem:s25+$0xFFFFFFB0] =	vst v18  }
0x120: {  	v18 =	vld.idx.msk [tilespmem:v19+s2+$0x0], $0xffff;
	v19 =	vshll.u32 v61, $0x4  }
0x121: {  	v19 =	vor.u32 v2, v19;
	_ =	sdelay $0x2  }
0x122: {  	v62 =	vperm.xlane v17, v14  }
0x123: {  	[tilespmem:s25+$0xFFFFFFC0] =	vst v18  }
0x124: {  	v18 =	vld.idx.msk [tilespmem:v19+s2+$0x0], $0xffff;
	v19 =	vshll.u32 v62, $0x4  }
0x125: {  	v19 =	vor.u32 v2, v19;
	_ =	sdelay $0x2  }
0x126: {  	v63 =	vperm.xlane v17, v15  }
0x127: {  	[tilespmem:s25+$0xFFFFFFD0] =	vst v18  }
0x128: {  	v18 =	vld.idx.msk [tilespmem:v19+s2+$0x0], $0xffff;
	v19 =	vshll.u32 v63, $0x4  }
0x129: {  	v19 =	vor.u32 v2, v19;
	_ =	sdelay $0x2  }
0x12a: {  	v17 =	vperm.xlane v17, v16  }
0x12b: {  	[tilespmem:s25+$0xFFFFFFE0] =	vst v18  }
0x12c: {  	v17 =	vshll.u32 v17, $0x4;
	v18 =	vld.idx.msk [tilespmem:v19+s2+$0x0], $0xffff  }
0x12d: {  	v17 =	vor.u32 v2, v17;
	_ =	sdelay $0x3  }
0x12e: {  	s24 =	sadd.s32 $0x2, s24;
	[tilespmem:s25+$0xFFFFFFF0] =	vst v18  }
0x12f: {  	p0 =	slt.u32 s24, $0xE;
	v17 =	vld.idx.msk [tilespmem:v17+s2+$0x0], $0xffff  }
.Ltmp1:
0x130: {  	_ = 	snop;
	(pc) =	sbr.rel @p0 .LBB2_4-.Ltmp1, $2  }
0x131: {  	_ =	sdelay $0x2  }
0x132: {  	s28 =	sadd.s32 $0x20, s28;
	[tilespmem:s25+$0x0] =	vst v17;
	s25 =	sadd.s32 $0x200, s25  }
0x133: {  	[hbm4b:s8+s2] =	stream.linear.scatter [tilespmem:s31], [sflag:$0x2], $0x1000, $0x38;
	[tilespmem:$0x9800] =	vst v63  }
0x134: {  	s24 =	simm.s32 $0xFFFFFFFE;
	s25 =	simm.s32 $0x69F0;
	s28 =	simm.s32 $0x1510  }
.LBB2_6:
0x135: {  	v17 =	vld [tilespmem:s28+$0xFFFFFFF0];
	_ =	sdelay $0x4  }
0x136: {  	v18 =	vperm.xlane v17, v0;
	_ =	sdelay $0x1  }
0x137: {  	v18 =	vshll.u32 v18, $0x4  }
0x138: {  	v18 =	vor.u32 v2, v18;
	_ =	sdelay $0x2  }
0x139: {  	v19 =	vperm.xlane v17, v3;
	_ =	sdelay $0x1  }
0x13a: {  	v19 =	vshll.u32 v19, $0x4;
	v18 =	vld.idx.msk [tilespmem:v18+s2+$0x0], $0xffff  }
0x13b: {  	v19 =	vor.u32 v2, v19;
	_ =	sdelay $0x2  }
0x13c: {  	v20 =	vperm.xlane v17, v4  }
0x13d: {  	[tilespmem:s25+$0xFFFFFE10] =	vst v18  }
0x13e: {  	v18 =	vld.idx.msk [tilespmem:v19+s2+$0x0], $0xffff;
	v19 =	vshll.u32 v20, $0x4  }
0x13f: {  	v19 =	vor.u32 v2, v19;
	_ =	sdelay $0x2  }
0x140: {  	v39 =	vperm.xlane v17, v5  }
0x141: {  	[tilespmem:s25+$0xFFFFFE20] =	vst v18  }
0x142: {  	v18 =	vld.idx.msk [tilespmem:v19+s2+$0x0], $0xffff;
	v19 =	vshll.u32 v39, $0x4  }
0x143: {  	v19 =	vor.u32 v2, v19;
	_ =	sdelay $0x2  }
0x144: {  	v40 =	vperm.xlane v17, v1  }
0x145: {  	[tilespmem:s25+$0xFFFFFE30] =	vst v18  }
0x146: {  	v18 =	vld.idx.msk [tilespmem:v19+s2+$0x0], $0xffff;
	v19 =	vshll.u32 v40, $0x4  }
0x147: {  	v19 =	vor.u32 v2, v19;
	_ =	sdelay $0x2  }
0x148: {  	v41 =	vperm.xlane v17, v6  }
0x149: {  	[tilespmem:s25+$0xFFFFFE40] =	vst v18  }
0x14a: {  	v18 =	vld.idx.msk [tilespmem:v19+s2+$0x0], $0xffff;
	v19 =	vshll.u32 v41, $0x4  }
0x14b: {  	v19 =	vor.u32 v2, v19;
	_ =	sdelay $0x2  }
0x14c: {  	v42 =	vperm.xlane v17, v7  }
0x14d: {  	[tilespmem:s25+$0xFFFFFE50] =	vst v18  }
0x14e: {  	v18 =	vld.idx.msk [tilespmem:v19+s2+$0x0], $0xffff;
	v19 =	vshll.u32 v42, $0x4  }
0x14f: {  	v19 =	vor.u32 v2, v19;
	_ =	sdelay $0x2  }
0x150: {  	v43 =	vperm.xlane v17, v8  }
0x151: {  	[tilespmem:s25+$0xFFFFFE60] =	vst v18  }
0x152: {  	v18 =	vld.idx.msk [tilespmem:v19+s2+$0x0], $0xffff;
	v19 =	vshll.u32 v43, $0x4  }
0x153: {  	v19 =	vor.u32 v2, v19;
	_ =	sdelay $0x2  }
0x154: {  	v44 =	vperm.xlane v17, v9  }
0x155: {  	[tilespmem:s25+$0xFFFFFE70] =	vst v18  }
0x156: {  	v18 =	vld.idx.msk [tilespmem:v19+s2+$0x0], $0xffff;
	v19 =	vshll.u32 v44, $0x4  }
0x157: {  	v19 =	vor.u32 v2, v19;
	_ =	sdelay $0x2  }
0x158: {  	v45 =	vperm.xlane v17, v10  }
0x159: {  	[tilespmem:s25+$0xFFFFFE80] =	vst v18  }
0x15a: {  	v18 =	vld.idx.msk [tilespmem:v19+s2+$0x0], $0xffff;
	v19 =	vshll.u32 v45, $0x4  }
0x15b: {  	v19 =	vor.u32 v2, v19;
	_ =	sdelay $0x2  }
0x15c: {  	v46 =	vperm.xlane v17, v11  }
0x15d: {  	[tilespmem:s25+$0xFFFFFE90] =	vst v18  }
0x15e: {  	v18 =	vld.idx.msk [tilespmem:v19+s2+$0x0], $0xffff;
	v19 =	vshll.u32 v46, $0x4  }
0x15f: {  	v19 =	vor.u32 v2, v19;
	_ =	sdelay $0x2  }
0x160: {  	v47 =	vperm.xlane v17, v12  }
0x161: {  	[tilespmem:s25+$0xFFFFFEA0] =	vst v18  }
0x162: {  	v18 =	vld.idx.msk [tilespmem:v19+s2+$0x0], $0xffff;
	v19 =	vshll.u32 v47, $0x4  }
0x163: {  	v19 =	vor.u32 v2, v19;
	_ =	sdelay $0x2  }
0x164: {  	v48 =	vperm.xlane v17, v13  }
0x165: {  	[tilespmem:s25+$0xFFFFFEB0] =	vst v18  }
0x166: {  	v18 =	vld.idx.msk [tilespmem:v19+s2+$0x0], $0xffff;
	v19 =	vshll.u32 v48, $0x4  }
0x167: {  	v19 =	vor.u32 v2, v19;
	_ =	sdelay $0x2  }
0x168: {  	v49 =	vperm.xlane v17, v14  }
0x169: {  	[tilespmem:s25+$0xFFFFFEC0] =	vst v18  }
0x16a: {  	v18 =	vld.idx.msk [tilespmem:v19+s2+$0x0], $0xffff;
	v19 =	vshll.u32 v49, $0x4  }
0x16b: {  	v19 =	vor.u32 v2, v19;
	_ =	sdelay $0x2  }
0x16c: {  	v50 =	vperm.xlane v17, v15  }
0x16d: {  	[tilespmem:s25+$0xFFFFFED0] =	vst v18  }
0x16e: {  	v18 =	vld.idx.msk [tilespmem:v19+s2+$0x0], $0xffff;
	v19 =	vshll.u32 v50, $0x4  }
0x16f: {  	v19 =	vor.u32 v2, v19;
	_ =	sdelay $0x2  }
0x170: {  	v17 =	vperm.xlane v17, v16  }
0x171: {  	[tilespmem:s25+$0xFFFFFEE0] =	vst v18  }
0x172: {  	v17 =	vshll.u32 v17, $0x4;
	v18 =	vld.idx.msk [tilespmem:v19+s2+$0x0], $0xffff  }
0x173: {  	v17 =	vor.u32 v2, v17;
	_ =	sdelay $0x3  }
0x174: {  	[tilespmem:s25+$0xFFFFFEF0] =	vst v18  }
0x175: {  	v17 =	vld.idx.msk [tilespmem:v17+s2+$0x0], $0xffff;
	_ =	sdelay $0x4  }
0x176: {  	[tilespmem:s25+$0xFFFFFF00] =	vst v17  }
0x177: {  	v17 =	vld [tilespmem:s28+$0x0];
	_ =	sdelay $0x4  }
0x178: {  	v18 =	vperm.xlane v17, v0;
	_ =	sdelay $0x1  }
0x179: {  	v18 =	vshll.u32 v18, $0x4  }
0x17a: {  	v18 =	vor.u32 v2, v18;
	_ =	sdelay $0x2  }
0x17b: {  	v19 =	vperm.xlane v17, v3;
	_ =	sdelay $0x1  }
0x17c: {  	v19 =	vshll.u32 v19, $0x4;
	v18 =	vld.idx.msk [tilespmem:v18+s2+$0x0], $0xffff  }
0x17d: {  	v19 =	vor.u32 v2, v19;
	_ =	sdelay $0x2  }
0x17e: {  	v51 =	vperm.xlane v17, v4  }
0x17f: {  	[tilespmem:s25+$0xFFFFFF10] =	vst v18  }
0x180: {  	v18 =	vld.idx.msk [tilespmem:v19+s2+$0x0], $0xffff;
	v19 =	vshll.u32 v51, $0x4  }
0x181: {  	v19 =	vor.u32 v2, v19;
	_ =	sdelay $0x2  }
0x182: {  	v52 =	vperm.xlane v17, v5  }
0x183: {  	[tilespmem:s25+$0xFFFFFF20] =	vst v18  }
0x184: {  	v18 =	vld.idx.msk [tilespmem:v19+s2+$0x0], $0xffff;
	v19 =	vshll.u32 v52, $0x4  }
0x185: {  	v19 =	vor.u32 v2, v19;
	_ =	sdelay $0x2  }
0x186: {  	v53 =	vperm.xlane v17, v1  }
0x187: {  	[tilespmem:s25+$0xFFFFFF30] =	vst v18  }
0x188: {  	v18 =	vld.idx.msk [tilespmem:v19+s2+$0x0], $0xffff;
	v19 =	vshll.u32 v53, $0x4  }
0x189: {  	v19 =	vor.u32 v2, v19;
	_ =	sdelay $0x2  }
0x18a: {  	v54 =	vperm.xlane v17, v6  }
0x18b: {  	[tilespmem:s25+$0xFFFFFF40] =	vst v18  }
0x18c: {  	v18 =	vld.idx.msk [tilespmem:v19+s2+$0x0], $0xffff;
	v19 =	vshll.u32 v54, $0x4  }
0x18d: {  	v19 =	vor.u32 v2, v19;
	_ =	sdelay $0x2  }
0x18e: {  	v55 =	vperm.xlane v17, v7  }
0x18f: {  	[tilespmem:s25+$0xFFFFFF50] =	vst v18  }
0x190: {  	v18 =	vld.idx.msk [tilespmem:v19+s2+$0x0], $0xffff;
	v19 =	vshll.u32 v55, $0x4  }
0x191: {  	v19 =	vor.u32 v2, v19;
	_ =	sdelay $0x2  }
0x192: {  	v56 =	vperm.xlane v17, v8  }
0x193: {  	[tilespmem:s25+$0xFFFFFF60] =	vst v18  }
0x194: {  	v18 =	vld.idx.msk [tilespmem:v19+s2+$0x0], $0xffff;
	v19 =	vshll.u32 v56, $0x4  }
0x195: {  	v19 =	vor.u32 v2, v19;
	_ =	sdelay $0x2  }
0x196: {  	v57 =	vperm.xlane v17, v9  }
0x197: {  	[tilespmem:s25+$0xFFFFFF70] =	vst v18  }
0x198: {  	v18 =	vld.idx.msk [tilespmem:v19+s2+$0x0], $0xffff;
	v19 =	vshll.u32 v57, $0x4  }
0x199: {  	v19 =	vor.u32 v2, v19;
	_ =	sdelay $0x2  }
0x19a: {  	v58 =	vperm.xlane v17, v10  }
0x19b: {  	[tilespmem:s25+$0xFFFFFF80] =	vst v18  }
0x19c: {  	v18 =	vld.idx.msk [tilespmem:v19+s2+$0x0], $0xffff;
	v19 =	vshll.u32 v58, $0x4  }
0x19d: {  	v19 =	vor.u32 v2, v19;
	_ =	sdelay $0x2  }
0x19e: {  	v59 =	vperm.xlane v17, v11  }
0x19f: {  	[tilespmem:s25+$0xFFFFFF90] =	vst v18  }
0x1a0: {  	v18 =	vld.idx.msk [tilespmem:v19+s2+$0x0], $0xffff;
	v19 =	vshll.u32 v59, $0x4  }
0x1a1: {  	v19 =	vor.u32 v2, v19;
	_ =	sdelay $0x2  }
0x1a2: {  	v60 =	vperm.xlane v17, v12  }
0x1a3: {  	[tilespmem:s25+$0xFFFFFFA0] =	vst v18  }
0x1a4: {  	v18 =	vld.idx.msk [tilespmem:v19+s2+$0x0], $0xffff;
	v19 =	vshll.u32 v60, $0x4  }
0x1a5: {  	v19 =	vor.u32 v2, v19;
	_ =	sdelay $0x2  }
0x1a6: {  	v61 =	vperm.xlane v17, v13  }
0x1a7: {  	[tilespmem:s25+$0xFFFFFFB0] =	vst v18  }
0x1a8: {  	v18 =	vld.idx.msk [tilespmem:v19+s2+$0x0], $0xffff;
	v19 =	vshll.u32 v61, $0x4  }
0x1a9: {  	v19 =	vor.u32 v2, v19;
	_ =	sdelay $0x2  }
0x1aa: {  	v62 =	vperm.xlane v17, v14  }
0x1ab: {  	[tilespmem:s25+$0xFFFFFFC0] =	vst v18  }
0x1ac: {  	v18 =	vld.idx.msk [tilespmem:v19+s2+$0x0], $0xffff;
	v19 =	vshll.u32 v62, $0x4  }
0x1ad: {  	v19 =	vor.u32 v2, v19;
	_ =	sdelay $0x2  }
0x1ae: {  	v63 =	vperm.xlane v17, v15  }
0x1af: {  	[tilespmem:s25+$0xFFFFFFD0] =	vst v18  }
0x1b0: {  	v18 =	vld.idx.msk [tilespmem:v19+s2+$0x0], $0xffff;
	v19 =	vshll.u32 v63, $0x4  }
0x1b1: {  	v19 =	vor.u32 v2, v19;
	_ =	sdelay $0x2  }
0x1b2: {  	v17 =	vperm.xlane v17, v16  }
0x1b3: {  	[tilespmem:s25+$0xFFFFFFE0] =	vst v18  }
0x1b4: {  	v17 =	vshll.u32 v17, $0x4;
	v18 =	vld.idx.msk [tilespmem:v19+s2+$0x0], $0xffff  }
0x1b5: {  	v17 =	vor.u32 v2, v17;
	_ =	sdelay $0x3  }
0x1b6: {  	s24 =	sadd.s32 $0x2, s24;
	[tilespmem:s25+$0xFFFFFFF0] =	vst v18  }
0x1b7: {  	p0 =	slt.u32 s24, $0xE;
	v17 =	vld.idx.msk [tilespmem:v17+s2+$0x0], $0xffff  }
.Ltmp2:
0x1b8: {  	_ = 	snop;
	(pc) =	sbr.rel @p0 .LBB2_6-.Ltmp2, $2  }
0x1b9: {  	_ =	sdelay $0x2  }
0x1ba: {  	s28 =	sadd.s32 $0x20, s28;
	[tilespmem:s25+$0x0] =	vst v17;
	s25 =	sadd.s32 $0x200, s25  }
0x1bb: {  	[hbm4b:s9+s2] =	stream.linear.scatter [tilespmem:s0], [sflag:$0x2], $0x1000, $0x38;
	[tilespmem:$0x9800] =	vst v63  }
0x1bc: {  	s24 =	simm.s32 $0xFFFFFFFE;
	s25 =	simm.s32 $0x79F0;
	s28 =	simm.s32 $0x1610  }
.LBB2_8:
0x1bd: {  	v17 =	vld [tilespmem:s28+$0xFFFFFFF0];
	_ =	sdelay $0x4  }
0x1be: {  	v18 =	vperm.xlane v17, v0;
	_ =	sdelay $0x1  }
0x1bf: {  	v18 =	vshll.u32 v18, $0x4  }
0x1c0: {  	v18 =	vor.u32 v2, v18;
	_ =	sdelay $0x2  }
0x1c1: {  	v19 =	vperm.xlane v17, v3;
	_ =	sdelay $0x1  }
0x1c2: {  	v19 =	vshll.u32 v19, $0x4;
	v18 =	vld.idx.msk [tilespmem:v18+s2+$0x0], $0xffff  }
0x1c3: {  	v19 =	vor.u32 v2, v19;
	_ =	sdelay $0x2  }
0x1c4: {  	v20 =	vperm.xlane v17, v4  }
0x1c5: {  	[tilespmem:s25+$0xFFFFFE10] =	vst v18  }
0x1c6: {  	v18 =	vld.idx.msk [tilespmem:v19+s2+$0x0], $0xffff;
	v19 =	vshll.u32 v20, $0x4  }
0x1c7: {  	v19 =	vor.u32 v2, v19;
	_ =	sdelay $0x2  }
0x1c8: {  	v39 =	vperm.xlane v17, v5  }
0x1c9: {  	[tilespmem:s25+$0xFFFFFE20] =	vst v18  }
0x1ca: {  	v18 =	vld.idx.msk [tilespmem:v19+s2+$0x0], $0xffff;
	v19 =	vshll.u32 v39, $0x4  }
0x1cb: {  	v19 =	vor.u32 v2, v19;
	_ =	sdelay $0x2  }
0x1cc: {  	v40 =	vperm.xlane v17, v1  }
0x1cd: {  	[tilespmem:s25+$0xFFFFFE30] =	vst v18  }
0x1ce: {  	v18 =	vld.idx.msk [tilespmem:v19+s2+$0x0], $0xffff;
	v19 =	vshll.u32 v40, $0x4  }
0x1cf: {  	v19 =	vor.u32 v2, v19;
	_ =	sdelay $0x2  }
0x1d0: {  	v41 =	vperm.xlane v17, v6  }
0x1d1: {  	[tilespmem:s25+$0xFFFFFE40] =	vst v18  }
0x1d2: {  	v18 =	vld.idx.msk [tilespmem:v19+s2+$0x0], $0xffff;
	v19 =	vshll.u32 v41, $0x4  }
0x1d3: {  	v19 =	vor.u32 v2, v19;
	_ =	sdelay $0x2  }
0x1d4: {  	v42 =	vperm.xlane v17, v7  }
0x1d5: {  	[tilespmem:s25+$0xFFFFFE50] =	vst v18  }
0x1d6: {  	v18 =	vld.idx.msk [tilespmem:v19+s2+$0x0], $0xffff;
	v19 =	vshll.u32 v42, $0x4  }
0x1d7: {  	v19 =	vor.u32 v2, v19;
	_ =	sdelay $0x2  }
0x1d8: {  	v43 =	vperm.xlane v17, v8  }
0x1d9: {  	[tilespmem:s25+$0xFFFFFE60] =	vst v18  }
0x1da: {  	v18 =	vld.idx.msk [tilespmem:v19+s2+$0x0], $0xffff;
	v19 =	vshll.u32 v43, $0x4  }
0x1db: {  	v19 =	vor.u32 v2, v19;
	_ =	sdelay $0x2  }
0x1dc: {  	v44 =	vperm.xlane v17, v9  }
0x1dd: {  	[tilespmem:s25+$0xFFFFFE70] =	vst v18  }
0x1de: {  	v18 =	vld.idx.msk [tilespmem:v19+s2+$0x0], $0xffff;
	v19 =	vshll.u32 v44, $0x4  }
0x1df: {  	v19 =	vor.u32 v2, v19;
	_ =	sdelay $0x2  }
0x1e0: {  	v45 =	vperm.xlane v17, v10  }
0x1e1: {  	[tilespmem:s25+$0xFFFFFE80] =	vst v18  }
0x1e2: {  	v18 =	vld.idx.msk [tilespmem:v19+s2+$0x0], $0xffff;
	v19 =	vshll.u32 v45, $0x4  }
0x1e3: {  	v19 =	vor.u32 v2, v19;
	_ =	sdelay $0x2  }
0x1e4: {  	v46 =	vperm.xlane v17, v11  }
0x1e5: {  	[tilespmem:s25+$0xFFFFFE90] =	vst v18  }
0x1e6: {  	v18 =	vld.idx.msk [tilespmem:v19+s2+$0x0], $0xffff;
	v19 =	vshll.u32 v46, $0x4  }
0x1e7: {  	v19 =	vor.u32 v2, v19;
	_ =	sdelay $0x2  }
0x1e8: {  	v47 =	vperm.xlane v17, v12  }
0x1e9: {  	[tilespmem:s25+$0xFFFFFEA0] =	vst v18  }
0x1ea: {  	v18 =	vld.idx.msk [tilespmem:v19+s2+$0x0], $0xffff;
	v19 =	vshll.u32 v47, $0x4  }
0x1eb: {  	v19 =	vor.u32 v2, v19;
	_ =	sdelay $0x2  }
0x1ec: {  	v48 =	vperm.xlane v17, v13  }
0x1ed: {  	[tilespmem:s25+$0xFFFFFEB0] =	vst v18  }
0x1ee: {  	v18 =	vld.idx.msk [tilespmem:v19+s2+$0x0], $0xffff;
	v19 =	vshll.u32 v48, $0x4  }
0x1ef: {  	v19 =	vor.u32 v2, v19;
	_ =	sdelay $0x2  }
0x1f0: {  	v49 =	vperm.xlane v17, v14  }
0x1f1: {  	[tilespmem:s25+$0xFFFFFEC0] =	vst v18  }
0x1f2: {  	v18 =	vld.idx.msk [tilespmem:v19+s2+$0x0], $0xffff;
	v19 =	vshll.u32 v49, $0x4  }
0x1f3: {  	v19 =	vor.u32 v2, v19;
	_ =	sdelay $0x2  }
0x1f4: {  	v50 =	vperm.xlane v17, v15  }
0x1f5: {  	[tilespmem:s25+$0xFFFFFED0] =	vst v18  }
0x1f6: {  	v18 =	vld.idx.msk [tilespmem:v19+s2+$0x0], $0xffff;
	v19 =	vshll.u32 v50, $0x4  }
0x1f7: {  	v19 =	vor.u32 v2, v19;
	_ =	sdelay $0x2  }
0x1f8: {  	v17 =	vperm.xlane v17, v16  }
0x1f9: {  	[tilespmem:s25+$0xFFFFFEE0] =	vst v18  }
0x1fa: {  	v17 =	vshll.u32 v17, $0x4;
	v18 =	vld.idx.msk [tilespmem:v19+s2+$0x0], $0xffff  }
0x1fb: {  	v17 =	vor.u32 v2, v17;
	_ =	sdelay $0x3  }
0x1fc: {  	[tilespmem:s25+$0xFFFFFEF0] =	vst v18  }
0x1fd: {  	v17 =	vld.idx.msk [tilespmem:v17+s2+$0x0], $0xffff;
	_ =	sdelay $0x4  }
0x1fe: {  	[tilespmem:s25+$0xFFFFFF00] =	vst v17  }
0x1ff: {  	v17 =	vld [tilespmem:s28+$0x0];
	_ =	sdelay $0x4  }
0x200: {  	v18 =	vperm.xlane v17, v0;
	_ =	sdelay $0x1  }
0x201: {  	v18 =	vshll.u32 v18, $0x4  }
0x202: {  	v18 =	vor.u32 v2, v18;
	_ =	sdelay $0x2  }
0x203: {  	v19 =	vperm.xlane v17, v3;
	_ =	sdelay $0x1  }
0x204: {  	v19 =	vshll.u32 v19, $0x4;
	v18 =	vld.idx.msk [tilespmem:v18+s2+$0x0], $0xffff  }
0x205: {  	v19 =	vor.u32 v2, v19;
	_ =	sdelay $0x2  }
0x206: {  	v51 =	vperm.xlane v17, v4  }
0x207: {  	[tilespmem:s25+$0xFFFFFF10] =	vst v18  }
0x208: {  	v18 =	vld.idx.msk [tilespmem:v19+s2+$0x0], $0xffff;
	v19 =	vshll.u32 v51, $0x4  }
0x209: {  	v19 =	vor.u32 v2, v19;
	_ =	sdelay $0x2  }
0x20a: {  	v52 =	vperm.xlane v17, v5  }
0x20b: {  	[tilespmem:s25+$0xFFFFFF20] =	vst v18  }
0x20c: {  	v18 =	vld.idx.msk [tilespmem:v19+s2+$0x0], $0xffff;
	v19 =	vshll.u32 v52, $0x4  }
0x20d: {  	v19 =	vor.u32 v2, v19;
	_ =	sdelay $0x2  }
0x20e: {  	v53 =	vperm.xlane v17, v1  }
0x20f: {  	[tilespmem:s25+$0xFFFFFF30] =	vst v18  }
0x210: {  	v18 =	vld.idx.msk [tilespmem:v19+s2+$0x0], $0xffff;
	v19 =	vshll.u32 v53, $0x4  }
0x211: {  	v19 =	vor.u32 v2, v19;
	_ =	sdelay $0x2  }
0x212: {  	v54 =	vperm.xlane v17, v6  }
0x213: {  	[tilespmem:s25+$0xFFFFFF40] =	vst v18  }
0x214: {  	v18 =	vld.idx.msk [tilespmem:v19+s2+$0x0], $0xffff;
	v19 =	vshll.u32 v54, $0x4  }
0x215: {  	v19 =	vor.u32 v2, v19;
	_ =	sdelay $0x2  }
0x216: {  	v55 =	vperm.xlane v17, v7  }
0x217: {  	[tilespmem:s25+$0xFFFFFF50] =	vst v18  }
0x218: {  	v18 =	vld.idx.msk [tilespmem:v19+s2+$0x0], $0xffff;
	v19 =	vshll.u32 v55, $0x4  }
0x219: {  	v19 =	vor.u32 v2, v19;
	_ =	sdelay $0x2  }
0x21a: {  	v56 =	vperm.xlane v17, v8  }
0x21b: {  	[tilespmem:s25+$0xFFFFFF60] =	vst v18  }
0x21c: {  	v18 =	vld.idx.msk [tilespmem:v19+s2+$0x0], $0xffff;
	v19 =	vshll.u32 v56, $0x4  }
0x21d: {  	v19 =	vor.u32 v2, v19;
	_ =	sdelay $0x2  }
0x21e: {  	v57 =	vperm.xlane v17, v9  }
0x21f: {  	[tilespmem:s25+$0xFFFFFF70] =	vst v18  }
0x220: {  	v18 =	vld.idx.msk [tilespmem:v19+s2+$0x0], $0xffff;
	v19 =	vshll.u32 v57, $0x4  }
0x221: {  	v19 =	vor.u32 v2, v19;
	_ =	sdelay $0x2  }
0x222: {  	v58 =	vperm.xlane v17, v10  }
0x223: {  	[tilespmem:s25+$0xFFFFFF80] =	vst v18  }
0x224: {  	v18 =	vld.idx.msk [tilespmem:v19+s2+$0x0], $0xffff;
	v19 =	vshll.u32 v58, $0x4  }
0x225: {  	v19 =	vor.u32 v2, v19;
	_ =	sdelay $0x2  }
0x226: {  	v59 =	vperm.xlane v17, v11  }
0x227: {  	[tilespmem:s25+$0xFFFFFF90] =	vst v18  }
0x228: {  	v18 =	vld.idx.msk [tilespmem:v19+s2+$0x0], $0xffff;
	v19 =	vshll.u32 v59, $0x4  }
0x229: {  	v19 =	vor.u32 v2, v19;
	_ =	sdelay $0x2  }
0x22a: {  	v60 =	vperm.xlane v17, v12  }
0x22b: {  	[tilespmem:s25+$0xFFFFFFA0] =	vst v18  }
0x22c: {  	v18 =	vld.idx.msk [tilespmem:v19+s2+$0x0], $0xffff;
	v19 =	vshll.u32 v60, $0x4  }
0x22d: {  	v19 =	vor.u32 v2, v19;
	_ =	sdelay $0x2  }
0x22e: {  	v61 =	vperm.xlane v17, v13  }
0x22f: {  	[tilespmem:s25+$0xFFFFFFB0] =	vst v18  }
0x230: {  	v18 =	vld.idx.msk [tilespmem:v19+s2+$0x0], $0xffff;
	v19 =	vshll.u32 v61, $0x4  }
0x231: {  	v19 =	vor.u32 v2, v19;
	_ =	sdelay $0x2  }
0x232: {  	v62 =	vperm.xlane v17, v14  }
0x233: {  	[tilespmem:s25+$0xFFFFFFC0] =	vst v18  }
0x234: {  	v18 =	vld.idx.msk [tilespmem:v19+s2+$0x0], $0xffff;
	v19 =	vshll.u32 v62, $0x4  }
0x235: {  	v19 =	vor.u32 v2, v19;
	_ =	sdelay $0x2  }
0x236: {  	v63 =	vperm.xlane v17, v15  }
0x237: {  	[tilespmem:s25+$0xFFFFFFD0] =	vst v18  }
0x238: {  	v18 =	vld.idx.msk [tilespmem:v19+s2+$0x0], $0xffff;
	v19 =	vshll.u32 v63, $0x4  }
0x239: {  	v19 =	vor.u32 v2, v19;
	_ =	sdelay $0x2  }
0x23a: {  	v17 =	vperm.xlane v17, v16  }
0x23b: {  	[tilespmem:s25+$0xFFFFFFE0] =	vst v18  }
0x23c: {  	v17 =	vshll.u32 v17, $0x4;
	v18 =	vld.idx.msk [tilespmem:v19+s2+$0x0], $0xffff  }
0x23d: {  	v17 =	vor.u32 v2, v17;
	_ =	sdelay $0x3  }
0x23e: {  	s24 =	sadd.s32 $0x2, s24;
	[tilespmem:s25+$0xFFFFFFF0] =	vst v18  }
0x23f: {  	p0 =	slt.u32 s24, $0xE;
	v17 =	vld.idx.msk [tilespmem:v17+s2+$0x0], $0xffff  }
.Ltmp3:
0x240: {  	_ = 	snop;
	(pc) =	sbr.rel @p0 .LBB2_8-.Ltmp3, $2  }
0x241: {  	_ =	sdelay $0x2  }
0x242: {  	s28 =	sadd.s32 $0x20, s28;
	[tilespmem:s25+$0x0] =	vst v17;
	s25 =	sadd.s32 $0x200, s25  }
0x243: {  	[hbm4b:s10+s2] =	stream.linear.scatter [tilespmem:s1], [sflag:$0x2], $0x1000, $0x38;
	[tilespmem:$0x9800] =	vst v63  }
0x244: {  	s24 =	simm.s32 $0xFFFFFFFE;
	s25 =	simm.s32 $0x89F0;
	s28 =	simm.s32 $0x1710  }
.LBB2_10:
0x245: {  	v17 =	vld [tilespmem:s28+$0xFFFFFFF0];
	_ =	sdelay $0x4  }
0x246: {  	v18 =	vperm.xlane v17, v0;
	_ =	sdelay $0x1  }
0x247: {  	v18 =	vshll.u32 v18, $0x4  }
0x248: {  	v18 =	vor.u32 v2, v18;
	_ =	sdelay $0x2  }
0x249: {  	v19 =	vperm.xlane v17, v3;
	_ =	sdelay $0x1  }
0x24a: {  	v19 =	vshll.u32 v19, $0x4;
	v18 =	vld.idx.msk [tilespmem:v18+s2+$0x0], $0xffff  }
0x24b: {  	v19 =	vor.u32 v2, v19;
	_ =	sdelay $0x2  }
0x24c: {  	v20 =	vperm.xlane v17, v4  }
0x24d: {  	[tilespmem:s25+$0xFFFFFE10] =	vst v18  }
0x24e: {  	v18 =	vld.idx.msk [tilespmem:v19+s2+$0x0], $0xffff;
	v19 =	vshll.u32 v20, $0x4  }
0x24f: {  	v19 =	vor.u32 v2, v19;
	_ =	sdelay $0x2  }
0x250: {  	v39 =	vperm.xlane v17, v5  }
0x251: {  	[tilespmem:s25+$0xFFFFFE20] =	vst v18  }
0x252: {  	v18 =	vld.idx.msk [tilespmem:v19+s2+$0x0], $0xffff;
	v19 =	vshll.u32 v39, $0x4  }
0x253: {  	v19 =	vor.u32 v2, v19;
	_ =	sdelay $0x2  }
0x254: {  	v40 =	vperm.xlane v17, v1  }
0x255: {  	[tilespmem:s25+$0xFFFFFE30] =	vst v18  }
0x256: {  	v18 =	vld.idx.msk [tilespmem:v19+s2+$0x0], $0xffff;
	v19 =	vshll.u32 v40, $0x4  }
0x257: {  	v19 =	vor.u32 v2, v19;
	_ =	sdelay $0x2  }
0x258: {  	v41 =	vperm.xlane v17, v6  }
0x259: {  	[tilespmem:s25+$0xFFFFFE40] =	vst v18  }
0x25a: {  	v18 =	vld.idx.msk [tilespmem:v19+s2+$0x0], $0xffff;
	v19 =	vshll.u32 v41, $0x4  }
0x25b: {  	v19 =	vor.u32 v2, v19;
	_ =	sdelay $0x2  }
0x25c: {  	v42 =	vperm.xlane v17, v7  }
0x25d: {  	[tilespmem:s25+$0xFFFFFE50] =	vst v18  }
0x25e: {  	v18 =	vld.idx.msk [tilespmem:v19+s2+$0x0], $0xffff;
	v19 =	vshll.u32 v42, $0x4  }
0x25f: {  	v19 =	vor.u32 v2, v19;
	_ =	sdelay $0x2  }
0x260: {  	v43 =	vperm.xlane v17, v8  }
0x261: {  	[tilespmem:s25+$0xFFFFFE60] =	vst v18  }
0x262: {  	v18 =	vld.idx.msk [tilespmem:v19+s2+$0x0], $0xffff;
	v19 =	vshll.u32 v43, $0x4  }
0x263: {  	v19 =	vor.u32 v2, v19;
	_ =	sdelay $0x2  }
0x264: {  	v44 =	vperm.xlane v17, v9  }
0x265: {  	[tilespmem:s25+$0xFFFFFE70] =	vst v18  }
0x266: {  	v18 =	vld.idx.msk [tilespmem:v19+s2+$0x0], $0xffff;
	v19 =	vshll.u32 v44, $0x4  }
0x267: {  	v19 =	vor.u32 v2, v19;
	_ =	sdelay $0x2  }
0x268: {  	v45 =	vperm.xlane v17, v10  }
0x269: {  	[tilespmem:s25+$0xFFFFFE80] =	vst v18  }
0x26a: {  	v18 =	vld.idx.msk [tilespmem:v19+s2+$0x0], $0xffff;
	v19 =	vshll.u32 v45, $0x4  }
0x26b: {  	v19 =	vor.u32 v2, v19;
	_ =	sdelay $0x2  }
0x26c: {  	v46 =	vperm.xlane v17, v11  }
0x26d: {  	[tilespmem:s25+$0xFFFFFE90] =	vst v18  }
0x26e: {  	v18 =	vld.idx.msk [tilespmem:v19+s2+$0x0], $0xffff;
	v19 =	vshll.u32 v46, $0x4  }
0x26f: {  	v19 =	vor.u32 v2, v19;
	_ =	sdelay $0x2  }
0x270: {  	v47 =	vperm.xlane v17, v12  }
0x271: {  	[tilespmem:s25+$0xFFFFFEA0] =	vst v18  }
0x272: {  	v18 =	vld.idx.msk [tilespmem:v19+s2+$0x0], $0xffff;
	v19 =	vshll.u32 v47, $0x4  }
0x273: {  	v19 =	vor.u32 v2, v19;
	_ =	sdelay $0x2  }
0x274: {  	v48 =	vperm.xlane v17, v13  }
0x275: {  	[tilespmem:s25+$0xFFFFFEB0] =	vst v18  }
0x276: {  	v18 =	vld.idx.msk [tilespmem:v19+s2+$0x0], $0xffff;
	v19 =	vshll.u32 v48, $0x4  }
0x277: {  	v19 =	vor.u32 v2, v19;
	_ =	sdelay $0x2  }
0x278: {  	v49 =	vperm.xlane v17, v14  }
0x279: {  	[tilespmem:s25+$0xFFFFFEC0] =	vst v18  }
0x27a: {  	v18 =	vld.idx.msk [tilespmem:v19+s2+$0x0], $0xffff;
	v19 =	vshll.u32 v49, $0x4  }
0x27b: {  	v19 =	vor.u32 v2, v19;
	_ =	sdelay $0x2  }
0x27c: {  	v50 =	vperm.xlane v17, v15  }
0x27d: {  	[tilespmem:s25+$0xFFFFFED0] =	vst v18  }
0x27e: {  	v18 =	vld.idx.msk [tilespmem:v19+s2+$0x0], $0xffff;
	v19 =	vshll.u32 v50, $0x4  }
0x27f: {  	v19 =	vor.u32 v2, v19;
	_ =	sdelay $0x2  }
0x280: {  	v17 =	vperm.xlane v17, v16  }
0x281: {  	[tilespmem:s25+$0xFFFFFEE0] =	vst v18  }
0x282: {  	v17 =	vshll.u32 v17, $0x4;
	v18 =	vld.idx.msk [tilespmem:v19+s2+$0x0], $0xffff  }
0x283: {  	v17 =	vor.u32 v2, v17;
	_ =	sdelay $0x3  }
0x284: {  	[tilespmem:s25+$0xFFFFFEF0] =	vst v18  }
0x285: {  	v17 =	vld.idx.msk [tilespmem:v17+s2+$0x0], $0xffff;
	_ =	sdelay $0x4  }
0x286: {  	[tilespmem:s25+$0xFFFFFF00] =	vst v17  }
0x287: {  	v17 =	vld [tilespmem:s28+$0x0];
	_ =	sdelay $0x4  }
0x288: {  	v18 =	vperm.xlane v17, v0;
	_ =	sdelay $0x1  }
0x289: {  	v18 =	vshll.u32 v18, $0x4  }
0x28a: {  	v18 =	vor.u32 v2, v18;
	_ =	sdelay $0x2  }
0x28b: {  	v19 =	vperm.xlane v17, v3;
	_ =	sdelay $0x1  }
0x28c: {  	v19 =	vshll.u32 v19, $0x4;
	v18 =	vld.idx.msk [tilespmem:v18+s2+$0x0], $0xffff  }
0x28d: {  	v19 =	vor.u32 v2, v19;
	_ =	sdelay $0x2  }
0x28e: {  	v51 =	vperm.xlane v17, v4  }
0x28f: {  	[tilespmem:s25+$0xFFFFFF10] =	vst v18  }
0x290: {  	v18 =	vld.idx.msk [tilespmem:v19+s2+$0x0], $0xffff;
	v19 =	vshll.u32 v51, $0x4  }
0x291: {  	v19 =	vor.u32 v2, v19;
	_ =	sdelay $0x2  }
0x292: {  	v52 =	vperm.xlane v17, v5  }
0x293: {  	[tilespmem:s25+$0xFFFFFF20] =	vst v18  }
0x294: {  	v18 =	vld.idx.msk [tilespmem:v19+s2+$0x0], $0xffff;
	v19 =	vshll.u32 v52, $0x4  }
0x295: {  	v19 =	vor.u32 v2, v19;
	_ =	sdelay $0x2  }
0x296: {  	v53 =	vperm.xlane v17, v1  }
0x297: {  	[tilespmem:s25+$0xFFFFFF30] =	vst v18  }
0x298: {  	v18 =	vld.idx.msk [tilespmem:v19+s2+$0x0], $0xffff;
	v19 =	vshll.u32 v53, $0x4  }
0x299: {  	v19 =	vor.u32 v2, v19;
	_ =	sdelay $0x2  }
0x29a: {  	v54 =	vperm.xlane v17, v6  }
0x29b: {  	[tilespmem:s25+$0xFFFFFF40] =	vst v18  }
0x29c: {  	v18 =	vld.idx.msk [tilespmem:v19+s2+$0x0], $0xffff;
	v19 =	vshll.u32 v54, $0x4  }
0x29d: {  	v19 =	vor.u32 v2, v19;
	_ =	sdelay $0x2  }
0x29e: {  	v55 =	vperm.xlane v17, v7  }
0x29f: {  	[tilespmem:s25+$0xFFFFFF50] =	vst v18  }
0x2a0: {  	v18 =	vld.idx.msk [tilespmem:v19+s2+$0x0], $0xffff;
	v19 =	vshll.u32 v55, $0x4  }
0x2a1: {  	v19 =	vor.u32 v2, v19;
	_ =	sdelay $0x2  }
0x2a2: {  	v56 =	vperm.xlane v17, v8  }
0x2a3: {  	[tilespmem:s25+$0xFFFFFF60] =	vst v18  }
0x2a4: {  	v18 =	vld.idx.msk [tilespmem:v19+s2+$0x0], $0xffff;
	v19 =	vshll.u32 v56, $0x4  }
0x2a5: {  	v19 =	vor.u32 v2, v19;
	_ =	sdelay $0x2  }
0x2a6: {  	v57 =	vperm.xlane v17, v9  }
0x2a7: {  	[tilespmem:s25+$0xFFFFFF70] =	vst v18  }
0x2a8: {  	v18 =	vld.idx.msk [tilespmem:v19+s2+$0x0], $0xffff;
	v19 =	vshll.u32 v57, $0x4  }
0x2a9: {  	v19 =	vor.u32 v2, v19;
	_ =	sdelay $0x2  }
0x2aa: {  	v58 =	vperm.xlane v17, v10  }
0x2ab: {  	[tilespmem:s25+$0xFFFFFF80] =	vst v18  }
0x2ac: {  	v18 =	vld.idx.msk [tilespmem:v19+s2+$0x0], $0xffff;
	v19 =	vshll.u32 v58, $0x4  }
0x2ad: {  	v19 =	vor.u32 v2, v19;
	_ =	sdelay $0x2  }
0x2ae: {  	v59 =	vperm.xlane v17, v11  }
0x2af: {  	[tilespmem:s25+$0xFFFFFF90] =	vst v18  }
0x2b0: {  	v18 =	vld.idx.msk [tilespmem:v19+s2+$0x0], $0xffff;
	v19 =	vshll.u32 v59, $0x4  }
0x2b1: {  	v19 =	vor.u32 v2, v19;
	_ =	sdelay $0x2  }
0x2b2: {  	v60 =	vperm.xlane v17, v12  }
0x2b3: {  	[tilespmem:s25+$0xFFFFFFA0] =	vst v18  }
0x2b4: {  	v18 =	vld.idx.msk [tilespmem:v19+s2+$0x0], $0xffff;
	v19 =	vshll.u32 v60, $0x4  }
0x2b5: {  	v19 =	vor.u32 v2, v19;
	_ =	sdelay $0x2  }
0x2b6: {  	v61 =	vperm.xlane v17, v13  }
0x2b7: {  	[tilespmem:s25+$0xFFFFFFB0] =	vst v18  }
0x2b8: {  	v18 =	vld.idx.msk [tilespmem:v19+s2+$0x0], $0xffff;
	v19 =	vshll.u32 v61, $0x4  }
0x2b9: {  	v19 =	vor.u32 v2, v19;
	_ =	sdelay $0x2  }
0x2ba: {  	v62 =	vperm.xlane v17, v14  }
0x2bb: {  	[tilespmem:s25+$0xFFFFFFC0] =	vst v18  }
0x2bc: {  	v18 =	vld.idx.msk [tilespmem:v19+s2+$0x0], $0xffff;
	v19 =	vshll.u32 v62, $0x4  }
0x2bd: {  	v19 =	vor.u32 v2, v19;
	_ =	sdelay $0x2  }
0x2be: {  	v63 =	vperm.xlane v17, v15  }
0x2bf: {  	[tilespmem:s25+$0xFFFFFFD0] =	vst v18  }
0x2c0: {  	v18 =	vld.idx.msk [tilespmem:v19+s2+$0x0], $0xffff;
	v19 =	vshll.u32 v63, $0x4  }
0x2c1: {  	v19 =	vor.u32 v2, v19;
	_ =	sdelay $0x2  }
0x2c2: {  	v17 =	vperm.xlane v17, v16  }
0x2c3: {  	[tilespmem:s25+$0xFFFFFFE0] =	vst v18  }
0x2c4: {  	v17 =	vshll.u32 v17, $0x4;
	v18 =	vld.idx.msk [tilespmem:v19+s2+$0x0], $0xffff  }
0x2c5: {  	v17 =	vor.u32 v2, v17;
	_ =	sdelay $0x3  }
0x2c6: {  	s24 =	sadd.s32 $0x2, s24;
	[tilespmem:s25+$0xFFFFFFF0] =	vst v18  }
0x2c7: {  	p0 =	slt.u32 s24, $0xE;
	v17 =	vld.idx.msk [tilespmem:v17+s2+$0x0], $0xffff  }
.Ltmp4:
0x2c8: {  	_ = 	snop;
	(pc) =	sbr.rel @p0 .LBB2_10-.Ltmp4, $2  }
0x2c9: {  	_ =	sdelay $0x2  }
0x2ca: {  	s28 =	sadd.s32 $0x20, s28;
	[tilespmem:s25+$0x0] =	vst v17;
	s25 =	sadd.s32 $0x200, s25  }
0x2cb: {  	[hbm4b:s11+s2] =	stream.linear.scatter [tilespmem:s19], [sflag:$0x2], $0x1000, $0x38;
	[tilespmem:$0x9800] =	vst v63  }
0x2cc: {  	_ =	swait.ge [sflag:s20], $0x800  }
0x2cd: {  	[sflag:s20] =	ssyncset.done $0x0  }
0x2ce: {  	[sflag:s20] =	ssyncadd.s32 $0xFFFFF800  }
0x2cf: {  	_ =	swait.ge [sflag:s20], $0x800  }
0x2d0: {  	[sflag:s20] =	ssyncset.done $0x0  }
0x2d1: {  	[sflag:s20] =	ssyncadd.s32 $0xFFFFF800  }
0x2d2: {  	_ =	swait.ge [sflag:s20], $0x800  }
0x2d3: {  	[sflag:s20] =	ssyncset.done $0x0  }
0x2d4: {  	[sflag:s20] =	ssyncadd.s32 $0xFFFFF800  }
0x2d5: {  	_ =	swait.ge [sflag:s20], $0x800  }
0x2d6: {  	[sflag:s20] =	ssyncset.done $0x0  }
0x2d7: {  	[sflag:s20] =	ssyncadd.s32 $0xFFFFF800  }
0x2d8: {  	_ =	swait.ge [sflag:s20], $0x800  }
0x2d9: {  	[sflag:s20] =	ssyncset.done $0x0  }
0x2da: {  	[sflag:s20] =	ssyncadd.s32 $0xFFFFF800  }
0x2db: {  	_ =	swait.ge [sflag:s20], $0x800  }
0x2dc: {  	[sflag:s20] =	ssyncset.done $0x0  }
0x2dd: {  	[sflag:s20] =	ssyncadd.s32 $0xFFFFF800  }
0x2de: {  	[hbm4b:s6+s2] =	stream.linear.scatter [tilespmem:s18], [sflag:$0x2], $0x1000, $0x38;
	[tilespmem:$0x9800] =	vst v63  }
0x2df: {  	_ = 	snop  }
0x2e0: {  	[hbm4b:s12+s2] =	stream.linear.scatter [tilespmem:s22], [sflag:$0x2], $0x1000, $0x38;
	[tilespmem:$0x9800] =	vst v63  }
0x2e1: {  	_ = 	snop  }
0x2e2: {  	[hbm4b:s13+s2] =	stream.linear.scatter [tilespmem:s26], [sflag:$0x2], $0x1000, $0x38;
	[tilespmem:$0x9800] =	vst v63  }
0x2e3: {  	_ =	swait.ge [sflag:s21], $0x1000  }
0x2e4: {  	[sflag:s21] =	ssyncset.done $0x0  }
0x2e5: {  	[sflag:s21] =	ssyncadd.s32 $0xFFFFF000  }
0x2e6: {  	_ =	swait.ge [sflag:s21], $0x1000  }
0x2e7: {  	[sflag:s21] =	ssyncset.done $0x0  }
0x2e8: {  	[sflag:s21] =	ssyncadd.s32 $0xFFFFF000  }
0x2e9: {  	_ =	swait.ge [sflag:s21], $0x1000  }
0x2ea: {  	[sflag:s21] =	ssyncset.done $0x0  }
0x2eb: {  	[sflag:s21] =	ssyncadd.s32 $0xFFFFF000  }
0x2ec: {  	_ =	swait.ge [sflag:s21], $0x1000  }
0x2ed: {  	[sflag:s21] =	ssyncset.done $0x0  }
0x2ee: {  	[sflag:s21] =	ssyncadd.s32 $0xFFFFF000  }
0x2ef: {  	_ =	swait.ge [sflag:s21], $0x1000  }
0x2f0: {  	[sflag:s21] =	ssyncset.done $0x0  }
0x2f1: {  	[sflag:s21] =	ssyncadd.s32 $0xFFFFF000  }
0x2f2: {  	_ =	swait.ge [sflag:s21], $0x1000  }
0x2f3: {  	[sflag:s21] =	ssyncset.done $0x0  }
0x2f4: {  	s23 =	sadd.s32 $0x1, s23;
	[sflag:s21] =	ssyncadd.s32 $0xFFFFF000  }
0x2f5: {  	p0 =	sne.s32 s23, s14;
	_ =	swait.ge [sflag:s21], $0x1000  }
.Ltmp5:
0x2f6: {  	[sflag:s21] =	ssyncset.done $0x0;
	(pc) =	sbr.rel @p0 .LBB2_1-.Ltmp5, $4  }
0x2f7: {  	[sflag:s21] =	ssyncadd.s32 $0xFFFFF000  }
0x2f8: {  	_ =	swait.ge [sflag:s21], $0x1000  }
0x2f9: {  	[sflag:s21] =	ssyncset.done $0x0  }
0x2fa: {  	[sflag:s21] =	ssyncadd.s32 $0xFFFFF000  }
0x2fb: {  	_ =	sfence.sel $0x180000  }
0x2fc: {  	[bflag:$0x0] =	sbarrier.arrive $0xFFFF  }
0x2fd: {  	_ =	strace $0x90000047  }
0x2fe: {  	s0 =	stileid.u32;
	[bflag:$0x2] =	sbarrier.arrive $0xFFFF  }
0x2ff: {  	p0 =	sne.s32 s0, $0x0;
	s0 =	rddreg [dreg:$0x2]  }
0x300: {  	s0 =	sadd.s32 @!p0 $0x100000, s0  }
0x301: {  	[sflag:s0] =	ssyncadd.tile.s32 @!p0 $0x1;
	_ =	shalt  }
.Lfunc_end2:
_tile_overlayer_lowered:
.L_overlay_start_2:
0x302: {  	(tag) =	ssettag $0x2  }
0x303: {  	s0 =	rddreg [dreg:$0x0];
	s2 =	stileid.u32  }
0x304: {  	s1 =	rddreg [dreg:$0x1];
	p0 =	sne.s32 s2, $0x0  }
0x305: {  	s3 =	rddreg [dreg:$0x2];
	[bflag:$0x3] =	sbarrier.arrive $0xFFFF;
	s2 =	simm.s32 @!p0 $0x1C03  }
0x306: {  	[timem:s3], [sflag:s2] =	dma.local @!p0 [hbm:s0], s1  }
0x307: {  	s0 =	simm.s32 @!p0 $0x3  }
0x308: {  	_ =	swait.ge @!p0 [sflag:s0], s1  }
0x309: {  	s1 =	ssub.s32 @!p0 $0x0, s1;
	[sflag:s0] =	ssyncset.done @!p0 $0x0  }
0x30a: {  	[sflag:s0] =	ssyncadd.s32 @!p0 s1  }
0x30b: {  	[bflag:$0x3] =	sbarrier.arrive $0xFFFF  }
0x30c: {  	_ =	shalt  }

</sc_bundles>
